<compile_context>
chip_gen: v7x
topology: tpu7x:2x2x1
jax: 0.10.2.dev20260603
libtpu: 0.0.44.dev20260713+nightly
codegen_flags: <defaults>
</compile_context>

<pallas_src>
import functools
import jax
import jax.numpy as jnp
from jax import lax
from jax.experimental import pallas as pl
from jax.experimental.pallas import tpu as pltpu
from jax.experimental.pallas import tpu_sc as plsc

N = 10000
E = 320000
C = 128
NEG = -3.0e38
NT = 32
LN = 320
NPAD = NT * LN
EB = 6400
KG = 256
EPT = E // NT
KZ = 200
MBLK = 1000
NMB = E // MBLK
_HI = jax.lax.Precision.HIGHEST


def _doth(a, b):
    return jnp.dot(a, b, preferred_element_type=jnp.float32)


def _bn_lr(y):
    mean = jnp.mean(y, axis=0, keepdims=True)
    var = jnp.mean(y * y, axis=0, keepdims=True) - mean * mean
    h = (y - mean) * jax.lax.rsqrt(var + 1e-5)
    return jnp.where(h >= 0, h, 0.2 * h)


def _lr(h):
    return jnp.where(h >= 0, h, 0.2 * h)


_MESH = plsc.VectorSubcoreMesh(core_axis_name="c", subcore_axis_name="s")

import dataclasses as _dc
_SC_CP = pltpu.CompilerParams()
if "needs_layout_passes" in pltpu.CompilerParams.__dataclass_fields__:
    _SC_CP = _dc.replace(_SC_CP, needs_layout_passes=False)



def _z_builder(xf, ctv, nbv):
    @functools.partial(
        pl.kernel,
        out_type=jax.ShapeDtypeStruct((E, C), jnp.float32),
        mesh=_MESH,
        compiler_params=_SC_CP,
        scratch_types=[
            pltpu.VMEM((KZ,), jnp.int32),
            pltpu.VMEM((KZ,), jnp.int32),
            pltpu.VMEM((KZ, C), jnp.float32),
            pltpu.VMEM((KZ, C), jnp.float32),
            pltpu.SemaphoreType.DMA,
            pltpu.SemaphoreType.DMA,
        ],
    )
    def k(xf_hbm, ct_hbm, nb_hbm, z_hbm, idxn, idxc, rn, rc, sem1, sem2):
        wid = lax.axis_index("s") * 2 + lax.axis_index("c")
        base = wid * EPT

        @pl.loop(0, EPT, step=KZ)
        def _(k0):
            e0 = base + k0
            pltpu.sync_copy(nb_hbm.at[pl.ds(e0, KZ)], idxn)
            pltpu.sync_copy(ct_hbm.at[pl.ds(e0, KZ)], idxc)
            cp1 = pltpu.async_copy(xf_hbm.at[idxn], rn, sem1)
            cp2 = pltpu.async_copy(xf_hbm.at[idxc], rc, sem2)
            cp1.wait()
            cp2.wait()

            @pl.loop(0, KZ)
            def _(r):
                for j in range(C // 16):
                    sl = pl.ds(j * 16, 16)
                    rn.at[r, sl][...] = rn.at[r, sl][...] - rc.at[r, sl][...]

            pltpu.sync_copy(rn, z_hbm.at[pl.ds(e0, KZ)])

    return k(xf, ctv, nbv)



def _seg_body(table_hbm, ct_hbm, idx_hbm, m_hbm, deg_hbm,
              acc, ctb, idb, stc, sti, idxc, rows, dacc, sem):
    wid = lax.axis_index("s") * 2 + lax.axis_index("c")
    lo = wid * LN

    @pl.loop(0, LN)
    def _(rr):
        for j in range(C // 16):
            acc.at[rr, pl.ds(j * 16, 16)][...] = jnp.full((16,), NEG, jnp.float32)

    if deg_hbm is not None:
        @pl.loop(0, LN + 16, step=16)
        def _(i):
            dacc.at[pl.ds(i, 16)][...] = jnp.zeros((16,), jnp.float32)

    @pl.loop(0, EB + 32, step=16)
    def _(i):
        stc.at[pl.ds(i, 16)][...] = jnp.zeros((16,), jnp.int32)
        sti.at[pl.ds(i, 16)][...] = (i + lax.iota(jnp.int32, 16)) & 8191

    @pl.loop(0, E, step=EB)
    def _(e0):
        pltpu.sync_copy(ct_hbm.at[pl.ds(e0, EB)], ctb)
        if idx_hbm is not None:
            pltpu.sync_copy(idx_hbm.at[pl.ds(e0, EB)], idb)

        def fil(i, cnt):
            cv = ctb.at[pl.ds(i * 16, 16)][...]
            if idx_hbm is not None:
                iv = idb.at[pl.ds(i * 16, 16)][...]
            else:
                iv = (e0 + i * 16) + lax.iota(jnp.int32, 16)
            m = (cv >= lo) & (cv < lo + LN)
            mi = jnp.where(m, 1, 0)
            pos = (cnt - 1) + plsc.cumsum(mi)
            plsc.store_scatter(stc, [pos], cv, mask=m)
            plsc.store_scatter(sti, [pos], iv, mask=m)
            return cnt + jnp.sum(mi)

        cnt = lax.fori_loop(0, EB // 16, fil, 0)

        def chunk(k0, _):
            pltpu.async_copy(table_hbm.at[sti.at[pl.ds(k0, KG)]], rows, sem).wait()

            def edge(e, _):
                c = stc.at[pl.ds(k0 + e, 16)][...][0]
                r = c - lo
                if deg_hbm is not None:
                    dv = dacc.at[pl.ds(r, 16)][...]
                    one0 = jnp.where(lax.iota(jnp.int32, 16) == 0, 1.0, 0.0)
                    dacc.at[pl.ds(r, 16)][...] = dv + one0
                for j in range(C // 16):
                    sl = pl.ds(j * 16, 16)
                    a = acc.at[r, sl][...]
                    v = rows.at[e, sl][...]
                    acc.at[r, sl][...] = jnp.maximum(a, v)
                return 0

            lax.fori_loop(0, jnp.minimum(cnt - k0, KG), edge, 0)
            return 0

        lax.fori_loop(0, pl.cdiv(cnt, KG), lambda i, _: chunk(i * KG, 0), 0)

    pltpu.sync_copy(acc, m_hbm.at[pl.ds(lo, LN)])
    if deg_hbm is not None:
        pltpu.sync_copy(dacc.at[pl.ds(0, LN)], deg_hbm.at[pl.ds(lo, LN)])


def _seg_scratch():
    return [
        pltpu.VMEM((LN, C), jnp.float32),
        pltpu.VMEM((EB,), jnp.int32),
        pltpu.VMEM((EB,), jnp.int32),
        pltpu.VMEM((EB + 32,), jnp.int32),
        pltpu.VMEM((EB + 32,), jnp.int32),
        pltpu.VMEM((KG,), jnp.int32),
        pltpu.VMEM((KG, C), jnp.float32),
        pltpu.VMEM((LN + 16,), jnp.float32),
        pltpu.SemaphoreType.DMA,
    ]


def _seg_pass0(zw, ctv):
    @functools.partial(
        pl.kernel,
        out_type=[jax.ShapeDtypeStruct((NPAD, C), jnp.float32),
                  jax.ShapeDtypeStruct((NPAD,), jnp.float32)],
        mesh=_MESH,
        compiler_params=_SC_CP,
        scratch_types=_seg_scratch(),
    )
    def k(zw_hbm, ct_hbm, m_hbm, deg_hbm, *scr):
        _seg_body(zw_hbm, ct_hbm, None, m_hbm, deg_hbm, *scr)

    return k(zw, ctv)


def _seg_layer(h, ctv, nbv):
    @functools.partial(
        pl.kernel,
        out_type=jax.ShapeDtypeStruct((NPAD, C), jnp.float32),
        mesh=_MESH,
        compiler_params=_SC_CP,
        scratch_types=_seg_scratch(),
    )
    def k(h_hbm, ct_hbm, nb_hbm, m_hbm, *scr):
        _seg_body(h_hbm, ct_hbm, nb_hbm, m_hbm, None, *scr)

    return k(h, ctv, nbv)



def _l0_body(xf_ref, w0a_ref, a0_ref):
    a0_ref[...] = _bn_lr(_doth(xf_ref[...], w0a_ref[...]))


def _tc_l0(xf, W0a):
    return pl.pallas_call(
        _l0_body, out_shape=jax.ShapeDtypeStruct((N, C), jnp.float32),
    )(xf, W0a)


def _zmm_body(z_ref, w_ref, zw_ref, ps_ref, pq_ref):
    zw = jnp.dot(z_ref[...], w_ref[...], preferred_element_type=jnp.float32)
    zw_ref[...] = zw
    ps_ref[...] = jnp.sum(zw, axis=0, keepdims=True)[None]
    pq_ref[...] = jnp.sum(zw * zw, axis=0, keepdims=True)[None]


def _tc_zmm(z, W0b):
    return pl.pallas_call(
        _zmm_body,
        grid=(NMB,),
        in_specs=[pl.BlockSpec((MBLK, C), lambda i: (i, 0)),
                  pl.BlockSpec((C, C), lambda i: (0, 0))],
        out_specs=[pl.BlockSpec((MBLK, C), lambda i: (i, 0)),
                   pl.BlockSpec((1, 1, C), lambda i: (i, 0, 0)),
                   pl.BlockSpec((1, 1, C), lambda i: (i, 0, 0))],
        out_shape=[jax.ShapeDtypeStruct((E, C), jnp.float32),
                   jax.ShapeDtypeStruct((NMB, 1, C), jnp.float32),
                   jax.ShapeDtypeStruct((NMB, 1, C), jnp.float32)],
    )(z, W0b)


def _mm2bn_body(x_ref, wa_ref, wb_ref, a_ref, h_ref):
    x = x_ref[...]
    a_ref[...] = _bn_lr(_doth(x, wa_ref[...]))
    h_ref[...] = _bn_lr(_doth(x, wb_ref[...]))


def _tc_mm2bn(x, Wa, Wb):
    return pl.pallas_call(
        _mm2bn_body,
        out_shape=[jax.ShapeDtypeStruct((N, C), jnp.float32)] * 2,
    )(x, Wa, Wb)


def _c0_body(a0_ref, m0_ref, deg_ref, mv_ref, x0_ref):
    deg = deg_ref[...]
    mean = mv_ref[0:1]
    rstd = mv_ref[1:2]
    hh = _lr((m0_ref[...] - mean) * rstd)
    x0_ref[...] = a0_ref[...] + jnp.where(deg > 0, hh, 0.0)


def _tc_c0(a0, M0, deg, mv):
    return pl.pallas_call(
        _c0_body, out_shape=jax.ShapeDtypeStruct((N, C), jnp.float32),
    )(a0, M0, deg, mv)


def _ci_body(ai_ref, mi_ref, deg_ref, xi_ref):
    deg = deg_ref[...]
    xi_ref[...] = ai_ref[...] + jnp.where(deg > 0, mi_ref[...], 0.0)


def _tc_ci(ai, Mi, deg):
    return pl.pallas_call(
        _ci_body, out_shape=jax.ShapeDtypeStruct((N, C), jnp.float32),
    )(ai, Mi, deg)


def _c3_body(x0_ref, x1_ref, x2_ref, x3_ref, wcat_ref, bias_ref, out_ref):
    wcat = wcat_ref[...].reshape(4, C)
    y = (jnp.sum(x0_ref[...] * wcat[0][None, :], axis=1, keepdims=True)
         + jnp.sum(x1_ref[...] * wcat[1][None, :], axis=1, keepdims=True)
         + jnp.sum(x2_ref[...] * wcat[2][None, :], axis=1, keepdims=True)
         + jnp.sum(x3_ref[...] * wcat[3][None, :], axis=1, keepdims=True))
    out_ref[...] = _bn_lr(y) + bias_ref[0]


def _tc_c3(x0, x1, x2, x3, Wcat, bias):
    return pl.pallas_call(
        _c3_body, out_shape=jax.ShapeDtypeStruct((N, 1), jnp.float32),
    )(x0, x1, x2, x3, Wcat, bias)



def kernel(x, edge_index, W0a, W0b, W1a, W1b, W2a, W2b, W3a, W3b, Wcat, bias):
    xf = x.reshape(N, C)
    ct = edge_index[0, 0]
    nb = edge_index[0, 1]

    a0 = _tc_l0(xf, W0a)
    z = _z_builder(xf, ct, nb)
    zw, ps, pq = _tc_zmm(z, W0b)
    M0p, degp = _seg_pass0(zw, ct)
    M0 = M0p[:N]
    deg = degp[:N, None]
    mean = jnp.sum(ps[:, 0], axis=0) * (1.0 / E)
    ex2 = jnp.sum(pq[:, 0], axis=0) * (1.0 / E)
    rstd = jax.lax.rsqrt(ex2 - mean * mean + 1e-5)
    mv = jnp.stack([mean, rstd])
    x0 = _tc_c0(a0, M0, deg, mv)

    a1, h1 = _tc_mm2bn(x0, W1a, W1b)
    M1 = _seg_layer(h1, ct, nb)[:N]
    x1 = _tc_ci(a1, M1, deg)

    a2, h2 = _tc_mm2bn(x1, W2a, W2b)
    M2 = _seg_layer(h2, ct, nb)[:N]
    x2 = _tc_ci(a2, M2, deg)

    a3, h3 = _tc_mm2bn(x2, W3a, W3b)
    M3 = _seg_layer(h3, ct, nb)[:N]
    x3 = _tc_ci(a3, M3, deg)

    return _tc_c3(x0, x1, x2, x3, Wcat, bias)

# --- scband reference (transcript-rebuilt; emitter-appended) ---
"""Pipeline reference for scband-dgcn-41875931136705 (READ-ONLY COPY).

The authoritative reference and input builder live on the scoring server;
editing this copy changes nothing except your own understanding.
"""

import jax, jax.numpy as jnp
import numpy as np

N = 10000
E = 320000
C = 128


def _bn(x):
    # training-mode BatchNorm1d over rows (GraphBatchNorm1d with num_points reshaping
    # is mathematically identical to per-channel normalization over all rows)
    mean = jnp.mean(x, axis=0)
    var = jnp.var(x, axis=0)
    return (x - mean) / jnp.sqrt(var + 1e-5)


def _block(x, W):
    # Linear(bias=False) -> GraphBatchNorm1d -> LeakyReLU(0.2)
    return jax.nn.leaky_relu(_bn(x @ W), negative_slope=0.2)


def _smax(vals, idx, num_segments):
    s = jax.ops.segment_max(vals, idx, num_segments=num_segments)
    # torch_scatter.scatter_max leaves untouched (empty) rows at 0
    return jnp.where(jnp.isneginf(s), 0.0, s)


def setup_inputs(seed: int = 0) -> dict:
    key = jax.random.key(seed)
    ks = jax.random.split(key, 12)
    x = jax.random.normal(ks[0], (1, N, C), dtype=jnp.float32)
    edge_index = jax.random.randint(ks[1], (1, 2, E), 0, N, dtype=jnp.int32)
    W0a = jax.random.normal(ks[2], (C, C), dtype=jnp.float32) * 0.05
    W0b = jax.random.normal(ks[3], (C, C), dtype=jnp.float32) * 0.05
    W1a = jax.random.normal(ks[4], (C, C), dtype=jnp.float32) * 0.05
    W1b = jax.random.normal(ks[5], (C, C), dtype=jnp.float32) * 0.05
    W2a = jax.random.normal(ks[6], (C, C), dtype=jnp.float32) * 0.05
    W2b = jax.random.normal(ks[7], (C, C), dtype=jnp.float32) * 0.05
    W3a = jax.random.normal(ks[8], (C, C), dtype=jnp.float32) * 0.05
    W3b = jax.random.normal(ks[9], (C, C), dtype=jnp.float32) * 0.05
    Wcat = jax.random.normal(ks[10], (4 * C, 1), dtype=jnp.float32) * 0.05
    bias = jnp.zeros((1,), dtype=jnp.float32)
    return {"x": x, "edge_index": edge_index, "W0a": W0a, "W0b": W0b,
            "W1a": W1a, "W1b": W1b, "W2a": W2a, "W2b": W2b,
            "W3a": W3a, "W3b": W3b, "Wcat": Wcat, "bias": bias}


def reference(x, edge_index, W0a, W0b, W1a, W1b, W2a, W2b, W3a, W3b, Wcat, bias):
    b, n, c = x.shape
    xf = x.reshape(b * n, c)
    ei = jnp.transpose(edge_index, (1, 0, 2)).reshape(2, -1)
    centers, neighbors = ei[0], ei[1]
    nseg = b * n
    x0 = _block(xf, W0a) + _smax(_block(xf[neighbors] - xf[centers], W0b), centers, nseg)
    x1 = _block(x0, W1a) + _smax(_block(x0, W1b)[neighbors], centers, nseg)
    x2 = _block(x1, W2a) + _smax(_block(x1, W2b)[neighbors], centers, nseg)
    x3 = _block(x2, W3a) + _smax(_block(x2, W3b)[neighbors], centers, nseg)
    x_cat = jnp.concatenate([x0, x1, x2, x3], axis=-1)
    x_cat = _block(x_cat, Wcat)
    return x_cat + bias

if __name__ == "__main__":
    import jax
    _d = setup_inputs()
    print(jax.jit(kernel)(*tuple(_d.values())))

</pallas_src>

<mosaic_0001>
#map = affine_map<(d0, d1) -> (0, 0)>
#map1 = affine_map<(d0, d1) -> (0)>
module attributes {stable_mosaic.version = 14 : i64} {
  func.func @k(%arg0: i32, %arg1: i32, %arg2: memref<10000x128xf32, #tpu.memory_space<hbm>>, %arg3: memref<320000xi32, #tpu.memory_space<hbm>>, %arg4: memref<320000xi32, #tpu.memory_space<hbm>>, %arg5: memref<10240x128xf32, #tpu.memory_space<hbm>>, %arg6: memref<320x128xf32, #tpu.memory_space<vmem>>, %arg7: memref<6400xi32, #tpu.memory_space<vmem>>, %arg8: memref<6400xi32, #tpu.memory_space<vmem>>, %arg9: memref<6432xi32, #tpu.memory_space<vmem>>, %arg10: memref<6432xi32, #tpu.memory_space<vmem>>, %arg11: memref<256xi32, #tpu.memory_space<vmem>>, %arg12: memref<256x128xf32, #tpu.memory_space<vmem>>, %arg13: memref<336xf32, #tpu.memory_space<vmem>>, %arg14: memref<!tpu.dma_semaphore, #tpu.memory_space<semaphore_mem>>) attributes {dimension_semantics = [#tpu.dimension_semantics<core_parallel>, #tpu.dimension_semantics<subcore_parallel>], iteration_bounds = array<i64: 2, 16>, scalar_prefetch = 0 : i64, scratch_operands = 9 : i64, tpu.core_type = #tpu.core_type<sc_vector_subcore>, window_params = [{transform_indices = #map}, {transform_indices = #map1}, {transform_indices = #map1}, {transform_indices = #map}]} {
    %mul3A = arith.constant 2 : i32
    %mul3A_0 = arith.muli %arg1, %mul3A : i32
    %add3A = arith.addi %mul3A_0, %arg0 : i32
    %mul3A_1 = arith.constant 320 : i32
    %mul3A_2 = arith.muli %add3A, %mul3A_1 : i32
    %scan3A = arith.constant 0 : i32
    %scan3A_3 = arith.constant 320 : i32
    %scan3A_4 = arith.addi %scan3A, %scan3A_3 : i32
    %scan3A_5 = arith.constant 1 : i32
    scf.for %scan3A_17 = %scan3A to %scan3A_4 step %scan3A_5  : i32 {
      %mul3A_18 = arith.constant 1 : i32
      %mul3A_19 = arith.muli %scan3A_17, %mul3A_18 : i32
      %add3A_20 = arith.constant 0 : i32
      %add3A_21 = arith.addi %add3A_20, %mul3A_19 : i32
      %broadcast_in_dim3A = arith.constant -3.000000e+38 : f32
      %broadcast_in_dim3A_22 = vector.broadcast %broadcast_in_dim3A : f32 to vector<16xf32>
      %swap3A = arith.index_cast %add3A_21 : i32 to index
      %swap3A_23 = arith.constant 0 : index
      %swap3A_24 = tpu.vector_load %arg6[%swap3A, %swap3A_23] {strides = array<i32>} : memref<320x128xf32, #tpu.memory_space<vmem>>, vector<16xf32>,
      tpu.vector_store %arg6[%swap3A, %swap3A_23], %broadcast_in_dim3A_22 {strides = array<i32>} : memref<320x128xf32, #tpu.memory_space<vmem>>, vector<16xf32>,
      %broadcast_in_dim3A_25 = arith.constant -3.000000e+38 : f32
      %broadcast_in_dim3A_26 = vector.broadcast %broadcast_in_dim3A_25 : f32 to vector<16xf32>
      %swap3A_27 = arith.index_cast %add3A_21 : i32 to index
      %swap3A_28 = arith.constant 16 : index
      %swap3A_29 = tpu.vector_load %arg6[%swap3A_27, %swap3A_28] {strides = array<i32>} : memref<320x128xf32, #tpu.memory_space<vmem>>, vector<16xf32>,
      tpu.vector_store %arg6[%swap3A_27, %swap3A_28], %broadcast_in_dim3A_26 {strides = array<i32>} : memref<320x128xf32, #tpu.memory_space<vmem>>, vector<16xf32>,
      %broadcast_in_dim3A_30 = arith.constant -3.000000e+38 : f32
      %broadcast_in_dim3A_31 = vector.broadcast %broadcast_in_dim3A_30 : f32 to vector<16xf32>
      %swap3A_32 = arith.index_cast %add3A_21 : i32 to index
      %swap3A_33 = arith.constant 32 : index
      %swap3A_34 = tpu.vector_load %arg6[%swap3A_32, %swap3A_33] {strides = array<i32>} : memref<320x128xf32, #tpu.memory_space<vmem>>, vector<16xf32>,
      tpu.vector_store %arg6[%swap3A_32, %swap3A_33], %broadcast_in_dim3A_31 {strides = array<i32>} : memref<320x128xf32, #tpu.memory_space<vmem>>, vector<16xf32>,
      %broadcast_in_dim3A_35 = arith.constant -3.000000e+38 : f32
      %broadcast_in_dim3A_36 = vector.broadcast %broadcast_in_dim3A_35 : f32 to vector<16xf32>
      %swap3A_37 = arith.index_cast %add3A_21 : i32 to index
      %swap3A_38 = arith.constant 48 : index
      %swap3A_39 = tpu.vector_load %arg6[%swap3A_37, %swap3A_38] {strides = array<i32>} : memref<320x128xf32, #tpu.memory_space<vmem>>, vector<16xf32>,
      tpu.vector_store %arg6[%swap3A_37, %swap3A_38], %broadcast_in_dim3A_36 {strides = array<i32>} : memref<320x128xf32, #tpu.memory_space<vmem>>, vector<16xf32>,
      %broadcast_in_dim3A_40 = arith.constant -3.000000e+38 : f32
      %broadcast_in_dim3A_41 = vector.broadcast %broadcast_in_dim3A_40 : f32 to vector<16xf32>
      %swap3A_42 = arith.index_cast %add3A_21 : i32 to index
      %swap3A_43 = arith.constant 64 : index
      %swap3A_44 = tpu.vector_load %arg6[%swap3A_42, %swap3A_43] {strides = array<i32>} : memref<320x128xf32, #tpu.memory_space<vmem>>, vector<16xf32>,
      tpu.vector_store %arg6[%swap3A_42, %swap3A_43], %broadcast_in_dim3A_41 {strides = array<i32>} : memref<320x128xf32, #tpu.memory_space<vmem>>, vector<16xf32>,
      %broadcast_in_dim3A_45 = arith.constant -3.000000e+38 : f32
      %broadcast_in_dim3A_46 = vector.broadcast %broadcast_in_dim3A_45 : f32 to vector<16xf32>
      %swap3A_47 = arith.index_cast %add3A_21 : i32 to index
      %swap3A_48 = arith.constant 80 : index
      %swap3A_49 = tpu.vector_load %arg6[%swap3A_47, %swap3A_48] {strides = array<i32>} : memref<320x128xf32, #tpu.memory_space<vmem>>, vector<16xf32>,
      tpu.vector_store %arg6[%swap3A_47, %swap3A_48], %broadcast_in_dim3A_46 {strides = array<i32>} : memref<320x128xf32, #tpu.memory_space<vmem>>, vector<16xf32>,
      %broadcast_in_dim3A_50 = arith.constant -3.000000e+38 : f32
      %broadcast_in_dim3A_51 = vector.broadcast %broadcast_in_dim3A_50 : f32 to vector<16xf32>
      %swap3A_52 = arith.index_cast %add3A_21 : i32 to index
      %swap3A_53 = arith.constant 96 : index
      %swap3A_54 = tpu.vector_load %arg6[%swap3A_52, %swap3A_53] {strides = array<i32>} : memref<320x128xf32, #tpu.memory_space<vmem>>, vector<16xf32>,
      tpu.vector_store %arg6[%swap3A_52, %swap3A_53], %broadcast_in_dim3A_51 {strides = array<i32>} : memref<320x128xf32, #tpu.memory_space<vmem>>, vector<16xf32>,
      %broadcast_in_dim3A_55 = arith.constant -3.000000e+38 : f32
      %broadcast_in_dim3A_56 = vector.broadcast %broadcast_in_dim3A_55 : f32 to vector<16xf32>
      %swap3A_57 = arith.index_cast %add3A_21 : i32 to index
      %swap3A_58 = arith.constant 112 : index
      %swap3A_59 = tpu.vector_load %arg6[%swap3A_57, %swap3A_58] {strides = array<i32>} : memref<320x128xf32, #tpu.memory_space<vmem>>, vector<16xf32>,
      tpu.vector_store %arg6[%swap3A_57, %swap3A_58], %broadcast_in_dim3A_56 {strides = array<i32>} : memref<320x128xf32, #tpu.memory_space<vmem>>, vector<16xf32>,
    }
    %scan3A_6 = arith.constant 320 : i32
    %scan3A_7 = arith.constant 0 : i32
    %scan3A_8 = arith.constant 402 : i32
    %scan3A_9 = arith.addi %scan3A_7, %scan3A_8 : i32
    %scan3A_10 = arith.constant 1 : i32
    scf.for %scan3A_17 = %scan3A_7 to %scan3A_9 step %scan3A_10  : i32 {
      %mul3A_18 = arith.constant 16 : i32
      %mul3A_19 = arith.muli %scan3A_17, %mul3A_18 : i32
      %add3A_20 = arith.constant 0 : i32
      %add3A_21 = arith.addi %add3A_20, %mul3A_19 : i32
      %broadcast_in_dim3A = arith.constant 0 : i32
      %broadcast_in_dim3A_22 = vector.broadcast %broadcast_in_dim3A : i32 to vector<16xi32>
      %swap3A = arith.index_cast %add3A_21 : i32 to index
      %swap3A_23 = tpu.vector_load %arg9[%swap3A] {strides = array<i32>} : memref<6432xi32, #tpu.memory_space<vmem>>, vector<16xi32>,
      tpu.vector_store %arg9[%swap3A], %broadcast_in_dim3A_22 {strides = array<i32>} : memref<6432xi32, #tpu.memory_space<vmem>>, vector<16xi32>,
      %iota3A = tpu.iota {dimensions = array<i32: 0>} : vector<16xi32>
      %add3A_24 = vector.broadcast %add3A_21 : i32 to vector<16xi32>
      %add3A_25 = arith.addi %add3A_24, %iota3A : vector<16xi32>
      %and3A = arith.constant 8191 : i32
      %and3A_26 = vector.broadcast %and3A : i32 to vector<16xi32>
      %and3A_27 = arith.andi %add3A_25, %and3A_26 : vector<16xi32>
      %swap3A_28 = arith.index_cast %add3A_21 : i32 to index
      %swap3A_29 = tpu.vector_load %arg10[%swap3A_28] {strides = array<i32>} : memref<6432xi32, #tpu.memory_space<vmem>>, vector<16xi32>,
      tpu.vector_store %arg10[%swap3A_28], %and3A_27 {strides = array<i32>} : memref<6432xi32, #tpu.memory_space<vmem>>, vector<16xi32>,
    }
    %scan3A_11 = arith.constant 402 : i32
    %scan3A_12 = arith.constant 0 : i32
    %scan3A_13 = arith.constant 50 : i32
    %scan3A_14 = arith.addi %scan3A_12, %scan3A_13 : i32
    %scan3A_15 = arith.constant 1 : i32
    scf.for %scan3A_17 = %scan3A_12 to %scan3A_14 step %scan3A_15  : i32 {
      %mul3A_18 = arith.constant 6400 : i32
      %mul3A_19 = arith.muli %scan3A_17, %mul3A_18 : i32
      %add3A_20 = arith.constant 0 : i32
      %add3A_21 = arith.addi %add3A_20, %mul3A_19 : i32
      "tpu.region"() ({
        %run_scoped3A = tpu.sem_alloc : memref<!tpu.dma_semaphore, #tpu.memory_space<semaphore_mem>>
        %dma_start3A = tpu.memref_slice %arg3[%add3A_21] : memref<320000xi32, #tpu.memory_space<hbm>> -> memref<6400xi32, #tpu.memory_space<hbm>>
        %dma_start3A_43 = tpu.memref_slice %arg3[%add3A_21] : memref<320000xi32, #tpu.memory_space<hbm>> -> memref<6400xi32, #tpu.memory_space<hbm>>
        tpu.enqueue_dma source(%dma_start3A_43 : memref<6400xi32, #tpu.memory_space<hbm>>) target(%arg7 : memref<6400xi32, #tpu.memory_space<vmem>>) target_semaphore(%run_scoped3A : memref<!tpu.dma_semaphore, #tpu.memory_space<semaphore_mem>>)
        %dma_wait3A = tpu.memref_slice %arg3[%add3A_21] : memref<320000xi32, #tpu.memory_space<hbm>> -> memref<6400xi32, #tpu.memory_space<hbm>>
        %dma_wait3A_44 = tpu.memref_slice %arg3[%add3A_21] : memref<320000xi32, #tpu.memory_space<hbm>> -> memref<6400xi32, #tpu.memory_space<hbm>>
        tpu.wait_dma2 semaphore(%run_scoped3A : memref<!tpu.dma_semaphore, #tpu.memory_space<semaphore_mem>>) src(%dma_wait3A_44 : memref<6400xi32, #tpu.memory_space<hbm>>) dst(%arg7 : memref<6400xi32, #tpu.memory_space<vmem>>)
        tpu.yield
      }) : () -> ()
      "tpu.region"() ({
        %run_scoped3A = tpu.sem_alloc : memref<!tpu.dma_semaphore, #tpu.memory_space<semaphore_mem>>
        %dma_start3A = tpu.memref_slice %arg4[%add3A_21] : memref<320000xi32, #tpu.memory_space<hbm>> -> memref<6400xi32, #tpu.memory_space<hbm>>
        %dma_start3A_43 = tpu.memref_slice %arg4[%add3A_21] : memref<320000xi32, #tpu.memory_space<hbm>> -> memref<6400xi32, #tpu.memory_space<hbm>>
        tpu.enqueue_dma source(%dma_start3A_43 : memref<6400xi32, #tpu.memory_space<hbm>>) target(%arg8 : memref<6400xi32, #tpu.memory_space<vmem>>) target_semaphore(%run_scoped3A : memref<!tpu.dma_semaphore, #tpu.memory_space<semaphore_mem>>)
        %dma_wait3A = tpu.memref_slice %arg4[%add3A_21] : memref<320000xi32, #tpu.memory_space<hbm>> -> memref<6400xi32, #tpu.memory_space<hbm>>
        %dma_wait3A_44 = tpu.memref_slice %arg4[%add3A_21] : memref<320000xi32, #tpu.memory_space<hbm>> -> memref<6400xi32, #tpu.memory_space<hbm>>
        tpu.wait_dma2 semaphore(%run_scoped3A : memref<!tpu.dma_semaphore, #tpu.memory_space<semaphore_mem>>) src(%dma_wait3A_44 : memref<6400xi32, #tpu.memory_space<hbm>>) dst(%arg8 : memref<6400xi32, #tpu.memory_space<vmem>>)
        tpu.yield
      }) : () -> ()
      %scan3A_22 = arith.constant 0 : i32
      %scan3A_23 = arith.constant 0 : i32
      %scan3A_24 = arith.constant 400 : i32
      %scan3A_25 = arith.addi %scan3A_23, %scan3A_24 : i32
      %scan3A_26 = arith.constant 1 : i32
      %scan3A_27 = scf.for %scan3A_43 = %scan3A_23 to %scan3A_25 step %scan3A_26 iter_args(%scan3A_44 = %scan3A_22) -> (i32)  : i32 {
        %mul3A_45 = arith.constant 16 : i32
        %mul3A_46 = arith.muli %scan3A_43, %mul3A_45 : i32
        %get3A = arith.index_cast %mul3A_46 : i32 to index
        %get3A_47 = tpu.vector_load %arg7[%get3A] {strides = array<i32>} : memref<6400xi32, #tpu.memory_space<vmem>>, vector<16xi32>,
        %mul3A_48 = arith.constant 16 : i32
        %mul3A_49 = arith.muli %scan3A_43, %mul3A_48 : i32
        %get3A_50 = arith.index_cast %mul3A_49 : i32 to index
        %get3A_51 = tpu.vector_load %arg8[%get3A_50] {strides = array<i32>} : memref<6400xi32, #tpu.memory_space<vmem>>, vector<16xi32>,
        %ge3A = vector.broadcast %mul3A_2 : i32 to vector<16xi32>
        %ge3A_52 = arith.cmpi sge, %get3A_47, %ge3A : vector<16xi32>
        %add3A_53 = arith.constant 320 : i32
        %add3A_54 = arith.addi %mul3A_2, %add3A_53 : i32
        %lt3A = vector.broadcast %add3A_54 : i32 to vector<16xi32>
        %lt3A_55 = arith.cmpi slt, %get3A_47, %lt3A : vector<16xi32>
        %and3A = arith.andi %ge3A_52, %lt3A_55 : vector<16xi1>
        %jit3A = arith.constant 1 : i32
        %jit3A_56 = arith.constant 0 : i32
        %broadcast_in_dim3A = vector.broadcast %jit3A : i32 to vector<16xi32>
        %broadcast_in_dim3A_57 = vector.broadcast %jit3A_56 : i32 to vector<16xi32>
        %select_n3A = arith.select %and3A, %broadcast_in_dim3A, %broadcast_in_dim3A_57 : vector<16xi1>, vector<16xi32>
        %sub3A = arith.constant 1 : i32
        %sub3A_58 = arith.subi %scan3A_44, %sub3A : i32
        %broadcast_in_dim3A_59 = arith.constant true
        %broadcast_in_dim3A_60 = vector.broadcast %broadcast_in_dim3A_59 : i1 to vector<16xi1>
        %masked_cumsum3A = tpu.scan <sum>, %select_n3A masked %broadcast_in_dim3A_60 : vector<16xi32>, vector<16xi1> -> vector<16xi32>
        %add3A_61 = vector.broadcast %sub3A_58 : i32 to vector<16xi32>
        %add3A_62 = arith.addi %add3A_61, %masked_cumsum3A : vector<16xi32>
        tpu.vector_store_idx %arg9[%add3A_62], %get3A_47 masked %and3A : memref<6432xi32, #tpu.memory_space<vmem>>[vector<16xi32>], vector<16xi32>, vector<16xi1>
        tpu.vector_store_idx %arg10[%add3A_62], %get3A_51 masked %and3A : memref<6432xi32, #tpu.memory_space<vmem>>[vector<16xi32>], vector<16xi32>, vector<16xi1>
        %reduce_sum3A = arith.constant true
        %reduce_sum3A_63 = vector.broadcast %reduce_sum3A : i1 to vector<16xi1>
        %reduce_sum3A_64 = tpu.scan <sum>, %select_n3A masked %reduce_sum3A_63 : vector<16xi32>, vector<16xi1> -> vector<16xi32>
        %reduce_sum3A_65 = vector.extract %reduce_sum3A_64[15] : i32 from vector<16xi32>
        %add3A_66 = arith.addi %scan3A_44, %reduce_sum3A_65 : i32
        scf.yield %add3A_66 : i32
      }
      %scan3A_28 = arith.constant 400 : i32
      %add3A_29 = arith.constant 255 : i32
      %add3A_30 = arith.addi %scan3A_27, %add3A_29 : i32
      %div3A = arith.constant 256 : i32
      %div3A_31 = arith.divsi %add3A_30, %div3A : i32
      %while3A = arith.constant 0 : i32
      %while3A_32 = arith.constant 0 : i32
      %while3A_33 = arith.subi %div3A_31, %while3A : i32
      %while3A_34 = arith.addi %while3A, %while3A_33 : i32
      %while3A_35 = arith.constant 1 : i32
      %while3A_36 = arith.divsi %while3A_33, %while3A_35 : i32
      %while3A_37 = arith.muli %while3A_36, %while3A_35 : i32
      %while3A_38 = arith.addi %while3A, %while3A_37 : i32
      %while3A_39 = arith.constant 1 : i32
      %while3A_40 = scf.for %while3A_43 = %while3A to %while3A_38 step %while3A_39 iter_args(%while3A_44 = %while3A_32) -> (i32)  : i32 {
        %mul3A_45 = arith.constant 256 : i32
        %mul3A_46 = arith.muli %while3A_43, %mul3A_45 : i32
        %dma_start3A = tpu.memref_slice %arg10[%mul3A_46] : memref<6432xi32, #tpu.memory_space<vmem>> -> memref<256xi32, #tpu.memory_space<vmem>>
        %dma_start3A_47 = arith.constant 0 : i32
        %dma_start3A_48 = arith.constant 0 : i32
        %dma_start3A_49 = tpu.memref_slice %arg2[%dma_start3A_47, %dma_start3A_48] : memref<10000x128xf32, #tpu.memory_space<hbm>> -> memref<10000x128xf32, #tpu.memory_space<hbm>>
        tpu.enqueue_indirect_dma source(%dma_start3A_49 : memref<10000x128xf32, #tpu.memory_space<hbm>>) target(%arg12 : memref<256x128xf32, #tpu.memory_space<vmem>>) offsets(%dma_start3A : memref<256xi32, #tpu.memory_space<vmem>>) semaphore(%arg14 : memref<!tpu.dma_semaphore, #tpu.memory_space<semaphore_mem>>)
        %dma_wait3A = tpu.memref_slice %arg10[%mul3A_46] : memref<6432xi32, #tpu.memory_space<vmem>> -> memref<256xi32, #tpu.memory_space<vmem>>
        %dma_wait3A_50 = arith.constant 0 : i32
        %dma_wait3A_51 = arith.constant 0 : i32
        %dma_wait3A_52 = tpu.memref_slice %arg2[%dma_wait3A_50, %dma_wait3A_51] : memref<10000x128xf32, #tpu.memory_space<hbm>> -> memref<10000x128xf32, #tpu.memory_space<hbm>>
        tpu.wait_indirect_dma semaphore(%arg14 : memref<!tpu.dma_semaphore, #tpu.memory_space<semaphore_mem>>) src(%dma_wait3A_52 : memref<10000x128xf32, #tpu.memory_space<hbm>>) dst(%arg12 : memref<256x128xf32, #tpu.memory_space<vmem>>)
        %sub3A = arith.subi %scan3A_27, %mul3A_46 : i32
        %min3A = arith.constant 256 : i32
        %min3A_53 = arith.minsi %sub3A, %min3A : i32
        %while3A_54 = arith.constant 0 : i32
        %while3A_55 = arith.constant 0 : i32
        %while3A_56 = arith.subi %min3A_53, %while3A_54 : i32
        %while3A_57 = arith.addi %while3A_54, %while3A_56 : i32
        %while3A_58 = arith.constant 1 : i32
        %while3A_59 = arith.divsi %while3A_56, %while3A_58 : i32
        %while3A_60 = arith.muli %while3A_59, %while3A_58 : i32
        %while3A_61 = arith.addi %while3A_54, %while3A_60 : i32
        %while3A_62 = arith.constant 1 : i32
        %while3A_63 = scf.for %while3A_67 = %while3A_54 to %while3A_61 step %while3A_62 iter_args(%while3A_68 = %while3A_55) -> (i32)  : i32 {
          %add3A_69 = arith.addi %mul3A_46, %while3A_67 : i32
          %get3A = arith.index_cast %add3A_69 : i32 to index
          %get3A_70 = tpu.vector_load %arg9[%get3A] {strides = array<i32>} : memref<6432xi32, #tpu.memory_space<vmem>>, vector<16xi32>,
          %slice3A = vector.extract_strided_slice %get3A_70 {offsets = [0], sizes = [1], strides = [1]} : vector<16xi32> to vector<1xi32>
          %squeeze3A = vector.extract %slice3A[0] : i32 from vector<1xi32>
          %sub3A_71 = arith.subi %squeeze3A, %mul3A_2 : i32
          %get3A_72 = arith.index_cast %sub3A_71 : i32 to index
          %get3A_73 = arith.constant 0 : index
          %get3A_74 = tpu.vector_load %arg6[%get3A_72, %get3A_73] {strides = array<i32>} : memref<320x128xf32, #tpu.memory_space<vmem>>, vector<16xf32>,
          %get3A_75 = arith.index_cast %while3A_67 : i32 to index
          %get3A_76 = arith.constant 0 : index
          %get3A_77 = tpu.vector_load %arg12[%get3A_75, %get3A_76] {strides = array<i32>} : memref<256x128xf32, #tpu.memory_space<vmem>>, vector<16xf32>,
          %max3A = arith.maximumf %get3A_74, %get3A_77 : vector<16xf32>
          %swap3A = arith.index_cast %sub3A_71 : i32 to index
          %swap3A_78 = arith.constant 0 : index
          %swap3A_79 = tpu.vector_load %arg6[%swap3A, %swap3A_78] {strides = array<i32>} : memref<320x128xf32, #tpu.memory_space<vmem>>, vector<16xf32>,
          tpu.vector_store %arg6[%swap3A, %swap3A_78], %max3A {strides = array<i32>} : memref<320x128xf32, #tpu.memory_space<vmem>>, vector<16xf32>,
          %get3A_80 = arith.index_cast %sub3A_71 : i32 to index
          %get3A_81 = arith.constant 16 : index
          %get3A_82 = tpu.vector_load %arg6[%get3A_80, %get3A_81] {strides = array<i32>} : memref<320x128xf32, #tpu.memory_space<vmem>>, vector<16xf32>,
          %get3A_83 = arith.index_cast %while3A_67 : i32 to index
          %get3A_84 = arith.constant 16 : index
          %get3A_85 = tpu.vector_load %arg12[%get3A_83, %get3A_84] {strides = array<i32>} : memref<256x128xf32, #tpu.memory_space<vmem>>, vector<16xf32>,
          %max3A_86 = arith.maximumf %get3A_82, %get3A_85 : vector<16xf32>
          %swap3A_87 = arith.index_cast %sub3A_71 : i32 to index
          %swap3A_88 = arith.constant 16 : index
          %swap3A_89 = tpu.vector_load %arg6[%swap3A_87, %swap3A_88] {strides = array<i32>} : memref<320x128xf32, #tpu.memory_space<vmem>>, vector<16xf32>,
          tpu.vector_store %arg6[%swap3A_87, %swap3A_88], %max3A_86 {strides = array<i32>} : memref<320x128xf32, #tpu.memory_space<vmem>>, vector<16xf32>,
          %get3A_90 = arith.index_cast %sub3A_71 : i32 to index
          %get3A_91 = arith.constant 32 : index
          %get3A_92 = tpu.vector_load %arg6[%get3A_90, %get3A_91] {strides = array<i32>} : memref<320x128xf32, #tpu.memory_space<vmem>>, vector<16xf32>,
          %get3A_93 = arith.index_cast %while3A_67 : i32 to index
          %get3A_94 = arith.constant 32 : index
          %get3A_95 = tpu.vector_load %arg12[%get3A_93, %get3A_94] {strides = array<i32>} : memref<256x128xf32, #tpu.memory_space<vmem>>, vector<16xf32>,
          %max3A_96 = arith.maximumf %get3A_92, %get3A_95 : vector<16xf32>
          %swap3A_97 = arith.index_cast %sub3A_71 : i32 to index
          %swap3A_98 = arith.constant 32 : index
          %swap3A_99 = tpu.vector_load %arg6[%swap3A_97, %swap3A_98] {strides = array<i32>} : memref<320x128xf32, #tpu.memory_space<vmem>>, vector<16xf32>,
          tpu.vector_store %arg6[%swap3A_97, %swap3A_98], %max3A_96 {strides = array<i32>} : memref<320x128xf32, #tpu.memory_space<vmem>>, vector<16xf32>,
          %get3A_100 = arith.index_cast %sub3A_71 : i32 to index
          %get3A_101 = arith.constant 48 : index
          %get3A_102 = tpu.vector_load %arg6[%get3A_100, %get3A_101] {strides = array<i32>} : memref<320x128xf32, #tpu.memory_space<vmem>>, vector<16xf32>,
          %get3A_103 = arith.index_cast %while3A_67 : i32 to index
          %get3A_104 = arith.constant 48 : index
          %get3A_105 = tpu.vector_load %arg12[%get3A_103, %get3A_104] {strides = array<i32>} : memref<256x128xf32, #tpu.memory_space<vmem>>, vector<16xf32>,
          %max3A_106 = arith.maximumf %get3A_102, %get3A_105 : vector<16xf32>
          %swap3A_107 = arith.index_cast %sub3A_71 : i32 to index
          %swap3A_108 = arith.constant 48 : index
          %swap3A_109 = tpu.vector_load %arg6[%swap3A_107, %swap3A_108] {strides = array<i32>} : memref<320x128xf32, #tpu.memory_space<vmem>>, vector<16xf32>,
          tpu.vector_store %arg6[%swap3A_107, %swap3A_108], %max3A_106 {strides = array<i32>} : memref<320x128xf32, #tpu.memory_space<vmem>>, vector<16xf32>,
          %get3A_110 = arith.index_cast %sub3A_71 : i32 to index
          %get3A_111 = arith.constant 64 : index
          %get3A_112 = tpu.vector_load %arg6[%get3A_110, %get3A_111] {strides = array<i32>} : memref<320x128xf32, #tpu.memory_space<vmem>>, vector<16xf32>,
          %get3A_113 = arith.index_cast %while3A_67 : i32 to index
          %get3A_114 = arith.constant 64 : index
          %get3A_115 = tpu.vector_load %arg12[%get3A_113, %get3A_114] {strides = array<i32>} : memref<256x128xf32, #tpu.memory_space<vmem>>, vector<16xf32>,
          %max3A_116 = arith.maximumf %get3A_112, %get3A_115 : vector<16xf32>
          %swap3A_117 = arith.index_cast %sub3A_71 : i32 to index
          %swap3A_118 = arith.constant 64 : index
          %swap3A_119 = tpu.vector_load %arg6[%swap3A_117, %swap3A_118] {strides = array<i32>} : memref<320x128xf32, #tpu.memory_space<vmem>>, vector<16xf32>,
          tpu.vector_store %arg6[%swap3A_117, %swap3A_118], %max3A_116 {strides = array<i32>} : memref<320x128xf32, #tpu.memory_space<vmem>>, vector<16xf32>,
          %get3A_120 = arith.index_cast %sub3A_71 : i32 to index
          %get3A_121 = arith.constant 80 : index
          %get3A_122 = tpu.vector_load %arg6[%get3A_120, %get3A_121] {strides = array<i32>} : memref<320x128xf32, #tpu.memory_space<vmem>>, vector<16xf32>,
          %get3A_123 = arith.index_cast %while3A_67 : i32 to index
          %get3A_124 = arith.constant 80 : index
          %get3A_125 = tpu.vector_load %arg12[%get3A_123, %get3A_124] {strides = array<i32>} : memref<256x128xf32, #tpu.memory_space<vmem>>, vector<16xf32>,
          %max3A_126 = arith.maximumf %get3A_122, %get3A_125 : vector<16xf32>
          %swap3A_127 = arith.index_cast %sub3A_71 : i32 to index
          %swap3A_128 = arith.constant 80 : index
          %swap3A_129 = tpu.vector_load %arg6[%swap3A_127, %swap3A_128] {strides = array<i32>} : memref<320x128xf32, #tpu.memory_space<vmem>>, vector<16xf32>,
          tpu.vector_store %arg6[%swap3A_127, %swap3A_128], %max3A_126 {strides = array<i32>} : memref<320x128xf32, #tpu.memory_space<vmem>>, vector<16xf32>,
          %get3A_130 = arith.index_cast %sub3A_71 : i32 to index
          %get3A_131 = arith.constant 96 : index
          %get3A_132 = tpu.vector_load %arg6[%get3A_130, %get3A_131] {strides = array<i32>} : memref<320x128xf32, #tpu.memory_space<vmem>>, vector<16xf32>,
          %get3A_133 = arith.index_cast %while3A_67 : i32 to index
          %get3A_134 = arith.constant 96 : index
          %get3A_135 = tpu.vector_load %arg12[%get3A_133, %get3A_134] {strides = array<i32>} : memref<256x128xf32, #tpu.memory_space<vmem>>, vector<16xf32>,
          %max3A_136 = arith.maximumf %get3A_132, %get3A_135 : vector<16xf32>
          %swap3A_137 = arith.index_cast %sub3A_71 : i32 to index
          %swap3A_138 = arith.constant 96 : index
          %swap3A_139 = tpu.vector_load %arg6[%swap3A_137, %swap3A_138] {strides = array<i32>} : memref<320x128xf32, #tpu.memory_space<vmem>>, vector<16xf32>,
          tpu.vector_store %arg6[%swap3A_137, %swap3A_138], %max3A_136 {strides = array<i32>} : memref<320x128xf32, #tpu.memory_space<vmem>>, vector<16xf32>,
          %get3A_140 = arith.index_cast %sub3A_71 : i32 to index
          %get3A_141 = arith.constant 112 : index
          %get3A_142 = tpu.vector_load %arg6[%get3A_140, %get3A_141] {strides = array<i32>} : memref<320x128xf32, #tpu.memory_space<vmem>>, vector<16xf32>,
          %get3A_143 = arith.index_cast %while3A_67 : i32 to index
          %get3A_144 = arith.constant 112 : index
          %get3A_145 = tpu.vector_load %arg12[%get3A_143, %get3A_144] {strides = array<i32>} : memref<256x128xf32, #tpu.memory_space<vmem>>, vector<16xf32>,
          %max3A_146 = arith.maximumf %get3A_142, %get3A_145 : vector<16xf32>
          %swap3A_147 = arith.index_cast %sub3A_71 : i32 to index
          %swap3A_148 = arith.constant 112 : index
          %swap3A_149 = tpu.vector_load %arg6[%swap3A_147, %swap3A_148] {strides = array<i32>} : memref<320x128xf32, #tpu.memory_space<vmem>>, vector<16xf32>,
          tpu.vector_store %arg6[%swap3A_147, %swap3A_148], %max3A_146 {strides = array<i32>} : memref<320x128xf32, #tpu.memory_space<vmem>>, vector<16xf32>,
          %while3A_150 = arith.constant 0 : i32
          scf.yield %while3A_150 : i32
        }
        %while3A_64 = arith.constant 1 : i32
        %while3A_65 = scf.for %while3A_67 = %while3A_61 to %while3A_57 step %while3A_64 iter_args(%while3A_68 = %while3A_63) -> (i32)  : i32 {
          %add3A_69 = arith.addi %mul3A_46, %while3A_67 : i32
          %get3A = arith.index_cast %add3A_69 : i32 to index
          %get3A_70 = tpu.vector_load %arg9[%get3A] {strides = array<i32>} : memref<6432xi32, #tpu.memory_space<vmem>>, vector<16xi32>,
          %slice3A = vector.extract_strided_slice %get3A_70 {offsets = [0], sizes = [1], strides = [1]} : vector<16xi32> to vector<1xi32>
          %squeeze3A = vector.extract %slice3A[0] : i32 from vector<1xi32>
          %sub3A_71 = arith.subi %squeeze3A, %mul3A_2 : i32
          %get3A_72 = arith.index_cast %sub3A_71 : i32 to index
          %get3A_73 = arith.constant 0 : index
          %get3A_74 = tpu.vector_load %arg6[%get3A_72, %get3A_73] {strides = array<i32>} : memref<320x128xf32, #tpu.memory_space<vmem>>, vector<16xf32>,
          %get3A_75 = arith.index_cast %while3A_67 : i32 to index
          %get3A_76 = arith.constant 0 : index
          %get3A_77 = tpu.vector_load %arg12[%get3A_75, %get3A_76] {strides = array<i32>} : memref<256x128xf32, #tpu.memory_space<vmem>>, vector<16xf32>,
          %max3A = arith.maximumf %get3A_74, %get3A_77 : vector<16xf32>
          %swap3A = arith.index_cast %sub3A_71 : i32 to index
          %swap3A_78 = arith.constant 0 : index
          %swap3A_79 = tpu.vector_load %arg6[%swap3A, %swap3A_78] {strides = array<i32>} : memref<320x128xf32, #tpu.memory_space<vmem>>, vector<16xf32>,
          tpu.vector_store %arg6[%swap3A, %swap3A_78], %max3A {strides = array<i32>} : memref<320x128xf32, #tpu.memory_space<vmem>>, vector<16xf32>,
          %get3A_80 = arith.index_cast %sub3A_71 : i32 to index
          %get3A_81 = arith.constant 16 : index
          %get3A_82 = tpu.vector_load %arg6[%get3A_80, %get3A_81] {strides = array<i32>} : memref<320x128xf32, #tpu.memory_space<vmem>>, vector<16xf32>,
          %get3A_83 = arith.index_cast %while3A_67 : i32 to index
          %get3A_84 = arith.constant 16 : index
          %get3A_85 = tpu.vector_load %arg12[%get3A_83, %get3A_84] {strides = array<i32>} : memref<256x128xf32, #tpu.memory_space<vmem>>, vector<16xf32>,
          %max3A_86 = arith.maximumf %get3A_82, %get3A_85 : vector<16xf32>
          %swap3A_87 = arith.index_cast %sub3A_71 : i32 to index
          %swap3A_88 = arith.constant 16 : index
          %swap3A_89 = tpu.vector_load %arg6[%swap3A_87, %swap3A_88] {strides = array<i32>} : memref<320x128xf32, #tpu.memory_space<vmem>>, vector<16xf32>,
          tpu.vector_store %arg6[%swap3A_87, %swap3A_88], %max3A_86 {strides = array<i32>} : memref<320x128xf32, #tpu.memory_space<vmem>>, vector<16xf32>,
          %get3A_90 = arith.index_cast %sub3A_71 : i32 to index
          %get3A_91 = arith.constant 32 : index
          %get3A_92 = tpu.vector_load %arg6[%get3A_90, %get3A_91] {strides = array<i32>} : memref<320x128xf32, #tpu.memory_space<vmem>>, vector<16xf32>,
          %get3A_93 = arith.index_cast %while3A_67 : i32 to index
          %get3A_94 = arith.constant 32 : index
          %get3A_95 = tpu.vector_load %arg12[%get3A_93, %get3A_94] {strides = array<i32>} : memref<256x128xf32, #tpu.memory_space<vmem>>, vector<16xf32>,
          %max3A_96 = arith.maximumf %get3A_92, %get3A_95 : vector<16xf32>
          %swap3A_97 = arith.index_cast %sub3A_71 : i32 to index
          %swap3A_98 = arith.constant 32 : index
          %swap3A_99 = tpu.vector_load %arg6[%swap3A_97, %swap3A_98] {strides = array<i32>} : memref<320x128xf32, #tpu.memory_space<vmem>>, vector<16xf32>,
          tpu.vector_store %arg6[%swap3A_97, %swap3A_98], %max3A_96 {strides = array<i32>} : memref<320x128xf32, #tpu.memory_space<vmem>>, vector<16xf32>,
          %get3A_100 = arith.index_cast %sub3A_71 : i32 to index
          %get3A_101 = arith.constant 48 : index
          %get3A_102 = tpu.vector_load %arg6[%get3A_100, %get3A_101] {strides = array<i32>} : memref<320x128xf32, #tpu.memory_space<vmem>>, vector<16xf32>,
          %get3A_103 = arith.index_cast %while3A_67 : i32 to index
          %get3A_104 = arith.constant 48 : index
          %get3A_105 = tpu.vector_load %arg12[%get3A_103, %get3A_104] {strides = array<i32>} : memref<256x128xf32, #tpu.memory_space<vmem>>, vector<16xf32>,
          %max3A_106 = arith.maximumf %get3A_102, %get3A_105 : vector<16xf32>
          %swap3A_107 = arith.index_cast %sub3A_71 : i32 to index
          %swap3A_108 = arith.constant 48 : index
          %swap3A_109 = tpu.vector_load %arg6[%swap3A_107, %swap3A_108] {strides = array<i32>} : memref<320x128xf32, #tpu.memory_space<vmem>>, vector<16xf32>,
          tpu.vector_store %arg6[%swap3A_107, %swap3A_108], %max3A_106 {strides = array<i32>} : memref<320x128xf32, #tpu.memory_space<vmem>>, vector<16xf32>,
          %get3A_110 = arith.index_cast %sub3A_71 : i32 to index
          %get3A_111 = arith.constant 64 : index
          %get3A_112 = tpu.vector_load %arg6[%get3A_110, %get3A_111] {strides = array<i32>} : memref<320x128xf32, #tpu.memory_space<vmem>>, vector<16xf32>,
          %get3A_113 = arith.index_cast %while3A_67 : i32 to index
          %get3A_114 = arith.constant 64 : index
          %get3A_115 = tpu.vector_load %arg12[%get3A_113, %get3A_114] {strides = array<i32>} : memref<256x128xf32, #tpu.memory_space<vmem>>, vector<16xf32>,
          %max3A_116 = arith.maximumf %get3A_112, %get3A_115 : vector<16xf32>
          %swap3A_117 = arith.index_cast %sub3A_71 : i32 to index
          %swap3A_118 = arith.constant 64 : index
          %swap3A_119 = tpu.vector_load %arg6[%swap3A_117, %swap3A_118] {strides = array<i32>} : memref<320x128xf32, #tpu.memory_space<vmem>>, vector<16xf32>,
          tpu.vector_store %arg6[%swap3A_117, %swap3A_118], %max3A_116 {strides = array<i32>} : memref<320x128xf32, #tpu.memory_space<vmem>>, vector<16xf32>,
          %get3A_120 = arith.index_cast %sub3A_71 : i32 to index
          %get3A_121 = arith.constant 80 : index
          %get3A_122 = tpu.vector_load %arg6[%get3A_120, %get3A_121] {strides = array<i32>} : memref<320x128xf32, #tpu.memory_space<vmem>>, vector<16xf32>,
          %get3A_123 = arith.index_cast %while3A_67 : i32 to index
          %get3A_124 = arith.constant 80 : index
          %get3A_125 = tpu.vector_load %arg12[%get3A_123, %get3A_124] {strides = array<i32>} : memref<256x128xf32, #tpu.memory_space<vmem>>, vector<16xf32>,
          %max3A_126 = arith.maximumf %get3A_122, %get3A_125 : vector<16xf32>
          %swap3A_127 = arith.index_cast %sub3A_71 : i32 to index
          %swap3A_128 = arith.constant 80 : index
          %swap3A_129 = tpu.vector_load %arg6[%swap3A_127, %swap3A_128] {strides = array<i32>} : memref<320x128xf32, #tpu.memory_space<vmem>>, vector<16xf32>,
          tpu.vector_store %arg6[%swap3A_127, %swap3A_128], %max3A_126 {strides = array<i32>} : memref<320x128xf32, #tpu.memory_space<vmem>>, vector<16xf32>,
          %get3A_130 = arith.index_cast %sub3A_71 : i32 to index
          %get3A_131 = arith.constant 96 : index
          %get3A_132 = tpu.vector_load %arg6[%get3A_130, %get3A_131] {strides = array<i32>} : memref<320x128xf32, #tpu.memory_space<vmem>>, vector<16xf32>,
          %get3A_133 = arith.index_cast %while3A_67 : i32 to index
          %get3A_134 = arith.constant 96 : index
          %get3A_135 = tpu.vector_load %arg12[%get3A_133, %get3A_134] {strides = array<i32>} : memref<256x128xf32, #tpu.memory_space<vmem>>, vector<16xf32>,
          %max3A_136 = arith.maximumf %get3A_132, %get3A_135 : vector<16xf32>
          %swap3A_137 = arith.index_cast %sub3A_71 : i32 to index
          %swap3A_138 = arith.constant 96 : index
          %swap3A_139 = tpu.vector_load %arg6[%swap3A_137, %swap3A_138] {strides = array<i32>} : memref<320x128xf32, #tpu.memory_space<vmem>>, vector<16xf32>,
          tpu.vector_store %arg6[%swap3A_137, %swap3A_138], %max3A_136 {strides = array<i32>} : memref<320x128xf32, #tpu.memory_space<vmem>>, vector<16xf32>,
          %get3A_140 = arith.index_cast %sub3A_71 : i32 to index
          %get3A_141 = arith.constant 112 : index
          %get3A_142 = tpu.vector_load %arg6[%get3A_140, %get3A_141] {strides = array<i32>} : memref<320x128xf32, #tpu.memory_space<vmem>>, vector<16xf32>,
          %get3A_143 = arith.index_cast %while3A_67 : i32 to index
          %get3A_144 = arith.constant 112 : index
          %get3A_145 = tpu.vector_load %arg12[%get3A_143, %get3A_144] {strides = array<i32>} : memref<256x128xf32, #tpu.memory_space<vmem>>, vector<16xf32>,
          %max3A_146 = arith.maximumf %get3A_142, %get3A_145 : vector<16xf32>
          %swap3A_147 = arith.index_cast %sub3A_71 : i32 to index
          %swap3A_148 = arith.constant 112 : index
          %swap3A_149 = tpu.vector_load %arg6[%swap3A_147, %swap3A_148] {strides = array<i32>} : memref<320x128xf32, #tpu.memory_space<vmem>>, vector<16xf32>,
          tpu.vector_store %arg6[%swap3A_147, %swap3A_148], %max3A_146 {strides = array<i32>} : memref<320x128xf32, #tpu.memory_space<vmem>>, vector<16xf32>,
          %while3A_150 = arith.constant 0 : i32
          scf.yield %while3A_150 : i32
        }
        %while3A_66 = arith.constant 0 : i32
        scf.yield %while3A_66 : i32
      }
      %while3A_41 = arith.constant 1 : i32
      %while3A_42 = scf.for %while3A_43 = %while3A_38 to %while3A_34 step %while3A_41 iter_args(%while3A_44 = %while3A_40) -> (i32)  : i32 {
        %mul3A_45 = arith.constant 256 : i32
        %mul3A_46 = arith.muli %while3A_43, %mul3A_45 : i32
        %dma_start3A = tpu.memref_slice %arg10[%mul3A_46] : memref<6432xi32, #tpu.memory_space<vmem>> -> memref<256xi32, #tpu.memory_space<vmem>>
        %dma_start3A_47 = arith.constant 0 : i32
        %dma_start3A_48 = arith.constant 0 : i32
        %dma_start3A_49 = tpu.memref_slice %arg2[%dma_start3A_47, %dma_start3A_48] : memref<10000x128xf32, #tpu.memory_space<hbm>> -> memref<10000x128xf32, #tpu.memory_space<hbm>>
        tpu.enqueue_indirect_dma source(%dma_start3A_49 : memref<10000x128xf32, #tpu.memory_space<hbm>>) target(%arg12 : memref<256x128xf32, #tpu.memory_space<vmem>>) offsets(%dma_start3A : memref<256xi32, #tpu.memory_space<vmem>>) semaphore(%arg14 : memref<!tpu.dma_semaphore, #tpu.memory_space<semaphore_mem>>)
        %dma_wait3A = tpu.memref_slice %arg10[%mul3A_46] : memref<6432xi32, #tpu.memory_space<vmem>> -> memref<256xi32, #tpu.memory_space<vmem>>
        %dma_wait3A_50 = arith.constant 0 : i32
        %dma_wait3A_51 = arith.constant 0 : i32
        %dma_wait3A_52 = tpu.memref_slice %arg2[%dma_wait3A_50, %dma_wait3A_51] : memref<10000x128xf32, #tpu.memory_space<hbm>> -> memref<10000x128xf32, #tpu.memory_space<hbm>>
        tpu.wait_indirect_dma semaphore(%arg14 : memref<!tpu.dma_semaphore, #tpu.memory_space<semaphore_mem>>) src(%dma_wait3A_52 : memref<10000x128xf32, #tpu.memory_space<hbm>>) dst(%arg12 : memref<256x128xf32, #tpu.memory_space<vmem>>)
        %sub3A = arith.subi %scan3A_27, %mul3A_46 : i32
        %min3A = arith.constant 256 : i32
        %min3A_53 = arith.minsi %sub3A, %min3A : i32
        %while3A_54 = arith.constant 0 : i32
        %while3A_55 = arith.constant 0 : i32
        %while3A_56 = arith.subi %min3A_53, %while3A_54 : i32
        %while3A_57 = arith.addi %while3A_54, %while3A_56 : i32
        %while3A_58 = arith.constant 1 : i32
        %while3A_59 = arith.divsi %while3A_56, %while3A_58 : i32
        %while3A_60 = arith.muli %while3A_59, %while3A_58 : i32
        %while3A_61 = arith.addi %while3A_54, %while3A_60 : i32
        %while3A_62 = arith.constant 1 : i32
        %while3A_63 = scf.for %while3A_67 = %while3A_54 to %while3A_61 step %while3A_62 iter_args(%while3A_68 = %while3A_55) -> (i32)  : i32 {
          %add3A_69 = arith.addi %mul3A_46, %while3A_67 : i32
          %get3A = arith.index_cast %add3A_69 : i32 to index
          %get3A_70 = tpu.vector_load %arg9[%get3A] {strides = array<i32>} : memref<6432xi32, #tpu.memory_space<vmem>>, vector<16xi32>,
          %slice3A = vector.extract_strided_slice %get3A_70 {offsets = [0], sizes = [1], strides = [1]} : vector<16xi32> to vector<1xi32>
          %squeeze3A = vector.extract %slice3A[0] : i32 from vector<1xi32>
          %sub3A_71 = arith.subi %squeeze3A, %mul3A_2 : i32
          %get3A_72 = arith.index_cast %sub3A_71 : i32 to index
          %get3A_73 = arith.constant 0 : index
          %get3A_74 = tpu.vector_load %arg6[%get3A_72, %get3A_73] {strides = array<i32>} : memref<320x128xf32, #tpu.memory_space<vmem>>, vector<16xf32>,
          %get3A_75 = arith.index_cast %while3A_67 : i32 to index
          %get3A_76 = arith.constant 0 : index
          %get3A_77 = tpu.vector_load %arg12[%get3A_75, %get3A_76] {strides = array<i32>} : memref<256x128xf32, #tpu.memory_space<vmem>>, vector<16xf32>,
          %max3A = arith.maximumf %get3A_74, %get3A_77 : vector<16xf32>
          %swap3A = arith.index_cast %sub3A_71 : i32 to index
          %swap3A_78 = arith.constant 0 : index
          %swap3A_79 = tpu.vector_load %arg6[%swap3A, %swap3A_78] {strides = array<i32>} : memref<320x128xf32, #tpu.memory_space<vmem>>, vector<16xf32>,
          tpu.vector_store %arg6[%swap3A, %swap3A_78], %max3A {strides = array<i32>} : memref<320x128xf32, #tpu.memory_space<vmem>>, vector<16xf32>,
          %get3A_80 = arith.index_cast %sub3A_71 : i32 to index
          %get3A_81 = arith.constant 16 : index
          %get3A_82 = tpu.vector_load %arg6[%get3A_80, %get3A_81] {strides = array<i32>} : memref<320x128xf32, #tpu.memory_space<vmem>>, vector<16xf32>,
          %get3A_83 = arith.index_cast %while3A_67 : i32 to index
          %get3A_84 = arith.constant 16 : index
          %get3A_85 = tpu.vector_load %arg12[%get3A_83, %get3A_84] {strides = array<i32>} : memref<256x128xf32, #tpu.memory_space<vmem>>, vector<16xf32>,
          %max3A_86 = arith.maximumf %get3A_82, %get3A_85 : vector<16xf32>
          %swap3A_87 = arith.index_cast %sub3A_71 : i32 to index
          %swap3A_88 = arith.constant 16 : index
          %swap3A_89 = tpu.vector_load %arg6[%swap3A_87, %swap3A_88] {strides = array<i32>} : memref<320x128xf32, #tpu.memory_space<vmem>>, vector<16xf32>,
          tpu.vector_store %arg6[%swap3A_87, %swap3A_88], %max3A_86 {strides = array<i32>} : memref<320x128xf32, #tpu.memory_space<vmem>>, vector<16xf32>,
          %get3A_90 = arith.index_cast %sub3A_71 : i32 to index
          %get3A_91 = arith.constant 32 : index
          %get3A_92 = tpu.vector_load %arg6[%get3A_90, %get3A_91] {strides = array<i32>} : memref<320x128xf32, #tpu.memory_space<vmem>>, vector<16xf32>,
          %get3A_93 = arith.index_cast %while3A_67 : i32 to index
          %get3A_94 = arith.constant 32 : index
          %get3A_95 = tpu.vector_load %arg12[%get3A_93, %get3A_94] {strides = array<i32>} : memref<256x128xf32, #tpu.memory_space<vmem>>, vector<16xf32>,
          %max3A_96 = arith.maximumf %get3A_92, %get3A_95 : vector<16xf32>
          %swap3A_97 = arith.index_cast %sub3A_71 : i32 to index
          %swap3A_98 = arith.constant 32 : index
          %swap3A_99 = tpu.vector_load %arg6[%swap3A_97, %swap3A_98] {strides = array<i32>} : memref<320x128xf32, #tpu.memory_space<vmem>>, vector<16xf32>,
          tpu.vector_store %arg6[%swap3A_97, %swap3A_98], %max3A_96 {strides = array<i32>} : memref<320x128xf32, #tpu.memory_space<vmem>>, vector<16xf32>,
          %get3A_100 = arith.index_cast %sub3A_71 : i32 to index
          %get3A_101 = arith.constant 48 : index
          %get3A_102 = tpu.vector_load %arg6[%get3A_100, %get3A_101] {strides = array<i32>} : memref<320x128xf32, #tpu.memory_space<vmem>>, vector<16xf32>,
          %get3A_103 = arith.index_cast %while3A_67 : i32 to index
          %get3A_104 = arith.constant 48 : index
          %get3A_105 = tpu.vector_load %arg12[%get3A_103, %get3A_104] {strides = array<i32>} : memref<256x128xf32, #tpu.memory_space<vmem>>, vector<16xf32>,
          %max3A_106 = arith.maximumf %get3A_102, %get3A_105 : vector<16xf32>
          %swap3A_107 = arith.index_cast %sub3A_71 : i32 to index
          %swap3A_108 = arith.constant 48 : index
          %swap3A_109 = tpu.vector_load %arg6[%swap3A_107, %swap3A_108] {strides = array<i32>} : memref<320x128xf32, #tpu.memory_space<vmem>>, vector<16xf32>,
          tpu.vector_store %arg6[%swap3A_107, %swap3A_108], %max3A_106 {strides = array<i32>} : memref<320x128xf32, #tpu.memory_space<vmem>>, vector<16xf32>,
          %get3A_110 = arith.index_cast %sub3A_71 : i32 to index
          %get3A_111 = arith.constant 64 : index
          %get3A_112 = tpu.vector_load %arg6[%get3A_110, %get3A_111] {strides = array<i32>} : memref<320x128xf32, #tpu.memory_space<vmem>>, vector<16xf32>,
          %get3A_113 = arith.index_cast %while3A_67 : i32 to index
          %get3A_114 = arith.constant 64 : index
          %get3A_115 = tpu.vector_load %arg12[%get3A_113, %get3A_114] {strides = array<i32>} : memref<256x128xf32, #tpu.memory_space<vmem>>, vector<16xf32>,
          %max3A_116 = arith.maximumf %get3A_112, %get3A_115 : vector<16xf32>
          %swap3A_117 = arith.index_cast %sub3A_71 : i32 to index
          %swap3A_118 = arith.constant 64 : index
          %swap3A_119 = tpu.vector_load %arg6[%swap3A_117, %swap3A_118] {strides = array<i32>} : memref<320x128xf32, #tpu.memory_space<vmem>>, vector<16xf32>,
          tpu.vector_store %arg6[%swap3A_117, %swap3A_118], %max3A_116 {strides = array<i32>} : memref<320x128xf32, #tpu.memory_space<vmem>>, vector<16xf32>,
          %get3A_120 = arith.index_cast %sub3A_71 : i32 to index
          %get3A_121 = arith.constant 80 : index
          %get3A_122 = tpu.vector_load %arg6[%get3A_120, %get3A_121] {strides = array<i32>} : memref<320x128xf32, #tpu.memory_space<vmem>>, vector<16xf32>,
          %get3A_123 = arith.index_cast %while3A_67 : i32 to index
          %get3A_124 = arith.constant 80 : index
          %get3A_125 = tpu.vector_load %arg12[%get3A_123, %get3A_124] {strides = array<i32>} : memref<256x128xf32, #tpu.memory_space<vmem>>, vector<16xf32>,
          %max3A_126 = arith.maximumf %get3A_122, %get3A_125 : vector<16xf32>
          %swap3A_127 = arith.index_cast %sub3A_71 : i32 to index
          %swap3A_128 = arith.constant 80 : index
          %swap3A_129 = tpu.vector_load %arg6[%swap3A_127, %swap3A_128] {strides = array<i32>} : memref<320x128xf32, #tpu.memory_space<vmem>>, vector<16xf32>,
          tpu.vector_store %arg6[%swap3A_127, %swap3A_128], %max3A_126 {strides = array<i32>} : memref<320x128xf32, #tpu.memory_space<vmem>>, vector<16xf32>,
          %get3A_130 = arith.index_cast %sub3A_71 : i32 to index
          %get3A_131 = arith.constant 96 : index
          %get3A_132 = tpu.vector_load %arg6[%get3A_130, %get3A_131] {strides = array<i32>} : memref<320x128xf32, #tpu.memory_space<vmem>>, vector<16xf32>,
          %get3A_133 = arith.index_cast %while3A_67 : i32 to index
          %get3A_134 = arith.constant 96 : index
          %get3A_135 = tpu.vector_load %arg12[%get3A_133, %get3A_134] {strides = array<i32>} : memref<256x128xf32, #tpu.memory_space<vmem>>, vector<16xf32>,
          %max3A_136 = arith.maximumf %get3A_132, %get3A_135 : vector<16xf32>
          %swap3A_137 = arith.index_cast %sub3A_71 : i32 to index
          %swap3A_138 = arith.constant 96 : index
          %swap3A_139 = tpu.vector_load %arg6[%swap3A_137, %swap3A_138] {strides = array<i32>} : memref<320x128xf32, #tpu.memory_space<vmem>>, vector<16xf32>,
          tpu.vector_store %arg6[%swap3A_137, %swap3A_138], %max3A_136 {strides = array<i32>} : memref<320x128xf32, #tpu.memory_space<vmem>>, vector<16xf32>,
          %get3A_140 = arith.index_cast %sub3A_71 : i32 to index
          %get3A_141 = arith.constant 112 : index
          %get3A_142 = tpu.vector_load %arg6[%get3A_140, %get3A_141] {strides = array<i32>} : memref<320x128xf32, #tpu.memory_space<vmem>>, vector<16xf32>,
          %get3A_143 = arith.index_cast %while3A_67 : i32 to index
          %get3A_144 = arith.constant 112 : index
          %get3A_145 = tpu.vector_load %arg12[%get3A_143, %get3A_144] {strides = array<i32>} : memref<256x128xf32, #tpu.memory_space<vmem>>, vector<16xf32>,
          %max3A_146 = arith.maximumf %get3A_142, %get3A_145 : vector<16xf32>
          %swap3A_147 = arith.index_cast %sub3A_71 : i32 to index
          %swap3A_148 = arith.constant 112 : index
          %swap3A_149 = tpu.vector_load %arg6[%swap3A_147, %swap3A_148] {strides = array<i32>} : memref<320x128xf32, #tpu.memory_space<vmem>>, vector<16xf32>,
          tpu.vector_store %arg6[%swap3A_147, %swap3A_148], %max3A_146 {strides = array<i32>} : memref<320x128xf32, #tpu.memory_space<vmem>>, vector<16xf32>,
          %while3A_150 = arith.constant 0 : i32
          scf.yield %while3A_150 : i32
        }
        %while3A_64 = arith.constant 1 : i32
        %while3A_65 = scf.for %while3A_67 = %while3A_61 to %while3A_57 step %while3A_64 iter_args(%while3A_68 = %while3A_63) -> (i32)  : i32 {
          %add3A_69 = arith.addi %mul3A_46, %while3A_67 : i32
          %get3A = arith.index_cast %add3A_69 : i32 to index
          %get3A_70 = tpu.vector_load %arg9[%get3A] {strides = array<i32>} : memref<6432xi32, #tpu.memory_space<vmem>>, vector<16xi32>,
          %slice3A = vector.extract_strided_slice %get3A_70 {offsets = [0], sizes = [1], strides = [1]} : vector<16xi32> to vector<1xi32>
          %squeeze3A = vector.extract %slice3A[0] : i32 from vector<1xi32>
          %sub3A_71 = arith.subi %squeeze3A, %mul3A_2 : i32
          %get3A_72 = arith.index_cast %sub3A_71 : i32 to index
          %get3A_73 = arith.constant 0 : index
          %get3A_74 = tpu.vector_load %arg6[%get3A_72, %get3A_73] {strides = array<i32>} : memref<320x128xf32, #tpu.memory_space<vmem>>, vector<16xf32>,
          %get3A_75 = arith.index_cast %while3A_67 : i32 to index
          %get3A_76 = arith.constant 0 : index
          %get3A_77 = tpu.vector_load %arg12[%get3A_75, %get3A_76] {strides = array<i32>} : memref<256x128xf32, #tpu.memory_space<vmem>>, vector<16xf32>,
          %max3A = arith.maximumf %get3A_74, %get3A_77 : vector<16xf32>
          %swap3A = arith.index_cast %sub3A_71 : i32 to index
          %swap3A_78 = arith.constant 0 : index
          %swap3A_79 = tpu.vector_load %arg6[%swap3A, %swap3A_78] {strides = array<i32>} : memref<320x128xf32, #tpu.memory_space<vmem>>, vector<16xf32>,
          tpu.vector_store %arg6[%swap3A, %swap3A_78], %max3A {strides = array<i32>} : memref<320x128xf32, #tpu.memory_space<vmem>>, vector<16xf32>,
          %get3A_80 = arith.index_cast %sub3A_71 : i32 to index
          %get3A_81 = arith.constant 16 : index
          %get3A_82 = tpu.vector_load %arg6[%get3A_80, %get3A_81] {strides = array<i32>} : memref<320x128xf32, #tpu.memory_space<vmem>>, vector<16xf32>,
          %get3A_83 = arith.index_cast %while3A_67 : i32 to index
          %get3A_84 = arith.constant 16 : index
          %get3A_85 = tpu.vector_load %arg12[%get3A_83, %get3A_84] {strides = array<i32>} : memref<256x128xf32, #tpu.memory_space<vmem>>, vector<16xf32>,
          %max3A_86 = arith.maximumf %get3A_82, %get3A_85 : vector<16xf32>
          %swap3A_87 = arith.index_cast %sub3A_71 : i32 to index
          %swap3A_88 = arith.constant 16 : index
          %swap3A_89 = tpu.vector_load %arg6[%swap3A_87, %swap3A_88] {strides = array<i32>} : memref<320x128xf32, #tpu.memory_space<vmem>>, vector<16xf32>,
          tpu.vector_store %arg6[%swap3A_87, %swap3A_88], %max3A_86 {strides = array<i32>} : memref<320x128xf32, #tpu.memory_space<vmem>>, vector<16xf32>,
          %get3A_90 = arith.index_cast %sub3A_71 : i32 to index
          %get3A_91 = arith.constant 32 : index
          %get3A_92 = tpu.vector_load %arg6[%get3A_90, %get3A_91] {strides = array<i32>} : memref<320x128xf32, #tpu.memory_space<vmem>>, vector<16xf32>,
          %get3A_93 = arith.index_cast %while3A_67 : i32 to index
          %get3A_94 = arith.constant 32 : index
          %get3A_95 = tpu.vector_load %arg12[%get3A_93, %get3A_94] {strides = array<i32>} : memref<256x128xf32, #tpu.memory_space<vmem>>, vector<16xf32>,
          %max3A_96 = arith.maximumf %get3A_92, %get3A_95 : vector<16xf32>
          %swap3A_97 = arith.index_cast %sub3A_71 : i32 to index
          %swap3A_98 = arith.constant 32 : index
          %swap3A_99 = tpu.vector_load %arg6[%swap3A_97, %swap3A_98] {strides = array<i32>} : memref<320x128xf32, #tpu.memory_space<vmem>>, vector<16xf32>,
          tpu.vector_store %arg6[%swap3A_97, %swap3A_98], %max3A_96 {strides = array<i32>} : memref<320x128xf32, #tpu.memory_space<vmem>>, vector<16xf32>,
          %get3A_100 = arith.index_cast %sub3A_71 : i32 to index
          %get3A_101 = arith.constant 48 : index
          %get3A_102 = tpu.vector_load %arg6[%get3A_100, %get3A_101] {strides = array<i32>} : memref<320x128xf32, #tpu.memory_space<vmem>>, vector<16xf32>,
          %get3A_103 = arith.index_cast %while3A_67 : i32 to index
          %get3A_104 = arith.constant 48 : index
          %get3A_105 = tpu.vector_load %arg12[%get3A_103, %get3A_104] {strides = array<i32>} : memref<256x128xf32, #tpu.memory_space<vmem>>, vector<16xf32>,
          %max3A_106 = arith.maximumf %get3A_102, %get3A_105 : vector<16xf32>
          %swap3A_107 = arith.index_cast %sub3A_71 : i32 to index
          %swap3A_108 = arith.constant 48 : index
          %swap3A_109 = tpu.vector_load %arg6[%swap3A_107, %swap3A_108] {strides = array<i32>} : memref<320x128xf32, #tpu.memory_space<vmem>>, vector<16xf32>,
          tpu.vector_store %arg6[%swap3A_107, %swap3A_108], %max3A_106 {strides = array<i32>} : memref<320x128xf32, #tpu.memory_space<vmem>>, vector<16xf32>,
          %get3A_110 = arith.index_cast %sub3A_71 : i32 to index
          %get3A_111 = arith.constant 64 : index
          %get3A_112 = tpu.vector_load %arg6[%get3A_110, %get3A_111] {strides = array<i32>} : memref<320x128xf32, #tpu.memory_space<vmem>>, vector<16xf32>,
          %get3A_113 = arith.index_cast %while3A_67 : i32 to index
          %get3A_114 = arith.constant 64 : index
          %get3A_115 = tpu.vector_load %arg12[%get3A_113, %get3A_114] {strides = array<i32>} : memref<256x128xf32, #tpu.memory_space<vmem>>, vector<16xf32>,
          %max3A_116 = arith.maximumf %get3A_112, %get3A_115 : vector<16xf32>
          %swap3A_117 = arith.index_cast %sub3A_71 : i32 to index
          %swap3A_118 = arith.constant 64 : index
          %swap3A_119 = tpu.vector_load %arg6[%swap3A_117, %swap3A_118] {strides = array<i32>} : memref<320x128xf32, #tpu.memory_space<vmem>>, vector<16xf32>,
          tpu.vector_store %arg6[%swap3A_117, %swap3A_118], %max3A_116 {strides = array<i32>} : memref<320x128xf32, #tpu.memory_space<vmem>>, vector<16xf32>,
          %get3A_120 = arith.index_cast %sub3A_71 : i32 to index
          %get3A_121 = arith.constant 80 : index
          %get3A_122 = tpu.vector_load %arg6[%get3A_120, %get3A_121] {strides = array<i32>} : memref<320x128xf32, #tpu.memory_space<vmem>>, vector<16xf32>,
          %get3A_123 = arith.index_cast %while3A_67 : i32 to index
          %get3A_124 = arith.constant 80 : index
          %get3A_125 = tpu.vector_load %arg12[%get3A_123, %get3A_124] {strides = array<i32>} : memref<256x128xf32, #tpu.memory_space<vmem>>, vector<16xf32>,
          %max3A_126 = arith.maximumf %get3A_122, %get3A_125 : vector<16xf32>
          %swap3A_127 = arith.index_cast %sub3A_71 : i32 to index
          %swap3A_128 = arith.constant 80 : index
          %swap3A_129 = tpu.vector_load %arg6[%swap3A_127, %swap3A_128] {strides = array<i32>} : memref<320x128xf32, #tpu.memory_space<vmem>>, vector<16xf32>,
          tpu.vector_store %arg6[%swap3A_127, %swap3A_128], %max3A_126 {strides = array<i32>} : memref<320x128xf32, #tpu.memory_space<vmem>>, vector<16xf32>,
          %get3A_130 = arith.index_cast %sub3A_71 : i32 to index
          %get3A_131 = arith.constant 96 : index
          %get3A_132 = tpu.vector_load %arg6[%get3A_130, %get3A_131] {strides = array<i32>} : memref<320x128xf32, #tpu.memory_space<vmem>>, vector<16xf32>,
          %get3A_133 = arith.index_cast %while3A_67 : i32 to index
          %get3A_134 = arith.constant 96 : index
          %get3A_135 = tpu.vector_load %arg12[%get3A_133, %get3A_134] {strides = array<i32>} : memref<256x128xf32, #tpu.memory_space<vmem>>, vector<16xf32>,
          %max3A_136 = arith.maximumf %get3A_132, %get3A_135 : vector<16xf32>
          %swap3A_137 = arith.index_cast %sub3A_71 : i32 to index
          %swap3A_138 = arith.constant 96 : index
          %swap3A_139 = tpu.vector_load %arg6[%swap3A_137, %swap3A_138] {strides = array<i32>} : memref<320x128xf32, #tpu.memory_space<vmem>>, vector<16xf32>,
          tpu.vector_store %arg6[%swap3A_137, %swap3A_138], %max3A_136 {strides = array<i32>} : memref<320x128xf32, #tpu.memory_space<vmem>>, vector<16xf32>,
          %get3A_140 = arith.index_cast %sub3A_71 : i32 to index
          %get3A_141 = arith.constant 112 : index
          %get3A_142 = tpu.vector_load %arg6[%get3A_140, %get3A_141] {strides = array<i32>} : memref<320x128xf32, #tpu.memory_space<vmem>>, vector<16xf32>,
          %get3A_143 = arith.index_cast %while3A_67 : i32 to index
          %get3A_144 = arith.constant 112 : index
          %get3A_145 = tpu.vector_load %arg12[%get3A_143, %get3A_144] {strides = array<i32>} : memref<256x128xf32, #tpu.memory_space<vmem>>, vector<16xf32>,
          %max3A_146 = arith.maximumf %get3A_142, %get3A_145 : vector<16xf32>
          %swap3A_147 = arith.index_cast %sub3A_71 : i32 to index
          %swap3A_148 = arith.constant 112 : index
          %swap3A_149 = tpu.vector_load %arg6[%swap3A_147, %swap3A_148] {strides = array<i32>} : memref<320x128xf32, #tpu.memory_space<vmem>>, vector<16xf32>,
          tpu.vector_store %arg6[%swap3A_147, %swap3A_148], %max3A_146 {strides = array<i32>} : memref<320x128xf32, #tpu.memory_space<vmem>>, vector<16xf32>,
          %while3A_150 = arith.constant 0 : i32
          scf.yield %while3A_150 : i32
        }
        %while3A_66 = arith.constant 0 : i32
        scf.yield %while3A_66 : i32
      }
    }
    %scan3A_16 = arith.constant 50 : i32
    "tpu.region"() ({
      %run_scoped3A = tpu.sem_alloc : memref<!tpu.dma_semaphore, #tpu.memory_space<semaphore_mem>>
      %dma_start3A = arith.constant 0 : i32
      %dma_start3A_17 = tpu.memref_slice %arg5[%mul3A_2, %dma_start3A] : memref<10240x128xf32, #tpu.memory_space<hbm>> -> memref<320x128xf32, #tpu.memory_space<hbm>>
      %dma_start3A_18 = arith.constant 0 : i32
      %dma_start3A_19 = tpu.memref_slice %arg5[%mul3A_2, %dma_start3A_18] : memref<10240x128xf32, #tpu.memory_space<hbm>> -> memref<320x128xf32, #tpu.memory_space<hbm>>
      tpu.enqueue_dma source(%arg6 : memref<320x128xf32, #tpu.memory_space<vmem>>) target(%dma_start3A_19 : memref<320x128xf32, #tpu.memory_space<hbm>>) target_semaphore(%run_scoped3A : memref<!tpu.dma_semaphore, #tpu.memory_space<semaphore_mem>>)
      %dma_wait3A = arith.constant 0 : i32
      %dma_wait3A_20 = tpu.memref_slice %arg5[%mul3A_2, %dma_wait3A] : memref<10240x128xf32, #tpu.memory_space<hbm>> -> memref<320x128xf32, #tpu.memory_space<hbm>>
      %dma_wait3A_21 = arith.constant 0 : i32
      %dma_wait3A_22 = tpu.memref_slice %arg5[%mul3A_2, %dma_wait3A_21] : memref<10240x128xf32, #tpu.memory_space<hbm>> -> memref<320x128xf32, #tpu.memory_space<hbm>>
      tpu.wait_dma2 semaphore(%run_scoped3A : memref<!tpu.dma_semaphore, #tpu.memory_space<semaphore_mem>>) src(%arg6 : memref<320x128xf32, #tpu.memory_space<vmem>>) dst(%dma_wait3A_22 : memref<320x128xf32, #tpu.memory_space<hbm>>)
      tpu.yield
    }) : () -> ()
    return
  }
}

#map = affine_map<(d0, d1) -> (0, 0)>
#map1 = affine_map<(d0, d1) -> (0)>
module attributes {stable_mosaic.version = 14 : i64} {
  func.func @k(%arg0: i32, %arg1: i32, %arg2: memref<10000x128xf32, #tpu.memory_space<hbm>>, %arg3: memref<320000xi32, #tpu.memory_space<hbm>>, %arg4: memref<320000xi32, #tpu.memory_space<hbm>>, %arg5: memref<10240x128xf32, #tpu.memory_space<hbm>>, %arg6: memref<320x128xf32, #tpu.memory_space<vmem>>, %arg7: memref<6400xi32, #tpu.memory_space<vmem>>, %arg8: memref<6400xi32, #tpu.memory_space<vmem>>, %arg9: memref<6432xi32, #tpu.memory_space<vmem>>, %arg10: memref<6432xi32, #tpu.memory_space<vmem>>, %arg11: memref<256xi32, #tpu.memory_space<vmem>>, %arg12: memref<256x128xf32, #tpu.memory_space<vmem>>, %arg13: memref<336xf32, #tpu.memory_space<vmem>>, %arg14: memref<!tpu.dma_semaphore, #tpu.memory_space<semaphore_mem>>) attributes {dimension_semantics = [#tpu.dimension_semantics<core_parallel>, #tpu.dimension_semantics<subcore_parallel>], iteration_bounds = array<i64: 2, 16>, scalar_prefetch = 0 : i64, scratch_operands = 9 : i64, tpu.core_type = #tpu.core_type<sc_vector_subcore>, window_params = [{transform_indices = #map}, {transform_indices = #map1}, {transform_indices = #map1}, {transform_indices = #map}]} {
    %mul3A = arith.constant 2 : i32
    %mul3A_0 = arith.muli %arg1, %mul3A : i32
    %add3A = arith.addi %mul3A_0, %arg0 : i32
    %mul3A_1 = arith.constant 320 : i32
    %mul3A_2 = arith.muli %add3A, %mul3A_1 : i32
    %scan3A = arith.constant 0 : i32
    %scan3A_3 = arith.constant 320 : i32
    %scan3A_4 = arith.addi %scan3A, %scan3A_3 : i32
    %scan3A_5 = arith.constant 1 : i32
    scf.for %scan3A_17 = %scan3A to %scan3A_4 step %scan3A_5  : i32 {
      %mul3A_18 = arith.constant 1 : i32
      %mul3A_19 = arith.muli %scan3A_17, %mul3A_18 : i32
      %add3A_20 = arith.constant 0 : i32
      %add3A_21 = arith.addi %add3A_20, %mul3A_19 : i32
      %broadcast_in_dim3A = arith.constant -3.000000e+38 : f32
      %broadcast_in_dim3A_22 = vector.broadcast %broadcast_in_dim3A : f32 to vector<16xf32>
      %swap3A = arith.index_cast %add3A_21 : i32 to index
      %swap3A_23 = arith.constant 0 : index
      %swap3A_24 = tpu.vector_load %arg6[%swap3A, %swap3A_23] {strides = array<i32>} : memref<320x128xf32, #tpu.memory_space<vmem>>, vector<16xf32>,
      tpu.vector_store %arg6[%swap3A, %swap3A_23], %broadcast_in_dim3A_22 {strides = array<i32>} : memref<320x128xf32, #tpu.memory_space<vmem>>, vector<16xf32>,
      %broadcast_in_dim3A_25 = arith.constant -3.000000e+38 : f32
      %broadcast_in_dim3A_26 = vector.broadcast %broadcast_in_dim3A_25 : f32 to vector<16xf32>
      %swap3A_27 = arith.index_cast %add3A_21 : i32 to index
      %swap3A_28 = arith.constant 16 : index
      %swap3A_29 = tpu.vector_load %arg6[%swap3A_27, %swap3A_28] {strides = array<i32>} : memref<320x128xf32, #tpu.memory_space<vmem>>, vector<16xf32>,
      tpu.vector_store %arg6[%swap3A_27, %swap3A_28], %broadcast_in_dim3A_26 {strides = array<i32>} : memref<320x128xf32, #tpu.memory_space<vmem>>, vector<16xf32>,
      %broadcast_in_dim3A_30 = arith.constant -3.000000e+38 : f32
      %broadcast_in_dim3A_31 = vector.broadcast %broadcast_in_dim3A_30 : f32 to vector<16xf32>
      %swap3A_32 = arith.index_cast %add3A_21 : i32 to index
      %swap3A_33 = arith.constant 32 : index
      %swap3A_34 = tpu.vector_load %arg6[%swap3A_32, %swap3A_33] {strides = array<i32>} : memref<320x128xf32, #tpu.memory_space<vmem>>, vector<16xf32>,
      tpu.vector_store %arg6[%swap3A_32, %swap3A_33], %broadcast_in_dim3A_31 {strides = array<i32>} : memref<320x128xf32, #tpu.memory_space<vmem>>, vector<16xf32>,
      %broadcast_in_dim3A_35 = arith.constant -3.000000e+38 : f32
      %broadcast_in_dim3A_36 = vector.broadcast %broadcast_in_dim3A_35 : f32 to vector<16xf32>
      %swap3A_37 = arith.index_cast %add3A_21 : i32 to index
      %swap3A_38 = arith.constant 48 : index
      %swap3A_39 = tpu.vector_load %arg6[%swap3A_37, %swap3A_38] {strides = array<i32>} : memref<320x128xf32, #tpu.memory_space<vmem>>, vector<16xf32>,
      tpu.vector_store %arg6[%swap3A_37, %swap3A_38], %broadcast_in_dim3A_36 {strides = array<i32>} : memref<320x128xf32, #tpu.memory_space<vmem>>, vector<16xf32>,
      %broadcast_in_dim3A_40 = arith.constant -3.000000e+38 : f32
      %broadcast_in_dim3A_41 = vector.broadcast %broadcast_in_dim3A_40 : f32 to vector<16xf32>
      %swap3A_42 = arith.index_cast %add3A_21 : i32 to index
      %swap3A_43 = arith.constant 64 : index
      %swap3A_44 = tpu.vector_load %arg6[%swap3A_42, %swap3A_43] {strides = array<i32>} : memref<320x128xf32, #tpu.memory_space<vmem>>, vector<16xf32>,
      tpu.vector_store %arg6[%swap3A_42, %swap3A_43], %broadcast_in_dim3A_41 {strides = array<i32>} : memref<320x128xf32, #tpu.memory_space<vmem>>, vector<16xf32>,
      %broadcast_in_dim3A_45 = arith.constant -3.000000e+38 : f32
      %broadcast_in_dim3A_46 = vector.broadcast %broadcast_in_dim3A_45 : f32 to vector<16xf32>
      %swap3A_47 = arith.index_cast %add3A_21 : i32 to index
      %swap3A_48 = arith.constant 80 : index
      %swap3A_49 = tpu.vector_load %arg6[%swap3A_47, %swap3A_48] {strides = array<i32>} : memref<320x128xf32, #tpu.memory_space<vmem>>, vector<16xf32>,
      tpu.vector_store %arg6[%swap3A_47, %swap3A_48], %broadcast_in_dim3A_46 {strides = array<i32>} : memref<320x128xf32, #tpu.memory_space<vmem>>, vector<16xf32>,
      %broadcast_in_dim3A_50 = arith.constant -3.000000e+38 : f32
      %broadcast_in_dim3A_51 = vector.broadcast %broadcast_in_dim3A_50 : f32 to vector<16xf32>
      %swap3A_52 = arith.index_cast %add3A_21 : i32 to index
      %swap3A_53 = arith.constant 96 : index
      %swap3A_54 = tpu.vector_load %arg6[%swap3A_52, %swap3A_53] {strides = array<i32>} : memref<320x128xf32, #tpu.memory_space<vmem>>, vector<16xf32>,
      tpu.vector_store %arg6[%swap3A_52, %swap3A_53], %broadcast_in_dim3A_51 {strides = array<i32>} : memref<320x128xf32, #tpu.memory_space<vmem>>, vector<16xf32>,
      %broadcast_in_dim3A_55 = arith.constant -3.000000e+38 : f32
      %broadcast_in_dim3A_56 = vector.broadcast %broadcast_in_dim3A_55 : f32 to vector<16xf32>
      %swap3A_57 = arith.index_cast %add3A_21 : i32 to index
      %swap3A_58 = arith.constant 112 : index
      %swap3A_59 = tpu.vector_load %arg6[%swap3A_57, %swap3A_58] {strides = array<i32>} : memref<320x128xf32, #tpu.memory_space<vmem>>, vector<16xf32>,
      tpu.vector_store %arg6[%swap3A_57, %swap3A_58], %broadcast_in_dim3A_56 {strides = array<i32>} : memref<320x128xf32, #tpu.memory_space<vmem>>, vector<16xf32>,
    }
    %scan3A_6 = arith.constant 320 : i32
    %scan3A_7 = arith.constant 0 : i32
    %scan3A_8 = arith.constant 402 : i32
    %scan3A_9 = arith.addi %scan3A_7, %scan3A_8 : i32
    %scan3A_10 = arith.constant 1 : i32
    scf.for %scan3A_17 = %scan3A_7 to %scan3A_9 step %scan3A_10  : i32 {
      %mul3A_18 = arith.constant 16 : i32
      %mul3A_19 = arith.muli %scan3A_17, %mul3A_18 : i32
      %add3A_20 = arith.constant 0 : i32
      %add3A_21 = arith.addi %add3A_20, %mul3A_19 : i32
      %broadcast_in_dim3A = arith.constant 0 : i32
      %broadcast_in_dim3A_22 = vector.broadcast %broadcast_in_dim3A : i32 to vector<16xi32>
      %swap3A = arith.index_cast %add3A_21 : i32 to index
      %swap3A_23 = tpu.vector_load %arg9[%swap3A] {strides = array<i32>} : memref<6432xi32, #tpu.memory_space<vmem>>, vector<16xi32>,
      tpu.vector_store %arg9[%swap3A], %broadcast_in_dim3A_22 {strides = array<i32>} : memref<6432xi32, #tpu.memory_space<vmem>>, vector<16xi32>,
      %iota3A = tpu.iota {dimensions = array<i32: 0>} : vector<16xi32>
      %add3A_24 = vector.broadcast %add3A_21 : i32 to vector<16xi32>
      %add3A_25 = arith.addi %add3A_24, %iota3A : vector<16xi32>
      %and3A = arith.constant 8191 : i32
      %and3A_26 = vector.broadcast %and3A : i32 to vector<16xi32>
      %and3A_27 = arith.andi %add3A_25, %and3A_26 : vector<16xi32>
      %swap3A_28 = arith.index_cast %add3A_21 : i32 to index
      %swap3A_29 = tpu.vector_load %arg10[%swap3A_28] {strides = array<i32>} : memref<6432xi32, #tpu.memory_space<vmem>>, vector<16xi32>,
      tpu.vector_store %arg10[%swap3A_28], %and3A_27 {strides = array<i32>} : memref<6432xi32, #tpu.memory_space<vmem>>, vector<16xi32>,
    }
    %scan3A_11 = arith.constant 402 : i32
    %scan3A_12 = arith.constant 0 : i32
    %scan3A_13 = arith.constant 50 : i32
    %scan3A_14 = arith.addi %scan3A_12, %scan3A_13 : i32
    %scan3A_15 = arith.constant 1 : i32
    scf.for %scan3A_17 = %scan3A_12 to %scan3A_14 step %scan3A_15  : i32 {
      %mul3A_18 = arith.constant 6400 : i32
      %mul3A_19 = arith.muli %scan3A_17, %mul3A_18 : i32
      %add3A_20 = arith.constant 0 : i32
      %add3A_21 = arith.addi %add3A_20, %mul3A_19 : i32
      "tpu.region"() ({
        %run_scoped3A = tpu.sem_alloc : memref<!tpu.dma_semaphore, #tpu.memory_space<semaphore_mem>>
        %dma_start3A = tpu.memref_slice %arg3[%add3A_21] : memref<320000xi32, #tpu.memory_space<hbm>> -> memref<6400xi32, #tpu.memory_space<hbm>>
        %dma_start3A_43 = tpu.memref_slice %arg3[%add3A_21] : memref<320000xi32, #tpu.memory_space<hbm>> -> memref<6400xi32, #tpu.memory_space<hbm>>
        tpu.enqueue_dma source(%dma_start3A_43 : memref<6400xi32, #tpu.memory_space<hbm>>) target(%arg7 : memref<6400xi32, #tpu.memory_space<vmem>>) target_semaphore(%run_scoped3A : memref<!tpu.dma_semaphore, #tpu.memory_space<semaphore_mem>>)
        %dma_wait3A = tpu.memref_slice %arg3[%add3A_21] : memref<320000xi32, #tpu.memory_space<hbm>> -> memref<6400xi32, #tpu.memory_space<hbm>>
        %dma_wait3A_44 = tpu.memref_slice %arg3[%add3A_21] : memref<320000xi32, #tpu.memory_space<hbm>> -> memref<6400xi32, #tpu.memory_space<hbm>>
        tpu.wait_dma2 semaphore(%run_scoped3A : memref<!tpu.dma_semaphore, #tpu.memory_space<semaphore_mem>>) src(%dma_wait3A_44 : memref<6400xi32, #tpu.memory_space<hbm>>) dst(%arg7 : memref<6400xi32, #tpu.memory_space<vmem>>)
        tpu.yield
      }) : () -> ()
      "tpu.region"() ({
        %run_scoped3A = tpu.sem_alloc : memref<!tpu.dma_semaphore, #tpu.memory_space<semaphore_mem>>
        %dma_start3A = tpu.memref_slice %arg4[%add3A_21] : memref<320000xi32, #tpu.memory_space<hbm>> -> memref<6400xi32, #tpu.memory_space<hbm>>
        %dma_start3A_43 = tpu.memref_slice %arg4[%add3A_21] : memref<320000xi32, #tpu.memory_space<hbm>> -> memref<6400xi32, #tpu.memory_space<hbm>>
        tpu.enqueue_dma source(%dma_start3A_43 : memref<6400xi32, #tpu.memory_space<hbm>>) target(%arg8 : memref<6400xi32, #tpu.memory_space<vmem>>) target_semaphore(%run_scoped3A : memref<!tpu.dma_semaphore, #tpu.memory_space<semaphore_mem>>)
        %dma_wait3A = tpu.memref_slice %arg4[%add3A_21] : memref<320000xi32, #tpu.memory_space<hbm>> -> memref<6400xi32, #tpu.memory_space<hbm>>
        %dma_wait3A_44 = tpu.memref_slice %arg4[%add3A_21] : memref<320000xi32, #tpu.memory_space<hbm>> -> memref<6400xi32, #tpu.memory_space<hbm>>
        tpu.wait_dma2 semaphore(%run_scoped3A : memref<!tpu.dma_semaphore, #tpu.memory_space<semaphore_mem>>) src(%dma_wait3A_44 : memref<6400xi32, #tpu.memory_space<hbm>>) dst(%arg8 : memref<6400xi32, #tpu.memory_space<vmem>>)
        tpu.yield
      }) : () -> ()
      %scan3A_22 = arith.constant 0 : i32
      %scan3A_23 = arith.constant 0 : i32
      %scan3A_24 = arith.constant 400 : i32
      %scan3A_25 = arith.addi %scan3A_23, %scan3A_24 : i32
      %scan3A_26 = arith.constant 1 : i32
      %scan3A_27 = scf.for %scan3A_43 = %scan3A_23 to %scan3A_25 step %scan3A_26 iter_args(%scan3A_44 = %scan3A_22) -> (i32)  : i32 {
        %mul3A_45 = arith.constant 16 : i32
        %mul3A_46 = arith.muli %scan3A_43, %mul3A_45 : i32
        %get3A = arith.index_cast %mul3A_46 : i32 to index
        %get3A_47 = tpu.vector_load %arg7[%get3A] {strides = array<i32>} : memref<6400xi32, #tpu.memory_space<vmem>>, vector<16xi32>,
        %mul3A_48 = arith.constant 16 : i32
        %mul3A_49 = arith.muli %scan3A_43, %mul3A_48 : i32
        %get3A_50 = arith.index_cast %mul3A_49 : i32 to index
        %get3A_51 = tpu.vector_load %arg8[%get3A_50] {strides = array<i32>} : memref<6400xi32, #tpu.memory_space<vmem>>, vector<16xi32>,
        %ge3A = vector.broadcast %mul3A_2 : i32 to vector<16xi32>
        %ge3A_52 = arith.cmpi sge, %get3A_47, %ge3A : vector<16xi32>
        %add3A_53 = arith.constant 320 : i32
        %add3A_54 = arith.addi %mul3A_2, %add3A_53 : i32
        %lt3A = vector.broadcast %add3A_54 : i32 to vector<16xi32>
        %lt3A_55 = arith.cmpi slt, %get3A_47, %lt3A : vector<16xi32>
        %and3A = arith.andi %ge3A_52, %lt3A_55 : vector<16xi1>
        %jit3A = arith.constant 1 : i32
        %jit3A_56 = arith.constant 0 : i32
        %broadcast_in_dim3A = vector.broadcast %jit3A : i32 to vector<16xi32>
        %broadcast_in_dim3A_57 = vector.broadcast %jit3A_56 : i32 to vector<16xi32>
        %select_n3A = arith.select %and3A, %broadcast_in_dim3A, %broadcast_in_dim3A_57 : vector<16xi1>, vector<16xi32>
        %sub3A = arith.constant 1 : i32
        %sub3A_58 = arith.subi %scan3A_44, %sub3A : i32
        %broadcast_in_dim3A_59 = arith.constant true
        %broadcast_in_dim3A_60 = vector.broadcast %broadcast_in_dim3A_59 : i1 to vector<16xi1>
        %masked_cumsum3A = tpu.scan <sum>, %select_n3A masked %broadcast_in_dim3A_60 : vector<16xi32>, vector<16xi1> -> vector<16xi32>
        %add3A_61 = vector.broadcast %sub3A_58 : i32 to vector<16xi32>
        %add3A_62 = arith.addi %add3A_61, %masked_cumsum3A : vector<16xi32>
        tpu.vector_store_idx %arg9[%add3A_62], %get3A_47 masked %and3A : memref<6432xi32, #tpu.memory_space<vmem>>[vector<16xi32>], vector<16xi32>, vector<16xi1>
        tpu.vector_store_idx %arg10[%add3A_62], %get3A_51 masked %and3A : memref<6432xi32, #tpu.memory_space<vmem>>[vector<16xi32>], vector<16xi32>, vector<16xi1>
        %reduce_sum3A = arith.constant true
        %reduce_sum3A_63 = vector.broadcast %reduce_sum3A : i1 to vector<16xi1>
        %reduce_sum3A_64 = tpu.scan <sum>, %select_n3A masked %reduce_sum3A_63 : vector<16xi32>, vector<16xi1> -> vector<16xi32>
        %reduce_sum3A_65 = vector.extract %reduce_sum3A_64[15] : i32 from vector<16xi32>
        %add3A_66 = arith.addi %scan3A_44, %reduce_sum3A_65 : i32
        scf.yield %add3A_66 : i32
      }
      %scan3A_28 = arith.constant 400 : i32
      %add3A_29 = arith.constant 255 : i32
      %add3A_30 = arith.addi %scan3A_27, %add3A_29 : i32
      %div3A = arith.constant 256 : i32
      %div3A_31 = arith.divsi %add3A_30, %div3A : i32
      %while3A = arith.constant 0 : i32
      %while3A_32 = arith.constant 0 : i32
      %while3A_33 = arith.subi %div3A_31, %while3A : i32
      %while3A_34 = arith.addi %while3A, %while3A_33 : i32
      %while3A_35 = arith.constant 1 : i32
      %while3A_36 = arith.divsi %while3A_33, %while3A_35 : i32
      %while3A_37 = arith.muli %while3A_36, %while3A_35 : i32
      %while3A_38 = arith.addi %while3A, %while3A_37 : i32
      %while3A_39 = arith.constant 1 : i32
      %while3A_40 = scf.for %while3A_43 = %while3A to %while3A_38 step %while3A_39 iter_args(%while3A_44 = %while3A_32) -> (i32)  : i32 {
        %mul3A_45 = arith.constant 256 : i32
        %mul3A_46 = arith.muli %while3A_43, %mul3A_45 : i32
        %dma_start3A = tpu.memref_slice %arg10[%mul3A_46] : memref<6432xi32, #tpu.memory_space<vmem>> -> memref<256xi32, #tpu.memory_space<vmem>>
        %dma_start3A_47 = arith.constant 0 : i32
        %dma_start3A_48 = arith.constant 0 : i32
        %dma_start3A_49 = tpu.memref_slice %arg2[%dma_start3A_47, %dma_start3A_48] : memref<10000x128xf32, #tpu.memory_space<hbm>> -> memref<10000x128xf32, #tpu.memory_space<hbm>>
        tpu.enqueue_indirect_dma source(%dma_start3A_49 : memref<10000x128xf32, #tpu.memory_space<hbm>>) target(%arg12 : memref<256x128xf32, #tpu.memory_space<vmem>>) offsets(%dma_start3A : memref<256xi32, #tpu.memory_space<vmem>>) semaphore(%arg14 : memref<!tpu.dma_semaphore, #tpu.memory_space<semaphore_mem>>)
        %dma_wait3A = tpu.memref_slice %arg10[%mul3A_46] : memref<6432xi32, #tpu.memory_space<vmem>> -> memref<256xi32, #tpu.memory_space<vmem>>
        %dma_wait3A_50 = arith.constant 0 : i32
        %dma_wait3A_51 = arith.constant 0 : i32
        %dma_wait3A_52 = tpu.memref_slice %arg2[%dma_wait3A_50, %dma_wait3A_51] : memref<10000x128xf32, #tpu.memory_space<hbm>> -> memref<10000x128xf32, #tpu.memory_space<hbm>>
        tpu.wait_indirect_dma semaphore(%arg14 : memref<!tpu.dma_semaphore, #tpu.memory_space<semaphore_mem>>) src(%dma_wait3A_52 : memref<10000x128xf32, #tpu.memory_space<hbm>>) dst(%arg12 : memref<256x128xf32, #tpu.memory_space<vmem>>)
        %sub3A = arith.subi %scan3A_27, %mul3A_46 : i32
        %min3A = arith.constant 256 : i32
        %min3A_53 = arith.minsi %sub3A, %min3A : i32
        %while3A_54 = arith.constant 0 : i32
        %while3A_55 = arith.constant 0 : i32
        %while3A_56 = arith.subi %min3A_53, %while3A_54 : i32
        %while3A_57 = arith.addi %while3A_54, %while3A_56 : i32
        %while3A_58 = arith.constant 1 : i32
        %while3A_59 = arith.divsi %while3A_56, %while3A_58 : i32
        %while3A_60 = arith.muli %while3A_59, %while3A_58 : i32
        %while3A_61 = arith.addi %while3A_54, %while3A_60 : i32
        %while3A_62 = arith.constant 1 : i32
        %while3A_63 = scf.for %while3A_67 = %while3A_54 to %while3A_61 step %while3A_62 iter_args(%while3A_68 = %while3A_55) -> (i32)  : i32 {
          %add3A_69 = arith.addi %mul3A_46, %while3A_67 : i32
          %get3A = arith.index_cast %add3A_69 : i32 to index
          %get3A_70 = tpu.vector_load %arg9[%get3A] {strides = array<i32>} : memref<6432xi32, #tpu.memory_space<vmem>>, vector<16xi32>,
          %slice3A = vector.extract_strided_slice %get3A_70 {offsets = [0], sizes = [1], strides = [1]} : vector<16xi32> to vector<1xi32>
          %squeeze3A = vector.extract %slice3A[0] : i32 from vector<1xi32>
          %sub3A_71 = arith.subi %squeeze3A, %mul3A_2 : i32
          %get3A_72 = arith.index_cast %sub3A_71 : i32 to index
          %get3A_73 = arith.constant 0 : index
          %get3A_74 = tpu.vector_load %arg6[%get3A_72, %get3A_73] {strides = array<i32>} : memref<320x128xf32, #tpu.memory_space<vmem>>, vector<16xf32>,
          %get3A_75 = arith.index_cast %while3A_67 : i32 to index
          %get3A_76 = arith.constant 0 : index
          %get3A_77 = tpu.vector_load %arg12[%get3A_75, %get3A_76] {strides = array<i32>} : memref<256x128xf32, #tpu.memory_space<vmem>>, vector<16xf32>,
          %max3A = arith.maximumf %get3A_74, %get3A_77 : vector<16xf32>
          %swap3A = arith.index_cast %sub3A_71 : i32 to index
          %swap3A_78 = arith.constant 0 : index
          %swap3A_79 = tpu.vector_load %arg6[%swap3A, %swap3A_78] {strides = array<i32>} : memref<320x128xf32, #tpu.memory_space<vmem>>, vector<16xf32>,
          tpu.vector_store %arg6[%swap3A, %swap3A_78], %max3A {strides = array<i32>} : memref<320x128xf32, #tpu.memory_space<vmem>>, vector<16xf32>,
          %get3A_80 = arith.index_cast %sub3A_71 : i32 to index
          %get3A_81 = arith.constant 16 : index
          %get3A_82 = tpu.vector_load %arg6[%get3A_80, %get3A_81] {strides = array<i32>} : memref<320x128xf32, #tpu.memory_space<vmem>>, vector<16xf32>,
          %get3A_83 = arith.index_cast %while3A_67 : i32 to index
          %get3A_84 = arith.constant 16 : index
          %get3A_85 = tpu.vector_load %arg12[%get3A_83, %get3A_84] {strides = array<i32>} : memref<256x128xf32, #tpu.memory_space<vmem>>, vector<16xf32>,
          %max3A_86 = arith.maximumf %get3A_82, %get3A_85 : vector<16xf32>
          %swap3A_87 = arith.index_cast %sub3A_71 : i32 to index
          %swap3A_88 = arith.constant 16 : index
          %swap3A_89 = tpu.vector_load %arg6[%swap3A_87, %swap3A_88] {strides = array<i32>} : memref<320x128xf32, #tpu.memory_space<vmem>>, vector<16xf32>,
          tpu.vector_store %arg6[%swap3A_87, %swap3A_88], %max3A_86 {strides = array<i32>} : memref<320x128xf32, #tpu.memory_space<vmem>>, vector<16xf32>,
          %get3A_90 = arith.index_cast %sub3A_71 : i32 to index
          %get3A_91 = arith.constant 32 : index
          %get3A_92 = tpu.vector_load %arg6[%get3A_90, %get3A_91] {strides = array<i32>} : memref<320x128xf32, #tpu.memory_space<vmem>>, vector<16xf32>,
          %get3A_93 = arith.index_cast %while3A_67 : i32 to index
          %get3A_94 = arith.constant 32 : index
          %get3A_95 = tpu.vector_load %arg12[%get3A_93, %get3A_94] {strides = array<i32>} : memref<256x128xf32, #tpu.memory_space<vmem>>, vector<16xf32>,
          %max3A_96 = arith.maximumf %get3A_92, %get3A_95 : vector<16xf32>
          %swap3A_97 = arith.index_cast %sub3A_71 : i32 to index
          %swap3A_98 = arith.constant 32 : index
          %swap3A_99 = tpu.vector_load %arg6[%swap3A_97, %swap3A_98] {strides = array<i32>} : memref<320x128xf32, #tpu.memory_space<vmem>>, vector<16xf32>,
          tpu.vector_store %arg6[%swap3A_97, %swap3A_98], %max3A_96 {strides = array<i32>} : memref<320x128xf32, #tpu.memory_space<vmem>>, vector<16xf32>,
          %get3A_100 = arith.index_cast %sub3A_71 : i32 to index
          %get3A_101 = arith.constant 48 : index
          %get3A_102 = tpu.vector_load %arg6[%get3A_100, %get3A_101] {strides = array<i32>} : memref<320x128xf32, #tpu.memory_space<vmem>>, vector<16xf32>,
          %get3A_103 = arith.index_cast %while3A_67 : i32 to index
          %get3A_104 = arith.constant 48 : index
          %get3A_105 = tpu.vector_load %arg12[%get3A_103, %get3A_104] {strides = array<i32>} : memref<256x128xf32, #tpu.memory_space<vmem>>, vector<16xf32>,
          %max3A_106 = arith.maximumf %get3A_102, %get3A_105 : vector<16xf32>
          %swap3A_107 = arith.index_cast %sub3A_71 : i32 to index
          %swap3A_108 = arith.constant 48 : index
          %swap3A_109 = tpu.vector_load %arg6[%swap3A_107, %swap3A_108] {strides = array<i32>} : memref<320x128xf32, #tpu.memory_space<vmem>>, vector<16xf32>,
          tpu.vector_store %arg6[%swap3A_107, %swap3A_108], %max3A_106 {strides = array<i32>} : memref<320x128xf32, #tpu.memory_space<vmem>>, vector<16xf32>,
          %get3A_110 = arith.index_cast %sub3A_71 : i32 to index
          %get3A_111 = arith.constant 64 : index
          %get3A_112 = tpu.vector_load %arg6[%get3A_110, %get3A_111] {strides = array<i32>} : memref<320x128xf32, #tpu.memory_space<vmem>>, vector<16xf32>,
          %get3A_113 = arith.index_cast %while3A_67 : i32 to index
          %get3A_114 = arith.constant 64 : index
          %get3A_115 = tpu.vector_load %arg12[%get3A_113, %get3A_114] {strides = array<i32>} : memref<256x128xf32, #tpu.memory_space<vmem>>, vector<16xf32>,
          %max3A_116 = arith.maximumf %get3A_112, %get3A_115 : vector<16xf32>
          %swap3A_117 = arith.index_cast %sub3A_71 : i32 to index
          %swap3A_118 = arith.constant 64 : index
          %swap3A_119 = tpu.vector_load %arg6[%swap3A_117, %swap3A_118] {strides = array<i32>} : memref<320x128xf32, #tpu.memory_space<vmem>>, vector<16xf32>,
          tpu.vector_store %arg6[%swap3A_117, %swap3A_118], %max3A_116 {strides = array<i32>} : memref<320x128xf32, #tpu.memory_space<vmem>>, vector<16xf32>,
          %get3A_120 = arith.index_cast %sub3A_71 : i32 to index
          %get3A_121 = arith.constant 80 : index
          %get3A_122 = tpu.vector_load %arg6[%get3A_120, %get3A_121] {strides = array<i32>} : memref<320x128xf32, #tpu.memory_space<vmem>>, vector<16xf32>,
          %get3A_123 = arith.index_cast %while3A_67 : i32 to index
          %get3A_124 = arith.constant 80 : index
          %get3A_125 = tpu.vector_load %arg12[%get3A_123, %get3A_124] {strides = array<i32>} : memref<256x128xf32, #tpu.memory_space<vmem>>, vector<16xf32>,
          %max3A_126 = arith.maximumf %get3A_122, %get3A_125 : vector<16xf32>
          %swap3A_127 = arith.index_cast %sub3A_71 : i32 to index
          %swap3A_128 = arith.constant 80 : index
          %swap3A_129 = tpu.vector_load %arg6[%swap3A_127, %swap3A_128] {strides = array<i32>} : memref<320x128xf32, #tpu.memory_space<vmem>>, vector<16xf32>,
          tpu.vector_store %arg6[%swap3A_127, %swap3A_128], %max3A_126 {strides = array<i32>} : memref<320x128xf32, #tpu.memory_space<vmem>>, vector<16xf32>,
          %get3A_130 = arith.index_cast %sub3A_71 : i32 to index
          %get3A_131 = arith.constant 96 : index
          %get3A_132 = tpu.vector_load %arg6[%get3A_130, %get3A_131] {strides = array<i32>} : memref<320x128xf32, #tpu.memory_space<vmem>>, vector<16xf32>,
          %get3A_133 = arith.index_cast %while3A_67 : i32 to index
          %get3A_134 = arith.constant 96 : index
          %get3A_135 = tpu.vector_load %arg12[%get3A_133, %get3A_134] {strides = array<i32>} : memref<256x128xf32, #tpu.memory_space<vmem>>, vector<16xf32>,
          %max3A_136 = arith.maximumf %get3A_132, %get3A_135 : vector<16xf32>
          %swap3A_137 = arith.index_cast %sub3A_71 : i32 to index
          %swap3A_138 = arith.constant 96 : index
          %swap3A_139 = tpu.vector_load %arg6[%swap3A_137, %swap3A_138] {strides = array<i32>} : memref<320x128xf32, #tpu.memory_space<vmem>>, vector<16xf32>,
          tpu.vector_store %arg6[%swap3A_137, %swap3A_138], %max3A_136 {strides = array<i32>} : memref<320x128xf32, #tpu.memory_space<vmem>>, vector<16xf32>,
          %get3A_140 = arith.index_cast %sub3A_71 : i32 to index
          %get3A_141 = arith.constant 112 : index
          %get3A_142 = tpu.vector_load %arg6[%get3A_140, %get3A_141] {strides = array<i32>} : memref<320x128xf32, #tpu.memory_space<vmem>>, vector<16xf32>,
          %get3A_143 = arith.index_cast %while3A_67 : i32 to index
          %get3A_144 = arith.constant 112 : index
          %get3A_145 = tpu.vector_load %arg12[%get3A_143, %get3A_144] {strides = array<i32>} : memref<256x128xf32, #tpu.memory_space<vmem>>, vector<16xf32>,
          %max3A_146 = arith.maximumf %get3A_142, %get3A_145 : vector<16xf32>
          %swap3A_147 = arith.index_cast %sub3A_71 : i32 to index
          %swap3A_148 = arith.constant 112 : index
          %swap3A_149 = tpu.vector_load %arg6[%swap3A_147, %swap3A_148] {strides = array<i32>} : memref<320x128xf32, #tpu.memory_space<vmem>>, vector<16xf32>,
          tpu.vector_store %arg6[%swap3A_147, %swap3A_148], %max3A_146 {strides = array<i32>} : memref<320x128xf32, #tpu.memory_space<vmem>>, vector<16xf32>,
          %while3A_150 = arith.constant 0 : i32
          scf.yield %while3A_150 : i32
        }
        %while3A_64 = arith.constant 1 : i32
        %while3A_65 = scf.for %while3A_67 = %while3A_61 to %while3A_57 step %while3A_64 iter_args(%while3A_68 = %while3A_63) -> (i32)  : i32 {
          %add3A_69 = arith.addi %mul3A_46, %while3A_67 : i32
          %get3A = arith.index_cast %add3A_69 : i32 to index
          %get3A_70 = tpu.vector_load %arg9[%get3A] {strides = array<i32>} : memref<6432xi32, #tpu.memory_space<vmem>>, vector<16xi32>,
          %slice3A = vector.extract_strided_slice %get3A_70 {offsets = [0], sizes = [1], strides = [1]} : vector<16xi32> to vector<1xi32>
          %squeeze3A = vector.extract %slice3A[0] : i32 from vector<1xi32>
          %sub3A_71 = arith.subi %squeeze3A, %mul3A_2 : i32
          %get3A_72 = arith.index_cast %sub3A_71 : i32 to index
          %get3A_73 = arith.constant 0 : index
          %get3A_74 = tpu.vector_load %arg6[%get3A_72, %get3A_73] {strides = array<i32>} : memref<320x128xf32, #tpu.memory_space<vmem>>, vector<16xf32>,
          %get3A_75 = arith.index_cast %while3A_67 : i32 to index
          %get3A_76 = arith.constant 0 : index
          %get3A_77 = tpu.vector_load %arg12[%get3A_75, %get3A_76] {strides = array<i32>} : memref<256x128xf32, #tpu.memory_space<vmem>>, vector<16xf32>,
          %max3A = arith.maximumf %get3A_74, %get3A_77 : vector<16xf32>
          %swap3A = arith.index_cast %sub3A_71 : i32 to index
          %swap3A_78 = arith.constant 0 : index
          %swap3A_79 = tpu.vector_load %arg6[%swap3A, %swap3A_78] {strides = array<i32>} : memref<320x128xf32, #tpu.memory_space<vmem>>, vector<16xf32>,
          tpu.vector_store %arg6[%swap3A, %swap3A_78], %max3A {strides = array<i32>} : memref<320x128xf32, #tpu.memory_space<vmem>>, vector<16xf32>,
          %get3A_80 = arith.index_cast %sub3A_71 : i32 to index
          %get3A_81 = arith.constant 16 : index
          %get3A_82 = tpu.vector_load %arg6[%get3A_80, %get3A_81] {strides = array<i32>} : memref<320x128xf32, #tpu.memory_space<vmem>>, vector<16xf32>,
          %get3A_83 = arith.index_cast %while3A_67 : i32 to index
          %get3A_84 = arith.constant 16 : index
          %get3A_85 = tpu.vector_load %arg12[%get3A_83, %get3A_84] {strides = array<i32>} : memref<256x128xf32, #tpu.memory_space<vmem>>, vector<16xf32>,
          %max3A_86 = arith.maximumf %get3A_82, %get3A_85 : vector<16xf32>
          %swap3A_87 = arith.index_cast %sub3A_71 : i32 to index
          %swap3A_88 = arith.constant 16 : index
          %swap3A_89 = tpu.vector_load %arg6[%swap3A_87, %swap3A_88] {strides = array<i32>} : memref<320x128xf32, #tpu.memory_space<vmem>>, vector<16xf32>,
          tpu.vector_store %arg6[%swap3A_87, %swap3A_88], %max3A_86 {strides = array<i32>} : memref<320x128xf32, #tpu.memory_space<vmem>>, vector<16xf32>,
          %get3A_90 = arith.index_cast %sub3A_71 : i32 to index
          %get3A_91 = arith.constant 32 : index
          %get3A_92 = tpu.vector_load %arg6[%get3A_90, %get3A_91] {strides = array<i32>} : memref<320x128xf32, #tpu.memory_space<vmem>>, vector<16xf32>,
          %get3A_93 = arith.index_cast %while3A_67 : i32 to index
          %get3A_94 = arith.constant 32 : index
          %get3A_95 = tpu.vector_load %arg12[%get3A_93, %get3A_94] {strides = array<i32>} : memref<256x128xf32, #tpu.memory_space<vmem>>, vector<16xf32>,
          %max3A_96 = arith.maximumf %get3A_92, %get3A_95 : vector<16xf32>
          %swap3A_97 = arith.index_cast %sub3A_71 : i32 to index
          %swap3A_98 = arith.constant 32 : index
          %swap3A_99 = tpu.vector_load %arg6[%swap3A_97, %swap3A_98] {strides = array<i32>} : memref<320x128xf32, #tpu.memory_space<vmem>>, vector<16xf32>,
          tpu.vector_store %arg6[%swap3A_97, %swap3A_98], %max3A_96 {strides = array<i32>} : memref<320x128xf32, #tpu.memory_space<vmem>>, vector<16xf32>,
          %get3A_100 = arith.index_cast %sub3A_71 : i32 to index
          %get3A_101 = arith.constant 48 : index
          %get3A_102 = tpu.vector_load %arg6[%get3A_100, %get3A_101] {strides = array<i32>} : memref<320x128xf32, #tpu.memory_space<vmem>>, vector<16xf32>,
          %get3A_103 = arith.index_cast %while3A_67 : i32 to index
          %get3A_104 = arith.constant 48 : index
          %get3A_105 = tpu.vector_load %arg12[%get3A_103, %get3A_104] {strides = array<i32>} : memref<256x128xf32, #tpu.memory_space<vmem>>, vector<16xf32>,
          %max3A_106 = arith.maximumf %get3A_102, %get3A_105 : vector<16xf32>
          %swap3A_107 = arith.index_cast %sub3A_71 : i32 to index
          %swap3A_108 = arith.constant 48 : index
          %swap3A_109 = tpu.vector_load %arg6[%swap3A_107, %swap3A_108] {strides = array<i32>} : memref<320x128xf32, #tpu.memory_space<vmem>>, vector<16xf32>,
          tpu.vector_store %arg6[%swap3A_107, %swap3A_108], %max3A_106 {strides = array<i32>} : memref<320x128xf32, #tpu.memory_space<vmem>>, vector<16xf32>,
          %get3A_110 = arith.index_cast %sub3A_71 : i32 to index
          %get3A_111 = arith.constant 64 : index
          %get3A_112 = tpu.vector_load %arg6[%get3A_110, %get3A_111] {strides = array<i32>} : memref<320x128xf32, #tpu.memory_space<vmem>>, vector<16xf32>,
          %get3A_113 = arith.index_cast %while3A_67 : i32 to index
          %get3A_114 = arith.constant 64 : index
          %get3A_115 = tpu.vector_load %arg12[%get3A_113, %get3A_114] {strides = array<i32>} : memref<256x128xf32, #tpu.memory_space<vmem>>, vector<16xf32>,
          %max3A_116 = arith.maximumf %get3A_112, %get3A_115 : vector<16xf32>
          %swap3A_117 = arith.index_cast %sub3A_71 : i32 to index
          %swap3A_118 = arith.constant 64 : index
          %swap3A_119 = tpu.vector_load %arg6[%swap3A_117, %swap3A_118] {strides = array<i32>} : memref<320x128xf32, #tpu.memory_space<vmem>>, vector<16xf32>,
          tpu.vector_store %arg6[%swap3A_117, %swap3A_118], %max3A_116 {strides = array<i32>} : memref<320x128xf32, #tpu.memory_space<vmem>>, vector<16xf32>,
          %get3A_120 = arith.index_cast %sub3A_71 : i32 to index
          %get3A_121 = arith.constant 80 : index
          %get3A_122 = tpu.vector_load %arg6[%get3A_120, %get3A_121] {strides = array<i32>} : memref<320x128xf32, #tpu.memory_space<vmem>>, vector<16xf32>,
          %get3A_123 = arith.index_cast %while3A_67 : i32 to index
          %get3A_124 = arith.constant 80 : index
          %get3A_125 = tpu.vector_load %arg12[%get3A_123, %get3A_124] {strides = array<i32>} : memref<256x128xf32, #tpu.memory_space<vmem>>, vector<16xf32>,
          %max3A_126 = arith.maximumf %get3A_122, %get3A_125 : vector<16xf32>
          %swap3A_127 = arith.index_cast %sub3A_71 : i32 to index
          %swap3A_128 = arith.constant 80 : index
          %swap3A_129 = tpu.vector_load %arg6[%swap3A_127, %swap3A_128] {strides = array<i32>} : memref<320x128xf32, #tpu.memory_space<vmem>>, vector<16xf32>,
          tpu.vector_store %arg6[%swap3A_127, %swap3A_128], %max3A_126 {strides = array<i32>} : memref<320x128xf32, #tpu.memory_space<vmem>>, vector<16xf32>,
          %get3A_130 = arith.index_cast %sub3A_71 : i32 to index
          %get3A_131 = arith.constant 96 : index
          %get3A_132 = tpu.vector_load %arg6[%get3A_130, %get3A_131] {strides = array<i32>} : memref<320x128xf32, #tpu.memory_space<vmem>>, vector<16xf32>,
          %get3A_133 = arith.index_cast %while3A_67 : i32 to index
          %get3A_134 = arith.constant 96 : index
          %get3A_135 = tpu.vector_load %arg12[%get3A_133, %get3A_134] {strides = array<i32>} : memref<256x128xf32, #tpu.memory_space<vmem>>, vector<16xf32>,
          %max3A_136 = arith.maximumf %get3A_132, %get3A_135 : vector<16xf32>
          %swap3A_137 = arith.index_cast %sub3A_71 : i32 to index
          %swap3A_138 = arith.constant 96 : index
          %swap3A_139 = tpu.vector_load %arg6[%swap3A_137, %swap3A_138] {strides = array<i32>} : memref<320x128xf32, #tpu.memory_space<vmem>>, vector<16xf32>,
          tpu.vector_store %arg6[%swap3A_137, %swap3A_138], %max3A_136 {strides = array<i32>} : memref<320x128xf32, #tpu.memory_space<vmem>>, vector<16xf32>,
          %get3A_140 = arith.index_cast %sub3A_71 : i32 to index
          %get3A_141 = arith.constant 112 : index
          %get3A_142 = tpu.vector_load %arg6[%get3A_140, %get3A_141] {strides = array<i32>} : memref<320x128xf32, #tpu.memory_space<vmem>>, vector<16xf32>,
          %get3A_143 = arith.index_cast %while3A_67 : i32 to index
          %get3A_144 = arith.constant 112 : index
          %get3A_145 = tpu.vector_load %arg12[%get3A_143, %get3A_144] {strides = array<i32>} : memref<256x128xf32, #tpu.memory_space<vmem>>, vector<16xf32>,
          %max3A_146 = arith.maximumf %get3A_142, %get3A_145 : vector<16xf32>
          %swap3A_147 = arith.index_cast %sub3A_71 : i32 to index
          %swap3A_148 = arith.constant 112 : index
          %swap3A_149 = tpu.vector_load %arg6[%swap3A_147, %swap3A_148] {strides = array<i32>} : memref<320x128xf32, #tpu.memory_space<vmem>>, vector<16xf32>,
          tpu.vector_store %arg6[%swap3A_147, %swap3A_148], %max3A_146 {strides = array<i32>} : memref<320x128xf32, #tpu.memory_space<vmem>>, vector<16xf32>,
          %while3A_150 = arith.constant 0 : i32
          scf.yield %while3A_150 : i32
        }
        %while3A_66 = arith.constant 0 : i32
        scf.yield %while3A_66 : i32
      }
      %while3A_41 = arith.constant 1 : i32
      %while3A_42 = scf.for %while3A_43 = %while3A_38 to %while3A_34 step %while3A_41 iter_args(%while3A_44 = %while3A_40) -> (i32)  : i32 {
        %mul3A_45 = arith.constant 256 : i32
        %mul3A_46 = arith.muli %while3A_43, %mul3A_45 : i32
        %dma_start3A = tpu.memref_slice %arg10[%mul3A_46] : memref<6432xi32, #tpu.memory_space<vmem>> -> memref<256xi32, #tpu.memory_space<vmem>>
        %dma_start3A_47 = arith.constant 0 : i32
        %dma_start3A_48 = arith.constant 0 : i32
        %dma_start3A_49 = tpu.memref_slice %arg2[%dma_start3A_47, %dma_start3A_48] : memref<10000x128xf32, #tpu.memory_space<hbm>> -> memref<10000x128xf32, #tpu.memory_space<hbm>>
        tpu.enqueue_indirect_dma source(%dma_start3A_49 : memref<10000x128xf32, #tpu.memory_space<hbm>>) target(%arg12 : memref<256x128xf32, #tpu.memory_space<vmem>>) offsets(%dma_start3A : memref<256xi32, #tpu.memory_space<vmem>>) semaphore(%arg14 : memref<!tpu.dma_semaphore, #tpu.memory_space<semaphore_mem>>)
        %dma_wait3A = tpu.memref_slice %arg10[%mul3A_46] : memref<6432xi32, #tpu.memory_space<vmem>> -> memref<256xi32, #tpu.memory_space<vmem>>
        %dma_wait3A_50 = arith.constant 0 : i32
        %dma_wait3A_51 = arith.constant 0 : i32
        %dma_wait3A_52 = tpu.memref_slice %arg2[%dma_wait3A_50, %dma_wait3A_51] : memref<10000x128xf32, #tpu.memory_space<hbm>> -> memref<10000x128xf32, #tpu.memory_space<hbm>>
        tpu.wait_indirect_dma semaphore(%arg14 : memref<!tpu.dma_semaphore, #tpu.memory_space<semaphore_mem>>) src(%dma_wait3A_52 : memref<10000x128xf32, #tpu.memory_space<hbm>>) dst(%arg12 : memref<256x128xf32, #tpu.memory_space<vmem>>)
        %sub3A = arith.subi %scan3A_27, %mul3A_46 : i32
        %min3A = arith.constant 256 : i32
        %min3A_53 = arith.minsi %sub3A, %min3A : i32
        %while3A_54 = arith.constant 0 : i32
        %while3A_55 = arith.constant 0 : i32
        %while3A_56 = arith.subi %min3A_53, %while3A_54 : i32
        %while3A_57 = arith.addi %while3A_54, %while3A_56 : i32
        %while3A_58 = arith.constant 1 : i32
        %while3A_59 = arith.divsi %while3A_56, %while3A_58 : i32
        %while3A_60 = arith.muli %while3A_59, %while3A_58 : i32
        %while3A_61 = arith.addi %while3A_54, %while3A_60 : i32
        %while3A_62 = arith.constant 1 : i32
        %while3A_63 = scf.for %while3A_67 = %while3A_54 to %while3A_61 step %while3A_62 iter_args(%while3A_68 = %while3A_55) -> (i32)  : i32 {
          %add3A_69 = arith.addi %mul3A_46, %while3A_67 : i32
          %get3A = arith.index_cast %add3A_69 : i32 to index
          %get3A_70 = tpu.vector_load %arg9[%get3A] {strides = array<i32>} : memref<6432xi32, #tpu.memory_space<vmem>>, vector<16xi32>,
          %slice3A = vector.extract_strided_slice %get3A_70 {offsets = [0], sizes = [1], strides = [1]} : vector<16xi32> to vector<1xi32>
          %squeeze3A = vector.extract %slice3A[0] : i32 from vector<1xi32>
          %sub3A_71 = arith.subi %squeeze3A, %mul3A_2 : i32
          %get3A_72 = arith.index_cast %sub3A_71 : i32 to index
          %get3A_73 = arith.constant 0 : index
          %get3A_74 = tpu.vector_load %arg6[%get3A_72, %get3A_73] {strides = array<i32>} : memref<320x128xf32, #tpu.memory_space<vmem>>, vector<16xf32>,
          %get3A_75 = arith.index_cast %while3A_67 : i32 to index
          %get3A_76 = arith.constant 0 : index
          %get3A_77 = tpu.vector_load %arg12[%get3A_75, %get3A_76] {strides = array<i32>} : memref<256x128xf32, #tpu.memory_space<vmem>>, vector<16xf32>,
          %max3A = arith.maximumf %get3A_74, %get3A_77 : vector<16xf32>
          %swap3A = arith.index_cast %sub3A_71 : i32 to index
          %swap3A_78 = arith.constant 0 : index
          %swap3A_79 = tpu.vector_load %arg6[%swap3A, %swap3A_78] {strides = array<i32>} : memref<320x128xf32, #tpu.memory_space<vmem>>, vector<16xf32>,
          tpu.vector_store %arg6[%swap3A, %swap3A_78], %max3A {strides = array<i32>} : memref<320x128xf32, #tpu.memory_space<vmem>>, vector<16xf32>,
          %get3A_80 = arith.index_cast %sub3A_71 : i32 to index
          %get3A_81 = arith.constant 16 : index
          %get3A_82 = tpu.vector_load %arg6[%get3A_80, %get3A_81] {strides = array<i32>} : memref<320x128xf32, #tpu.memory_space<vmem>>, vector<16xf32>,
          %get3A_83 = arith.index_cast %while3A_67 : i32 to index
          %get3A_84 = arith.constant 16 : index
          %get3A_85 = tpu.vector_load %arg12[%get3A_83, %get3A_84] {strides = array<i32>} : memref<256x128xf32, #tpu.memory_space<vmem>>, vector<16xf32>,
          %max3A_86 = arith.maximumf %get3A_82, %get3A_85 : vector<16xf32>
          %swap3A_87 = arith.index_cast %sub3A_71 : i32 to index
          %swap3A_88 = arith.constant 16 : index
          %swap3A_89 = tpu.vector_load %arg6[%swap3A_87, %swap3A_88] {strides = array<i32>} : memref<320x128xf32, #tpu.memory_space<vmem>>, vector<16xf32>,
          tpu.vector_store %arg6[%swap3A_87, %swap3A_88], %max3A_86 {strides = array<i32>} : memref<320x128xf32, #tpu.memory_space<vmem>>, vector<16xf32>,
          %get3A_90 = arith.index_cast %sub3A_71 : i32 to index
          %get3A_91 = arith.constant 32 : index
          %get3A_92 = tpu.vector_load %arg6[%get3A_90, %get3A_91] {strides = array<i32>} : memref<320x128xf32, #tpu.memory_space<vmem>>, vector<16xf32>,
          %get3A_93 = arith.index_cast %while3A_67 : i32 to index
          %get3A_94 = arith.constant 32 : index
          %get3A_95 = tpu.vector_load %arg12[%get3A_93, %get3A_94] {strides = array<i32>} : memref<256x128xf32, #tpu.memory_space<vmem>>, vector<16xf32>,
          %max3A_96 = arith.maximumf %get3A_92, %get3A_95 : vector<16xf32>
          %swap3A_97 = arith.index_cast %sub3A_71 : i32 to index
          %swap3A_98 = arith.constant 32 : index
          %swap3A_99 = tpu.vector_load %arg6[%swap3A_97, %swap3A_98] {strides = array<i32>} : memref<320x128xf32, #tpu.memory_space<vmem>>, vector<16xf32>,
          tpu.vector_store %arg6[%swap3A_97, %swap3A_98], %max3A_96 {strides = array<i32>} : memref<320x128xf32, #tpu.memory_space<vmem>>, vector<16xf32>,
          %get3A_100 = arith.index_cast %sub3A_71 : i32 to index
          %get3A_101 = arith.constant 48 : index
          %get3A_102 = tpu.vector_load %arg6[%get3A_100, %get3A_101] {strides = array<i32>} : memref<320x128xf32, #tpu.memory_space<vmem>>, vector<16xf32>,
          %get3A_103 = arith.index_cast %while3A_67 : i32 to index
          %get3A_104 = arith.constant 48 : index
          %get3A_105 = tpu.vector_load %arg12[%get3A_103, %get3A_104] {strides = array<i32>} : memref<256x128xf32, #tpu.memory_space<vmem>>, vector<16xf32>,
          %max3A_106 = arith.maximumf %get3A_102, %get3A_105 : vector<16xf32>
          %swap3A_107 = arith.index_cast %sub3A_71 : i32 to index
          %swap3A_108 = arith.constant 48 : index
          %swap3A_109 = tpu.vector_load %arg6[%swap3A_107, %swap3A_108] {strides = array<i32>} : memref<320x128xf32, #tpu.memory_space<vmem>>, vector<16xf32>,
          tpu.vector_store %arg6[%swap3A_107, %swap3A_108], %max3A_106 {strides = array<i32>} : memref<320x128xf32, #tpu.memory_space<vmem>>, vector<16xf32>,
          %get3A_110 = arith.index_cast %sub3A_71 : i32 to index
          %get3A_111 = arith.constant 64 : index
          %get3A_112 = tpu.vector_load %arg6[%get3A_110, %get3A_111] {strides = array<i32>} : memref<320x128xf32, #tpu.memory_space<vmem>>, vector<16xf32>,
          %get3A_113 = arith.index_cast %while3A_67 : i32 to index
          %get3A_114 = arith.constant 64 : index
          %get3A_115 = tpu.vector_load %arg12[%get3A_113, %get3A_114] {strides = array<i32>} : memref<256x128xf32, #tpu.memory_space<vmem>>, vector<16xf32>,
          %max3A_116 = arith.maximumf %get3A_112, %get3A_115 : vector<16xf32>
          %swap3A_117 = arith.index_cast %sub3A_71 : i32 to index
          %swap3A_118 = arith.constant 64 : index
          %swap3A_119 = tpu.vector_load %arg6[%swap3A_117, %swap3A_118] {strides = array<i32>} : memref<320x128xf32, #tpu.memory_space<vmem>>, vector<16xf32>,
          tpu.vector_store %arg6[%swap3A_117, %swap3A_118], %max3A_116 {strides = array<i32>} : memref<320x128xf32, #tpu.memory_space<vmem>>, vector<16xf32>,
          %get3A_120 = arith.index_cast %sub3A_71 : i32 to index
          %get3A_121 = arith.constant 80 : index
          %get3A_122 = tpu.vector_load %arg6[%get3A_120, %get3A_121] {strides = array<i32>} : memref<320x128xf32, #tpu.memory_space<vmem>>, vector<16xf32>,
          %get3A_123 = arith.index_cast %while3A_67 : i32 to index
          %get3A_124 = arith.constant 80 : index
          %get3A_125 = tpu.vector_load %arg12[%get3A_123, %get3A_124] {strides = array<i32>} : memref<256x128xf32, #tpu.memory_space<vmem>>, vector<16xf32>,
          %max3A_126 = arith.maximumf %get3A_122, %get3A_125 : vector<16xf32>
          %swap3A_127 = arith.index_cast %sub3A_71 : i32 to index
          %swap3A_128 = arith.constant 80 : index
          %swap3A_129 = tpu.vector_load %arg6[%swap3A_127, %swap3A_128] {strides = array<i32>} : memref<320x128xf32, #tpu.memory_space<vmem>>, vector<16xf32>,
          tpu.vector_store %arg6[%swap3A_127, %swap3A_128], %max3A_126 {strides = array<i32>} : memref<320x128xf32, #tpu.memory_space<vmem>>, vector<16xf32>,
          %get3A_130 = arith.index_cast %sub3A_71 : i32 to index
          %get3A_131 = arith.constant 96 : index
          %get3A_132 = tpu.vector_load %arg6[%get3A_130, %get3A_131] {strides = array<i32>} : memref<320x128xf32, #tpu.memory_space<vmem>>, vector<16xf32>,
          %get3A_133 = arith.index_cast %while3A_67 : i32 to index
          %get3A_134 = arith.constant 96 : index
          %get3A_135 = tpu.vector_load %arg12[%get3A_133, %get3A_134] {strides = array<i32>} : memref<256x128xf32, #tpu.memory_space<vmem>>, vector<16xf32>,
          %max3A_136 = arith.maximumf %get3A_132, %get3A_135 : vector<16xf32>
          %swap3A_137 = arith.index_cast %sub3A_71 : i32 to index
          %swap3A_138 = arith.constant 96 : index
          %swap3A_139 = tpu.vector_load %arg6[%swap3A_137, %swap3A_138] {strides = array<i32>} : memref<320x128xf32, #tpu.memory_space<vmem>>, vector<16xf32>,
          tpu.vector_store %arg6[%swap3A_137, %swap3A_138], %max3A_136 {strides = array<i32>} : memref<320x128xf32, #tpu.memory_space<vmem>>, vector<16xf32>,
          %get3A_140 = arith.index_cast %sub3A_71 : i32 to index
          %get3A_141 = arith.constant 112 : index
          %get3A_142 = tpu.vector_load %arg6[%get3A_140, %get3A_141] {strides = array<i32>} : memref<320x128xf32, #tpu.memory_space<vmem>>, vector<16xf32>,
          %get3A_143 = arith.index_cast %while3A_67 : i32 to index
          %get3A_144 = arith.constant 112 : index
          %get3A_145 = tpu.vector_load %arg12[%get3A_143, %get3A_144] {strides = array<i32>} : memref<256x128xf32, #tpu.memory_space<vmem>>, vector<16xf32>,
          %max3A_146 = arith.maximumf %get3A_142, %get3A_145 : vector<16xf32>
          %swap3A_147 = arith.index_cast %sub3A_71 : i32 to index
          %swap3A_148 = arith.constant 112 : index
          %swap3A_149 = tpu.vector_load %arg6[%swap3A_147, %swap3A_148] {strides = array<i32>} : memref<320x128xf32, #tpu.memory_space<vmem>>, vector<16xf32>,
          tpu.vector_store %arg6[%swap3A_147, %swap3A_148], %max3A_146 {strides = array<i32>} : memref<320x128xf32, #tpu.memory_space<vmem>>, vector<16xf32>,
          %while3A_150 = arith.constant 0 : i32
          scf.yield %while3A_150 : i32
        }
        %while3A_64 = arith.constant 1 : i32
        %while3A_65 = scf.for %while3A_67 = %while3A_61 to %while3A_57 step %while3A_64 iter_args(%while3A_68 = %while3A_63) -> (i32)  : i32 {
          %add3A_69 = arith.addi %mul3A_46, %while3A_67 : i32
          %get3A = arith.index_cast %add3A_69 : i32 to index
          %get3A_70 = tpu.vector_load %arg9[%get3A] {strides = array<i32>} : memref<6432xi32, #tpu.memory_space<vmem>>, vector<16xi32>,
          %slice3A = vector.extract_strided_slice %get3A_70 {offsets = [0], sizes = [1], strides = [1]} : vector<16xi32> to vector<1xi32>
          %squeeze3A = vector.extract %slice3A[0] : i32 from vector<1xi32>
          %sub3A_71 = arith.subi %squeeze3A, %mul3A_2 : i32
          %get3A_72 = arith.index_cast %sub3A_71 : i32 to index
          %get3A_73 = arith.constant 0 : index
          %get3A_74 = tpu.vector_load %arg6[%get3A_72, %get3A_73] {strides = array<i32>} : memref<320x128xf32, #tpu.memory_space<vmem>>, vector<16xf32>,
          %get3A_75 = arith.index_cast %while3A_67 : i32 to index
          %get3A_76 = arith.constant 0 : index
          %get3A_77 = tpu.vector_load %arg12[%get3A_75, %get3A_76] {strides = array<i32>} : memref<256x128xf32, #tpu.memory_space<vmem>>, vector<16xf32>,
          %max3A = arith.maximumf %get3A_74, %get3A_77 : vector<16xf32>
          %swap3A = arith.index_cast %sub3A_71 : i32 to index
          %swap3A_78 = arith.constant 0 : index
          %swap3A_79 = tpu.vector_load %arg6[%swap3A, %swap3A_78] {strides = array<i32>} : memref<320x128xf32, #tpu.memory_space<vmem>>, vector<16xf32>,
          tpu.vector_store %arg6[%swap3A, %swap3A_78], %max3A {strides = array<i32>} : memref<320x128xf32, #tpu.memory_space<vmem>>, vector<16xf32>,
          %get3A_80 = arith.index_cast %sub3A_71 : i32 to index
          %get3A_81 = arith.constant 16 : index
          %get3A_82 = tpu.vector_load %arg6[%get3A_80, %get3A_81] {strides = array<i32>} : memref<320x128xf32, #tpu.memory_space<vmem>>, vector<16xf32>,
          %get3A_83 = arith.index_cast %while3A_67 : i32 to index
          %get3A_84 = arith.constant 16 : index
          %get3A_85 = tpu.vector_load %arg12[%get3A_83, %get3A_84] {strides = array<i32>} : memref<256x128xf32, #tpu.memory_space<vmem>>, vector<16xf32>,
          %max3A_86 = arith.maximumf %get3A_82, %get3A_85 : vector<16xf32>
          %swap3A_87 = arith.index_cast %sub3A_71 : i32 to index
          %swap3A_88 = arith.constant 16 : index
          %swap3A_89 = tpu.vector_load %arg6[%swap3A_87, %swap3A_88] {strides = array<i32>} : memref<320x128xf32, #tpu.memory_space<vmem>>, vector<16xf32>,
          tpu.vector_store %arg6[%swap3A_87, %swap3A_88], %max3A_86 {strides = array<i32>} : memref<320x128xf32, #tpu.memory_space<vmem>>, vector<16xf32>,
          %get3A_90 = arith.index_cast %sub3A_71 : i32 to index
          %get3A_91 = arith.constant 32 : index
          %get3A_92 = tpu.vector_load %arg6[%get3A_90, %get3A_91] {strides = array<i32>} : memref<320x128xf32, #tpu.memory_space<vmem>>, vector<16xf32>,
          %get3A_93 = arith.index_cast %while3A_67 : i32 to index
          %get3A_94 = arith.constant 32 : index
          %get3A_95 = tpu.vector_load %arg12[%get3A_93, %get3A_94] {strides = array<i32>} : memref<256x128xf32, #tpu.memory_space<vmem>>, vector<16xf32>,
          %max3A_96 = arith.maximumf %get3A_92, %get3A_95 : vector<16xf32>
          %swap3A_97 = arith.index_cast %sub3A_71 : i32 to index
          %swap3A_98 = arith.constant 32 : index
          %swap3A_99 = tpu.vector_load %arg6[%swap3A_97, %swap3A_98] {strides = array<i32>} : memref<320x128xf32, #tpu.memory_space<vmem>>, vector<16xf32>,
          tpu.vector_store %arg6[%swap3A_97, %swap3A_98], %max3A_96 {strides = array<i32>} : memref<320x128xf32, #tpu.memory_space<vmem>>, vector<16xf32>,
          %get3A_100 = arith.index_cast %sub3A_71 : i32 to index
          %get3A_101 = arith.constant 48 : index
          %get3A_102 = tpu.vector_load %arg6[%get3A_100, %get3A_101] {strides = array<i32>} : memref<320x128xf32, #tpu.memory_space<vmem>>, vector<16xf32>,
          %get3A_103 = arith.index_cast %while3A_67 : i32 to index
          %get3A_104 = arith.constant 48 : index
          %get3A_105 = tpu.vector_load %arg12[%get3A_103, %get3A_104] {strides = array<i32>} : memref<256x128xf32, #tpu.memory_space<vmem>>, vector<16xf32>,
          %max3A_106 = arith.maximumf %get3A_102, %get3A_105 : vector<16xf32>
          %swap3A_107 = arith.index_cast %sub3A_71 : i32 to index
          %swap3A_108 = arith.constant 48 : index
          %swap3A_109 = tpu.vector_load %arg6[%swap3A_107, %swap3A_108] {strides = array<i32>} : memref<320x128xf32, #tpu.memory_space<vmem>>, vector<16xf32>,
          tpu.vector_store %arg6[%swap3A_107, %swap3A_108], %max3A_106 {strides = array<i32>} : memref<320x128xf32, #tpu.memory_space<vmem>>, vector<16xf32>,
          %get3A_110 = arith.index_cast %sub3A_71 : i32 to index
          %get3A_111 = arith.constant 64 : index
          %get3A_112 = tpu.vector_load %arg6[%get3A_110, %get3A_111] {strides = array<i32>} : memref<320x128xf32, #tpu.memory_space<vmem>>, vector<16xf32>,
          %get3A_113 = arith.index_cast %while3A_67 : i32 to index
          %get3A_114 = arith.constant 64 : index
          %get3A_115 = tpu.vector_load %arg12[%get3A_113, %get3A_114] {strides = array<i32>} : memref<256x128xf32, #tpu.memory_space<vmem>>, vector<16xf32>,
          %max3A_116 = arith.maximumf %get3A_112, %get3A_115 : vector<16xf32>
          %swap3A_117 = arith.index_cast %sub3A_71 : i32 to index
          %swap3A_118 = arith.constant 64 : index
          %swap3A_119 = tpu.vector_load %arg6[%swap3A_117, %swap3A_118] {strides = array<i32>} : memref<320x128xf32, #tpu.memory_space<vmem>>, vector<16xf32>,
          tpu.vector_store %arg6[%swap3A_117, %swap3A_118], %max3A_116 {strides = array<i32>} : memref<320x128xf32, #tpu.memory_space<vmem>>, vector<16xf32>,
          %get3A_120 = arith.index_cast %sub3A_71 : i32 to index
          %get3A_121 = arith.constant 80 : index
          %get3A_122 = tpu.vector_load %arg6[%get3A_120, %get3A_121] {strides = array<i32>} : memref<320x128xf32, #tpu.memory_space<vmem>>, vector<16xf32>,
          %get3A_123 = arith.index_cast %while3A_67 : i32 to index
          %get3A_124 = arith.constant 80 : index
          %get3A_125 = tpu.vector_load %arg12[%get3A_123, %get3A_124] {strides = array<i32>} : memref<256x128xf32, #tpu.memory_space<vmem>>, vector<16xf32>,
          %max3A_126 = arith.maximumf %get3A_122, %get3A_125 : vector<16xf32>
          %swap3A_127 = arith.index_cast %sub3A_71 : i32 to index
          %swap3A_128 = arith.constant 80 : index
          %swap3A_129 = tpu.vector_load %arg6[%swap3A_127, %swap3A_128] {strides = array<i32>} : memref<320x128xf32, #tpu.memory_space<vmem>>, vector<16xf32>,
          tpu.vector_store %arg6[%swap3A_127, %swap3A_128], %max3A_126 {strides = array<i32>} : memref<320x128xf32, #tpu.memory_space<vmem>>, vector<16xf32>,
          %get3A_130 = arith.index_cast %sub3A_71 : i32 to index
          %get3A_131 = arith.constant 96 : index
          %get3A_132 = tpu.vector_load %arg6[%get3A_130, %get3A_131] {strides = array<i32>} : memref<320x128xf32, #tpu.memory_space<vmem>>, vector<16xf32>,
          %get3A_133 = arith.index_cast %while3A_67 : i32 to index
          %get3A_134 = arith.constant 96 : index
          %get3A_135 = tpu.vector_load %arg12[%get3A_133, %get3A_134] {strides = array<i32>} : memref<256x128xf32, #tpu.memory_space<vmem>>, vector<16xf32>,
          %max3A_136 = arith.maximumf %get3A_132, %get3A_135 : vector<16xf32>
          %swap3A_137 = arith.index_cast %sub3A_71 : i32 to index
          %swap3A_138 = arith.constant 96 : index
          %swap3A_139 = tpu.vector_load %arg6[%swap3A_137, %swap3A_138] {strides = array<i32>} : memref<320x128xf32, #tpu.memory_space<vmem>>, vector<16xf32>,
          tpu.vector_store %arg6[%swap3A_137, %swap3A_138], %max3A_136 {strides = array<i32>} : memref<320x128xf32, #tpu.memory_space<vmem>>, vector<16xf32>,
          %get3A_140 = arith.index_cast %sub3A_71 : i32 to index
          %get3A_141 = arith.constant 112 : index
          %get3A_142 = tpu.vector_load %arg6[%get3A_140, %get3A_141] {strides = array<i32>} : memref<320x128xf32, #tpu.memory_space<vmem>>, vector<16xf32>,
          %get3A_143 = arith.index_cast %while3A_67 : i32 to index
          %get3A_144 = arith.constant 112 : index
          %get3A_145 = tpu.vector_load %arg12[%get3A_143, %get3A_144] {strides = array<i32>} : memref<256x128xf32, #tpu.memory_space<vmem>>, vector<16xf32>,
          %max3A_146 = arith.maximumf %get3A_142, %get3A_145 : vector<16xf32>
          %swap3A_147 = arith.index_cast %sub3A_71 : i32 to index
          %swap3A_148 = arith.constant 112 : index
          %swap3A_149 = tpu.vector_load %arg6[%swap3A_147, %swap3A_148] {strides = array<i32>} : memref<320x128xf32, #tpu.memory_space<vmem>>, vector<16xf32>,
          tpu.vector_store %arg6[%swap3A_147, %swap3A_148], %max3A_146 {strides = array<i32>} : memref<320x128xf32, #tpu.memory_space<vmem>>, vector<16xf32>,
          %while3A_150 = arith.constant 0 : i32
          scf.yield %while3A_150 : i32
        }
        %while3A_66 = arith.constant 0 : i32
        scf.yield %while3A_66 : i32
      }
    }
    %scan3A_16 = arith.constant 50 : i32
    "tpu.region"() ({
      %run_scoped3A = tpu.sem_alloc : memref<!tpu.dma_semaphore, #tpu.memory_space<semaphore_mem>>
      %dma_start3A = arith.constant 0 : i32
      %dma_start3A_17 = tpu.memref_slice %arg5[%mul3A_2, %dma_start3A] : memref<10240x128xf32, #tpu.memory_space<hbm>> -> memref<320x128xf32, #tpu.memory_space<hbm>>
      %dma_start3A_18 = arith.constant 0 : i32
      %dma_start3A_19 = tpu.memref_slice %arg5[%mul3A_2, %dma_start3A_18] : memref<10240x128xf32, #tpu.memory_space<hbm>> -> memref<320x128xf32, #tpu.memory_space<hbm>>
      tpu.enqueue_dma source(%arg6 : memref<320x128xf32, #tpu.memory_space<vmem>>) target(%dma_start3A_19 : memref<320x128xf32, #tpu.memory_space<hbm>>) target_semaphore(%run_scoped3A : memref<!tpu.dma_semaphore, #tpu.memory_space<semaphore_mem>>)
      %dma_wait3A = arith.constant 0 : i32
      %dma_wait3A_20 = tpu.memref_slice %arg5[%mul3A_2, %dma_wait3A] : memref<10240x128xf32, #tpu.memory_space<hbm>> -> memref<320x128xf32, #tpu.memory_space<hbm>>
      %dma_wait3A_21 = arith.constant 0 : i32
      %dma_wait3A_22 = tpu.memref_slice %arg5[%mul3A_2, %dma_wait3A_21] : memref<10240x128xf32, #tpu.memory_space<hbm>> -> memref<320x128xf32, #tpu.memory_space<hbm>>
      tpu.wait_dma2 semaphore(%run_scoped3A : memref<!tpu.dma_semaphore, #tpu.memory_space<semaphore_mem>>) src(%arg6 : memref<320x128xf32, #tpu.memory_space<vmem>>) dst(%dma_wait3A_22 : memref<320x128xf32, #tpu.memory_space<hbm>>)
      tpu.yield
    }) : () -> ()
    return
  }
}

#map = affine_map<(d0, d1) -> (0, 0)>
#map1 = affine_map<(d0, d1) -> (0)>
module attributes {stable_mosaic.version = 14 : i64} {
  func.func @k(%arg0: i32, %arg1: i32, %arg2: memref<10000x128xf32, #tpu.memory_space<hbm>>, %arg3: memref<320000xi32, #tpu.memory_space<hbm>>, %arg4: memref<320000xi32, #tpu.memory_space<hbm>>, %arg5: memref<320000x128xf32, #tpu.memory_space<hbm>>, %arg6: memref<200xi32, #tpu.memory_space<vmem>>, %arg7: memref<200xi32, #tpu.memory_space<vmem>>, %arg8: memref<200x128xf32, #tpu.memory_space<vmem>>, %arg9: memref<200x128xf32, #tpu.memory_space<vmem>>, %arg10: memref<!tpu.dma_semaphore, #tpu.memory_space<semaphore_mem>>, %arg11: memref<!tpu.dma_semaphore, #tpu.memory_space<semaphore_mem>>) attributes {dimension_semantics = [#tpu.dimension_semantics<core_parallel>, #tpu.dimension_semantics<subcore_parallel>], iteration_bounds = array<i64: 2, 16>, scalar_prefetch = 0 : i64, scratch_operands = 6 : i64, tpu.core_type = #tpu.core_type<sc_vector_subcore>, window_params = [{transform_indices = #map}, {transform_indices = #map1}, {transform_indices = #map1}, {transform_indices = #map}]} {
    %mul3A = arith.constant 2 : i32
    %mul3A_0 = arith.muli %arg1, %mul3A : i32
    %add3A = arith.addi %mul3A_0, %arg0 : i32
    %mul3A_1 = arith.constant 10000 : i32
    %mul3A_2 = arith.muli %add3A, %mul3A_1 : i32
    %scan3A = arith.constant 0 : i32
    %scan3A_3 = arith.constant 50 : i32
    %scan3A_4 = arith.addi %scan3A, %scan3A_3 : i32
    %scan3A_5 = arith.constant 1 : i32
    scf.for %scan3A_7 = %scan3A to %scan3A_4 step %scan3A_5  : i32 {
      %mul3A_8 = arith.constant 200 : i32
      %mul3A_9 = arith.muli %scan3A_7, %mul3A_8 : i32
      %add3A_10 = arith.constant 0 : i32
      %add3A_11 = arith.addi %add3A_10, %mul3A_9 : i32
      %add3A_12 = arith.addi %mul3A_2, %add3A_11 : i32
      "tpu.region"() ({
        %run_scoped3A = tpu.sem_alloc : memref<!tpu.dma_semaphore, #tpu.memory_space<semaphore_mem>>
        %dma_start3A_28 = tpu.memref_slice %arg4[%add3A_12] : memref<320000xi32, #tpu.memory_space<hbm>> -> memref<200xi32, #tpu.memory_space<hbm>>
        %dma_start3A_29 = tpu.memref_slice %arg4[%add3A_12] : memref<320000xi32, #tpu.memory_space<hbm>> -> memref<200xi32, #tpu.memory_space<hbm>>
        tpu.enqueue_dma source(%dma_start3A_29 : memref<200xi32, #tpu.memory_space<hbm>>) target(%arg6 : memref<200xi32, #tpu.memory_space<vmem>>) target_semaphore(%run_scoped3A : memref<!tpu.dma_semaphore, #tpu.memory_space<semaphore_mem>>)
        %dma_wait3A_30 = tpu.memref_slice %arg4[%add3A_12] : memref<320000xi32, #tpu.memory_space<hbm>> -> memref<200xi32, #tpu.memory_space<hbm>>
        %dma_wait3A_31 = tpu.memref_slice %arg4[%add3A_12] : memref<320000xi32, #tpu.memory_space<hbm>> -> memref<200xi32, #tpu.memory_space<hbm>>
        tpu.wait_dma2 semaphore(%run_scoped3A : memref<!tpu.dma_semaphore, #tpu.memory_space<semaphore_mem>>) src(%dma_wait3A_31 : memref<200xi32, #tpu.memory_space<hbm>>) dst(%arg6 : memref<200xi32, #tpu.memory_space<vmem>>)
        tpu.yield
      }) : () -> ()
      "tpu.region"() ({
        %run_scoped3A = tpu.sem_alloc : memref<!tpu.dma_semaphore, #tpu.memory_space<semaphore_mem>>
        %dma_start3A_28 = tpu.memref_slice %arg3[%add3A_12] : memref<320000xi32, #tpu.memory_space<hbm>> -> memref<200xi32, #tpu.memory_space<hbm>>
        %dma_start3A_29 = tpu.memref_slice %arg3[%add3A_12] : memref<320000xi32, #tpu.memory_space<hbm>> -> memref<200xi32, #tpu.memory_space<hbm>>
        tpu.enqueue_dma source(%dma_start3A_29 : memref<200xi32, #tpu.memory_space<hbm>>) target(%arg7 : memref<200xi32, #tpu.memory_space<vmem>>) target_semaphore(%run_scoped3A : memref<!tpu.dma_semaphore, #tpu.memory_space<semaphore_mem>>)
        %dma_wait3A_30 = tpu.memref_slice %arg3[%add3A_12] : memref<320000xi32, #tpu.memory_space<hbm>> -> memref<200xi32, #tpu.memory_space<hbm>>
        %dma_wait3A_31 = tpu.memref_slice %arg3[%add3A_12] : memref<320000xi32, #tpu.memory_space<hbm>> -> memref<200xi32, #tpu.memory_space<hbm>>
        tpu.wait_dma2 semaphore(%run_scoped3A : memref<!tpu.dma_semaphore, #tpu.memory_space<semaphore_mem>>) src(%dma_wait3A_31 : memref<200xi32, #tpu.memory_space<hbm>>) dst(%arg7 : memref<200xi32, #tpu.memory_space<vmem>>)
        tpu.yield
      }) : () -> ()
      %dma_start3A = arith.constant 0 : i32
      %dma_start3A_13 = arith.constant 0 : i32
      %dma_start3A_14 = tpu.memref_slice %arg2[%dma_start3A, %dma_start3A_13] : memref<10000x128xf32, #tpu.memory_space<hbm>> -> memref<10000x128xf32, #tpu.memory_space<hbm>>
      tpu.enqueue_indirect_dma source(%dma_start3A_14 : memref<10000x128xf32, #tpu.memory_space<hbm>>) target(%arg8 : memref<200x128xf32, #tpu.memory_space<vmem>>) offsets(%arg6 : memref<200xi32, #tpu.memory_space<vmem>>) semaphore(%arg10 : memref<!tpu.dma_semaphore, #tpu.memory_space<semaphore_mem>>)
      %dma_start3A_15 = arith.constant 0 : i32
      %dma_start3A_16 = arith.constant 0 : i32
      %dma_start3A_17 = tpu.memref_slice %arg2[%dma_start3A_15, %dma_start3A_16] : memref<10000x128xf32, #tpu.memory_space<hbm>> -> memref<10000x128xf32, #tpu.memory_space<hbm>>
      tpu.enqueue_indirect_dma source(%dma_start3A_17 : memref<10000x128xf32, #tpu.memory_space<hbm>>) target(%arg9 : memref<200x128xf32, #tpu.memory_space<vmem>>) offsets(%arg7 : memref<200xi32, #tpu.memory_space<vmem>>) semaphore(%arg11 : memref<!tpu.dma_semaphore, #tpu.memory_space<semaphore_mem>>)
      %dma_wait3A = arith.constant 0 : i32
      %dma_wait3A_18 = arith.constant 0 : i32
      %dma_wait3A_19 = tpu.memref_slice %arg2[%dma_wait3A, %dma_wait3A_18] : memref<10000x128xf32, #tpu.memory_space<hbm>> -> memref<10000x128xf32, #tpu.memory_space<hbm>>
      tpu.wait_indirect_dma semaphore(%arg10 : memref<!tpu.dma_semaphore, #tpu.memory_space<semaphore_mem>>) src(%dma_wait3A_19 : memref<10000x128xf32, #tpu.memory_space<hbm>>) dst(%arg8 : memref<200x128xf32, #tpu.memory_space<vmem>>)
      %dma_wait3A_20 = arith.constant 0 : i32
      %dma_wait3A_21 = arith.constant 0 : i32
      %dma_wait3A_22 = tpu.memref_slice %arg2[%dma_wait3A_20, %dma_wait3A_21] : memref<10000x128xf32, #tpu.memory_space<hbm>> -> memref<10000x128xf32, #tpu.memory_space<hbm>>
      tpu.wait_indirect_dma semaphore(%arg11 : memref<!tpu.dma_semaphore, #tpu.memory_space<semaphore_mem>>) src(%dma_wait3A_22 : memref<10000x128xf32, #tpu.memory_space<hbm>>) dst(%arg9 : memref<200x128xf32, #tpu.memory_space<vmem>>)
      %scan3A_23 = arith.constant 0 : i32
      %scan3A_24 = arith.constant 200 : i32
      %scan3A_25 = arith.addi %scan3A_23, %scan3A_24 : i32
      %scan3A_26 = arith.constant 1 : i32
      scf.for %scan3A_28 = %scan3A_23 to %scan3A_25 step %scan3A_26  : i32 {
        %mul3A_29 = arith.constant 1 : i32
        %mul3A_30 = arith.muli %scan3A_28, %mul3A_29 : i32
        %add3A_31 = arith.constant 0 : i32
        %add3A_32 = arith.addi %add3A_31, %mul3A_30 : i32
        %get3A = arith.index_cast %add3A_32 : i32 to index
        %get3A_33 = arith.constant 0 : index
        %get3A_34 = tpu.vector_load %arg8[%get3A, %get3A_33] {strides = array<i32>} : memref<200x128xf32, #tpu.memory_space<vmem>>, vector<16xf32>,
        %get3A_35 = arith.index_cast %add3A_32 : i32 to index
        %get3A_36 = arith.constant 0 : index
        %get3A_37 = tpu.vector_load %arg9[%get3A_35, %get3A_36] {strides = array<i32>} : memref<200x128xf32, #tpu.memory_space<vmem>>, vector<16xf32>,
        %sub3A = arith.subf %get3A_34, %get3A_37 : vector<16xf32>
        %swap3A = arith.index_cast %add3A_32 : i32 to index
        %swap3A_38 = arith.constant 0 : index
        %swap3A_39 = tpu.vector_load %arg8[%swap3A, %swap3A_38] {strides = array<i32>} : memref<200x128xf32, #tpu.memory_space<vmem>>, vector<16xf32>,
        tpu.vector_store %arg8[%swap3A, %swap3A_38], %sub3A {strides = array<i32>} : memref<200x128xf32, #tpu.memory_space<vmem>>, vector<16xf32>,
        %get3A_40 = arith.index_cast %add3A_32 : i32 to index
        %get3A_41 = arith.constant 16 : index
        %get3A_42 = tpu.vector_load %arg8[%get3A_40, %get3A_41] {strides = array<i32>} : memref<200x128xf32, #tpu.memory_space<vmem>>, vector<16xf32>,
        %get3A_43 = arith.index_cast %add3A_32 : i32 to index
        %get3A_44 = arith.constant 16 : index
        %get3A_45 = tpu.vector_load %arg9[%get3A_43, %get3A_44] {strides = array<i32>} : memref<200x128xf32, #tpu.memory_space<vmem>>, vector<16xf32>,
        %sub3A_46 = arith.subf %get3A_42, %get3A_45 : vector<16xf32>
        %swap3A_47 = arith.index_cast %add3A_32 : i32 to index
        %swap3A_48 = arith.constant 16 : index
        %swap3A_49 = tpu.vector_load %arg8[%swap3A_47, %swap3A_48] {strides = array<i32>} : memref<200x128xf32, #tpu.memory_space<vmem>>, vector<16xf32>,
        tpu.vector_store %arg8[%swap3A_47, %swap3A_48], %sub3A_46 {strides = array<i32>} : memref<200x128xf32, #tpu.memory_space<vmem>>, vector<16xf32>,
        %get3A_50 = arith.index_cast %add3A_32 : i32 to index
        %get3A_51 = arith.constant 32 : index
        %get3A_52 = tpu.vector_load %arg8[%get3A_50, %get3A_51] {strides = array<i32>} : memref<200x128xf32, #tpu.memory_space<vmem>>, vector<16xf32>,
        %get3A_53 = arith.index_cast %add3A_32 : i32 to index
        %get3A_54 = arith.constant 32 : index
        %get3A_55 = tpu.vector_load %arg9[%get3A_53, %get3A_54] {strides = array<i32>} : memref<200x128xf32, #tpu.memory_space<vmem>>, vector<16xf32>,
        %sub3A_56 = arith.subf %get3A_52, %get3A_55 : vector<16xf32>
        %swap3A_57 = arith.index_cast %add3A_32 : i32 to index
        %swap3A_58 = arith.constant 32 : index
        %swap3A_59 = tpu.vector_load %arg8[%swap3A_57, %swap3A_58] {strides = array<i32>} : memref<200x128xf32, #tpu.memory_space<vmem>>, vector<16xf32>,
        tpu.vector_store %arg8[%swap3A_57, %swap3A_58], %sub3A_56 {strides = array<i32>} : memref<200x128xf32, #tpu.memory_space<vmem>>, vector<16xf32>,
        %get3A_60 = arith.index_cast %add3A_32 : i32 to index
        %get3A_61 = arith.constant 48 : index
        %get3A_62 = tpu.vector_load %arg8[%get3A_60, %get3A_61] {strides = array<i32>} : memref<200x128xf32, #tpu.memory_space<vmem>>, vector<16xf32>,
        %get3A_63 = arith.index_cast %add3A_32 : i32 to index
        %get3A_64 = arith.constant 48 : index
        %get3A_65 = tpu.vector_load %arg9[%get3A_63, %get3A_64] {strides = array<i32>} : memref<200x128xf32, #tpu.memory_space<vmem>>, vector<16xf32>,
        %sub3A_66 = arith.subf %get3A_62, %get3A_65 : vector<16xf32>
        %swap3A_67 = arith.index_cast %add3A_32 : i32 to index
        %swap3A_68 = arith.constant 48 : index
        %swap3A_69 = tpu.vector_load %arg8[%swap3A_67, %swap3A_68] {strides = array<i32>} : memref<200x128xf32, #tpu.memory_space<vmem>>, vector<16xf32>,
        tpu.vector_store %arg8[%swap3A_67, %swap3A_68], %sub3A_66 {strides = array<i32>} : memref<200x128xf32, #tpu.memory_space<vmem>>, vector<16xf32>,
        %get3A_70 = arith.index_cast %add3A_32 : i32 to index
        %get3A_71 = arith.constant 64 : index
        %get3A_72 = tpu.vector_load %arg8[%get3A_70, %get3A_71] {strides = array<i32>} : memref<200x128xf32, #tpu.memory_space<vmem>>, vector<16xf32>,
        %get3A_73 = arith.index_cast %add3A_32 : i32 to index
        %get3A_74 = arith.constant 64 : index
        %get3A_75 = tpu.vector_load %arg9[%get3A_73, %get3A_74] {strides = array<i32>} : memref<200x128xf32, #tpu.memory_space<vmem>>, vector<16xf32>,
        %sub3A_76 = arith.subf %get3A_72, %get3A_75 : vector<16xf32>
        %swap3A_77 = arith.index_cast %add3A_32 : i32 to index
        %swap3A_78 = arith.constant 64 : index
        %swap3A_79 = tpu.vector_load %arg8[%swap3A_77, %swap3A_78] {strides = array<i32>} : memref<200x128xf32, #tpu.memory_space<vmem>>, vector<16xf32>,
        tpu.vector_store %arg8[%swap3A_77, %swap3A_78], %sub3A_76 {strides = array<i32>} : memref<200x128xf32, #tpu.memory_space<vmem>>, vector<16xf32>,
        %get3A_80 = arith.index_cast %add3A_32 : i32 to index
        %get3A_81 = arith.constant 80 : index
        %get3A_82 = tpu.vector_load %arg8[%get3A_80, %get3A_81] {strides = array<i32>} : memref<200x128xf32, #tpu.memory_space<vmem>>, vector<16xf32>,
        %get3A_83 = arith.index_cast %add3A_32 : i32 to index
        %get3A_84 = arith.constant 80 : index
        %get3A_85 = tpu.vector_load %arg9[%get3A_83, %get3A_84] {strides = array<i32>} : memref<200x128xf32, #tpu.memory_space<vmem>>, vector<16xf32>,
        %sub3A_86 = arith.subf %get3A_82, %get3A_85 : vector<16xf32>
        %swap3A_87 = arith.index_cast %add3A_32 : i32 to index
        %swap3A_88 = arith.constant 80 : index
        %swap3A_89 = tpu.vector_load %arg8[%swap3A_87, %swap3A_88] {strides = array<i32>} : memref<200x128xf32, #tpu.memory_space<vmem>>, vector<16xf32>,
        tpu.vector_store %arg8[%swap3A_87, %swap3A_88], %sub3A_86 {strides = array<i32>} : memref<200x128xf32, #tpu.memory_space<vmem>>, vector<16xf32>,
        %get3A_90 = arith.index_cast %add3A_32 : i32 to index
        %get3A_91 = arith.constant 96 : index
        %get3A_92 = tpu.vector_load %arg8[%get3A_90, %get3A_91] {strides = array<i32>} : memref<200x128xf32, #tpu.memory_space<vmem>>, vector<16xf32>,
        %get3A_93 = arith.index_cast %add3A_32 : i32 to index
        %get3A_94 = arith.constant 96 : index
        %get3A_95 = tpu.vector_load %arg9[%get3A_93, %get3A_94] {strides = array<i32>} : memref<200x128xf32, #tpu.memory_space<vmem>>, vector<16xf32>,
        %sub3A_96 = arith.subf %get3A_92, %get3A_95 : vector<16xf32>
        %swap3A_97 = arith.index_cast %add3A_32 : i32 to index
        %swap3A_98 = arith.constant 96 : index
        %swap3A_99 = tpu.vector_load %arg8[%swap3A_97, %swap3A_98] {strides = array<i32>} : memref<200x128xf32, #tpu.memory_space<vmem>>, vector<16xf32>,
        tpu.vector_store %arg8[%swap3A_97, %swap3A_98], %sub3A_96 {strides = array<i32>} : memref<200x128xf32, #tpu.memory_space<vmem>>, vector<16xf32>,
        %get3A_100 = arith.index_cast %add3A_32 : i32 to index
        %get3A_101 = arith.constant 112 : index
        %get3A_102 = tpu.vector_load %arg8[%get3A_100, %get3A_101] {strides = array<i32>} : memref<200x128xf32, #tpu.memory_space<vmem>>, vector<16xf32>,
        %get3A_103 = arith.index_cast %add3A_32 : i32 to index
        %get3A_104 = arith.constant 112 : index
        %get3A_105 = tpu.vector_load %arg9[%get3A_103, %get3A_104] {strides = array<i32>} : memref<200x128xf32, #tpu.memory_space<vmem>>, vector<16xf32>,
        %sub3A_106 = arith.subf %get3A_102, %get3A_105 : vector<16xf32>
        %swap3A_107 = arith.index_cast %add3A_32 : i32 to index
        %swap3A_108 = arith.constant 112 : index
        %swap3A_109 = tpu.vector_load %arg8[%swap3A_107, %swap3A_108] {strides = array<i32>} : memref<200x128xf32, #tpu.memory_space<vmem>>, vector<16xf32>,
        tpu.vector_store %arg8[%swap3A_107, %swap3A_108], %sub3A_106 {strides = array<i32>} : memref<200x128xf32, #tpu.memory_space<vmem>>, vector<16xf32>,
      }
      %scan3A_27 = arith.constant 200 : i32
      "tpu.region"() ({
        %run_scoped3A = tpu.sem_alloc : memref<!tpu.dma_semaphore, #tpu.memory_space<semaphore_mem>>
        %dma_start3A_28 = arith.constant 0 : i32
        %dma_start3A_29 = tpu.memref_slice %arg5[%add3A_12, %dma_start3A_28] : memref<320000x128xf32, #tpu.memory_space<hbm>> -> memref<200x128xf32, #tpu.memory_space<hbm>>
        %dma_start3A_30 = arith.constant 0 : i32
        %dma_start3A_31 = tpu.memref_slice %arg5[%add3A_12, %dma_start3A_30] : memref<320000x128xf32, #tpu.memory_space<hbm>> -> memref<200x128xf32, #tpu.memory_space<hbm>>
        tpu.enqueue_dma source(%arg8 : memref<200x128xf32, #tpu.memory_space<vmem>>) target(%dma_start3A_31 : memref<200x128xf32, #tpu.memory_space<hbm>>) target_semaphore(%run_scoped3A : memref<!tpu.dma_semaphore, #tpu.memory_space<semaphore_mem>>)
        %dma_wait3A_32 = arith.constant 0 : i32
        %dma_wait3A_33 = tpu.memref_slice %arg5[%add3A_12, %dma_wait3A_32] : memref<320000x128xf32, #tpu.memory_space<hbm>> -> memref<200x128xf32, #tpu.memory_space<hbm>>
        %dma_wait3A_34 = arith.constant 0 : i32
        %dma_wait3A_35 = tpu.memref_slice %arg5[%add3A_12, %dma_wait3A_34] : memref<320000x128xf32, #tpu.memory_space<hbm>> -> memref<200x128xf32, #tpu.memory_space<hbm>>
        tpu.wait_dma2 semaphore(%run_scoped3A : memref<!tpu.dma_semaphore, #tpu.memory_space<semaphore_mem>>) src(%arg8 : memref<200x128xf32, #tpu.memory_space<vmem>>) dst(%dma_wait3A_35 : memref<200x128xf32, #tpu.memory_space<hbm>>)
        tpu.yield
      }) : () -> ()
    }
    %scan3A_6 = arith.constant 50 : i32
    return
  }
}

#map = affine_map<(d0, d1) -> (0, 0)>
#map1 = affine_map<(d0, d1) -> (0)>
module attributes {stable_mosaic.version = 14 : i64} {
  func.func @k(%arg0: i32, %arg1: i32, %arg2: memref<320000x128xf32, #tpu.memory_space<hbm>>, %arg3: memref<320000xi32, #tpu.memory_space<hbm>>, %arg4: memref<10240x128xf32, #tpu.memory_space<hbm>>, %arg5: memref<10240xf32, #tpu.memory_space<hbm>>, %arg6: memref<320x128xf32, #tpu.memory_space<vmem>>, %arg7: memref<6400xi32, #tpu.memory_space<vmem>>, %arg8: memref<6400xi32, #tpu.memory_space<vmem>>, %arg9: memref<6432xi32, #tpu.memory_space<vmem>>, %arg10: memref<6432xi32, #tpu.memory_space<vmem>>, %arg11: memref<256xi32, #tpu.memory_space<vmem>>, %arg12: memref<256x128xf32, #tpu.memory_space<vmem>>, %arg13: memref<336xf32, #tpu.memory_space<vmem>>, %arg14: memref<!tpu.dma_semaphore, #tpu.memory_space<semaphore_mem>>) attributes {dimension_semantics = [#tpu.dimension_semantics<core_parallel>, #tpu.dimension_semantics<subcore_parallel>], iteration_bounds = array<i64: 2, 16>, scalar_prefetch = 0 : i64, scratch_operands = 9 : i64, tpu.core_type = #tpu.core_type<sc_vector_subcore>, window_params = [{transform_indices = #map}, {transform_indices = #map1}, {transform_indices = #map}, {transform_indices = #map1}]} {
    %mul3A = arith.constant 2 : i32
    %mul3A_0 = arith.muli %arg1, %mul3A : i32
    %add3A = arith.addi %mul3A_0, %arg0 : i32
    %mul3A_1 = arith.constant 320 : i32
    %mul3A_2 = arith.muli %add3A, %mul3A_1 : i32
    %scan3A = arith.constant 0 : i32
    %scan3A_3 = arith.constant 320 : i32
    %scan3A_4 = arith.addi %scan3A, %scan3A_3 : i32
    %scan3A_5 = arith.constant 1 : i32
    scf.for %scan3A_22 = %scan3A to %scan3A_4 step %scan3A_5  : i32 {
      %mul3A_23 = arith.constant 1 : i32
      %mul3A_24 = arith.muli %scan3A_22, %mul3A_23 : i32
      %add3A_25 = arith.constant 0 : i32
      %add3A_26 = arith.addi %add3A_25, %mul3A_24 : i32
      %broadcast_in_dim3A = arith.constant -3.000000e+38 : f32
      %broadcast_in_dim3A_27 = vector.broadcast %broadcast_in_dim3A : f32 to vector<16xf32>
      %swap3A = arith.index_cast %add3A_26 : i32 to index
      %swap3A_28 = arith.constant 0 : index
      %swap3A_29 = tpu.vector_load %arg6[%swap3A, %swap3A_28] {strides = array<i32>} : memref<320x128xf32, #tpu.memory_space<vmem>>, vector<16xf32>,
      tpu.vector_store %arg6[%swap3A, %swap3A_28], %broadcast_in_dim3A_27 {strides = array<i32>} : memref<320x128xf32, #tpu.memory_space<vmem>>, vector<16xf32>,
      %broadcast_in_dim3A_30 = arith.constant -3.000000e+38 : f32
      %broadcast_in_dim3A_31 = vector.broadcast %broadcast_in_dim3A_30 : f32 to vector<16xf32>
      %swap3A_32 = arith.index_cast %add3A_26 : i32 to index
      %swap3A_33 = arith.constant 16 : index
      %swap3A_34 = tpu.vector_load %arg6[%swap3A_32, %swap3A_33] {strides = array<i32>} : memref<320x128xf32, #tpu.memory_space<vmem>>, vector<16xf32>,
      tpu.vector_store %arg6[%swap3A_32, %swap3A_33], %broadcast_in_dim3A_31 {strides = array<i32>} : memref<320x128xf32, #tpu.memory_space<vmem>>, vector<16xf32>,
      %broadcast_in_dim3A_35 = arith.constant -3.000000e+38 : f32
      %broadcast_in_dim3A_36 = vector.broadcast %broadcast_in_dim3A_35 : f32 to vector<16xf32>
      %swap3A_37 = arith.index_cast %add3A_26 : i32 to index
      %swap3A_38 = arith.constant 32 : index
      %swap3A_39 = tpu.vector_load %arg6[%swap3A_37, %swap3A_38] {strides = array<i32>} : memref<320x128xf32, #tpu.memory_space<vmem>>, vector<16xf32>,
      tpu.vector_store %arg6[%swap3A_37, %swap3A_38], %broadcast_in_dim3A_36 {strides = array<i32>} : memref<320x128xf32, #tpu.memory_space<vmem>>, vector<16xf32>,
      %broadcast_in_dim3A_40 = arith.constant -3.000000e+38 : f32
      %broadcast_in_dim3A_41 = vector.broadcast %broadcast_in_dim3A_40 : f32 to vector<16xf32>
      %swap3A_42 = arith.index_cast %add3A_26 : i32 to index
      %swap3A_43 = arith.constant 48 : index
      %swap3A_44 = tpu.vector_load %arg6[%swap3A_42, %swap3A_43] {strides = array<i32>} : memref<320x128xf32, #tpu.memory_space<vmem>>, vector<16xf32>,
      tpu.vector_store %arg6[%swap3A_42, %swap3A_43], %broadcast_in_dim3A_41 {strides = array<i32>} : memref<320x128xf32, #tpu.memory_space<vmem>>, vector<16xf32>,
      %broadcast_in_dim3A_45 = arith.constant -3.000000e+38 : f32
      %broadcast_in_dim3A_46 = vector.broadcast %broadcast_in_dim3A_45 : f32 to vector<16xf32>
      %swap3A_47 = arith.index_cast %add3A_26 : i32 to index
      %swap3A_48 = arith.constant 64 : index
      %swap3A_49 = tpu.vector_load %arg6[%swap3A_47, %swap3A_48] {strides = array<i32>} : memref<320x128xf32, #tpu.memory_space<vmem>>, vector<16xf32>,
      tpu.vector_store %arg6[%swap3A_47, %swap3A_48], %broadcast_in_dim3A_46 {strides = array<i32>} : memref<320x128xf32, #tpu.memory_space<vmem>>, vector<16xf32>,
      %broadcast_in_dim3A_50 = arith.constant -3.000000e+38 : f32
      %broadcast_in_dim3A_51 = vector.broadcast %broadcast_in_dim3A_50 : f32 to vector<16xf32>
      %swap3A_52 = arith.index_cast %add3A_26 : i32 to index
      %swap3A_53 = arith.constant 80 : index
      %swap3A_54 = tpu.vector_load %arg6[%swap3A_52, %swap3A_53] {strides = array<i32>} : memref<320x128xf32, #tpu.memory_space<vmem>>, vector<16xf32>,
      tpu.vector_store %arg6[%swap3A_52, %swap3A_53], %broadcast_in_dim3A_51 {strides = array<i32>} : memref<320x128xf32, #tpu.memory_space<vmem>>, vector<16xf32>,
      %broadcast_in_dim3A_55 = arith.constant -3.000000e+38 : f32
      %broadcast_in_dim3A_56 = vector.broadcast %broadcast_in_dim3A_55 : f32 to vector<16xf32>
      %swap3A_57 = arith.index_cast %add3A_26 : i32 to index
      %swap3A_58 = arith.constant 96 : index
      %swap3A_59 = tpu.vector_load %arg6[%swap3A_57, %swap3A_58] {strides = array<i32>} : memref<320x128xf32, #tpu.memory_space<vmem>>, vector<16xf32>,
      tpu.vector_store %arg6[%swap3A_57, %swap3A_58], %broadcast_in_dim3A_56 {strides = array<i32>} : memref<320x128xf32, #tpu.memory_space<vmem>>, vector<16xf32>,
      %broadcast_in_dim3A_60 = arith.constant -3.000000e+38 : f32
      %broadcast_in_dim3A_61 = vector.broadcast %broadcast_in_dim3A_60 : f32 to vector<16xf32>
      %swap3A_62 = arith.index_cast %add3A_26 : i32 to index
      %swap3A_63 = arith.constant 112 : index
      %swap3A_64 = tpu.vector_load %arg6[%swap3A_62, %swap3A_63] {strides = array<i32>} : memref<320x128xf32, #tpu.memory_space<vmem>>, vector<16xf32>,
      tpu.vector_store %arg6[%swap3A_62, %swap3A_63], %broadcast_in_dim3A_61 {strides = array<i32>} : memref<320x128xf32, #tpu.memory_space<vmem>>, vector<16xf32>,
    }
    %scan3A_6 = arith.constant 320 : i32
    %scan3A_7 = arith.constant 0 : i32
    %scan3A_8 = arith.constant 21 : i32
    %scan3A_9 = arith.addi %scan3A_7, %scan3A_8 : i32
    %scan3A_10 = arith.constant 1 : i32
    scf.for %scan3A_22 = %scan3A_7 to %scan3A_9 step %scan3A_10  : i32 {
      %mul3A_23 = arith.constant 16 : i32
      %mul3A_24 = arith.muli %scan3A_22, %mul3A_23 : i32
      %add3A_25 = arith.constant 0 : i32
      %add3A_26 = arith.addi %add3A_25, %mul3A_24 : i32
      %broadcast_in_dim3A = arith.constant 0.000000e+00 : f32
      %broadcast_in_dim3A_27 = vector.broadcast %broadcast_in_dim3A : f32 to vector<16xf32>
      %swap3A = arith.index_cast %add3A_26 : i32 to index
      %swap3A_28 = tpu.vector_load %arg13[%swap3A] {strides = array<i32>} : memref<336xf32, #tpu.memory_space<vmem>>, vector<16xf32>,
      tpu.vector_store %arg13[%swap3A], %broadcast_in_dim3A_27 {strides = array<i32>} : memref<336xf32, #tpu.memory_space<vmem>>, vector<16xf32>,
    }
    %scan3A_11 = arith.constant 21 : i32
    %scan3A_12 = arith.constant 0 : i32
    %scan3A_13 = arith.constant 402 : i32
    %scan3A_14 = arith.addi %scan3A_12, %scan3A_13 : i32
    %scan3A_15 = arith.constant 1 : i32
    scf.for %scan3A_22 = %scan3A_12 to %scan3A_14 step %scan3A_15  : i32 {
      %mul3A_23 = arith.constant 16 : i32
      %mul3A_24 = arith.muli %scan3A_22, %mul3A_23 : i32
      %add3A_25 = arith.constant 0 : i32
      %add3A_26 = arith.addi %add3A_25, %mul3A_24 : i32
      %broadcast_in_dim3A = arith.constant 0 : i32
      %broadcast_in_dim3A_27 = vector.broadcast %broadcast_in_dim3A : i32 to vector<16xi32>
      %swap3A = arith.index_cast %add3A_26 : i32 to index
      %swap3A_28 = tpu.vector_load %arg9[%swap3A] {strides = array<i32>} : memref<6432xi32, #tpu.memory_space<vmem>>, vector<16xi32>,
      tpu.vector_store %arg9[%swap3A], %broadcast_in_dim3A_27 {strides = array<i32>} : memref<6432xi32, #tpu.memory_space<vmem>>, vector<16xi32>,
      %iota3A = tpu.iota {dimensions = array<i32: 0>} : vector<16xi32>
      %add3A_29 = vector.broadcast %add3A_26 : i32 to vector<16xi32>
      %add3A_30 = arith.addi %add3A_29, %iota3A : vector<16xi32>
      %and3A = arith.constant 8191 : i32
      %and3A_31 = vector.broadcast %and3A : i32 to vector<16xi32>
      %and3A_32 = arith.andi %add3A_30, %and3A_31 : vector<16xi32>
      %swap3A_33 = arith.index_cast %add3A_26 : i32 to index
      %swap3A_34 = tpu.vector_load %arg10[%swap3A_33] {strides = array<i32>} : memref<6432xi32, #tpu.memory_space<vmem>>, vector<16xi32>,
      tpu.vector_store %arg10[%swap3A_33], %and3A_32 {strides = array<i32>} : memref<6432xi32, #tpu.memory_space<vmem>>, vector<16xi32>,
    }
    %scan3A_16 = arith.constant 402 : i32
    %scan3A_17 = arith.constant 0 : i32
    %scan3A_18 = arith.constant 50 : i32
    %scan3A_19 = arith.addi %scan3A_17, %scan3A_18 : i32
    %scan3A_20 = arith.constant 1 : i32
    scf.for %scan3A_22 = %scan3A_17 to %scan3A_19 step %scan3A_20  : i32 {
      %mul3A_23 = arith.constant 6400 : i32
      %mul3A_24 = arith.muli %scan3A_22, %mul3A_23 : i32
      %add3A_25 = arith.constant 0 : i32
      %add3A_26 = arith.addi %add3A_25, %mul3A_24 : i32
      "tpu.region"() ({
        %run_scoped3A = tpu.sem_alloc : memref<!tpu.dma_semaphore, #tpu.memory_space<semaphore_mem>>
        %dma_start3A = tpu.memref_slice %arg3[%add3A_26] : memref<320000xi32, #tpu.memory_space<hbm>> -> memref<6400xi32, #tpu.memory_space<hbm>>
        %dma_start3A_48 = tpu.memref_slice %arg3[%add3A_26] : memref<320000xi32, #tpu.memory_space<hbm>> -> memref<6400xi32, #tpu.memory_space<hbm>>
        tpu.enqueue_dma source(%dma_start3A_48 : memref<6400xi32, #tpu.memory_space<hbm>>) target(%arg7 : memref<6400xi32, #tpu.memory_space<vmem>>) target_semaphore(%run_scoped3A : memref<!tpu.dma_semaphore, #tpu.memory_space<semaphore_mem>>)
        %dma_wait3A = tpu.memref_slice %arg3[%add3A_26] : memref<320000xi32, #tpu.memory_space<hbm>> -> memref<6400xi32, #tpu.memory_space<hbm>>
        %dma_wait3A_49 = tpu.memref_slice %arg3[%add3A_26] : memref<320000xi32, #tpu.memory_space<hbm>> -> memref<6400xi32, #tpu.memory_space<hbm>>
        tpu.wait_dma2 semaphore(%run_scoped3A : memref<!tpu.dma_semaphore, #tpu.memory_space<semaphore_mem>>) src(%dma_wait3A_49 : memref<6400xi32, #tpu.memory_space<hbm>>) dst(%arg7 : memref<6400xi32, #tpu.memory_space<vmem>>)
        tpu.yield
      }) : () -> ()
      %scan3A_27 = arith.constant 0 : i32
      %scan3A_28 = arith.constant 0 : i32
      %scan3A_29 = arith.constant 400 : i32
      %scan3A_30 = arith.addi %scan3A_28, %scan3A_29 : i32
      %scan3A_31 = arith.constant 1 : i32
      %scan3A_32 = scf.for %scan3A_48 = %scan3A_28 to %scan3A_30 step %scan3A_31 iter_args(%scan3A_49 = %scan3A_27) -> (i32)  : i32 {
        %mul3A_50 = arith.constant 16 : i32
        %mul3A_51 = arith.muli %scan3A_48, %mul3A_50 : i32
        %get3A = arith.index_cast %mul3A_51 : i32 to index
        %get3A_52 = tpu.vector_load %arg7[%get3A] {strides = array<i32>} : memref<6400xi32, #tpu.memory_space<vmem>>, vector<16xi32>,
        %mul3A_53 = arith.constant 16 : i32
        %mul3A_54 = arith.muli %scan3A_48, %mul3A_53 : i32
        %add3A_55 = arith.addi %add3A_26, %mul3A_54 : i32
        %iota3A = tpu.iota {dimensions = array<i32: 0>} : vector<16xi32>
        %add3A_56 = vector.broadcast %add3A_55 : i32 to vector<16xi32>
        %add3A_57 = arith.addi %add3A_56, %iota3A : vector<16xi32>
        %ge3A = vector.broadcast %mul3A_2 : i32 to vector<16xi32>
        %ge3A_58 = arith.cmpi sge, %get3A_52, %ge3A : vector<16xi32>
        %add3A_59 = arith.constant 320 : i32
        %add3A_60 = arith.addi %mul3A_2, %add3A_59 : i32
        %lt3A = vector.broadcast %add3A_60 : i32 to vector<16xi32>
        %lt3A_61 = arith.cmpi slt, %get3A_52, %lt3A : vector<16xi32>
        %and3A = arith.andi %ge3A_58, %lt3A_61 : vector<16xi1>
        %jit3A = arith.constant 1 : i32
        %jit3A_62 = arith.constant 0 : i32
        %broadcast_in_dim3A = vector.broadcast %jit3A : i32 to vector<16xi32>
        %broadcast_in_dim3A_63 = vector.broadcast %jit3A_62 : i32 to vector<16xi32>
        %select_n3A = arith.select %and3A, %broadcast_in_dim3A, %broadcast_in_dim3A_63 : vector<16xi1>, vector<16xi32>
        %sub3A = arith.constant 1 : i32
        %sub3A_64 = arith.subi %scan3A_49, %sub3A : i32
        %broadcast_in_dim3A_65 = arith.constant true
        %broadcast_in_dim3A_66 = vector.broadcast %broadcast_in_dim3A_65 : i1 to vector<16xi1>
        %masked_cumsum3A = tpu.scan <sum>, %select_n3A masked %broadcast_in_dim3A_66 : vector<16xi32>, vector<16xi1> -> vector<16xi32>
        %add3A_67 = vector.broadcast %sub3A_64 : i32 to vector<16xi32>
        %add3A_68 = arith.addi %add3A_67, %masked_cumsum3A : vector<16xi32>
        tpu.vector_store_idx %arg9[%add3A_68], %get3A_52 masked %and3A : memref<6432xi32, #tpu.memory_space<vmem>>[vector<16xi32>], vector<16xi32>, vector<16xi1>
        tpu.vector_store_idx %arg10[%add3A_68], %add3A_57 masked %and3A : memref<6432xi32, #tpu.memory_space<vmem>>[vector<16xi32>], vector<16xi32>, vector<16xi1>
        %reduce_sum3A = arith.constant true
        %reduce_sum3A_69 = vector.broadcast %reduce_sum3A : i1 to vector<16xi1>
        %reduce_sum3A_70 = tpu.scan <sum>, %select_n3A masked %reduce_sum3A_69 : vector<16xi32>, vector<16xi1> -> vector<16xi32>
        %reduce_sum3A_71 = vector.extract %reduce_sum3A_70[15] : i32 from vector<16xi32>
        %add3A_72 = arith.addi %scan3A_49, %reduce_sum3A_71 : i32
        scf.yield %add3A_72 : i32
      }
      %scan3A_33 = arith.constant 400 : i32
      %add3A_34 = arith.constant 255 : i32
      %add3A_35 = arith.addi %scan3A_32, %add3A_34 : i32
      %div3A = arith.constant 256 : i32
      %div3A_36 = arith.divsi %add3A_35, %div3A : i32
      %while3A = arith.constant 0 : i32
      %while3A_37 = arith.constant 0 : i32
      %while3A_38 = arith.subi %div3A_36, %while3A : i32
      %while3A_39 = arith.addi %while3A, %while3A_38 : i32
      %while3A_40 = arith.constant 1 : i32
      %while3A_41 = arith.divsi %while3A_38, %while3A_40 : i32
      %while3A_42 = arith.muli %while3A_41, %while3A_40 : i32
      %while3A_43 = arith.addi %while3A, %while3A_42 : i32
      %while3A_44 = arith.constant 1 : i32
      %while3A_45 = scf.for %while3A_48 = %while3A to %while3A_43 step %while3A_44 iter_args(%while3A_49 = %while3A_37) -> (i32)  : i32 {
        %mul3A_50 = arith.constant 256 : i32
        %mul3A_51 = arith.muli %while3A_48, %mul3A_50 : i32
        %dma_start3A = tpu.memref_slice %arg10[%mul3A_51] : memref<6432xi32, #tpu.memory_space<vmem>> -> memref<256xi32, #tpu.memory_space<vmem>>
        %dma_start3A_52 = arith.constant 0 : i32
        %dma_start3A_53 = arith.constant 0 : i32
        %dma_start3A_54 = tpu.memref_slice %arg2[%dma_start3A_52, %dma_start3A_53] : memref<320000x128xf32, #tpu.memory_space<hbm>> -> memref<320000x128xf32, #tpu.memory_space<hbm>>
        tpu.enqueue_indirect_dma source(%dma_start3A_54 : memref<320000x128xf32, #tpu.memory_space<hbm>>) target(%arg12 : memref<256x128xf32, #tpu.memory_space<vmem>>) offsets(%dma_start3A : memref<256xi32, #tpu.memory_space<vmem>>) semaphore(%arg14 : memref<!tpu.dma_semaphore, #tpu.memory_space<semaphore_mem>>)
        %dma_wait3A = tpu.memref_slice %arg10[%mul3A_51] : memref<6432xi32, #tpu.memory_space<vmem>> -> memref<256xi32, #tpu.memory_space<vmem>>
        %dma_wait3A_55 = arith.constant 0 : i32
        %dma_wait3A_56 = arith.constant 0 : i32
        %dma_wait3A_57 = tpu.memref_slice %arg2[%dma_wait3A_55, %dma_wait3A_56] : memref<320000x128xf32, #tpu.memory_space<hbm>> -> memref<320000x128xf32, #tpu.memory_space<hbm>>
        tpu.wait_indirect_dma semaphore(%arg14 : memref<!tpu.dma_semaphore, #tpu.memory_space<semaphore_mem>>) src(%dma_wait3A_57 : memref<320000x128xf32, #tpu.memory_space<hbm>>) dst(%arg12 : memref<256x128xf32, #tpu.memory_space<vmem>>)
        %sub3A = arith.subi %scan3A_32, %mul3A_51 : i32
        %min3A = arith.constant 256 : i32
        %min3A_58 = arith.minsi %sub3A, %min3A : i32
        %while3A_59 = arith.constant 0 : i32
        %while3A_60 = arith.constant 0 : i32
        %while3A_61 = arith.subi %min3A_58, %while3A_59 : i32
        %while3A_62 = arith.addi %while3A_59, %while3A_61 : i32
        %while3A_63 = arith.constant 1 : i32
        %while3A_64 = arith.divsi %while3A_61, %while3A_63 : i32
        %while3A_65 = arith.muli %while3A_64, %while3A_63 : i32
        %while3A_66 = arith.addi %while3A_59, %while3A_65 : i32
        %while3A_67 = arith.constant 1 : i32
        %while3A_68 = scf.for %while3A_72 = %while3A_59 to %while3A_66 step %while3A_67 iter_args(%while3A_73 = %while3A_60) -> (i32)  : i32 {
          %add3A_74 = arith.addi %mul3A_51, %while3A_72 : i32
          %get3A = arith.index_cast %add3A_74 : i32 to index
          %get3A_75 = tpu.vector_load %arg9[%get3A] {strides = array<i32>} : memref<6432xi32, #tpu.memory_space<vmem>>, vector<16xi32>,
          %slice3A = vector.extract_strided_slice %get3A_75 {offsets = [0], sizes = [1], strides = [1]} : vector<16xi32> to vector<1xi32>
          %squeeze3A = vector.extract %slice3A[0] : i32 from vector<1xi32>
          %sub3A_76 = arith.subi %squeeze3A, %mul3A_2 : i32
          %get3A_77 = arith.index_cast %sub3A_76 : i32 to index
          %get3A_78 = tpu.vector_load %arg13[%get3A_77] {strides = array<i32>} : memref<336xf32, #tpu.memory_space<vmem>>, vector<16xf32>,
          %iota3A = tpu.iota {dimensions = array<i32: 0>} : vector<16xi32>
          %eq3A = arith.constant 0 : i32
          %eq3A_79 = vector.broadcast %eq3A : i32 to vector<16xi32>
          %eq3A_80 = arith.cmpi eq, %iota3A, %eq3A_79 : vector<16xi32>
          %jit3A = arith.constant 1.000000e+00 : f32
          %jit3A_81 = arith.constant 0.000000e+00 : f32
          %broadcast_in_dim3A = vector.broadcast %jit3A : f32 to vector<16xf32>
          %broadcast_in_dim3A_82 = vector.broadcast %jit3A_81 : f32 to vector<16xf32>
          %select_n3A = arith.select %eq3A_80, %broadcast_in_dim3A, %broadcast_in_dim3A_82 : vector<16xi1>, vector<16xf32>
          %add3A_83 = arith.addf %get3A_78, %select_n3A : vector<16xf32>
          %swap3A = arith.index_cast %sub3A_76 : i32 to index
          %swap3A_84 = tpu.vector_load %arg13[%swap3A] {strides = array<i32>} : memref<336xf32, #tpu.memory_space<vmem>>, vector<16xf32>,
          tpu.vector_store %arg13[%swap3A], %add3A_83 {strides = array<i32>} : memref<336xf32, #tpu.memory_space<vmem>>, vector<16xf32>,
          %get3A_85 = arith.index_cast %sub3A_76 : i32 to index
          %get3A_86 = arith.constant 0 : index
          %get3A_87 = tpu.vector_load %arg6[%get3A_85, %get3A_86] {strides = array<i32>} : memref<320x128xf32, #tpu.memory_space<vmem>>, vector<16xf32>,
          %get3A_88 = arith.index_cast %while3A_72 : i32 to index
          %get3A_89 = arith.constant 0 : index
          %get3A_90 = tpu.vector_load %arg12[%get3A_88, %get3A_89] {strides = array<i32>} : memref<256x128xf32, #tpu.memory_space<vmem>>, vector<16xf32>,
          %max3A = arith.maximumf %get3A_87, %get3A_90 : vector<16xf32>
          %swap3A_91 = arith.index_cast %sub3A_76 : i32 to index
          %swap3A_92 = arith.constant 0 : index
          %swap3A_93 = tpu.vector_load %arg6[%swap3A_91, %swap3A_92] {strides = array<i32>} : memref<320x128xf32, #tpu.memory_space<vmem>>, vector<16xf32>,
          tpu.vector_store %arg6[%swap3A_91, %swap3A_92], %max3A {strides = array<i32>} : memref<320x128xf32, #tpu.memory_space<vmem>>, vector<16xf32>,
          %get3A_94 = arith.index_cast %sub3A_76 : i32 to index
          %get3A_95 = arith.constant 16 : index
          %get3A_96 = tpu.vector_load %arg6[%get3A_94, %get3A_95] {strides = array<i32>} : memref<320x128xf32, #tpu.memory_space<vmem>>, vector<16xf32>,
          %get3A_97 = arith.index_cast %while3A_72 : i32 to index
          %get3A_98 = arith.constant 16 : index
          %get3A_99 = tpu.vector_load %arg12[%get3A_97, %get3A_98] {strides = array<i32>} : memref<256x128xf32, #tpu.memory_space<vmem>>, vector<16xf32>,
          %max3A_100 = arith.maximumf %get3A_96, %get3A_99 : vector<16xf32>
          %swap3A_101 = arith.index_cast %sub3A_76 : i32 to index
          %swap3A_102 = arith.constant 16 : index
          %swap3A_103 = tpu.vector_load %arg6[%swap3A_101, %swap3A_102] {strides = array<i32>} : memref<320x128xf32, #tpu.memory_space<vmem>>, vector<16xf32>,
          tpu.vector_store %arg6[%swap3A_101, %swap3A_102], %max3A_100 {strides = array<i32>} : memref<320x128xf32, #tpu.memory_space<vmem>>, vector<16xf32>,
          %get3A_104 = arith.index_cast %sub3A_76 : i32 to index
          %get3A_105 = arith.constant 32 : index
          %get3A_106 = tpu.vector_load %arg6[%get3A_104, %get3A_105] {strides = array<i32>} : memref<320x128xf32, #tpu.memory_space<vmem>>, vector<16xf32>,
          %get3A_107 = arith.index_cast %while3A_72 : i32 to index
          %get3A_108 = arith.constant 32 : index
          %get3A_109 = tpu.vector_load %arg12[%get3A_107, %get3A_108] {strides = array<i32>} : memref<256x128xf32, #tpu.memory_space<vmem>>, vector<16xf32>,
          %max3A_110 = arith.maximumf %get3A_106, %get3A_109 : vector<16xf32>
          %swap3A_111 = arith.index_cast %sub3A_76 : i32 to index
          %swap3A_112 = arith.constant 32 : index
          %swap3A_113 = tpu.vector_load %arg6[%swap3A_111, %swap3A_112] {strides = array<i32>} : memref<320x128xf32, #tpu.memory_space<vmem>>, vector<16xf32>,
          tpu.vector_store %arg6[%swap3A_111, %swap3A_112], %max3A_110 {strides = array<i32>} : memref<320x128xf32, #tpu.memory_space<vmem>>, vector<16xf32>,
          %get3A_114 = arith.index_cast %sub3A_76 : i32 to index
          %get3A_115 = arith.constant 48 : index
          %get3A_116 = tpu.vector_load %arg6[%get3A_114, %get3A_115] {strides = array<i32>} : memref<320x128xf32, #tpu.memory_space<vmem>>, vector<16xf32>,
          %get3A_117 = arith.index_cast %while3A_72 : i32 to index
          %get3A_118 = arith.constant 48 : index
          %get3A_119 = tpu.vector_load %arg12[%get3A_117, %get3A_118] {strides = array<i32>} : memref<256x128xf32, #tpu.memory_space<vmem>>, vector<16xf32>,
          %max3A_120 = arith.maximumf %get3A_116, %get3A_119 : vector<16xf32>
          %swap3A_121 = arith.index_cast %sub3A_76 : i32 to index
          %swap3A_122 = arith.constant 48 : index
          %swap3A_123 = tpu.vector_load %arg6[%swap3A_121, %swap3A_122] {strides = array<i32>} : memref<320x128xf32, #tpu.memory_space<vmem>>, vector<16xf32>,
          tpu.vector_store %arg6[%swap3A_121, %swap3A_122], %max3A_120 {strides = array<i32>} : memref<320x128xf32, #tpu.memory_space<vmem>>, vector<16xf32>,
          %get3A_124 = arith.index_cast %sub3A_76 : i32 to index
          %get3A_125 = arith.constant 64 : index
          %get3A_126 = tpu.vector_load %arg6[%get3A_124, %get3A_125] {strides = array<i32>} : memref<320x128xf32, #tpu.memory_space<vmem>>, vector<16xf32>,
          %get3A_127 = arith.index_cast %while3A_72 : i32 to index
          %get3A_128 = arith.constant 64 : index
          %get3A_129 = tpu.vector_load %arg12[%get3A_127, %get3A_128] {strides = array<i32>} : memref<256x128xf32, #tpu.memory_space<vmem>>, vector<16xf32>,
          %max3A_130 = arith.maximumf %get3A_126, %get3A_129 : vector<16xf32>
          %swap3A_131 = arith.index_cast %sub3A_76 : i32 to index
          %swap3A_132 = arith.constant 64 : index
          %swap3A_133 = tpu.vector_load %arg6[%swap3A_131, %swap3A_132] {strides = array<i32>} : memref<320x128xf32, #tpu.memory_space<vmem>>, vector<16xf32>,
          tpu.vector_store %arg6[%swap3A_131, %swap3A_132], %max3A_130 {strides = array<i32>} : memref<320x128xf32, #tpu.memory_space<vmem>>, vector<16xf32>,
          %get3A_134 = arith.index_cast %sub3A_76 : i32 to index
          %get3A_135 = arith.constant 80 : index
          %get3A_136 = tpu.vector_load %arg6[%get3A_134, %get3A_135] {strides = array<i32>} : memref<320x128xf32, #tpu.memory_space<vmem>>, vector<16xf32>,
          %get3A_137 = arith.index_cast %while3A_72 : i32 to index
          %get3A_138 = arith.constant 80 : index
          %get3A_139 = tpu.vector_load %arg12[%get3A_137, %get3A_138] {strides = array<i32>} : memref<256x128xf32, #tpu.memory_space<vmem>>, vector<16xf32>,
          %max3A_140 = arith.maximumf %get3A_136, %get3A_139 : vector<16xf32>
          %swap3A_141 = arith.index_cast %sub3A_76 : i32 to index
          %swap3A_142 = arith.constant 80 : index
          %swap3A_143 = tpu.vector_load %arg6[%swap3A_141, %swap3A_142] {strides = array<i32>} : memref<320x128xf32, #tpu.memory_space<vmem>>, vector<16xf32>,
          tpu.vector_store %arg6[%swap3A_141, %swap3A_142], %max3A_140 {strides = array<i32>} : memref<320x128xf32, #tpu.memory_space<vmem>>, vector<16xf32>,
          %get3A_144 = arith.index_cast %sub3A_76 : i32 to index
          %get3A_145 = arith.constant 96 : index
          %get3A_146 = tpu.vector_load %arg6[%get3A_144, %get3A_145] {strides = array<i32>} : memref<320x128xf32, #tpu.memory_space<vmem>>, vector<16xf32>,
          %get3A_147 = arith.index_cast %while3A_72 : i32 to index
          %get3A_148 = arith.constant 96 : index
          %get3A_149 = tpu.vector_load %arg12[%get3A_147, %get3A_148] {strides = array<i32>} : memref<256x128xf32, #tpu.memory_space<vmem>>, vector<16xf32>,
          %max3A_150 = arith.maximumf %get3A_146, %get3A_149 : vector<16xf32>
          %swap3A_151 = arith.index_cast %sub3A_76 : i32 to index
          %swap3A_152 = arith.constant 96 : index
          %swap3A_153 = tpu.vector_load %arg6[%swap3A_151, %swap3A_152] {strides = array<i32>} : memref<320x128xf32, #tpu.memory_space<vmem>>, vector<16xf32>,
          tpu.vector_store %arg6[%swap3A_151, %swap3A_152], %max3A_150 {strides = array<i32>} : memref<320x128xf32, #tpu.memory_space<vmem>>, vector<16xf32>,
          %get3A_154 = arith.index_cast %sub3A_76 : i32 to index
          %get3A_155 = arith.constant 112 : index
          %get3A_156 = tpu.vector_load %arg6[%get3A_154, %get3A_155] {strides = array<i32>} : memref<320x128xf32, #tpu.memory_space<vmem>>, vector<16xf32>,
          %get3A_157 = arith.index_cast %while3A_72 : i32 to index
          %get3A_158 = arith.constant 112 : index
          %get3A_159 = tpu.vector_load %arg12[%get3A_157, %get3A_158] {strides = array<i32>} : memref<256x128xf32, #tpu.memory_space<vmem>>, vector<16xf32>,
          %max3A_160 = arith.maximumf %get3A_156, %get3A_159 : vector<16xf32>
          %swap3A_161 = arith.index_cast %sub3A_76 : i32 to index
          %swap3A_162 = arith.constant 112 : index
          %swap3A_163 = tpu.vector_load %arg6[%swap3A_161, %swap3A_162] {strides = array<i32>} : memref<320x128xf32, #tpu.memory_space<vmem>>, vector<16xf32>,
          tpu.vector_store %arg6[%swap3A_161, %swap3A_162], %max3A_160 {strides = array<i32>} : memref<320x128xf32, #tpu.memory_space<vmem>>, vector<16xf32>,
          %while3A_164 = arith.constant 0 : i32
          scf.yield %while3A_164 : i32
        }
        %while3A_69 = arith.constant 1 : i32
        %while3A_70 = scf.for %while3A_72 = %while3A_66 to %while3A_62 step %while3A_69 iter_args(%while3A_73 = %while3A_68) -> (i32)  : i32 {
          %add3A_74 = arith.addi %mul3A_51, %while3A_72 : i32
          %get3A = arith.index_cast %add3A_74 : i32 to index
          %get3A_75 = tpu.vector_load %arg9[%get3A] {strides = array<i32>} : memref<6432xi32, #tpu.memory_space<vmem>>, vector<16xi32>,
          %slice3A = vector.extract_strided_slice %get3A_75 {offsets = [0], sizes = [1], strides = [1]} : vector<16xi32> to vector<1xi32>
          %squeeze3A = vector.extract %slice3A[0] : i32 from vector<1xi32>
          %sub3A_76 = arith.subi %squeeze3A, %mul3A_2 : i32
          %get3A_77 = arith.index_cast %sub3A_76 : i32 to index
          %get3A_78 = tpu.vector_load %arg13[%get3A_77] {strides = array<i32>} : memref<336xf32, #tpu.memory_space<vmem>>, vector<16xf32>,
          %iota3A = tpu.iota {dimensions = array<i32: 0>} : vector<16xi32>
          %eq3A = arith.constant 0 : i32
          %eq3A_79 = vector.broadcast %eq3A : i32 to vector<16xi32>
          %eq3A_80 = arith.cmpi eq, %iota3A, %eq3A_79 : vector<16xi32>
          %jit3A = arith.constant 1.000000e+00 : f32
          %jit3A_81 = arith.constant 0.000000e+00 : f32
          %broadcast_in_dim3A = vector.broadcast %jit3A : f32 to vector<16xf32>
          %broadcast_in_dim3A_82 = vector.broadcast %jit3A_81 : f32 to vector<16xf32>
          %select_n3A = arith.select %eq3A_80, %broadcast_in_dim3A, %broadcast_in_dim3A_82 : vector<16xi1>, vector<16xf32>
          %add3A_83 = arith.addf %get3A_78, %select_n3A : vector<16xf32>
          %swap3A = arith.index_cast %sub3A_76 : i32 to index
          %swap3A_84 = tpu.vector_load %arg13[%swap3A] {strides = array<i32>} : memref<336xf32, #tpu.memory_space<vmem>>, vector<16xf32>,
          tpu.vector_store %arg13[%swap3A], %add3A_83 {strides = array<i32>} : memref<336xf32, #tpu.memory_space<vmem>>, vector<16xf32>,
          %get3A_85 = arith.index_cast %sub3A_76 : i32 to index
          %get3A_86 = arith.constant 0 : index
          %get3A_87 = tpu.vector_load %arg6[%get3A_85, %get3A_86] {strides = array<i32>} : memref<320x128xf32, #tpu.memory_space<vmem>>, vector<16xf32>,
          %get3A_88 = arith.index_cast %while3A_72 : i32 to index
          %get3A_89 = arith.constant 0 : index
          %get3A_90 = tpu.vector_load %arg12[%get3A_88, %get3A_89] {strides = array<i32>} : memref<256x128xf32, #tpu.memory_space<vmem>>, vector<16xf32>,
          %max3A = arith.maximumf %get3A_87, %get3A_90 : vector<16xf32>
          %swap3A_91 = arith.index_cast %sub3A_76 : i32 to index
          %swap3A_92 = arith.constant 0 : index
          %swap3A_93 = tpu.vector_load %arg6[%swap3A_91, %swap3A_92] {strides = array<i32>} : memref<320x128xf32, #tpu.memory_space<vmem>>, vector<16xf32>,
          tpu.vector_store %arg6[%swap3A_91, %swap3A_92], %max3A {strides = array<i32>} : memref<320x128xf32, #tpu.memory_space<vmem>>, vector<16xf32>,
          %get3A_94 = arith.index_cast %sub3A_76 : i32 to index
          %get3A_95 = arith.constant 16 : index
          %get3A_96 = tpu.vector_load %arg6[%get3A_94, %get3A_95] {strides = array<i32>} : memref<320x128xf32, #tpu.memory_space<vmem>>, vector<16xf32>,
          %get3A_97 = arith.index_cast %while3A_72 : i32 to index
          %get3A_98 = arith.constant 16 : index
          %get3A_99 = tpu.vector_load %arg12[%get3A_97, %get3A_98] {strides = array<i32>} : memref<256x128xf32, #tpu.memory_space<vmem>>, vector<16xf32>,
          %max3A_100 = arith.maximumf %get3A_96, %get3A_99 : vector<16xf32>
          %swap3A_101 = arith.index_cast %sub3A_76 : i32 to index
          %swap3A_102 = arith.constant 16 : index
          %swap3A_103 = tpu.vector_load %arg6[%swap3A_101, %swap3A_102] {strides = array<i32>} : memref<320x128xf32, #tpu.memory_space<vmem>>, vector<16xf32>,
          tpu.vector_store %arg6[%swap3A_101, %swap3A_102], %max3A_100 {strides = array<i32>} : memref<320x128xf32, #tpu.memory_space<vmem>>, vector<16xf32>,
          %get3A_104 = arith.index_cast %sub3A_76 : i32 to index
          %get3A_105 = arith.constant 32 : index
          %get3A_106 = tpu.vector_load %arg6[%get3A_104, %get3A_105] {strides = array<i32>} : memref<320x128xf32, #tpu.memory_space<vmem>>, vector<16xf32>,
          %get3A_107 = arith.index_cast %while3A_72 : i32 to index
          %get3A_108 = arith.constant 32 : index
          %get3A_109 = tpu.vector_load %arg12[%get3A_107, %get3A_108] {strides = array<i32>} : memref<256x128xf32, #tpu.memory_space<vmem>>, vector<16xf32>,
          %max3A_110 = arith.maximumf %get3A_106, %get3A_109 : vector<16xf32>
          %swap3A_111 = arith.index_cast %sub3A_76 : i32 to index
          %swap3A_112 = arith.constant 32 : index
          %swap3A_113 = tpu.vector_load %arg6[%swap3A_111, %swap3A_112] {strides = array<i32>} : memref<320x128xf32, #tpu.memory_space<vmem>>, vector<16xf32>,
          tpu.vector_store %arg6[%swap3A_111, %swap3A_112], %max3A_110 {strides = array<i32>} : memref<320x128xf32, #tpu.memory_space<vmem>>, vector<16xf32>,
          %get3A_114 = arith.index_cast %sub3A_76 : i32 to index
          %get3A_115 = arith.constant 48 : index
          %get3A_116 = tpu.vector_load %arg6[%get3A_114, %get3A_115] {strides = array<i32>} : memref<320x128xf32, #tpu.memory_space<vmem>>, vector<16xf32>,
          %get3A_117 = arith.index_cast %while3A_72 : i32 to index
          %get3A_118 = arith.constant 48 : index
          %get3A_119 = tpu.vector_load %arg12[%get3A_117, %get3A_118] {strides = array<i32>} : memref<256x128xf32, #tpu.memory_space<vmem>>, vector<16xf32>,
          %max3A_120 = arith.maximumf %get3A_116, %get3A_119 : vector<16xf32>
          %swap3A_121 = arith.index_cast %sub3A_76 : i32 to index
          %swap3A_122 = arith.constant 48 : index
          %swap3A_123 = tpu.vector_load %arg6[%swap3A_121, %swap3A_122] {strides = array<i32>} : memref<320x128xf32, #tpu.memory_space<vmem>>, vector<16xf32>,
          tpu.vector_store %arg6[%swap3A_121, %swap3A_122], %max3A_120 {strides = array<i32>} : memref<320x128xf32, #tpu.memory_space<vmem>>, vector<16xf32>,
          %get3A_124 = arith.index_cast %sub3A_76 : i32 to index
          %get3A_125 = arith.constant 64 : index
          %get3A_126 = tpu.vector_load %arg6[%get3A_124, %get3A_125] {strides = array<i32>} : memref<320x128xf32, #tpu.memory_space<vmem>>, vector<16xf32>,
          %get3A_127 = arith.index_cast %while3A_72 : i32 to index
          %get3A_128 = arith.constant 64 : index
          %get3A_129 = tpu.vector_load %arg12[%get3A_127, %get3A_128] {strides = array<i32>} : memref<256x128xf32, #tpu.memory_space<vmem>>, vector<16xf32>,
          %max3A_130 = arith.maximumf %get3A_126, %get3A_129 : vector<16xf32>
          %swap3A_131 = arith.index_cast %sub3A_76 : i32 to index
          %swap3A_132 = arith.constant 64 : index
          %swap3A_133 = tpu.vector_load %arg6[%swap3A_131, %swap3A_132] {strides = array<i32>} : memref<320x128xf32, #tpu.memory_space<vmem>>, vector<16xf32>,
          tpu.vector_store %arg6[%swap3A_131, %swap3A_132], %max3A_130 {strides = array<i32>} : memref<320x128xf32, #tpu.memory_space<vmem>>, vector<16xf32>,
          %get3A_134 = arith.index_cast %sub3A_76 : i32 to index
          %get3A_135 = arith.constant 80 : index
          %get3A_136 = tpu.vector_load %arg6[%get3A_134, %get3A_135] {strides = array<i32>} : memref<320x128xf32, #tpu.memory_space<vmem>>, vector<16xf32>,
          %get3A_137 = arith.index_cast %while3A_72 : i32 to index
          %get3A_138 = arith.constant 80 : index
          %get3A_139 = tpu.vector_load %arg12[%get3A_137, %get3A_138] {strides = array<i32>} : memref<256x128xf32, #tpu.memory_space<vmem>>, vector<16xf32>,
          %max3A_140 = arith.maximumf %get3A_136, %get3A_139 : vector<16xf32>
          %swap3A_141 = arith.index_cast %sub3A_76 : i32 to index
          %swap3A_142 = arith.constant 80 : index
          %swap3A_143 = tpu.vector_load %arg6[%swap3A_141, %swap3A_142] {strides = array<i32>} : memref<320x128xf32, #tpu.memory_space<vmem>>, vector<16xf32>,
          tpu.vector_store %arg6[%swap3A_141, %swap3A_142], %max3A_140 {strides = array<i32>} : memref<320x128xf32, #tpu.memory_space<vmem>>, vector<16xf32>,
          %get3A_144 = arith.index_cast %sub3A_76 : i32 to index
          %get3A_145 = arith.constant 96 : index
          %get3A_146 = tpu.vector_load %arg6[%get3A_144, %get3A_145] {strides = array<i32>} : memref<320x128xf32, #tpu.memory_space<vmem>>, vector<16xf32>,
          %get3A_147 = arith.index_cast %while3A_72 : i32 to index
          %get3A_148 = arith.constant 96 : index
          %get3A_149 = tpu.vector_load %arg12[%get3A_147, %get3A_148] {strides = array<i32>} : memref<256x128xf32, #tpu.memory_space<vmem>>, vector<16xf32>,
          %max3A_150 = arith.maximumf %get3A_146, %get3A_149 : vector<16xf32>
          %swap3A_151 = arith.index_cast %sub3A_76 : i32 to index
          %swap3A_152 = arith.constant 96 : index
          %swap3A_153 = tpu.vector_load %arg6[%swap3A_151, %swap3A_152] {strides = array<i32>} : memref<320x128xf32, #tpu.memory_space<vmem>>, vector<16xf32>,
          tpu.vector_store %arg6[%swap3A_151, %swap3A_152], %max3A_150 {strides = array<i32>} : memref<320x128xf32, #tpu.memory_space<vmem>>, vector<16xf32>,
          %get3A_154 = arith.index_cast %sub3A_76 : i32 to index
          %get3A_155 = arith.constant 112 : index
          %get3A_156 = tpu.vector_load %arg6[%get3A_154, %get3A_155] {strides = array<i32>} : memref<320x128xf32, #tpu.memory_space<vmem>>, vector<16xf32>,
          %get3A_157 = arith.index_cast %while3A_72 : i32 to index
          %get3A_158 = arith.constant 112 : index
          %get3A_159 = tpu.vector_load %arg12[%get3A_157, %get3A_158] {strides = array<i32>} : memref<256x128xf32, #tpu.memory_space<vmem>>, vector<16xf32>,
          %max3A_160 = arith.maximumf %get3A_156, %get3A_159 : vector<16xf32>
          %swap3A_161 = arith.index_cast %sub3A_76 : i32 to index
          %swap3A_162 = arith.constant 112 : index
          %swap3A_163 = tpu.vector_load %arg6[%swap3A_161, %swap3A_162] {strides = array<i32>} : memref<320x128xf32, #tpu.memory_space<vmem>>, vector<16xf32>,
          tpu.vector_store %arg6[%swap3A_161, %swap3A_162], %max3A_160 {strides = array<i32>} : memref<320x128xf32, #tpu.memory_space<vmem>>, vector<16xf32>,
          %while3A_164 = arith.constant 0 : i32
          scf.yield %while3A_164 : i32
        }
        %while3A_71 = arith.constant 0 : i32
        scf.yield %while3A_71 : i32
      }
      %while3A_46 = arith.constant 1 : i32
      %while3A_47 = scf.for %while3A_48 = %while3A_43 to %while3A_39 step %while3A_46 iter_args(%while3A_49 = %while3A_45) -> (i32)  : i32 {
        %mul3A_50 = arith.constant 256 : i32
        %mul3A_51 = arith.muli %while3A_48, %mul3A_50 : i32
        %dma_start3A = tpu.memref_slice %arg10[%mul3A_51] : memref<6432xi32, #tpu.memory_space<vmem>> -> memref<256xi32, #tpu.memory_space<vmem>>
        %dma_start3A_52 = arith.constant 0 : i32
        %dma_start3A_53 = arith.constant 0 : i32
        %dma_start3A_54 = tpu.memref_slice %arg2[%dma_start3A_52, %dma_start3A_53] : memref<320000x128xf32, #tpu.memory_space<hbm>> -> memref<320000x128xf32, #tpu.memory_space<hbm>>
        tpu.enqueue_indirect_dma source(%dma_start3A_54 : memref<320000x128xf32, #tpu.memory_space<hbm>>) target(%arg12 : memref<256x128xf32, #tpu.memory_space<vmem>>) offsets(%dma_start3A : memref<256xi32, #tpu.memory_space<vmem>>) semaphore(%arg14 : memref<!tpu.dma_semaphore, #tpu.memory_space<semaphore_mem>>)
        %dma_wait3A = tpu.memref_slice %arg10[%mul3A_51] : memref<6432xi32, #tpu.memory_space<vmem>> -> memref<256xi32, #tpu.memory_space<vmem>>
        %dma_wait3A_55 = arith.constant 0 : i32
        %dma_wait3A_56 = arith.constant 0 : i32
        %dma_wait3A_57 = tpu.memref_slice %arg2[%dma_wait3A_55, %dma_wait3A_56] : memref<320000x128xf32, #tpu.memory_space<hbm>> -> memref<320000x128xf32, #tpu.memory_space<hbm>>
        tpu.wait_indirect_dma semaphore(%arg14 : memref<!tpu.dma_semaphore, #tpu.memory_space<semaphore_mem>>) src(%dma_wait3A_57 : memref<320000x128xf32, #tpu.memory_space<hbm>>) dst(%arg12 : memref<256x128xf32, #tpu.memory_space<vmem>>)
        %sub3A = arith.subi %scan3A_32, %mul3A_51 : i32
        %min3A = arith.constant 256 : i32
        %min3A_58 = arith.minsi %sub3A, %min3A : i32
        %while3A_59 = arith.constant 0 : i32
        %while3A_60 = arith.constant 0 : i32
        %while3A_61 = arith.subi %min3A_58, %while3A_59 : i32
        %while3A_62 = arith.addi %while3A_59, %while3A_61 : i32
        %while3A_63 = arith.constant 1 : i32
        %while3A_64 = arith.divsi %while3A_61, %while3A_63 : i32
        %while3A_65 = arith.muli %while3A_64, %while3A_63 : i32
        %while3A_66 = arith.addi %while3A_59, %while3A_65 : i32
        %while3A_67 = arith.constant 1 : i32
        %while3A_68 = scf.for %while3A_72 = %while3A_59 to %while3A_66 step %while3A_67 iter_args(%while3A_73 = %while3A_60) -> (i32)  : i32 {
          %add3A_74 = arith.addi %mul3A_51, %while3A_72 : i32
          %get3A = arith.index_cast %add3A_74 : i32 to index
          %get3A_75 = tpu.vector_load %arg9[%get3A] {strides = array<i32>} : memref<6432xi32, #tpu.memory_space<vmem>>, vector<16xi32>,
          %slice3A = vector.extract_strided_slice %get3A_75 {offsets = [0], sizes = [1], strides = [1]} : vector<16xi32> to vector<1xi32>
          %squeeze3A = vector.extract %slice3A[0] : i32 from vector<1xi32>
          %sub3A_76 = arith.subi %squeeze3A, %mul3A_2 : i32
          %get3A_77 = arith.index_cast %sub3A_76 : i32 to index
          %get3A_78 = tpu.vector_load %arg13[%get3A_77] {strides = array<i32>} : memref<336xf32, #tpu.memory_space<vmem>>, vector<16xf32>,
          %iota3A = tpu.iota {dimensions = array<i32: 0>} : vector<16xi32>
          %eq3A = arith.constant 0 : i32
          %eq3A_79 = vector.broadcast %eq3A : i32 to vector<16xi32>
          %eq3A_80 = arith.cmpi eq, %iota3A, %eq3A_79 : vector<16xi32>
          %jit3A = arith.constant 1.000000e+00 : f32
          %jit3A_81 = arith.constant 0.000000e+00 : f32
          %broadcast_in_dim3A = vector.broadcast %jit3A : f32 to vector<16xf32>
          %broadcast_in_dim3A_82 = vector.broadcast %jit3A_81 : f32 to vector<16xf32>
          %select_n3A = arith.select %eq3A_80, %broadcast_in_dim3A, %broadcast_in_dim3A_82 : vector<16xi1>, vector<16xf32>
          %add3A_83 = arith.addf %get3A_78, %select_n3A : vector<16xf32>
          %swap3A = arith.index_cast %sub3A_76 : i32 to index
          %swap3A_84 = tpu.vector_load %arg13[%swap3A] {strides = array<i32>} : memref<336xf32, #tpu.memory_space<vmem>>, vector<16xf32>,
          tpu.vector_store %arg13[%swap3A], %add3A_83 {strides = array<i32>} : memref<336xf32, #tpu.memory_space<vmem>>, vector<16xf32>,
          %get3A_85 = arith.index_cast %sub3A_76 : i32 to index
          %get3A_86 = arith.constant 0 : index
          %get3A_87 = tpu.vector_load %arg6[%get3A_85, %get3A_86] {strides = array<i32>} : memref<320x128xf32, #tpu.memory_space<vmem>>, vector<16xf32>,
          %get3A_88 = arith.index_cast %while3A_72 : i32 to index
          %get3A_89 = arith.constant 0 : index
          %get3A_90 = tpu.vector_load %arg12[%get3A_88, %get3A_89] {strides = array<i32>} : memref<256x128xf32, #tpu.memory_space<vmem>>, vector<16xf32>,
          %max3A = arith.maximumf %get3A_87, %get3A_90 : vector<16xf32>
          %swap3A_91 = arith.index_cast %sub3A_76 : i32 to index
          %swap3A_92 = arith.constant 0 : index
          %swap3A_93 = tpu.vector_load %arg6[%swap3A_91, %swap3A_92] {strides = array<i32>} : memref<320x128xf32, #tpu.memory_space<vmem>>, vector<16xf32>,
          tpu.vector_store %arg6[%swap3A_91, %swap3A_92], %max3A {strides = array<i32>} : memref<320x128xf32, #tpu.memory_space<vmem>>, vector<16xf32>,
          %get3A_94 = arith.index_cast %sub3A_76 : i32 to index
          %get3A_95 = arith.constant 16 : index
          %get3A_96 = tpu.vector_load %arg6[%get3A_94, %get3A_95] {strides = array<i32>} : memref<320x128xf32, #tpu.memory_space<vmem>>, vector<16xf32>,
          %get3A_97 = arith.index_cast %while3A_72 : i32 to index
          %get3A_98 = arith.constant 16 : index
          %get3A_99 = tpu.vector_load %arg12[%get3A_97, %get3A_98] {strides = array<i32>} : memref<256x128xf32, #tpu.memory_space<vmem>>, vector<16xf32>,
          %max3A_100 = arith.maximumf %get3A_96, %get3A_99 : vector<16xf32>
          %swap3A_101 = arith.index_cast %sub3A_76 : i32 to index
          %swap3A_102 = arith.constant 16 : index
          %swap3A_103 = tpu.vector_load %arg6[%swap3A_101, %swap3A_102] {strides = array<i32>} : memref<320x128xf32, #tpu.memory_space<vmem>>, vector<16xf32>,
          tpu.vector_store %arg6[%swap3A_101, %swap3A_102], %max3A_100 {strides = array<i32>} : memref<320x128xf32, #tpu.memory_space<vmem>>, vector<16xf32>,
          %get3A_104 = arith.index_cast %sub3A_76 : i32 to index
          %get3A_105 = arith.constant 32 : index
          %get3A_106 = tpu.vector_load %arg6[%get3A_104, %get3A_105] {strides = array<i32>} : memref<320x128xf32, #tpu.memory_space<vmem>>, vector<16xf32>,
          %get3A_107 = arith.index_cast %while3A_72 : i32 to index
          %get3A_108 = arith.constant 32 : index
          %get3A_109 = tpu.vector_load %arg12[%get3A_107, %get3A_108] {strides = array<i32>} : memref<256x128xf32, #tpu.memory_space<vmem>>, vector<16xf32>,
          %max3A_110 = arith.maximumf %get3A_106, %get3A_109 : vector<16xf32>
          %swap3A_111 = arith.index_cast %sub3A_76 : i32 to index
          %swap3A_112 = arith.constant 32 : index
          %swap3A_113 = tpu.vector_load %arg6[%swap3A_111, %swap3A_112] {strides = array<i32>} : memref<320x128xf32, #tpu.memory_space<vmem>>, vector<16xf32>,
          tpu.vector_store %arg6[%swap3A_111, %swap3A_112], %max3A_110 {strides = array<i32>} : memref<320x128xf32, #tpu.memory_space<vmem>>, vector<16xf32>,
          %get3A_114 = arith.index_cast %sub3A_76 : i32 to index
          %get3A_115 = arith.constant 48 : index
          %get3A_116 = tpu.vector_load %arg6[%get3A_114, %get3A_115] {strides = array<i32>} : memref<320x128xf32, #tpu.memory_space<vmem>>, vector<16xf32>,
          %get3A_117 = arith.index_cast %while3A_72 : i32 to index
          %get3A_118 = arith.constant 48 : index
          %get3A_119 = tpu.vector_load %arg12[%get3A_117, %get3A_118] {strides = array<i32>} : memref<256x128xf32, #tpu.memory_space<vmem>>, vector<16xf32>,
          %max3A_120 = arith.maximumf %get3A_116, %get3A_119 : vector<16xf32>
          %swap3A_121 = arith.index_cast %sub3A_76 : i32 to index
          %swap3A_122 = arith.constant 48 : index
          %swap3A_123 = tpu.vector_load %arg6[%swap3A_121, %swap3A_122] {strides = array<i32>} : memref<320x128xf32, #tpu.memory_space<vmem>>, vector<16xf32>,
          tpu.vector_store %arg6[%swap3A_121, %swap3A_122], %max3A_120 {strides = array<i32>} : memref<320x128xf32, #tpu.memory_space<vmem>>, vector<16xf32>,
          %get3A_124 = arith.index_cast %sub3A_76 : i32 to index
          %get3A_125 = arith.constant 64 : index
          %get3A_126 = tpu.vector_load %arg6[%get3A_124, %get3A_125] {strides = array<i32>} : memref<320x128xf32, #tpu.memory_space<vmem>>, vector<16xf32>,
          %get3A_127 = arith.index_cast %while3A_72 : i32 to index
          %get3A_128 = arith.constant 64 : index
          %get3A_129 = tpu.vector_load %arg12[%get3A_127, %get3A_128] {strides = array<i32>} : memref<256x128xf32, #tpu.memory_space<vmem>>, vector<16xf32>,
          %max3A_130 = arith.maximumf %get3A_126, %get3A_129 : vector<16xf32>
          %swap3A_131 = arith.index_cast %sub3A_76 : i32 to index
          %swap3A_132 = arith.constant 64 : index
          %swap3A_133 = tpu.vector_load %arg6[%swap3A_131, %swap3A_132] {strides = array<i32>} : memref<320x128xf32, #tpu.memory_space<vmem>>, vector<16xf32>,
          tpu.vector_store %arg6[%swap3A_131, %swap3A_132], %max3A_130 {strides = array<i32>} : memref<320x128xf32, #tpu.memory_space<vmem>>, vector<16xf32>,
          %get3A_134 = arith.index_cast %sub3A_76 : i32 to index
          %get3A_135 = arith.constant 80 : index
          %get3A_136 = tpu.vector_load %arg6[%get3A_134, %get3A_135] {strides = array<i32>} : memref<320x128xf32, #tpu.memory_space<vmem>>, vector<16xf32>,
          %get3A_137 = arith.index_cast %while3A_72 : i32 to index
          %get3A_138 = arith.constant 80 : index
          %get3A_139 = tpu.vector_load %arg12[%get3A_137, %get3A_138] {strides = array<i32>} : memref<256x128xf32, #tpu.memory_space<vmem>>, vector<16xf32>,
          %max3A_140 = arith.maximumf %get3A_136, %get3A_139 : vector<16xf32>
          %swap3A_141 = arith.index_cast %sub3A_76 : i32 to index
          %swap3A_142 = arith.constant 80 : index
          %swap3A_143 = tpu.vector_load %arg6[%swap3A_141, %swap3A_142] {strides = array<i32>} : memref<320x128xf32, #tpu.memory_space<vmem>>, vector<16xf32>,
          tpu.vector_store %arg6[%swap3A_141, %swap3A_142], %max3A_140 {strides = array<i32>} : memref<320x128xf32, #tpu.memory_space<vmem>>, vector<16xf32>,
          %get3A_144 = arith.index_cast %sub3A_76 : i32 to index
          %get3A_145 = arith.constant 96 : index
          %get3A_146 = tpu.vector_load %arg6[%get3A_144, %get3A_145] {strides = array<i32>} : memref<320x128xf32, #tpu.memory_space<vmem>>, vector<16xf32>,
          %get3A_147 = arith.index_cast %while3A_72 : i32 to index
          %get3A_148 = arith.constant 96 : index
          %get3A_149 = tpu.vector_load %arg12[%get3A_147, %get3A_148] {strides = array<i32>} : memref<256x128xf32, #tpu.memory_space<vmem>>, vector<16xf32>,
          %max3A_150 = arith.maximumf %get3A_146, %get3A_149 : vector<16xf32>
          %swap3A_151 = arith.index_cast %sub3A_76 : i32 to index
          %swap3A_152 = arith.constant 96 : index
          %swap3A_153 = tpu.vector_load %arg6[%swap3A_151, %swap3A_152] {strides = array<i32>} : memref<320x128xf32, #tpu.memory_space<vmem>>, vector<16xf32>,
          tpu.vector_store %arg6[%swap3A_151, %swap3A_152], %max3A_150 {strides = array<i32>} : memref<320x128xf32, #tpu.memory_space<vmem>>, vector<16xf32>,
          %get3A_154 = arith.index_cast %sub3A_76 : i32 to index
          %get3A_155 = arith.constant 112 : index
          %get3A_156 = tpu.vector_load %arg6[%get3A_154, %get3A_155] {strides = array<i32>} : memref<320x128xf32, #tpu.memory_space<vmem>>, vector<16xf32>,
          %get3A_157 = arith.index_cast %while3A_72 : i32 to index
          %get3A_158 = arith.constant 112 : index
          %get3A_159 = tpu.vector_load %arg12[%get3A_157, %get3A_158] {strides = array<i32>} : memref<256x128xf32, #tpu.memory_space<vmem>>, vector<16xf32>,
          %max3A_160 = arith.maximumf %get3A_156, %get3A_159 : vector<16xf32>
          %swap3A_161 = arith.index_cast %sub3A_76 : i32 to index
          %swap3A_162 = arith.constant 112 : index
          %swap3A_163 = tpu.vector_load %arg6[%swap3A_161, %swap3A_162] {strides = array<i32>} : memref<320x128xf32, #tpu.memory_space<vmem>>, vector<16xf32>,
          tpu.vector_store %arg6[%swap3A_161, %swap3A_162], %max3A_160 {strides = array<i32>} : memref<320x128xf32, #tpu.memory_space<vmem>>, vector<16xf32>,
          %while3A_164 = arith.constant 0 : i32
          scf.yield %while3A_164 : i32
        }
        %while3A_69 = arith.constant 1 : i32
        %while3A_70 = scf.for %while3A_72 = %while3A_66 to %while3A_62 step %while3A_69 iter_args(%while3A_73 = %while3A_68) -> (i32)  : i32 {
          %add3A_74 = arith.addi %mul3A_51, %while3A_72 : i32
          %get3A = arith.index_cast %add3A_74 : i32 to index
          %get3A_75 = tpu.vector_load %arg9[%get3A] {strides = array<i32>} : memref<6432xi32, #tpu.memory_space<vmem>>, vector<16xi32>,
          %slice3A = vector.extract_strided_slice %get3A_75 {offsets = [0], sizes = [1], strides = [1]} : vector<16xi32> to vector<1xi32>
          %squeeze3A = vector.extract %slice3A[0] : i32 from vector<1xi32>
          %sub3A_76 = arith.subi %squeeze3A, %mul3A_2 : i32
          %get3A_77 = arith.index_cast %sub3A_76 : i32 to index
          %get3A_78 = tpu.vector_load %arg13[%get3A_77] {strides = array<i32>} : memref<336xf32, #tpu.memory_space<vmem>>, vector<16xf32>,
          %iota3A = tpu.iota {dimensions = array<i32: 0>} : vector<16xi32>
          %eq3A = arith.constant 0 : i32
          %eq3A_79 = vector.broadcast %eq3A : i32 to vector<16xi32>
          %eq3A_80 = arith.cmpi eq, %iota3A, %eq3A_79 : vector<16xi32>
          %jit3A = arith.constant 1.000000e+00 : f32
          %jit3A_81 = arith.constant 0.000000e+00 : f32
          %broadcast_in_dim3A = vector.broadcast %jit3A : f32 to vector<16xf32>
          %broadcast_in_dim3A_82 = vector.broadcast %jit3A_81 : f32 to vector<16xf32>
          %select_n3A = arith.select %eq3A_80, %broadcast_in_dim3A, %broadcast_in_dim3A_82 : vector<16xi1>, vector<16xf32>
          %add3A_83 = arith.addf %get3A_78, %select_n3A : vector<16xf32>
          %swap3A = arith.index_cast %sub3A_76 : i32 to index
          %swap3A_84 = tpu.vector_load %arg13[%swap3A] {strides = array<i32>} : memref<336xf32, #tpu.memory_space<vmem>>, vector<16xf32>,
          tpu.vector_store %arg13[%swap3A], %add3A_83 {strides = array<i32>} : memref<336xf32, #tpu.memory_space<vmem>>, vector<16xf32>,
          %get3A_85 = arith.index_cast %sub3A_76 : i32 to index
          %get3A_86 = arith.constant 0 : index
          %get3A_87 = tpu.vector_load %arg6[%get3A_85, %get3A_86] {strides = array<i32>} : memref<320x128xf32, #tpu.memory_space<vmem>>, vector<16xf32>,
          %get3A_88 = arith.index_cast %while3A_72 : i32 to index
          %get3A_89 = arith.constant 0 : index
          %get3A_90 = tpu.vector_load %arg12[%get3A_88, %get3A_89] {strides = array<i32>} : memref<256x128xf32, #tpu.memory_space<vmem>>, vector<16xf32>,
          %max3A = arith.maximumf %get3A_87, %get3A_90 : vector<16xf32>
          %swap3A_91 = arith.index_cast %sub3A_76 : i32 to index
          %swap3A_92 = arith.constant 0 : index
          %swap3A_93 = tpu.vector_load %arg6[%swap3A_91, %swap3A_92] {strides = array<i32>} : memref<320x128xf32, #tpu.memory_space<vmem>>, vector<16xf32>,
          tpu.vector_store %arg6[%swap3A_91, %swap3A_92], %max3A {strides = array<i32>} : memref<320x128xf32, #tpu.memory_space<vmem>>, vector<16xf32>,
          %get3A_94 = arith.index_cast %sub3A_76 : i32 to index
          %get3A_95 = arith.constant 16 : index
          %get3A_96 = tpu.vector_load %arg6[%get3A_94, %get3A_95] {strides = array<i32>} : memref<320x128xf32, #tpu.memory_space<vmem>>, vector<16xf32>,
          %get3A_97 = arith.index_cast %while3A_72 : i32 to index
          %get3A_98 = arith.constant 16 : index
          %get3A_99 = tpu.vector_load %arg12[%get3A_97, %get3A_98] {strides = array<i32>} : memref<256x128xf32, #tpu.memory_space<vmem>>, vector<16xf32>,
          %max3A_100 = arith.maximumf %get3A_96, %get3A_99 : vector<16xf32>
          %swap3A_101 = arith.index_cast %sub3A_76 : i32 to index
          %swap3A_102 = arith.constant 16 : index
          %swap3A_103 = tpu.vector_load %arg6[%swap3A_101, %swap3A_102] {strides = array<i32>} : memref<320x128xf32, #tpu.memory_space<vmem>>, vector<16xf32>,
          tpu.vector_store %arg6[%swap3A_101, %swap3A_102], %max3A_100 {strides = array<i32>} : memref<320x128xf32, #tpu.memory_space<vmem>>, vector<16xf32>,
          %get3A_104 = arith.index_cast %sub3A_76 : i32 to index
          %get3A_105 = arith.constant 32 : index
          %get3A_106 = tpu.vector_load %arg6[%get3A_104, %get3A_105] {strides = array<i32>} : memref<320x128xf32, #tpu.memory_space<vmem>>, vector<16xf32>,
          %get3A_107 = arith.index_cast %while3A_72 : i32 to index
          %get3A_108 = arith.constant 32 : index
          %get3A_109 = tpu.vector_load %arg12[%get3A_107, %get3A_108] {strides = array<i32>} : memref<256x128xf32, #tpu.memory_space<vmem>>, vector<16xf32>,
          %max3A_110 = arith.maximumf %get3A_106, %get3A_109 : vector<16xf32>
          %swap3A_111 = arith.index_cast %sub3A_76 : i32 to index
          %swap3A_112 = arith.constant 32 : index
          %swap3A_113 = tpu.vector_load %arg6[%swap3A_111, %swap3A_112] {strides = array<i32>} : memref<320x128xf32, #tpu.memory_space<vmem>>, vector<16xf32>,
          tpu.vector_store %arg6[%swap3A_111, %swap3A_112], %max3A_110 {strides = array<i32>} : memref<320x128xf32, #tpu.memory_space<vmem>>, vector<16xf32>,
          %get3A_114 = arith.index_cast %sub3A_76 : i32 to index
          %get3A_115 = arith.constant 48 : index
          %get3A_116 = tpu.vector_load %arg6[%get3A_114, %get3A_115] {strides = array<i32>} : memref<320x128xf32, #tpu.memory_space<vmem>>, vector<16xf32>,
          %get3A_117 = arith.index_cast %while3A_72 : i32 to index
          %get3A_118 = arith.constant 48 : index
          %get3A_119 = tpu.vector_load %arg12[%get3A_117, %get3A_118] {strides = array<i32>} : memref<256x128xf32, #tpu.memory_space<vmem>>, vector<16xf32>,
          %max3A_120 = arith.maximumf %get3A_116, %get3A_119 : vector<16xf32>
          %swap3A_121 = arith.index_cast %sub3A_76 : i32 to index
          %swap3A_122 = arith.constant 48 : index
          %swap3A_123 = tpu.vector_load %arg6[%swap3A_121, %swap3A_122] {strides = array<i32>} : memref<320x128xf32, #tpu.memory_space<vmem>>, vector<16xf32>,
          tpu.vector_store %arg6[%swap3A_121, %swap3A_122], %max3A_120 {strides = array<i32>} : memref<320x128xf32, #tpu.memory_space<vmem>>, vector<16xf32>,
          %get3A_124 = arith.index_cast %sub3A_76 : i32 to index
          %get3A_125 = arith.constant 64 : index
          %get3A_126 = tpu.vector_load %arg6[%get3A_124, %get3A_125] {strides = array<i32>} : memref<320x128xf32, #tpu.memory_space<vmem>>, vector<16xf32>,
          %get3A_127 = arith.index_cast %while3A_72 : i32 to index
          %get3A_128 = arith.constant 64 : index
          %get3A_129 = tpu.vector_load %arg12[%get3A_127, %get3A_128] {strides = array<i32>} : memref<256x128xf32, #tpu.memory_space<vmem>>, vector<16xf32>,
          %max3A_130 = arith.maximumf %get3A_126, %get3A_129 : vector<16xf32>
          %swap3A_131 = arith.index_cast %sub3A_76 : i32 to index
          %swap3A_132 = arith.constant 64 : index
          %swap3A_133 = tpu.vector_load %arg6[%swap3A_131, %swap3A_132] {strides = array<i32>} : memref<320x128xf32, #tpu.memory_space<vmem>>, vector<16xf32>,
          tpu.vector_store %arg6[%swap3A_131, %swap3A_132], %max3A_130 {strides = array<i32>} : memref<320x128xf32, #tpu.memory_space<vmem>>, vector<16xf32>,
          %get3A_134 = arith.index_cast %sub3A_76 : i32 to index
          %get3A_135 = arith.constant 80 : index
          %get3A_136 = tpu.vector_load %arg6[%get3A_134, %get3A_135] {strides = array<i32>} : memref<320x128xf32, #tpu.memory_space<vmem>>, vector<16xf32>,
          %get3A_137 = arith.index_cast %while3A_72 : i32 to index
          %get3A_138 = arith.constant 80 : index
          %get3A_139 = tpu.vector_load %arg12[%get3A_137, %get3A_138] {strides = array<i32>} : memref<256x128xf32, #tpu.memory_space<vmem>>, vector<16xf32>,
          %max3A_140 = arith.maximumf %get3A_136, %get3A_139 : vector<16xf32>
          %swap3A_141 = arith.index_cast %sub3A_76 : i32 to index
          %swap3A_142 = arith.constant 80 : index
          %swap3A_143 = tpu.vector_load %arg6[%swap3A_141, %swap3A_142] {strides = array<i32>} : memref<320x128xf32, #tpu.memory_space<vmem>>, vector<16xf32>,
          tpu.vector_store %arg6[%swap3A_141, %swap3A_142], %max3A_140 {strides = array<i32>} : memref<320x128xf32, #tpu.memory_space<vmem>>, vector<16xf32>,
          %get3A_144 = arith.index_cast %sub3A_76 : i32 to index
          %get3A_145 = arith.constant 96 : index
          %get3A_146 = tpu.vector_load %arg6[%get3A_144, %get3A_145] {strides = array<i32>} : memref<320x128xf32, #tpu.memory_space<vmem>>, vector<16xf32>,
          %get3A_147 = arith.index_cast %while3A_72 : i32 to index
          %get3A_148 = arith.constant 96 : index
          %get3A_149 = tpu.vector_load %arg12[%get3A_147, %get3A_148] {strides = array<i32>} : memref<256x128xf32, #tpu.memory_space<vmem>>, vector<16xf32>,
          %max3A_150 = arith.maximumf %get3A_146, %get3A_149 : vector<16xf32>
          %swap3A_151 = arith.index_cast %sub3A_76 : i32 to index
          %swap3A_152 = arith.constant 96 : index
          %swap3A_153 = tpu.vector_load %arg6[%swap3A_151, %swap3A_152] {strides = array<i32>} : memref<320x128xf32, #tpu.memory_space<vmem>>, vector<16xf32>,
          tpu.vector_store %arg6[%swap3A_151, %swap3A_152], %max3A_150 {strides = array<i32>} : memref<320x128xf32, #tpu.memory_space<vmem>>, vector<16xf32>,
          %get3A_154 = arith.index_cast %sub3A_76 : i32 to index
          %get3A_155 = arith.constant 112 : index
          %get3A_156 = tpu.vector_load %arg6[%get3A_154, %get3A_155] {strides = array<i32>} : memref<320x128xf32, #tpu.memory_space<vmem>>, vector<16xf32>,
          %get3A_157 = arith.index_cast %while3A_72 : i32 to index
          %get3A_158 = arith.constant 112 : index
          %get3A_159 = tpu.vector_load %arg12[%get3A_157, %get3A_158] {strides = array<i32>} : memref<256x128xf32, #tpu.memory_space<vmem>>, vector<16xf32>,
          %max3A_160 = arith.maximumf %get3A_156, %get3A_159 : vector<16xf32>
          %swap3A_161 = arith.index_cast %sub3A_76 : i32 to index
          %swap3A_162 = arith.constant 112 : index
          %swap3A_163 = tpu.vector_load %arg6[%swap3A_161, %swap3A_162] {strides = array<i32>} : memref<320x128xf32, #tpu.memory_space<vmem>>, vector<16xf32>,
          tpu.vector_store %arg6[%swap3A_161, %swap3A_162], %max3A_160 {strides = array<i32>} : memref<320x128xf32, #tpu.memory_space<vmem>>, vector<16xf32>,
          %while3A_164 = arith.constant 0 : i32
          scf.yield %while3A_164 : i32
        }
        %while3A_71 = arith.constant 0 : i32
        scf.yield %while3A_71 : i32
      }
    }
    %scan3A_21 = arith.constant 50 : i32
    "tpu.region"() ({
      %run_scoped3A = tpu.sem_alloc : memref<!tpu.dma_semaphore, #tpu.memory_space<semaphore_mem>>
      %dma_start3A = arith.constant 0 : i32
      %dma_start3A_22 = tpu.memref_slice %arg4[%mul3A_2, %dma_start3A] : memref<10240x128xf32, #tpu.memory_space<hbm>> -> memref<320x128xf32, #tpu.memory_space<hbm>>
      %dma_start3A_23 = arith.constant 0 : i32
      %dma_start3A_24 = tpu.memref_slice %arg4[%mul3A_2, %dma_start3A_23] : memref<10240x128xf32, #tpu.memory_space<hbm>> -> memref<320x128xf32, #tpu.memory_space<hbm>>
      tpu.enqueue_dma source(%arg6 : memref<320x128xf32, #tpu.memory_space<vmem>>) target(%dma_start3A_24 : memref<320x128xf32, #tpu.memory_space<hbm>>) target_semaphore(%run_scoped3A : memref<!tpu.dma_semaphore, #tpu.memory_space<semaphore_mem>>)
      %dma_wait3A = arith.constant 0 : i32
      %dma_wait3A_25 = tpu.memref_slice %arg4[%mul3A_2, %dma_wait3A] : memref<10240x128xf32, #tpu.memory_space<hbm>> -> memref<320x128xf32, #tpu.memory_space<hbm>>
      %dma_wait3A_26 = arith.constant 0 : i32
      %dma_wait3A_27 = tpu.memref_slice %arg4[%mul3A_2, %dma_wait3A_26] : memref<10240x128xf32, #tpu.memory_space<hbm>> -> memref<320x128xf32, #tpu.memory_space<hbm>>
      tpu.wait_dma2 semaphore(%run_scoped3A : memref<!tpu.dma_semaphore, #tpu.memory_space<semaphore_mem>>) src(%arg6 : memref<320x128xf32, #tpu.memory_space<vmem>>) dst(%dma_wait3A_27 : memref<320x128xf32, #tpu.memory_space<hbm>>)
      tpu.yield
    }) : () -> ()
    "tpu.region"() ({
      %run_scoped3A = tpu.sem_alloc : memref<!tpu.dma_semaphore, #tpu.memory_space<semaphore_mem>>
      %dma_start3A = arith.constant 0 : i32
      %dma_start3A_22 = tpu.memref_slice %arg13[%dma_start3A] : memref<336xf32, #tpu.memory_space<vmem>> -> memref<320xf32, #tpu.memory_space<vmem>>
      %dma_start3A_23 = tpu.memref_slice %arg5[%mul3A_2] : memref<10240xf32, #tpu.memory_space<hbm>> -> memref<320xf32, #tpu.memory_space<hbm>>
      %dma_start3A_24 = tpu.memref_slice %arg5[%mul3A_2] : memref<10240xf32, #tpu.memory_space<hbm>> -> memref<320xf32, #tpu.memory_space<hbm>>
      %dma_start3A_25 = arith.constant 0 : i32
      %dma_start3A_26 = tpu.memref_slice %arg13[%dma_start3A_25] : memref<336xf32, #tpu.memory_space<vmem>> -> memref<320xf32, #tpu.memory_space<vmem>>
      tpu.enqueue_dma source(%dma_start3A_26 : memref<320xf32, #tpu.memory_space<vmem>>) target(%dma_start3A_24 : memref<320xf32, #tpu.memory_space<hbm>>) target_semaphore(%run_scoped3A : memref<!tpu.dma_semaphore, #tpu.memory_space<semaphore_mem>>)
      %dma_wait3A = arith.constant 0 : i32
      %dma_wait3A_27 = tpu.memref_slice %arg13[%dma_wait3A] : memref<336xf32, #tpu.memory_space<vmem>> -> memref<320xf32, #tpu.memory_space<vmem>>
      %dma_wait3A_28 = tpu.memref_slice %arg5[%mul3A_2] : memref<10240xf32, #tpu.memory_space<hbm>> -> memref<320xf32, #tpu.memory_space<hbm>>
      %dma_wait3A_29 = tpu.memref_slice %arg5[%mul3A_2] : memref<10240xf32, #tpu.memory_space<hbm>> -> memref<320xf32, #tpu.memory_space<hbm>>
      %dma_wait3A_30 = arith.constant 0 : i32
      %dma_wait3A_31 = tpu.memref_slice %arg13[%dma_wait3A_30] : memref<336xf32, #tpu.memory_space<vmem>> -> memref<320xf32, #tpu.memory_space<vmem>>
      tpu.wait_dma2 semaphore(%run_scoped3A : memref<!tpu.dma_semaphore, #tpu.memory_space<semaphore_mem>>) src(%dma_wait3A_31 : memref<320xf32, #tpu.memory_space<vmem>>) dst(%dma_wait3A_29 : memref<320xf32, #tpu.memory_space<hbm>>)
      tpu.yield
    }) : () -> ()
    return
  }
}

#map = affine_map<(d0, d1) -> (0, 0)>
#map1 = affine_map<(d0, d1) -> (0)>
module attributes {stable_mosaic.version = 14 : i64} {
  func.func @k(%arg0: i32, %arg1: i32, %arg2: memref<10000x128xf32, #tpu.memory_space<hbm>>, %arg3: memref<320000xi32, #tpu.memory_space<hbm>>, %arg4: memref<320000xi32, #tpu.memory_space<hbm>>, %arg5: memref<10240x128xf32, #tpu.memory_space<hbm>>, %arg6: memref<320x128xf32, #tpu.memory_space<vmem>>, %arg7: memref<6400xi32, #tpu.memory_space<vmem>>, %arg8: memref<6400xi32, #tpu.memory_space<vmem>>, %arg9: memref<6432xi32, #tpu.memory_space<vmem>>, %arg10: memref<6432xi32, #tpu.memory_space<vmem>>, %arg11: memref<256xi32, #tpu.memory_space<vmem>>, %arg12: memref<256x128xf32, #tpu.memory_space<vmem>>, %arg13: memref<336xf32, #tpu.memory_space<vmem>>, %arg14: memref<!tpu.dma_semaphore, #tpu.memory_space<semaphore_mem>>) attributes {dimension_semantics = [#tpu.dimension_semantics<core_parallel>, #tpu.dimension_semantics<subcore_parallel>], iteration_bounds = array<i64: 2, 16>, scalar_prefetch = 0 : i64, scratch_operands = 9 : i64, tpu.core_type = #tpu.core_type<sc_vector_subcore>, window_params = [{transform_indices = #map}, {transform_indices = #map1}, {transform_indices = #map1}, {transform_indices = #map}]} {
    %mul3A = arith.constant 2 : i32
    %mul3A_0 = arith.muli %arg1, %mul3A : i32
    %add3A = arith.addi %mul3A_0, %arg0 : i32
    %mul3A_1 = arith.constant 320 : i32
    %mul3A_2 = arith.muli %add3A, %mul3A_1 : i32
    %scan3A = arith.constant 0 : i32
    %scan3A_3 = arith.constant 320 : i32
    %scan3A_4 = arith.addi %scan3A, %scan3A_3 : i32
    %scan3A_5 = arith.constant 1 : i32
    scf.for %scan3A_17 = %scan3A to %scan3A_4 step %scan3A_5  : i32 {
      %mul3A_18 = arith.constant 1 : i32
      %mul3A_19 = arith.muli %scan3A_17, %mul3A_18 : i32
      %add3A_20 = arith.constant 0 : i32
      %add3A_21 = arith.addi %add3A_20, %mul3A_19 : i32
      %broadcast_in_dim3A = arith.constant -3.000000e+38 : f32
      %broadcast_in_dim3A_22 = vector.broadcast %broadcast_in_dim3A : f32 to vector<16xf32>
      %swap3A = arith.index_cast %add3A_21 : i32 to index
      %swap3A_23 = arith.constant 0 : index
      %swap3A_24 = tpu.vector_load %arg6[%swap3A, %swap3A_23] {strides = array<i32>} : memref<320x128xf32, #tpu.memory_space<vmem>>, vector<16xf32>,
      tpu.vector_store %arg6[%swap3A, %swap3A_23], %broadcast_in_dim3A_22 {strides = array<i32>} : memref<320x128xf32, #tpu.memory_space<vmem>>, vector<16xf32>,
      %broadcast_in_dim3A_25 = arith.constant -3.000000e+38 : f32
      %broadcast_in_dim3A_26 = vector.broadcast %broadcast_in_dim3A_25 : f32 to vector<16xf32>
      %swap3A_27 = arith.index_cast %add3A_21 : i32 to index
      %swap3A_28 = arith.constant 16 : index
      %swap3A_29 = tpu.vector_load %arg6[%swap3A_27, %swap3A_28] {strides = array<i32>} : memref<320x128xf32, #tpu.memory_space<vmem>>, vector<16xf32>,
      tpu.vector_store %arg6[%swap3A_27, %swap3A_28], %broadcast_in_dim3A_26 {strides = array<i32>} : memref<320x128xf32, #tpu.memory_space<vmem>>, vector<16xf32>,
      %broadcast_in_dim3A_30 = arith.constant -3.000000e+38 : f32
      %broadcast_in_dim3A_31 = vector.broadcast %broadcast_in_dim3A_30 : f32 to vector<16xf32>
      %swap3A_32 = arith.index_cast %add3A_21 : i32 to index
      %swap3A_33 = arith.constant 32 : index
      %swap3A_34 = tpu.vector_load %arg6[%swap3A_32, %swap3A_33] {strides = array<i32>} : memref<320x128xf32, #tpu.memory_space<vmem>>, vector<16xf32>,
      tpu.vector_store %arg6[%swap3A_32, %swap3A_33], %broadcast_in_dim3A_31 {strides = array<i32>} : memref<320x128xf32, #tpu.memory_space<vmem>>, vector<16xf32>,
      %broadcast_in_dim3A_35 = arith.constant -3.000000e+38 : f32
      %broadcast_in_dim3A_36 = vector.broadcast %broadcast_in_dim3A_35 : f32 to vector<16xf32>
      %swap3A_37 = arith.index_cast %add3A_21 : i32 to index
      %swap3A_38 = arith.constant 48 : index
      %swap3A_39 = tpu.vector_load %arg6[%swap3A_37, %swap3A_38] {strides = array<i32>} : memref<320x128xf32, #tpu.memory_space<vmem>>, vector<16xf32>,
      tpu.vector_store %arg6[%swap3A_37, %swap3A_38], %broadcast_in_dim3A_36 {strides = array<i32>} : memref<320x128xf32, #tpu.memory_space<vmem>>, vector<16xf32>,
      %broadcast_in_dim3A_40 = arith.constant -3.000000e+38 : f32
      %broadcast_in_dim3A_41 = vector.broadcast %broadcast_in_dim3A_40 : f32 to vector<16xf32>
      %swap3A_42 = arith.index_cast %add3A_21 : i32 to index
      %swap3A_43 = arith.constant 64 : index
      %swap3A_44 = tpu.vector_load %arg6[%swap3A_42, %swap3A_43] {strides = array<i32>} : memref<320x128xf32, #tpu.memory_space<vmem>>, vector<16xf32>,
      tpu.vector_store %arg6[%swap3A_42, %swap3A_43], %broadcast_in_dim3A_41 {strides = array<i32>} : memref<320x128xf32, #tpu.memory_space<vmem>>, vector<16xf32>,
      %broadcast_in_dim3A_45 = arith.constant -3.000000e+38 : f32
      %broadcast_in_dim3A_46 = vector.broadcast %broadcast_in_dim3A_45 : f32 to vector<16xf32>
      %swap3A_47 = arith.index_cast %add3A_21 : i32 to index
      %swap3A_48 = arith.constant 80 : index
      %swap3A_49 = tpu.vector_load %arg6[%swap3A_47, %swap3A_48] {strides = array<i32>} : memref<320x128xf32, #tpu.memory_space<vmem>>, vector<16xf32>,
      tpu.vector_store %arg6[%swap3A_47, %swap3A_48], %broadcast_in_dim3A_46 {strides = array<i32>} : memref<320x128xf32, #tpu.memory_space<vmem>>, vector<16xf32>,
      %broadcast_in_dim3A_50 = arith.constant -3.000000e+38 : f32
      %broadcast_in_dim3A_51 = vector.broadcast %broadcast_in_dim3A_50 : f32 to vector<16xf32>
      %swap3A_52 = arith.index_cast %add3A_21 : i32 to index
      %swap3A_53 = arith.constant 96 : index
      %swap3A_54 = tpu.vector_load %arg6[%swap3A_52, %swap3A_53] {strides = array<i32>} : memref<320x128xf32, #tpu.memory_space<vmem>>, vector<16xf32>,
      tpu.vector_store %arg6[%swap3A_52, %swap3A_53], %broadcast_in_dim3A_51 {strides = array<i32>} : memref<320x128xf32, #tpu.memory_space<vmem>>, vector<16xf32>,
      %broadcast_in_dim3A_55 = arith.constant -3.000000e+38 : f32
      %broadcast_in_dim3A_56 = vector.broadcast %broadcast_in_dim3A_55 : f32 to vector<16xf32>
      %swap3A_57 = arith.index_cast %add3A_21 : i32 to index
      %swap3A_58 = arith.constant 112 : index
      %swap3A_59 = tpu.vector_load %arg6[%swap3A_57, %swap3A_58] {strides = array<i32>} : memref<320x128xf32, #tpu.memory_space<vmem>>, vector<16xf32>,
      tpu.vector_store %arg6[%swap3A_57, %swap3A_58], %broadcast_in_dim3A_56 {strides = array<i32>} : memref<320x128xf32, #tpu.memory_space<vmem>>, vector<16xf32>,
    }
    %scan3A_6 = arith.constant 320 : i32
    %scan3A_7 = arith.constant 0 : i32
    %scan3A_8 = arith.constant 402 : i32
    %scan3A_9 = arith.addi %scan3A_7, %scan3A_8 : i32
    %scan3A_10 = arith.constant 1 : i32
    scf.for %scan3A_17 = %scan3A_7 to %scan3A_9 step %scan3A_10  : i32 {
      %mul3A_18 = arith.constant 16 : i32
      %mul3A_19 = arith.muli %scan3A_17, %mul3A_18 : i32
      %add3A_20 = arith.constant 0 : i32
      %add3A_21 = arith.addi %add3A_20, %mul3A_19 : i32
      %broadcast_in_dim3A = arith.constant 0 : i32
      %broadcast_in_dim3A_22 = vector.broadcast %broadcast_in_dim3A : i32 to vector<16xi32>
      %swap3A = arith.index_cast %add3A_21 : i32 to index
      %swap3A_23 = tpu.vector_load %arg9[%swap3A] {strides = array<i32>} : memref<6432xi32, #tpu.memory_space<vmem>>, vector<16xi32>,
      tpu.vector_store %arg9[%swap3A], %broadcast_in_dim3A_22 {strides = array<i32>} : memref<6432xi32, #tpu.memory_space<vmem>>, vector<16xi32>,
      %iota3A = tpu.iota {dimensions = array<i32: 0>} : vector<16xi32>
      %add3A_24 = vector.broadcast %add3A_21 : i32 to vector<16xi32>
      %add3A_25 = arith.addi %add3A_24, %iota3A : vector<16xi32>
      %and3A = arith.constant 8191 : i32
      %and3A_26 = vector.broadcast %and3A : i32 to vector<16xi32>
      %and3A_27 = arith.andi %add3A_25, %and3A_26 : vector<16xi32>
      %swap3A_28 = arith.index_cast %add3A_21 : i32 to index
      %swap3A_29 = tpu.vector_load %arg10[%swap3A_28] {strides = array<i32>} : memref<6432xi32, #tpu.memory_space<vmem>>, vector<16xi32>,
      tpu.vector_store %arg10[%swap3A_28], %and3A_27 {strides = array<i32>} : memref<6432xi32, #tpu.memory_space<vmem>>, vector<16xi32>,
    }
    %scan3A_11 = arith.constant 402 : i32
    %scan3A_12 = arith.constant 0 : i32
    %scan3A_13 = arith.constant 50 : i32
    %scan3A_14 = arith.addi %scan3A_12, %scan3A_13 : i32
    %scan3A_15 = arith.constant 1 : i32
    scf.for %scan3A_17 = %scan3A_12 to %scan3A_14 step %scan3A_15  : i32 {
      %mul3A_18 = arith.constant 6400 : i32
      %mul3A_19 = arith.muli %scan3A_17, %mul3A_18 : i32
      %add3A_20 = arith.constant 0 : i32
      %add3A_21 = arith.addi %add3A_20, %mul3A_19 : i32
      "tpu.region"() ({
        %run_scoped3A = tpu.sem_alloc : memref<!tpu.dma_semaphore, #tpu.memory_space<semaphore_mem>>
        %dma_start3A = tpu.memref_slice %arg3[%add3A_21] : memref<320000xi32, #tpu.memory_space<hbm>> -> memref<6400xi32, #tpu.memory_space<hbm>>
        %dma_start3A_43 = tpu.memref_slice %arg3[%add3A_21] : memref<320000xi32, #tpu.memory_space<hbm>> -> memref<6400xi32, #tpu.memory_space<hbm>>
        tpu.enqueue_dma source(%dma_start3A_43 : memref<6400xi32, #tpu.memory_space<hbm>>) target(%arg7 : memref<6400xi32, #tpu.memory_space<vmem>>) target_semaphore(%run_scoped3A : memref<!tpu.dma_semaphore, #tpu.memory_space<semaphore_mem>>)
        %dma_wait3A = tpu.memref_slice %arg3[%add3A_21] : memref<320000xi32, #tpu.memory_space<hbm>> -> memref<6400xi32, #tpu.memory_space<hbm>>
        %dma_wait3A_44 = tpu.memref_slice %arg3[%add3A_21] : memref<320000xi32, #tpu.memory_space<hbm>> -> memref<6400xi32, #tpu.memory_space<hbm>>
        tpu.wait_dma2 semaphore(%run_scoped3A : memref<!tpu.dma_semaphore, #tpu.memory_space<semaphore_mem>>) src(%dma_wait3A_44 : memref<6400xi32, #tpu.memory_space<hbm>>) dst(%arg7 : memref<6400xi32, #tpu.memory_space<vmem>>)
        tpu.yield
      }) : () -> ()
      "tpu.region"() ({
        %run_scoped3A = tpu.sem_alloc : memref<!tpu.dma_semaphore, #tpu.memory_space<semaphore_mem>>
        %dma_start3A = tpu.memref_slice %arg4[%add3A_21] : memref<320000xi32, #tpu.memory_space<hbm>> -> memref<6400xi32, #tpu.memory_space<hbm>>
        %dma_start3A_43 = tpu.memref_slice %arg4[%add3A_21] : memref<320000xi32, #tpu.memory_space<hbm>> -> memref<6400xi32, #tpu.memory_space<hbm>>
        tpu.enqueue_dma source(%dma_start3A_43 : memref<6400xi32, #tpu.memory_space<hbm>>) target(%arg8 : memref<6400xi32, #tpu.memory_space<vmem>>) target_semaphore(%run_scoped3A : memref<!tpu.dma_semaphore, #tpu.memory_space<semaphore_mem>>)
        %dma_wait3A = tpu.memref_slice %arg4[%add3A_21] : memref<320000xi32, #tpu.memory_space<hbm>> -> memref<6400xi32, #tpu.memory_space<hbm>>
        %dma_wait3A_44 = tpu.memref_slice %arg4[%add3A_21] : memref<320000xi32, #tpu.memory_space<hbm>> -> memref<6400xi32, #tpu.memory_space<hbm>>
        tpu.wait_dma2 semaphore(%run_scoped3A : memref<!tpu.dma_semaphore, #tpu.memory_space<semaphore_mem>>) src(%dma_wait3A_44 : memref<6400xi32, #tpu.memory_space<hbm>>) dst(%arg8 : memref<6400xi32, #tpu.memory_space<vmem>>)
        tpu.yield
      }) : () -> ()
      %scan3A_22 = arith.constant 0 : i32
      %scan3A_23 = arith.constant 0 : i32
      %scan3A_24 = arith.constant 400 : i32
      %scan3A_25 = arith.addi %scan3A_23, %scan3A_24 : i32
      %scan3A_26 = arith.constant 1 : i32
      %scan3A_27 = scf.for %scan3A_43 = %scan3A_23 to %scan3A_25 step %scan3A_26 iter_args(%scan3A_44 = %scan3A_22) -> (i32)  : i32 {
        %mul3A_45 = arith.constant 16 : i32
        %mul3A_46 = arith.muli %scan3A_43, %mul3A_45 : i32
        %get3A = arith.index_cast %mul3A_46 : i32 to index
        %get3A_47 = tpu.vector_load %arg7[%get3A] {strides = array<i32>} : memref<6400xi32, #tpu.memory_space<vmem>>, vector<16xi32>,
        %mul3A_48 = arith.constant 16 : i32
        %mul3A_49 = arith.muli %scan3A_43, %mul3A_48 : i32
        %get3A_50 = arith.index_cast %mul3A_49 : i32 to index
        %get3A_51 = tpu.vector_load %arg8[%get3A_50] {strides = array<i32>} : memref<6400xi32, #tpu.memory_space<vmem>>, vector<16xi32>,
        %ge3A = vector.broadcast %mul3A_2 : i32 to vector<16xi32>
        %ge3A_52 = arith.cmpi sge, %get3A_47, %ge3A : vector<16xi32>
        %add3A_53 = arith.constant 320 : i32
        %add3A_54 = arith.addi %mul3A_2, %add3A_53 : i32
        %lt3A = vector.broadcast %add3A_54 : i32 to vector<16xi32>
        %lt3A_55 = arith.cmpi slt, %get3A_47, %lt3A : vector<16xi32>
        %and3A = arith.andi %ge3A_52, %lt3A_55 : vector<16xi1>
        %jit3A = arith.constant 1 : i32
        %jit3A_56 = arith.constant 0 : i32
        %broadcast_in_dim3A = vector.broadcast %jit3A : i32 to vector<16xi32>
        %broadcast_in_dim3A_57 = vector.broadcast %jit3A_56 : i32 to vector<16xi32>
        %select_n3A = arith.select %and3A, %broadcast_in_dim3A, %broadcast_in_dim3A_57 : vector<16xi1>, vector<16xi32>
        %sub3A = arith.constant 1 : i32
        %sub3A_58 = arith.subi %scan3A_44, %sub3A : i32
        %broadcast_in_dim3A_59 = arith.constant true
        %broadcast_in_dim3A_60 = vector.broadcast %broadcast_in_dim3A_59 : i1 to vector<16xi1>
        %masked_cumsum3A = tpu.scan <sum>, %select_n3A masked %broadcast_in_dim3A_60 : vector<16xi32>, vector<16xi1> -> vector<16xi32>
        %add3A_61 = vector.broadcast %sub3A_58 : i32 to vector<16xi32>
        %add3A_62 = arith.addi %add3A_61, %masked_cumsum3A : vector<16xi32>
        tpu.vector_store_idx %arg9[%add3A_62], %get3A_47 masked %and3A : memref<6432xi32, #tpu.memory_space<vmem>>[vector<16xi32>], vector<16xi32>, vector<16xi1>
        tpu.vector_store_idx %arg10[%add3A_62], %get3A_51 masked %and3A : memref<6432xi32, #tpu.memory_space<vmem>>[vector<16xi32>], vector<16xi32>, vector<16xi1>
        %reduce_sum3A = arith.constant true
        %reduce_sum3A_63 = vector.broadcast %reduce_sum3A : i1 to vector<16xi1>
        %reduce_sum3A_64 = tpu.scan <sum>, %select_n3A masked %reduce_sum3A_63 : vector<16xi32>, vector<16xi1> -> vector<16xi32>
        %reduce_sum3A_65 = vector.extract %reduce_sum3A_64[15] : i32 from vector<16xi32>
        %add3A_66 = arith.addi %scan3A_44, %reduce_sum3A_65 : i32
        scf.yield %add3A_66 : i32
      }
      %scan3A_28 = arith.constant 400 : i32
      %add3A_29 = arith.constant 255 : i32
      %add3A_30 = arith.addi %scan3A_27, %add3A_29 : i32
      %div3A = arith.constant 256 : i32
      %div3A_31 = arith.divsi %add3A_30, %div3A : i32
      %while3A = arith.constant 0 : i32
      %while3A_32 = arith.constant 0 : i32
      %while3A_33 = arith.subi %div3A_31, %while3A : i32
      %while3A_34 = arith.addi %while3A, %while3A_33 : i32
      %while3A_35 = arith.constant 1 : i32
      %while3A_36 = arith.divsi %while3A_33, %while3A_35 : i32
      %while3A_37 = arith.muli %while3A_36, %while3A_35 : i32
      %while3A_38 = arith.addi %while3A, %while3A_37 : i32
      %while3A_39 = arith.constant 1 : i32
      %while3A_40 = scf.for %while3A_43 = %while3A to %while3A_38 step %while3A_39 iter_args(%while3A_44 = %while3A_32) -> (i32)  : i32 {
        %mul3A_45 = arith.constant 256 : i32
        %mul3A_46 = arith.muli %while3A_43, %mul3A_45 : i32
        %dma_start3A = tpu.memref_slice %arg10[%mul3A_46] : memref<6432xi32, #tpu.memory_space<vmem>> -> memref<256xi32, #tpu.memory_space<vmem>>
        %dma_start3A_47 = arith.constant 0 : i32
        %dma_start3A_48 = arith.constant 0 : i32
        %dma_start3A_49 = tpu.memref_slice %arg2[%dma_start3A_47, %dma_start3A_48] : memref<10000x128xf32, #tpu.memory_space<hbm>> -> memref<10000x128xf32, #tpu.memory_space<hbm>>
        tpu.enqueue_indirect_dma source(%dma_start3A_49 : memref<10000x128xf32, #tpu.memory_space<hbm>>) target(%arg12 : memref<256x128xf32, #tpu.memory_space<vmem>>) offsets(%dma_start3A : memref<256xi32, #tpu.memory_space<vmem>>) semaphore(%arg14 : memref<!tpu.dma_semaphore, #tpu.memory_space<semaphore_mem>>)
        %dma_wait3A = tpu.memref_slice %arg10[%mul3A_46] : memref<6432xi32, #tpu.memory_space<vmem>> -> memref<256xi32, #tpu.memory_space<vmem>>
        %dma_wait3A_50 = arith.constant 0 : i32
        %dma_wait3A_51 = arith.constant 0 : i32
        %dma_wait3A_52 = tpu.memref_slice %arg2[%dma_wait3A_50, %dma_wait3A_51] : memref<10000x128xf32, #tpu.memory_space<hbm>> -> memref<10000x128xf32, #tpu.memory_space<hbm>>
        tpu.wait_indirect_dma semaphore(%arg14 : memref<!tpu.dma_semaphore, #tpu.memory_space<semaphore_mem>>) src(%dma_wait3A_52 : memref<10000x128xf32, #tpu.memory_space<hbm>>) dst(%arg12 : memref<256x128xf32, #tpu.memory_space<vmem>>)
        %sub3A = arith.subi %scan3A_27, %mul3A_46 : i32
        %min3A = arith.constant 256 : i32
        %min3A_53 = arith.minsi %sub3A, %min3A : i32
        %while3A_54 = arith.constant 0 : i32
        %while3A_55 = arith.constant 0 : i32
        %while3A_56 = arith.subi %min3A_53, %while3A_54 : i32
        %while3A_57 = arith.addi %while3A_54, %while3A_56 : i32
        %while3A_58 = arith.constant 1 : i32
        %while3A_59 = arith.divsi %while3A_56, %while3A_58 : i32
        %while3A_60 = arith.muli %while3A_59, %while3A_58 : i32
        %while3A_61 = arith.addi %while3A_54, %while3A_60 : i32
        %while3A_62 = arith.constant 1 : i32
        %while3A_63 = scf.for %while3A_67 = %while3A_54 to %while3A_61 step %while3A_62 iter_args(%while3A_68 = %while3A_55) -> (i32)  : i32 {
          %add3A_69 = arith.addi %mul3A_46, %while3A_67 : i32
          %get3A = arith.index_cast %add3A_69 : i32 to index
          %get3A_70 = tpu.vector_load %arg9[%get3A] {strides = array<i32>} : memref<6432xi32, #tpu.memory_space<vmem>>, vector<16xi32>,
          %slice3A = vector.extract_strided_slice %get3A_70 {offsets = [0], sizes = [1], strides = [1]} : vector<16xi32> to vector<1xi32>
          %squeeze3A = vector.extract %slice3A[0] : i32 from vector<1xi32>
          %sub3A_71 = arith.subi %squeeze3A, %mul3A_2 : i32
          %get3A_72 = arith.index_cast %sub3A_71 : i32 to index
          %get3A_73 = arith.constant 0 : index
          %get3A_74 = tpu.vector_load %arg6[%get3A_72, %get3A_73] {strides = array<i32>} : memref<320x128xf32, #tpu.memory_space<vmem>>, vector<16xf32>,
          %get3A_75 = arith.index_cast %while3A_67 : i32 to index
          %get3A_76 = arith.constant 0 : index
          %get3A_77 = tpu.vector_load %arg12[%get3A_75, %get3A_76] {strides = array<i32>} : memref<256x128xf32, #tpu.memory_space<vmem>>, vector<16xf32>,
          %max3A = arith.maximumf %get3A_74, %get3A_77 : vector<16xf32>
          %swap3A = arith.index_cast %sub3A_71 : i32 to index
          %swap3A_78 = arith.constant 0 : index
          %swap3A_79 = tpu.vector_load %arg6[%swap3A, %swap3A_78] {strides = array<i32>} : memref<320x128xf32, #tpu.memory_space<vmem>>, vector<16xf32>,
          tpu.vector_store %arg6[%swap3A, %swap3A_78], %max3A {strides = array<i32>} : memref<320x128xf32, #tpu.memory_space<vmem>>, vector<16xf32>,
          %get3A_80 = arith.index_cast %sub3A_71 : i32 to index
          %get3A_81 = arith.constant 16 : index
          %get3A_82 = tpu.vector_load %arg6[%get3A_80, %get3A_81] {strides = array<i32>} : memref<320x128xf32, #tpu.memory_space<vmem>>, vector<16xf32>,
          %get3A_83 = arith.index_cast %while3A_67 : i32 to index
          %get3A_84 = arith.constant 16 : index
          %get3A_85 = tpu.vector_load %arg12[%get3A_83, %get3A_84] {strides = array<i32>} : memref<256x128xf32, #tpu.memory_space<vmem>>, vector<16xf32>,
          %max3A_86 = arith.maximumf %get3A_82, %get3A_85 : vector<16xf32>
          %swap3A_87 = arith.index_cast %sub3A_71 : i32 to index
          %swap3A_88 = arith.constant 16 : index
          %swap3A_89 = tpu.vector_load %arg6[%swap3A_87, %swap3A_88] {strides = array<i32>} : memref<320x128xf32, #tpu.memory_space<vmem>>, vector<16xf32>,
          tpu.vector_store %arg6[%swap3A_87, %swap3A_88], %max3A_86 {strides = array<i32>} : memref<320x128xf32, #tpu.memory_space<vmem>>, vector<16xf32>,
          %get3A_90 = arith.index_cast %sub3A_71 : i32 to index
          %get3A_91 = arith.constant 32 : index
          %get3A_92 = tpu.vector_load %arg6[%get3A_90, %get3A_91] {strides = array<i32>} : memref<320x128xf32, #tpu.memory_space<vmem>>, vector<16xf32>,
          %get3A_93 = arith.index_cast %while3A_67 : i32 to index
          %get3A_94 = arith.constant 32 : index
          %get3A_95 = tpu.vector_load %arg12[%get3A_93, %get3A_94] {strides = array<i32>} : memref<256x128xf32, #tpu.memory_space<vmem>>, vector<16xf32>,
          %max3A_96 = arith.maximumf %get3A_92, %get3A_95 : vector<16xf32>
          %swap3A_97 = arith.index_cast %sub3A_71 : i32 to index
          %swap3A_98 = arith.constant 32 : index
          %swap3A_99 = tpu.vector_load %arg6[%swap3A_97, %swap3A_98] {strides = array<i32>} : memref<320x128xf32, #tpu.memory_space<vmem>>, vector<16xf32>,
          tpu.vector_store %arg6[%swap3A_97, %swap3A_98], %max3A_96 {strides = array<i32>} : memref<320x128xf32, #tpu.memory_space<vmem>>, vector<16xf32>,
          %get3A_100 = arith.index_cast %sub3A_71 : i32 to index
          %get3A_101 = arith.constant 48 : index
          %get3A_102 = tpu.vector_load %arg6[%get3A_100, %get3A_101] {strides = array<i32>} : memref<320x128xf32, #tpu.memory_space<vmem>>, vector<16xf32>,
          %get3A_103 = arith.index_cast %while3A_67 : i32 to index
          %get3A_104 = arith.constant 48 : index
          %get3A_105 = tpu.vector_load %arg12[%get3A_103, %get3A_104] {strides = array<i32>} : memref<256x128xf32, #tpu.memory_space<vmem>>, vector<16xf32>,
          %max3A_106 = arith.maximumf %get3A_102, %get3A_105 : vector<16xf32>
          %swap3A_107 = arith.index_cast %sub3A_71 : i32 to index
          %swap3A_108 = arith.constant 48 : index
          %swap3A_109 = tpu.vector_load %arg6[%swap3A_107, %swap3A_108] {strides = array<i32>} : memref<320x128xf32, #tpu.memory_space<vmem>>, vector<16xf32>,
          tpu.vector_store %arg6[%swap3A_107, %swap3A_108], %max3A_106 {strides = array<i32>} : memref<320x128xf32, #tpu.memory_space<vmem>>, vector<16xf32>,
          %get3A_110 = arith.index_cast %sub3A_71 : i32 to index
          %get3A_111 = arith.constant 64 : index
          %get3A_112 = tpu.vector_load %arg6[%get3A_110, %get3A_111] {strides = array<i32>} : memref<320x128xf32, #tpu.memory_space<vmem>>, vector<16xf32>,
          %get3A_113 = arith.index_cast %while3A_67 : i32 to index
          %get3A_114 = arith.constant 64 : index
          %get3A_115 = tpu.vector_load %arg12[%get3A_113, %get3A_114] {strides = array<i32>} : memref<256x128xf32, #tpu.memory_space<vmem>>, vector<16xf32>,
          %max3A_116 = arith.maximumf %get3A_112, %get3A_115 : vector<16xf32>
          %swap3A_117 = arith.index_cast %sub3A_71 : i32 to index
          %swap3A_118 = arith.constant 64 : index
          %swap3A_119 = tpu.vector_load %arg6[%swap3A_117, %swap3A_118] {strides = array<i32>} : memref<320x128xf32, #tpu.memory_space<vmem>>, vector<16xf32>,
          tpu.vector_store %arg6[%swap3A_117, %swap3A_118], %max3A_116 {strides = array<i32>} : memref<320x128xf32, #tpu.memory_space<vmem>>, vector<16xf32>,
          %get3A_120 = arith.index_cast %sub3A_71 : i32 to index
          %get3A_121 = arith.constant 80 : index
          %get3A_122 = tpu.vector_load %arg6[%get3A_120, %get3A_121] {strides = array<i32>} : memref<320x128xf32, #tpu.memory_space<vmem>>, vector<16xf32>,
          %get3A_123 = arith.index_cast %while3A_67 : i32 to index
          %get3A_124 = arith.constant 80 : index
          %get3A_125 = tpu.vector_load %arg12[%get3A_123, %get3A_124] {strides = array<i32>} : memref<256x128xf32, #tpu.memory_space<vmem>>, vector<16xf32>,
          %max3A_126 = arith.maximumf %get3A_122, %get3A_125 : vector<16xf32>
          %swap3A_127 = arith.index_cast %sub3A_71 : i32 to index
          %swap3A_128 = arith.constant 80 : index
          %swap3A_129 = tpu.vector_load %arg6[%swap3A_127, %swap3A_128] {strides = array<i32>} : memref<320x128xf32, #tpu.memory_space<vmem>>, vector<16xf32>,
          tpu.vector_store %arg6[%swap3A_127, %swap3A_128], %max3A_126 {strides = array<i32>} : memref<320x128xf32, #tpu.memory_space<vmem>>, vector<16xf32>,
          %get3A_130 = arith.index_cast %sub3A_71 : i32 to index
          %get3A_131 = arith.constant 96 : index
          %get3A_132 = tpu.vector_load %arg6[%get3A_130, %get3A_131] {strides = array<i32>} : memref<320x128xf32, #tpu.memory_space<vmem>>, vector<16xf32>,
          %get3A_133 = arith.index_cast %while3A_67 : i32 to index
          %get3A_134 = arith.constant 96 : index
          %get3A_135 = tpu.vector_load %arg12[%get3A_133, %get3A_134] {strides = array<i32>} : memref<256x128xf32, #tpu.memory_space<vmem>>, vector<16xf32>,
          %max3A_136 = arith.maximumf %get3A_132, %get3A_135 : vector<16xf32>
          %swap3A_137 = arith.index_cast %sub3A_71 : i32 to index
          %swap3A_138 = arith.constant 96 : index
          %swap3A_139 = tpu.vector_load %arg6[%swap3A_137, %swap3A_138] {strides = array<i32>} : memref<320x128xf32, #tpu.memory_space<vmem>>, vector<16xf32>,
          tpu.vector_store %arg6[%swap3A_137, %swap3A_138], %max3A_136 {strides = array<i32>} : memref<320x128xf32, #tpu.memory_space<vmem>>, vector<16xf32>,
          %get3A_140 = arith.index_cast %sub3A_71 : i32 to index
          %get3A_141 = arith.constant 112 : index
          %get3A_142 = tpu.vector_load %arg6[%get3A_140, %get3A_141] {strides = array<i32>} : memref<320x128xf32, #tpu.memory_space<vmem>>, vector<16xf32>,
          %get3A_143 = arith.index_cast %while3A_67 : i32 to index
          %get3A_144 = arith.constant 112 : index
          %get3A_145 = tpu.vector_load %arg12[%get3A_143, %get3A_144] {strides = array<i32>} : memref<256x128xf32, #tpu.memory_space<vmem>>, vector<16xf32>,
          %max3A_146 = arith.maximumf %get3A_142, %get3A_145 : vector<16xf32>
          %swap3A_147 = arith.index_cast %sub3A_71 : i32 to index
          %swap3A_148 = arith.constant 112 : index
          %swap3A_149 = tpu.vector_load %arg6[%swap3A_147, %swap3A_148] {strides = array<i32>} : memref<320x128xf32, #tpu.memory_space<vmem>>, vector<16xf32>,
          tpu.vector_store %arg6[%swap3A_147, %swap3A_148], %max3A_146 {strides = array<i32>} : memref<320x128xf32, #tpu.memory_space<vmem>>, vector<16xf32>,
          %while3A_150 = arith.constant 0 : i32
          scf.yield %while3A_150 : i32
        }
        %while3A_64 = arith.constant 1 : i32
        %while3A_65 = scf.for %while3A_67 = %while3A_61 to %while3A_57 step %while3A_64 iter_args(%while3A_68 = %while3A_63) -> (i32)  : i32 {
          %add3A_69 = arith.addi %mul3A_46, %while3A_67 : i32
          %get3A = arith.index_cast %add3A_69 : i32 to index
          %get3A_70 = tpu.vector_load %arg9[%get3A] {strides = array<i32>} : memref<6432xi32, #tpu.memory_space<vmem>>, vector<16xi32>,
          %slice3A = vector.extract_strided_slice %get3A_70 {offsets = [0], sizes = [1], strides = [1]} : vector<16xi32> to vector<1xi32>
          %squeeze3A = vector.extract %slice3A[0] : i32 from vector<1xi32>
          %sub3A_71 = arith.subi %squeeze3A, %mul3A_2 : i32
          %get3A_72 = arith.index_cast %sub3A_71 : i32 to index
          %get3A_73 = arith.constant 0 : index
          %get3A_74 = tpu.vector_load %arg6[%get3A_72, %get3A_73] {strides = array<i32>} : memref<320x128xf32, #tpu.memory_space<vmem>>, vector<16xf32>,
          %get3A_75 = arith.index_cast %while3A_67 : i32 to index
          %get3A_76 = arith.constant 0 : index
          %get3A_77 = tpu.vector_load %arg12[%get3A_75, %get3A_76] {strides = array<i32>} : memref<256x128xf32, #tpu.memory_space<vmem>>, vector<16xf32>,
          %max3A = arith.maximumf %get3A_74, %get3A_77 : vector<16xf32>
          %swap3A = arith.index_cast %sub3A_71 : i32 to index
          %swap3A_78 = arith.constant 0 : index
          %swap3A_79 = tpu.vector_load %arg6[%swap3A, %swap3A_78] {strides = array<i32>} : memref<320x128xf32, #tpu.memory_space<vmem>>, vector<16xf32>,
          tpu.vector_store %arg6[%swap3A, %swap3A_78], %max3A {strides = array<i32>} : memref<320x128xf32, #tpu.memory_space<vmem>>, vector<16xf32>,
          %get3A_80 = arith.index_cast %sub3A_71 : i32 to index
          %get3A_81 = arith.constant 16 : index
          %get3A_82 = tpu.vector_load %arg6[%get3A_80, %get3A_81] {strides = array<i32>} : memref<320x128xf32, #tpu.memory_space<vmem>>, vector<16xf32>,
          %get3A_83 = arith.index_cast %while3A_67 : i32 to index
          %get3A_84 = arith.constant 16 : index
          %get3A_85 = tpu.vector_load %arg12[%get3A_83, %get3A_84] {strides = array<i32>} : memref<256x128xf32, #tpu.memory_space<vmem>>, vector<16xf32>,
          %max3A_86 = arith.maximumf %get3A_82, %get3A_85 : vector<16xf32>
          %swap3A_87 = arith.index_cast %sub3A_71 : i32 to index
          %swap3A_88 = arith.constant 16 : index
          %swap3A_89 = tpu.vector_load %arg6[%swap3A_87, %swap3A_88] {strides = array<i32>} : memref<320x128xf32, #tpu.memory_space<vmem>>, vector<16xf32>,
          tpu.vector_store %arg6[%swap3A_87, %swap3A_88], %max3A_86 {strides = array<i32>} : memref<320x128xf32, #tpu.memory_space<vmem>>, vector<16xf32>,
          %get3A_90 = arith.index_cast %sub3A_71 : i32 to index
          %get3A_91 = arith.constant 32 : index
          %get3A_92 = tpu.vector_load %arg6[%get3A_90, %get3A_91] {strides = array<i32>} : memref<320x128xf32, #tpu.memory_space<vmem>>, vector<16xf32>,
          %get3A_93 = arith.index_cast %while3A_67 : i32 to index
          %get3A_94 = arith.constant 32 : index
          %get3A_95 = tpu.vector_load %arg12[%get3A_93, %get3A_94] {strides = array<i32>} : memref<256x128xf32, #tpu.memory_space<vmem>>, vector<16xf32>,
          %max3A_96 = arith.maximumf %get3A_92, %get3A_95 : vector<16xf32>
          %swap3A_97 = arith.index_cast %sub3A_71 : i32 to index
          %swap3A_98 = arith.constant 32 : index
          %swap3A_99 = tpu.vector_load %arg6[%swap3A_97, %swap3A_98] {strides = array<i32>} : memref<320x128xf32, #tpu.memory_space<vmem>>, vector<16xf32>,
          tpu.vector_store %arg6[%swap3A_97, %swap3A_98], %max3A_96 {strides = array<i32>} : memref<320x128xf32, #tpu.memory_space<vmem>>, vector<16xf32>,
          %get3A_100 = arith.index_cast %sub3A_71 : i32 to index
          %get3A_101 = arith.constant 48 : index
          %get3A_102 = tpu.vector_load %arg6[%get3A_100, %get3A_101] {strides = array<i32>} : memref<320x128xf32, #tpu.memory_space<vmem>>, vector<16xf32>,
          %get3A_103 = arith.index_cast %while3A_67 : i32 to index
          %get3A_104 = arith.constant 48 : index
          %get3A_105 = tpu.vector_load %arg12[%get3A_103, %get3A_104] {strides = array<i32>} : memref<256x128xf32, #tpu.memory_space<vmem>>, vector<16xf32>,
          %max3A_106 = arith.maximumf %get3A_102, %get3A_105 : vector<16xf32>
          %swap3A_107 = arith.index_cast %sub3A_71 : i32 to index
          %swap3A_108 = arith.constant 48 : index
          %swap3A_109 = tpu.vector_load %arg6[%swap3A_107, %swap3A_108] {strides = array<i32>} : memref<320x128xf32, #tpu.memory_space<vmem>>, vector<16xf32>,
          tpu.vector_store %arg6[%swap3A_107, %swap3A_108], %max3A_106 {strides = array<i32>} : memref<320x128xf32, #tpu.memory_space<vmem>>, vector<16xf32>,
          %get3A_110 = arith.index_cast %sub3A_71 : i32 to index
          %get3A_111 = arith.constant 64 : index
          %get3A_112 = tpu.vector_load %arg6[%get3A_110, %get3A_111] {strides = array<i32>} : memref<320x128xf32, #tpu.memory_space<vmem>>, vector<16xf32>,
          %get3A_113 = arith.index_cast %while3A_67 : i32 to index
          %get3A_114 = arith.constant 64 : index
          %get3A_115 = tpu.vector_load %arg12[%get3A_113, %get3A_114] {strides = array<i32>} : memref<256x128xf32, #tpu.memory_space<vmem>>, vector<16xf32>,
          %max3A_116 = arith.maximumf %get3A_112, %get3A_115 : vector<16xf32>
          %swap3A_117 = arith.index_cast %sub3A_71 : i32 to index
          %swap3A_118 = arith.constant 64 : index
          %swap3A_119 = tpu.vector_load %arg6[%swap3A_117, %swap3A_118] {strides = array<i32>} : memref<320x128xf32, #tpu.memory_space<vmem>>, vector<16xf32>,
          tpu.vector_store %arg6[%swap3A_117, %swap3A_118], %max3A_116 {strides = array<i32>} : memref<320x128xf32, #tpu.memory_space<vmem>>, vector<16xf32>,
          %get3A_120 = arith.index_cast %sub3A_71 : i32 to index
          %get3A_121 = arith.constant 80 : index
          %get3A_122 = tpu.vector_load %arg6[%get3A_120, %get3A_121] {strides = array<i32>} : memref<320x128xf32, #tpu.memory_space<vmem>>, vector<16xf32>,
          %get3A_123 = arith.index_cast %while3A_67 : i32 to index
          %get3A_124 = arith.constant 80 : index
          %get3A_125 = tpu.vector_load %arg12[%get3A_123, %get3A_124] {strides = array<i32>} : memref<256x128xf32, #tpu.memory_space<vmem>>, vector<16xf32>,
          %max3A_126 = arith.maximumf %get3A_122, %get3A_125 : vector<16xf32>
          %swap3A_127 = arith.index_cast %sub3A_71 : i32 to index
          %swap3A_128 = arith.constant 80 : index
          %swap3A_129 = tpu.vector_load %arg6[%swap3A_127, %swap3A_128] {strides = array<i32>} : memref<320x128xf32, #tpu.memory_space<vmem>>, vector<16xf32>,
          tpu.vector_store %arg6[%swap3A_127, %swap3A_128], %max3A_126 {strides = array<i32>} : memref<320x128xf32, #tpu.memory_space<vmem>>, vector<16xf32>,
          %get3A_130 = arith.index_cast %sub3A_71 : i32 to index
          %get3A_131 = arith.constant 96 : index
          %get3A_132 = tpu.vector_load %arg6[%get3A_130, %get3A_131] {strides = array<i32>} : memref<320x128xf32, #tpu.memory_space<vmem>>, vector<16xf32>,
          %get3A_133 = arith.index_cast %while3A_67 : i32 to index
          %get3A_134 = arith.constant 96 : index
          %get3A_135 = tpu.vector_load %arg12[%get3A_133, %get3A_134] {strides = array<i32>} : memref<256x128xf32, #tpu.memory_space<vmem>>, vector<16xf32>,
          %max3A_136 = arith.maximumf %get3A_132, %get3A_135 : vector<16xf32>
          %swap3A_137 = arith.index_cast %sub3A_71 : i32 to index
          %swap3A_138 = arith.constant 96 : index
          %swap3A_139 = tpu.vector_load %arg6[%swap3A_137, %swap3A_138] {strides = array<i32>} : memref<320x128xf32, #tpu.memory_space<vmem>>, vector<16xf32>,
          tpu.vector_store %arg6[%swap3A_137, %swap3A_138], %max3A_136 {strides = array<i32>} : memref<320x128xf32, #tpu.memory_space<vmem>>, vector<16xf32>,
          %get3A_140 = arith.index_cast %sub3A_71 : i32 to index
          %get3A_141 = arith.constant 112 : index
          %get3A_142 = tpu.vector_load %arg6[%get3A_140, %get3A_141] {strides = array<i32>} : memref<320x128xf32, #tpu.memory_space<vmem>>, vector<16xf32>,
          %get3A_143 = arith.index_cast %while3A_67 : i32 to index
          %get3A_144 = arith.constant 112 : index
          %get3A_145 = tpu.vector_load %arg12[%get3A_143, %get3A_144] {strides = array<i32>} : memref<256x128xf32, #tpu.memory_space<vmem>>, vector<16xf32>,
          %max3A_146 = arith.maximumf %get3A_142, %get3A_145 : vector<16xf32>
          %swap3A_147 = arith.index_cast %sub3A_71 : i32 to index
          %swap3A_148 = arith.constant 112 : index
          %swap3A_149 = tpu.vector_load %arg6[%swap3A_147, %swap3A_148] {strides = array<i32>} : memref<320x128xf32, #tpu.memory_space<vmem>>, vector<16xf32>,
          tpu.vector_store %arg6[%swap3A_147, %swap3A_148], %max3A_146 {strides = array<i32>} : memref<320x128xf32, #tpu.memory_space<vmem>>, vector<16xf32>,
          %while3A_150 = arith.constant 0 : i32
          scf.yield %while3A_150 : i32
        }
        %while3A_66 = arith.constant 0 : i32
        scf.yield %while3A_66 : i32
      }
      %while3A_41 = arith.constant 1 : i32
      %while3A_42 = scf.for %while3A_43 = %while3A_38 to %while3A_34 step %while3A_41 iter_args(%while3A_44 = %while3A_40) -> (i32)  : i32 {
        %mul3A_45 = arith.constant 256 : i32
        %mul3A_46 = arith.muli %while3A_43, %mul3A_45 : i32
        %dma_start3A = tpu.memref_slice %arg10[%mul3A_46] : memref<6432xi32, #tpu.memory_space<vmem>> -> memref<256xi32, #tpu.memory_space<vmem>>
        %dma_start3A_47 = arith.constant 0 : i32
        %dma_start3A_48 = arith.constant 0 : i32
        %dma_start3A_49 = tpu.memref_slice %arg2[%dma_start3A_47, %dma_start3A_48] : memref<10000x128xf32, #tpu.memory_space<hbm>> -> memref<10000x128xf32, #tpu.memory_space<hbm>>
        tpu.enqueue_indirect_dma source(%dma_start3A_49 : memref<10000x128xf32, #tpu.memory_space<hbm>>) target(%arg12 : memref<256x128xf32, #tpu.memory_space<vmem>>) offsets(%dma_start3A : memref<256xi32, #tpu.memory_space<vmem>>) semaphore(%arg14 : memref<!tpu.dma_semaphore, #tpu.memory_space<semaphore_mem>>)
        %dma_wait3A = tpu.memref_slice %arg10[%mul3A_46] : memref<6432xi32, #tpu.memory_space<vmem>> -> memref<256xi32, #tpu.memory_space<vmem>>
        %dma_wait3A_50 = arith.constant 0 : i32
        %dma_wait3A_51 = arith.constant 0 : i32
        %dma_wait3A_52 = tpu.memref_slice %arg2[%dma_wait3A_50, %dma_wait3A_51] : memref<10000x128xf32, #tpu.memory_space<hbm>> -> memref<10000x128xf32, #tpu.memory_space<hbm>>
        tpu.wait_indirect_dma semaphore(%arg14 : memref<!tpu.dma_semaphore, #tpu.memory_space<semaphore_mem>>) src(%dma_wait3A_52 : memref<10000x128xf32, #tpu.memory_space<hbm>>) dst(%arg12 : memref<256x128xf32, #tpu.memory_space<vmem>>)
        %sub3A = arith.subi %scan3A_27, %mul3A_46 : i32
        %min3A = arith.constant 256 : i32
        %min3A_53 = arith.minsi %sub3A, %min3A : i32
        %while3A_54 = arith.constant 0 : i32
        %while3A_55 = arith.constant 0 : i32
        %while3A_56 = arith.subi %min3A_53, %while3A_54 : i32
        %while3A_57 = arith.addi %while3A_54, %while3A_56 : i32
        %while3A_58 = arith.constant 1 : i32
        %while3A_59 = arith.divsi %while3A_56, %while3A_58 : i32
        %while3A_60 = arith.muli %while3A_59, %while3A_58 : i32
        %while3A_61 = arith.addi %while3A_54, %while3A_60 : i32
        %while3A_62 = arith.constant 1 : i32
        %while3A_63 = scf.for %while3A_67 = %while3A_54 to %while3A_61 step %while3A_62 iter_args(%while3A_68 = %while3A_55) -> (i32)  : i32 {
          %add3A_69 = arith.addi %mul3A_46, %while3A_67 : i32
          %get3A = arith.index_cast %add3A_69 : i32 to index
          %get3A_70 = tpu.vector_load %arg9[%get3A] {strides = array<i32>} : memref<6432xi32, #tpu.memory_space<vmem>>, vector<16xi32>,
          %slice3A = vector.extract_strided_slice %get3A_70 {offsets = [0], sizes = [1], strides = [1]} : vector<16xi32> to vector<1xi32>
          %squeeze3A = vector.extract %slice3A[0] : i32 from vector<1xi32>
          %sub3A_71 = arith.subi %squeeze3A, %mul3A_2 : i32
          %get3A_72 = arith.index_cast %sub3A_71 : i32 to index
          %get3A_73 = arith.constant 0 : index
          %get3A_74 = tpu.vector_load %arg6[%get3A_72, %get3A_73] {strides = array<i32>} : memref<320x128xf32, #tpu.memory_space<vmem>>, vector<16xf32>,
          %get3A_75 = arith.index_cast %while3A_67 : i32 to index
          %get3A_76 = arith.constant 0 : index
          %get3A_77 = tpu.vector_load %arg12[%get3A_75, %get3A_76] {strides = array<i32>} : memref<256x128xf32, #tpu.memory_space<vmem>>, vector<16xf32>,
          %max3A = arith.maximumf %get3A_74, %get3A_77 : vector<16xf32>
          %swap3A = arith.index_cast %sub3A_71 : i32 to index
          %swap3A_78 = arith.constant 0 : index
          %swap3A_79 = tpu.vector_load %arg6[%swap3A, %swap3A_78] {strides = array<i32>} : memref<320x128xf32, #tpu.memory_space<vmem>>, vector<16xf32>,
          tpu.vector_store %arg6[%swap3A, %swap3A_78], %max3A {strides = array<i32>} : memref<320x128xf32, #tpu.memory_space<vmem>>, vector<16xf32>,
          %get3A_80 = arith.index_cast %sub3A_71 : i32 to index
          %get3A_81 = arith.constant 16 : index
          %get3A_82 = tpu.vector_load %arg6[%get3A_80, %get3A_81] {strides = array<i32>} : memref<320x128xf32, #tpu.memory_space<vmem>>, vector<16xf32>,
          %get3A_83 = arith.index_cast %while3A_67 : i32 to index
          %get3A_84 = arith.constant 16 : index
          %get3A_85 = tpu.vector_load %arg12[%get3A_83, %get3A_84] {strides = array<i32>} : memref<256x128xf32, #tpu.memory_space<vmem>>, vector<16xf32>,
          %max3A_86 = arith.maximumf %get3A_82, %get3A_85 : vector<16xf32>
          %swap3A_87 = arith.index_cast %sub3A_71 : i32 to index
          %swap3A_88 = arith.constant 16 : index
          %swap3A_89 = tpu.vector_load %arg6[%swap3A_87, %swap3A_88] {strides = array<i32>} : memref<320x128xf32, #tpu.memory_space<vmem>>, vector<16xf32>,
          tpu.vector_store %arg6[%swap3A_87, %swap3A_88], %max3A_86 {strides = array<i32>} : memref<320x128xf32, #tpu.memory_space<vmem>>, vector<16xf32>,
          %get3A_90 = arith.index_cast %sub3A_71 : i32 to index
          %get3A_91 = arith.constant 32 : index
          %get3A_92 = tpu.vector_load %arg6[%get3A_90, %get3A_91] {strides = array<i32>} : memref<320x128xf32, #tpu.memory_space<vmem>>, vector<16xf32>,
          %get3A_93 = arith.index_cast %while3A_67 : i32 to index
          %get3A_94 = arith.constant 32 : index
          %get3A_95 = tpu.vector_load %arg12[%get3A_93, %get3A_94] {strides = array<i32>} : memref<256x128xf32, #tpu.memory_space<vmem>>, vector<16xf32>,
          %max3A_96 = arith.maximumf %get3A_92, %get3A_95 : vector<16xf32>
          %swap3A_97 = arith.index_cast %sub3A_71 : i32 to index
          %swap3A_98 = arith.constant 32 : index
          %swap3A_99 = tpu.vector_load %arg6[%swap3A_97, %swap3A_98] {strides = array<i32>} : memref<320x128xf32, #tpu.memory_space<vmem>>, vector<16xf32>,
          tpu.vector_store %arg6[%swap3A_97, %swap3A_98], %max3A_96 {strides = array<i32>} : memref<320x128xf32, #tpu.memory_space<vmem>>, vector<16xf32>,
          %get3A_100 = arith.index_cast %sub3A_71 : i32 to index
          %get3A_101 = arith.constant 48 : index
          %get3A_102 = tpu.vector_load %arg6[%get3A_100, %get3A_101] {strides = array<i32>} : memref<320x128xf32, #tpu.memory_space<vmem>>, vector<16xf32>,
          %get3A_103 = arith.index_cast %while3A_67 : i32 to index
          %get3A_104 = arith.constant 48 : index
          %get3A_105 = tpu.vector_load %arg12[%get3A_103, %get3A_104] {strides = array<i32>} : memref<256x128xf32, #tpu.memory_space<vmem>>, vector<16xf32>,
          %max3A_106 = arith.maximumf %get3A_102, %get3A_105 : vector<16xf32>
          %swap3A_107 = arith.index_cast %sub3A_71 : i32 to index
          %swap3A_108 = arith.constant 48 : index
          %swap3A_109 = tpu.vector_load %arg6[%swap3A_107, %swap3A_108] {strides = array<i32>} : memref<320x128xf32, #tpu.memory_space<vmem>>, vector<16xf32>,
          tpu.vector_store %arg6[%swap3A_107, %swap3A_108], %max3A_106 {strides = array<i32>} : memref<320x128xf32, #tpu.memory_space<vmem>>, vector<16xf32>,
          %get3A_110 = arith.index_cast %sub3A_71 : i32 to index
          %get3A_111 = arith.constant 64 : index
          %get3A_112 = tpu.vector_load %arg6[%get3A_110, %get3A_111] {strides = array<i32>} : memref<320x128xf32, #tpu.memory_space<vmem>>, vector<16xf32>,
          %get3A_113 = arith.index_cast %while3A_67 : i32 to index
          %get3A_114 = arith.constant 64 : index
          %get3A_115 = tpu.vector_load %arg12[%get3A_113, %get3A_114] {strides = array<i32>} : memref<256x128xf32, #tpu.memory_space<vmem>>, vector<16xf32>,
          %max3A_116 = arith.maximumf %get3A_112, %get3A_115 : vector<16xf32>
          %swap3A_117 = arith.index_cast %sub3A_71 : i32 to index
          %swap3A_118 = arith.constant 64 : index
          %swap3A_119 = tpu.vector_load %arg6[%swap3A_117, %swap3A_118] {strides = array<i32>} : memref<320x128xf32, #tpu.memory_space<vmem>>, vector<16xf32>,
          tpu.vector_store %arg6[%swap3A_117, %swap3A_118], %max3A_116 {strides = array<i32>} : memref<320x128xf32, #tpu.memory_space<vmem>>, vector<16xf32>,
          %get3A_120 = arith.index_cast %sub3A_71 : i32 to index
          %get3A_121 = arith.constant 80 : index
          %get3A_122 = tpu.vector_load %arg6[%get3A_120, %get3A_121] {strides = array<i32>} : memref<320x128xf32, #tpu.memory_space<vmem>>, vector<16xf32>,
          %get3A_123 = arith.index_cast %while3A_67 : i32 to index
          %get3A_124 = arith.constant 80 : index
          %get3A_125 = tpu.vector_load %arg12[%get3A_123, %get3A_124] {strides = array<i32>} : memref<256x128xf32, #tpu.memory_space<vmem>>, vector<16xf32>,
          %max3A_126 = arith.maximumf %get3A_122, %get3A_125 : vector<16xf32>
          %swap3A_127 = arith.index_cast %sub3A_71 : i32 to index
          %swap3A_128 = arith.constant 80 : index
          %swap3A_129 = tpu.vector_load %arg6[%swap3A_127, %swap3A_128] {strides = array<i32>} : memref<320x128xf32, #tpu.memory_space<vmem>>, vector<16xf32>,
          tpu.vector_store %arg6[%swap3A_127, %swap3A_128], %max3A_126 {strides = array<i32>} : memref<320x128xf32, #tpu.memory_space<vmem>>, vector<16xf32>,
          %get3A_130 = arith.index_cast %sub3A_71 : i32 to index
          %get3A_131 = arith.constant 96 : index
          %get3A_132 = tpu.vector_load %arg6[%get3A_130, %get3A_131] {strides = array<i32>} : memref<320x128xf32, #tpu.memory_space<vmem>>, vector<16xf32>,
          %get3A_133 = arith.index_cast %while3A_67 : i32 to index
          %get3A_134 = arith.constant 96 : index
          %get3A_135 = tpu.vector_load %arg12[%get3A_133, %get3A_134] {strides = array<i32>} : memref<256x128xf32, #tpu.memory_space<vmem>>, vector<16xf32>,
          %max3A_136 = arith.maximumf %get3A_132, %get3A_135 : vector<16xf32>
          %swap3A_137 = arith.index_cast %sub3A_71 : i32 to index
          %swap3A_138 = arith.constant 96 : index
          %swap3A_139 = tpu.vector_load %arg6[%swap3A_137, %swap3A_138] {strides = array<i32>} : memref<320x128xf32, #tpu.memory_space<vmem>>, vector<16xf32>,
          tpu.vector_store %arg6[%swap3A_137, %swap3A_138], %max3A_136 {strides = array<i32>} : memref<320x128xf32, #tpu.memory_space<vmem>>, vector<16xf32>,
          %get3A_140 = arith.index_cast %sub3A_71 : i32 to index
          %get3A_141 = arith.constant 112 : index
          %get3A_142 = tpu.vector_load %arg6[%get3A_140, %get3A_141] {strides = array<i32>} : memref<320x128xf32, #tpu.memory_space<vmem>>, vector<16xf32>,
          %get3A_143 = arith.index_cast %while3A_67 : i32 to index
          %get3A_144 = arith.constant 112 : index
          %get3A_145 = tpu.vector_load %arg12[%get3A_143, %get3A_144] {strides = array<i32>} : memref<256x128xf32, #tpu.memory_space<vmem>>, vector<16xf32>,
          %max3A_146 = arith.maximumf %get3A_142, %get3A_145 : vector<16xf32>
          %swap3A_147 = arith.index_cast %sub3A_71 : i32 to index
          %swap3A_148 = arith.constant 112 : index
          %swap3A_149 = tpu.vector_load %arg6[%swap3A_147, %swap3A_148] {strides = array<i32>} : memref<320x128xf32, #tpu.memory_space<vmem>>, vector<16xf32>,
          tpu.vector_store %arg6[%swap3A_147, %swap3A_148], %max3A_146 {strides = array<i32>} : memref<320x128xf32, #tpu.memory_space<vmem>>, vector<16xf32>,
          %while3A_150 = arith.constant 0 : i32
          scf.yield %while3A_150 : i32
        }
        %while3A_64 = arith.constant 1 : i32
        %while3A_65 = scf.for %while3A_67 = %while3A_61 to %while3A_57 step %while3A_64 iter_args(%while3A_68 = %while3A_63) -> (i32)  : i32 {
          %add3A_69 = arith.addi %mul3A_46, %while3A_67 : i32
          %get3A = arith.index_cast %add3A_69 : i32 to index
          %get3A_70 = tpu.vector_load %arg9[%get3A] {strides = array<i32>} : memref<6432xi32, #tpu.memory_space<vmem>>, vector<16xi32>,
          %slice3A = vector.extract_strided_slice %get3A_70 {offsets = [0], sizes = [1], strides = [1]} : vector<16xi32> to vector<1xi32>
          %squeeze3A = vector.extract %slice3A[0] : i32 from vector<1xi32>
          %sub3A_71 = arith.subi %squeeze3A, %mul3A_2 : i32
          %get3A_72 = arith.index_cast %sub3A_71 : i32 to index
          %get3A_73 = arith.constant 0 : index
          %get3A_74 = tpu.vector_load %arg6[%get3A_72, %get3A_73] {strides = array<i32>} : memref<320x128xf32, #tpu.memory_space<vmem>>, vector<16xf32>,
          %get3A_75 = arith.index_cast %while3A_67 : i32 to index
          %get3A_76 = arith.constant 0 : index
          %get3A_77 = tpu.vector_load %arg12[%get3A_75, %get3A_76] {strides = array<i32>} : memref<256x128xf32, #tpu.memory_space<vmem>>, vector<16xf32>,
          %max3A = arith.maximumf %get3A_74, %get3A_77 : vector<16xf32>
          %swap3A = arith.index_cast %sub3A_71 : i32 to index
          %swap3A_78 = arith.constant 0 : index
          %swap3A_79 = tpu.vector_load %arg6[%swap3A, %swap3A_78] {strides = array<i32>} : memref<320x128xf32, #tpu.memory_space<vmem>>, vector<16xf32>,
          tpu.vector_store %arg6[%swap3A, %swap3A_78], %max3A {strides = array<i32>} : memref<320x128xf32, #tpu.memory_space<vmem>>, vector<16xf32>,
          %get3A_80 = arith.index_cast %sub3A_71 : i32 to index
          %get3A_81 = arith.constant 16 : index
          %get3A_82 = tpu.vector_load %arg6[%get3A_80, %get3A_81] {strides = array<i32>} : memref<320x128xf32, #tpu.memory_space<vmem>>, vector<16xf32>,
          %get3A_83 = arith.index_cast %while3A_67 : i32 to index
          %get3A_84 = arith.constant 16 : index
          %get3A_85 = tpu.vector_load %arg12[%get3A_83, %get3A_84] {strides = array<i32>} : memref<256x128xf32, #tpu.memory_space<vmem>>, vector<16xf32>,
          %max3A_86 = arith.maximumf %get3A_82, %get3A_85 : vector<16xf32>
          %swap3A_87 = arith.index_cast %sub3A_71 : i32 to index
          %swap3A_88 = arith.constant 16 : index
          %swap3A_89 = tpu.vector_load %arg6[%swap3A_87, %swap3A_88] {strides = array<i32>} : memref<320x128xf32, #tpu.memory_space<vmem>>, vector<16xf32>,
          tpu.vector_store %arg6[%swap3A_87, %swap3A_88], %max3A_86 {strides = array<i32>} : memref<320x128xf32, #tpu.memory_space<vmem>>, vector<16xf32>,
          %get3A_90 = arith.index_cast %sub3A_71 : i32 to index
          %get3A_91 = arith.constant 32 : index
          %get3A_92 = tpu.vector_load %arg6[%get3A_90, %get3A_91] {strides = array<i32>} : memref<320x128xf32, #tpu.memory_space<vmem>>, vector<16xf32>,
          %get3A_93 = arith.index_cast %while3A_67 : i32 to index
          %get3A_94 = arith.constant 32 : index
          %get3A_95 = tpu.vector_load %arg12[%get3A_93, %get3A_94] {strides = array<i32>} : memref<256x128xf32, #tpu.memory_space<vmem>>, vector<16xf32>,
          %max3A_96 = arith.maximumf %get3A_92, %get3A_95 : vector<16xf32>
          %swap3A_97 = arith.index_cast %sub3A_71 : i32 to index
          %swap3A_98 = arith.constant 32 : index
          %swap3A_99 = tpu.vector_load %arg6[%swap3A_97, %swap3A_98] {strides = array<i32>} : memref<320x128xf32, #tpu.memory_space<vmem>>, vector<16xf32>,
          tpu.vector_store %arg6[%swap3A_97, %swap3A_98], %max3A_96 {strides = array<i32>} : memref<320x128xf32, #tpu.memory_space<vmem>>, vector<16xf32>,
          %get3A_100 = arith.index_cast %sub3A_71 : i32 to index
          %get3A_101 = arith.constant 48 : index
          %get3A_102 = tpu.vector_load %arg6[%get3A_100, %get3A_101] {strides = array<i32>} : memref<320x128xf32, #tpu.memory_space<vmem>>, vector<16xf32>,
          %get3A_103 = arith.index_cast %while3A_67 : i32 to index
          %get3A_104 = arith.constant 48 : index
          %get3A_105 = tpu.vector_load %arg12[%get3A_103, %get3A_104] {strides = array<i32>} : memref<256x128xf32, #tpu.memory_space<vmem>>, vector<16xf32>,
          %max3A_106 = arith.maximumf %get3A_102, %get3A_105 : vector<16xf32>
          %swap3A_107 = arith.index_cast %sub3A_71 : i32 to index
          %swap3A_108 = arith.constant 48 : index
          %swap3A_109 = tpu.vector_load %arg6[%swap3A_107, %swap3A_108] {strides = array<i32>} : memref<320x128xf32, #tpu.memory_space<vmem>>, vector<16xf32>,
          tpu.vector_store %arg6[%swap3A_107, %swap3A_108], %max3A_106 {strides = array<i32>} : memref<320x128xf32, #tpu.memory_space<vmem>>, vector<16xf32>,
          %get3A_110 = arith.index_cast %sub3A_71 : i32 to index
          %get3A_111 = arith.constant 64 : index
          %get3A_112 = tpu.vector_load %arg6[%get3A_110, %get3A_111] {strides = array<i32>} : memref<320x128xf32, #tpu.memory_space<vmem>>, vector<16xf32>,
          %get3A_113 = arith.index_cast %while3A_67 : i32 to index
          %get3A_114 = arith.constant 64 : index
          %get3A_115 = tpu.vector_load %arg12[%get3A_113, %get3A_114] {strides = array<i32>} : memref<256x128xf32, #tpu.memory_space<vmem>>, vector<16xf32>,
          %max3A_116 = arith.maximumf %get3A_112, %get3A_115 : vector<16xf32>
          %swap3A_117 = arith.index_cast %sub3A_71 : i32 to index
          %swap3A_118 = arith.constant 64 : index
          %swap3A_119 = tpu.vector_load %arg6[%swap3A_117, %swap3A_118] {strides = array<i32>} : memref<320x128xf32, #tpu.memory_space<vmem>>, vector<16xf32>,
          tpu.vector_store %arg6[%swap3A_117, %swap3A_118], %max3A_116 {strides = array<i32>} : memref<320x128xf32, #tpu.memory_space<vmem>>, vector<16xf32>,
          %get3A_120 = arith.index_cast %sub3A_71 : i32 to index
          %get3A_121 = arith.constant 80 : index
          %get3A_122 = tpu.vector_load %arg6[%get3A_120, %get3A_121] {strides = array<i32>} : memref<320x128xf32, #tpu.memory_space<vmem>>, vector<16xf32>,
          %get3A_123 = arith.index_cast %while3A_67 : i32 to index
          %get3A_124 = arith.constant 80 : index
          %get3A_125 = tpu.vector_load %arg12[%get3A_123, %get3A_124] {strides = array<i32>} : memref<256x128xf32, #tpu.memory_space<vmem>>, vector<16xf32>,
          %max3A_126 = arith.maximumf %get3A_122, %get3A_125 : vector<16xf32>
          %swap3A_127 = arith.index_cast %sub3A_71 : i32 to index
          %swap3A_128 = arith.constant 80 : index
          %swap3A_129 = tpu.vector_load %arg6[%swap3A_127, %swap3A_128] {strides = array<i32>} : memref<320x128xf32, #tpu.memory_space<vmem>>, vector<16xf32>,
          tpu.vector_store %arg6[%swap3A_127, %swap3A_128], %max3A_126 {strides = array<i32>} : memref<320x128xf32, #tpu.memory_space<vmem>>, vector<16xf32>,
          %get3A_130 = arith.index_cast %sub3A_71 : i32 to index
          %get3A_131 = arith.constant 96 : index
          %get3A_132 = tpu.vector_load %arg6[%get3A_130, %get3A_131] {strides = array<i32>} : memref<320x128xf32, #tpu.memory_space<vmem>>, vector<16xf32>,
          %get3A_133 = arith.index_cast %while3A_67 : i32 to index
          %get3A_134 = arith.constant 96 : index
          %get3A_135 = tpu.vector_load %arg12[%get3A_133, %get3A_134] {strides = array<i32>} : memref<256x128xf32, #tpu.memory_space<vmem>>, vector<16xf32>,
          %max3A_136 = arith.maximumf %get3A_132, %get3A_135 : vector<16xf32>
          %swap3A_137 = arith.index_cast %sub3A_71 : i32 to index
          %swap3A_138 = arith.constant 96 : index
          %swap3A_139 = tpu.vector_load %arg6[%swap3A_137, %swap3A_138] {strides = array<i32>} : memref<320x128xf32, #tpu.memory_space<vmem>>, vector<16xf32>,
          tpu.vector_store %arg6[%swap3A_137, %swap3A_138], %max3A_136 {strides = array<i32>} : memref<320x128xf32, #tpu.memory_space<vmem>>, vector<16xf32>,
          %get3A_140 = arith.index_cast %sub3A_71 : i32 to index
          %get3A_141 = arith.constant 112 : index
          %get3A_142 = tpu.vector_load %arg6[%get3A_140, %get3A_141] {strides = array<i32>} : memref<320x128xf32, #tpu.memory_space<vmem>>, vector<16xf32>,
          %get3A_143 = arith.index_cast %while3A_67 : i32 to index
          %get3A_144 = arith.constant 112 : index
          %get3A_145 = tpu.vector_load %arg12[%get3A_143, %get3A_144] {strides = array<i32>} : memref<256x128xf32, #tpu.memory_space<vmem>>, vector<16xf32>,
          %max3A_146 = arith.maximumf %get3A_142, %get3A_145 : vector<16xf32>
          %swap3A_147 = arith.index_cast %sub3A_71 : i32 to index
          %swap3A_148 = arith.constant 112 : index
          %swap3A_149 = tpu.vector_load %arg6[%swap3A_147, %swap3A_148] {strides = array<i32>} : memref<320x128xf32, #tpu.memory_space<vmem>>, vector<16xf32>,
          tpu.vector_store %arg6[%swap3A_147, %swap3A_148], %max3A_146 {strides = array<i32>} : memref<320x128xf32, #tpu.memory_space<vmem>>, vector<16xf32>,
          %while3A_150 = arith.constant 0 : i32
          scf.yield %while3A_150 : i32
        }
        %while3A_66 = arith.constant 0 : i32
        scf.yield %while3A_66 : i32
      }
    }
    %scan3A_16 = arith.constant 50 : i32
    "tpu.region"() ({
      %run_scoped3A = tpu.sem_alloc : memref<!tpu.dma_semaphore, #tpu.memory_space<semaphore_mem>>
      %dma_start3A = arith.constant 0 : i32
      %dma_start3A_17 = tpu.memref_slice %arg5[%mul3A_2, %dma_start3A] : memref<10240x128xf32, #tpu.memory_space<hbm>> -> memref<320x128xf32, #tpu.memory_space<hbm>>
      %dma_start3A_18 = arith.constant 0 : i32
      %dma_start3A_19 = tpu.memref_slice %arg5[%mul3A_2, %dma_start3A_18] : memref<10240x128xf32, #tpu.memory_space<hbm>> -> memref<320x128xf32, #tpu.memory_space<hbm>>
      tpu.enqueue_dma source(%arg6 : memref<320x128xf32, #tpu.memory_space<vmem>>) target(%dma_start3A_19 : memref<320x128xf32, #tpu.memory_space<hbm>>) target_semaphore(%run_scoped3A : memref<!tpu.dma_semaphore, #tpu.memory_space<semaphore_mem>>)
      %dma_wait3A = arith.constant 0 : i32
      %dma_wait3A_20 = tpu.memref_slice %arg5[%mul3A_2, %dma_wait3A] : memref<10240x128xf32, #tpu.memory_space<hbm>> -> memref<320x128xf32, #tpu.memory_space<hbm>>
      %dma_wait3A_21 = arith.constant 0 : i32
      %dma_wait3A_22 = tpu.memref_slice %arg5[%mul3A_2, %dma_wait3A_21] : memref<10240x128xf32, #tpu.memory_space<hbm>> -> memref<320x128xf32, #tpu.memory_space<hbm>>
      tpu.wait_dma2 semaphore(%run_scoped3A : memref<!tpu.dma_semaphore, #tpu.memory_space<semaphore_mem>>) src(%arg6 : memref<320x128xf32, #tpu.memory_space<vmem>>) dst(%dma_wait3A_22 : memref<320x128xf32, #tpu.memory_space<hbm>>)
      tpu.yield
    }) : () -> ()
    return
  }
}

module attributes {stable_mosaic.version = 14 : i64} {
  func.func @_l0_body(%arg0: memref<10000x128xf32, #tpu.memory_space<vmem>>, %arg1: memref<128x128xf32, #tpu.memory_space<vmem>>, %arg2: memref<10000x128xf32, #tpu.memory_space<vmem>>) attributes {dimension_semantics = [], scalar_prefetch = 0 : i64, scratch_operands = 0 : i64, tpu.core_type = #tpu.core_type<tc>} {
    %get3A = arith.constant 0 : index
    %get3A_0 = arith.constant 0 : index
    %get3A_1 = vector.load %arg0[%get3A, %get3A_0] : memref<10000x128xf32, #tpu.memory_space<vmem>>, vector<10000x128xf32>
    %get3A_2 = arith.constant 0 : index
    %get3A_3 = arith.constant 0 : index
    %get3A_4 = vector.load %arg1[%get3A_2, %get3A_3] : memref<128x128xf32, #tpu.memory_space<vmem>>, vector<128x128xf32>
    %dot_general3A = arith.constant dense<0.000000e+00> : vector<10000x128xf32>
    %dot_general3A_5 = tpu.matmul %get3A_1, %get3A_4, %dot_general3A {dimension_numbers = #tpu.dot_dimension_numbers<[1], [0], [0], [1], [0, 0, 1, 1], [], []>, transpose_lhs_hint = false} : vector<10000x128xf32>, vector<128x128xf32>, vector<10000x128xf32> -> vector<10000x128xf32>
    %reduce_sum3A = arith.constant dense<0.000000e+00> : vector<128xf32>
    %reduce_sum3A_6 = vector.multi_reduction <add>, %dot_general3A_5, %reduce_sum3A [0] : vector<10000x128xf32> to vector<128xf32>
    %broadcast_in_dim3A = vector.shape_cast %reduce_sum3A_6 : vector<128xf32> to vector<1x128xf32>
    %div3A = arith.constant 1.000000e+04 : f32
    %div3A_7 = vector.broadcast %div3A : f32 to vector<1x128xf32>
    %div3A_8 = arith.divf %broadcast_in_dim3A, %div3A_7 : vector<1x128xf32>
    %mul3A = arith.mulf %dot_general3A_5, %dot_general3A_5 : vector<10000x128xf32>
    %reduce_sum3A_9 = arith.constant dense<0.000000e+00> : vector<128xf32>
    %reduce_sum3A_10 = vector.multi_reduction <add>, %mul3A, %reduce_sum3A_9 [0] : vector<10000x128xf32> to vector<128xf32>
    %broadcast_in_dim3A_11 = vector.shape_cast %reduce_sum3A_10 : vector<128xf32> to vector<1x128xf32>
    %div3A_12 = arith.constant 1.000000e+04 : f32
    %div3A_13 = vector.broadcast %div3A_12 : f32 to vector<1x128xf32>
    %div3A_14 = arith.divf %broadcast_in_dim3A_11, %div3A_13 : vector<1x128xf32>
    %mul3A_15 = arith.mulf %div3A_8, %div3A_8 : vector<1x128xf32>
    %sub3A = arith.subf %div3A_14, %mul3A_15 : vector<1x128xf32>
    %sub3A_16 = vector.broadcast %div3A_8 : vector<1x128xf32> to vector<10000x128xf32>
    %sub3A_17 = arith.subf %dot_general3A_5, %sub3A_16 : vector<10000x128xf32>
    %add3A = arith.constant 9.99999974E-6 : f32
    %add3A_18 = vector.broadcast %add3A : f32 to vector<1x128xf32>
    %add3A_19 = arith.addf %sub3A, %add3A_18 : vector<1x128xf32>
    %rsqrt3A = math.rsqrt %add3A_19 : vector<1x128xf32>
    %mul3A_20 = vector.broadcast %rsqrt3A : vector<1x128xf32> to vector<10000x128xf32>
    %mul3A_21 = arith.mulf %sub3A_17, %mul3A_20 : vector<10000x128xf32>
    %ge3A = arith.constant 0.000000e+00 : f32
    %ge3A_22 = vector.broadcast %ge3A : f32 to vector<10000x128xf32>
    %ge3A_23 = arith.cmpf oge, %mul3A_21, %ge3A_22 : vector<10000x128xf32>
    %mul3A_24 = arith.constant 2.000000e-01 : f32
    %mul3A_25 = vector.broadcast %mul3A_24 : f32 to vector<10000x128xf32>
    %mul3A_26 = arith.mulf %mul3A_25, %mul3A_21 : vector<10000x128xf32>
    %select_n3A = arith.select %ge3A_23, %mul3A_21, %mul3A_26 : vector<10000x128xi1>, vector<10000x128xf32>
    %swap3A = arith.constant 0 : index
    %swap3A_27 = arith.constant 0 : index
    %swap3A_28 = vector.load %arg2[%swap3A, %swap3A_27] : memref<10000x128xf32, #tpu.memory_space<vmem>>, vector<10000x128xf32>
    tpu.vector_store %arg2[%swap3A, %swap3A_27], %select_n3A {strides = array<i32>} : memref<10000x128xf32, #tpu.memory_space<vmem>>, vector<10000x128xf32>,
    return
  }
}

module attributes {stable_mosaic.version = 14 : i64} {
  func.func @_zmm_body(%arg0: i32, %arg1: memref<1000x128xf32, #tpu.memory_space<vmem>>, %arg2: memref<128x128xf32, #tpu.memory_space<vmem>>, %arg3: memref<1000x128xf32, #tpu.memory_space<vmem>>, %arg4: memref<1x1x128xf32, #tpu.memory_space<vmem>>, %arg5: memref<1x1x128xf32, #tpu.memory_space<vmem>>) attributes {dimension_semantics = [#tpu.dimension_semantics<arbitrary>], iteration_bounds = array<i64: 320>, scalar_prefetch = 0 : i64, scratch_operands = 0 : i64, tpu.core_type = #tpu.core_type<tc>, window_params = [{transform_indices = @transform_0, window_bounds = array<i64: 1000, 128>}, {pipeline_mode = #tpu.pipeline_mode<synchronous>, transform_indices = @transform_1, window_bounds = array<i64: 128, 128>}, {transform_indices = @transform_2, window_bounds = array<i64: 1000, 128>}, {transform_indices = @transform_3, window_bounds = array<i64: 1, 1, 128>}, {transform_indices = @transform_4, window_bounds = array<i64: 1, 1, 128>}]} {
    %get3A = arith.constant 0 : index
    %get3A_0 = arith.constant 0 : index
    %get3A_1 = vector.load %arg1[%get3A, %get3A_0] : memref<1000x128xf32, #tpu.memory_space<vmem>>, vector<1000x128xf32>
    %get3A_2 = arith.constant 0 : index
    %get3A_3 = arith.constant 0 : index
    %get3A_4 = vector.load %arg2[%get3A_2, %get3A_3] : memref<128x128xf32, #tpu.memory_space<vmem>>, vector<128x128xf32>
    %dot_general3A = arith.constant dense<0.000000e+00> : vector<1000x128xf32>
    %dot_general3A_5 = tpu.matmul %get3A_1, %get3A_4, %dot_general3A {dimension_numbers = #tpu.dot_dimension_numbers<[1], [0], [0], [1], [0, 0, 1, 1], [], []>, transpose_lhs_hint = false} : vector<1000x128xf32>, vector<128x128xf32>, vector<1000x128xf32> -> vector<1000x128xf32>
    %swap3A = arith.constant 0 : index
    %swap3A_6 = arith.constant 0 : index
    %swap3A_7 = vector.load %arg3[%swap3A, %swap3A_6] : memref<1000x128xf32, #tpu.memory_space<vmem>>, vector<1000x128xf32>
    tpu.vector_store %arg3[%swap3A, %swap3A_6], %dot_general3A_5 {strides = array<i32>} : memref<1000x128xf32, #tpu.memory_space<vmem>>, vector<1000x128xf32>,
    %reduce_sum3A = arith.constant dense<0.000000e+00> : vector<128xf32>
    %reduce_sum3A_8 = vector.multi_reduction <add>, %dot_general3A_5, %reduce_sum3A [0] : vector<1000x128xf32> to vector<128xf32>
    %broadcast_in_dim3A = vector.shape_cast %reduce_sum3A_8 : vector<128xf32> to vector<1x128xf32>
    %broadcast_in_dim3A_9 = vector.shape_cast %broadcast_in_dim3A : vector<1x128xf32> to vector<1x1x128xf32>
    %swap3A_10 = arith.constant 0 : index
    %swap3A_11 = arith.constant 0 : index
    %swap3A_12 = arith.constant 0 : index
    %swap3A_13 = vector.load %arg4[%swap3A_10, %swap3A_11, %swap3A_12] : memref<1x1x128xf32, #tpu.memory_space<vmem>>, vector<1x1x128xf32>
    tpu.vector_store %arg4[%swap3A_10, %swap3A_11, %swap3A_12], %broadcast_in_dim3A_9 {strides = array<i32>} : memref<1x1x128xf32, #tpu.memory_space<vmem>>, vector<1x1x128xf32>,
    %mul3A = arith.mulf %dot_general3A_5, %dot_general3A_5 : vector<1000x128xf32>
    %reduce_sum3A_14 = arith.constant dense<0.000000e+00> : vector<128xf32>
    %reduce_sum3A_15 = vector.multi_reduction <add>, %mul3A, %reduce_sum3A_14 [0] : vector<1000x128xf32> to vector<128xf32>
    %broadcast_in_dim3A_16 = vector.shape_cast %reduce_sum3A_15 : vector<128xf32> to vector<1x128xf32>
    %broadcast_in_dim3A_17 = vector.shape_cast %broadcast_in_dim3A_16 : vector<1x128xf32> to vector<1x1x128xf32>
    %swap3A_18 = arith.constant 0 : index
    %swap3A_19 = arith.constant 0 : index
    %swap3A_20 = arith.constant 0 : index
    %swap3A_21 = vector.load %arg5[%swap3A_18, %swap3A_19, %swap3A_20] : memref<1x1x128xf32, #tpu.memory_space<vmem>>, vector<1x1x128xf32>
    tpu.vector_store %arg5[%swap3A_18, %swap3A_19, %swap3A_20], %broadcast_in_dim3A_17 {strides = array<i32>} : memref<1x1x128xf32, #tpu.memory_space<vmem>>, vector<1x1x128xf32>,
    return
  }
  func.func @transform_0(%arg0: i32) -> (i32, i32) {
    %c0_i32 = arith.constant 0 : i32
    %c0_i32_0 = arith.constant 0 : i32
    return %arg0, %c0_i32 : i32, i32
  }
  func.func @transform_1(%arg0: i32) -> (i32, i32) {
    %c0_i32 = arith.constant 0 : i32
    %c0_i32_0 = arith.constant 0 : i32
    %c0_i32_1 = arith.constant 0 : i32
    return %c0_i32, %c0_i32_0 : i32, i32
  }
  func.func @transform_2(%arg0: i32) -> (i32, i32) {
    %c0_i32 = arith.constant 0 : i32
    %c0_i32_0 = arith.constant 0 : i32
    return %arg0, %c0_i32 : i32, i32
  }
  func.func @transform_3(%arg0: i32) -> (i32, i32, i32) {
    %c0_i32 = arith.constant 0 : i32
    %c0_i32_0 = arith.constant 0 : i32
    %c0_i32_1 = arith.constant 0 : i32
    return %arg0, %c0_i32, %c0_i32_0 : i32, i32, i32
  }
  func.func @transform_4(%arg0: i32) -> (i32, i32, i32) {
    %c0_i32 = arith.constant 0 : i32
    %c0_i32_0 = arith.constant 0 : i32
    %c0_i32_1 = arith.constant 0 : i32
    return %arg0, %c0_i32, %c0_i32_0 : i32, i32, i32
  }
}

module attributes {stable_mosaic.version = 14 : i64} {
  func.func @_c0_body(%arg0: memref<10000x128xf32, #tpu.memory_space<vmem>>, %arg1: memref<10000x128xf32, #tpu.memory_space<vmem>>, %arg2: memref<10000x1xf32, #tpu.memory_space<vmem>>, %arg3: memref<2x128xf32, #tpu.memory_space<vmem>>, %arg4: memref<10000x128xf32, #tpu.memory_space<vmem>>) attributes {dimension_semantics = [], scalar_prefetch = 0 : i64, scratch_operands = 0 : i64, tpu.core_type = #tpu.core_type<tc>} {
    %get3A = arith.constant 0 : index
    %get3A_0 = arith.constant 0 : index
    %get3A_1 = vector.load %arg2[%get3A, %get3A_0] : memref<10000x1xf32, #tpu.memory_space<vmem>>, vector<10000x1xf32>
    %get3A_2 = arith.constant 0 : index
    %get3A_3 = arith.constant 0 : index
    %get3A_4 = vector.load %arg3[%get3A_2, %get3A_3] : memref<2x128xf32, #tpu.memory_space<vmem>>, vector<1x128xf32>
    %get3A_5 = arith.constant 1 : index
    %get3A_6 = arith.constant 0 : index
    %get3A_7 = vector.load %arg3[%get3A_5, %get3A_6] : memref<2x128xf32, #tpu.memory_space<vmem>>, vector<1x128xf32>
    %get3A_8 = arith.constant 0 : index
    %get3A_9 = arith.constant 0 : index
    %get3A_10 = vector.load %arg1[%get3A_8, %get3A_9] : memref<10000x128xf32, #tpu.memory_space<vmem>>, vector<10000x128xf32>
    %sub3A = vector.broadcast %get3A_4 : vector<1x128xf32> to vector<10000x128xf32>
    %sub3A_11 = arith.subf %get3A_10, %sub3A : vector<10000x128xf32>
    %mul3A = vector.broadcast %get3A_7 : vector<1x128xf32> to vector<10000x128xf32>
    %mul3A_12 = arith.mulf %sub3A_11, %mul3A : vector<10000x128xf32>
    %ge3A = arith.constant 0.000000e+00 : f32
    %ge3A_13 = vector.broadcast %ge3A : f32 to vector<10000x128xf32>
    %ge3A_14 = arith.cmpf oge, %mul3A_12, %ge3A_13 : vector<10000x128xf32>
    %mul3A_15 = arith.constant 2.000000e-01 : f32
    %mul3A_16 = vector.broadcast %mul3A_15 : f32 to vector<10000x128xf32>
    %mul3A_17 = arith.mulf %mul3A_16, %mul3A_12 : vector<10000x128xf32>
    %select_n3A = arith.select %ge3A_14, %mul3A_12, %mul3A_17 : vector<10000x128xi1>, vector<10000x128xf32>
    %get3A_18 = arith.constant 0 : index
    %get3A_19 = arith.constant 0 : index
    %get3A_20 = vector.load %arg0[%get3A_18, %get3A_19] : memref<10000x128xf32, #tpu.memory_space<vmem>>, vector<10000x128xf32>
    %gt3A = arith.constant 0.000000e+00 : f32
    %gt3A_21 = vector.broadcast %gt3A : f32 to vector<10000x1xf32>
    %gt3A_22 = arith.cmpf ogt, %get3A_1, %gt3A_21 : vector<10000x1xf32>
    %jit3A = arith.constant 0.000000e+00 : f32
    %broadcast_in_dim3A = vector.shape_cast %gt3A_22 : vector<10000x1xi1> to vector<10000x1xi1>
    %broadcast_in_dim3A_23 = vector.broadcast %broadcast_in_dim3A : vector<10000x1xi1> to vector<10000x128xi1>
    %broadcast_in_dim3A_24 = vector.broadcast %jit3A : f32 to vector<10000x128xf32>
    %select_n3A_25 = arith.select %broadcast_in_dim3A_23, %select_n3A, %broadcast_in_dim3A_24 : vector<10000x128xi1>, vector<10000x128xf32>
    %add3A = arith.addf %get3A_20, %select_n3A_25 : vector<10000x128xf32>
    %swap3A = arith.constant 0 : index
    %swap3A_26 = arith.constant 0 : index
    %swap3A_27 = vector.load %arg4[%swap3A, %swap3A_26] : memref<10000x128xf32, #tpu.memory_space<vmem>>, vector<10000x128xf32>
    tpu.vector_store %arg4[%swap3A, %swap3A_26], %add3A {strides = array<i32>} : memref<10000x128xf32, #tpu.memory_space<vmem>>, vector<10000x128xf32>,
    return
  }
}

module attributes {stable_mosaic.version = 14 : i64} {
  func.func @_mm2bn_body(%arg0: memref<10000x128xf32, #tpu.memory_space<vmem>>, %arg1: memref<128x128xf32, #tpu.memory_space<vmem>>, %arg2: memref<128x128xf32, #tpu.memory_space<vmem>>, %arg3: memref<10000x128xf32, #tpu.memory_space<vmem>>, %arg4: memref<10000x128xf32, #tpu.memory_space<vmem>>) attributes {dimension_semantics = [], scalar_prefetch = 0 : i64, scratch_operands = 0 : i64, tpu.core_type = #tpu.core_type<tc>} {
    %get3A = arith.constant 0 : index
    %get3A_0 = arith.constant 0 : index
    %get3A_1 = vector.load %arg0[%get3A, %get3A_0] : memref<10000x128xf32, #tpu.memory_space<vmem>>, vector<10000x128xf32>
    %get3A_2 = arith.constant 0 : index
    %get3A_3 = arith.constant 0 : index
    %get3A_4 = vector.load %arg1[%get3A_2, %get3A_3] : memref<128x128xf32, #tpu.memory_space<vmem>>, vector<128x128xf32>
    %dot_general3A = arith.constant dense<0.000000e+00> : vector<10000x128xf32>
    %dot_general3A_5 = tpu.matmul %get3A_1, %get3A_4, %dot_general3A {dimension_numbers = #tpu.dot_dimension_numbers<[1], [0], [0], [1], [0, 0, 1, 1], [], []>, transpose_lhs_hint = false} : vector<10000x128xf32>, vector<128x128xf32>, vector<10000x128xf32> -> vector<10000x128xf32>
    %reduce_sum3A = arith.constant dense<0.000000e+00> : vector<128xf32>
    %reduce_sum3A_6 = vector.multi_reduction <add>, %dot_general3A_5, %reduce_sum3A [0] : vector<10000x128xf32> to vector<128xf32>
    %broadcast_in_dim3A = vector.shape_cast %reduce_sum3A_6 : vector<128xf32> to vector<1x128xf32>
    %div3A = arith.constant 1.000000e+04 : f32
    %div3A_7 = vector.broadcast %div3A : f32 to vector<1x128xf32>
    %div3A_8 = arith.divf %broadcast_in_dim3A, %div3A_7 : vector<1x128xf32>
    %mul3A = arith.mulf %dot_general3A_5, %dot_general3A_5 : vector<10000x128xf32>
    %reduce_sum3A_9 = arith.constant dense<0.000000e+00> : vector<128xf32>
    %reduce_sum3A_10 = vector.multi_reduction <add>, %mul3A, %reduce_sum3A_9 [0] : vector<10000x128xf32> to vector<128xf32>
    %broadcast_in_dim3A_11 = vector.shape_cast %reduce_sum3A_10 : vector<128xf32> to vector<1x128xf32>
    %div3A_12 = arith.constant 1.000000e+04 : f32
    %div3A_13 = vector.broadcast %div3A_12 : f32 to vector<1x128xf32>
    %div3A_14 = arith.divf %broadcast_in_dim3A_11, %div3A_13 : vector<1x128xf32>
    %mul3A_15 = arith.mulf %div3A_8, %div3A_8 : vector<1x128xf32>
    %sub3A = arith.subf %div3A_14, %mul3A_15 : vector<1x128xf32>
    %sub3A_16 = vector.broadcast %div3A_8 : vector<1x128xf32> to vector<10000x128xf32>
    %sub3A_17 = arith.subf %dot_general3A_5, %sub3A_16 : vector<10000x128xf32>
    %add3A = arith.constant 9.99999974E-6 : f32
    %add3A_18 = vector.broadcast %add3A : f32 to vector<1x128xf32>
    %add3A_19 = arith.addf %sub3A, %add3A_18 : vector<1x128xf32>
    %rsqrt3A = math.rsqrt %add3A_19 : vector<1x128xf32>
    %mul3A_20 = vector.broadcast %rsqrt3A : vector<1x128xf32> to vector<10000x128xf32>
    %mul3A_21 = arith.mulf %sub3A_17, %mul3A_20 : vector<10000x128xf32>
    %ge3A = arith.constant 0.000000e+00 : f32
    %ge3A_22 = vector.broadcast %ge3A : f32 to vector<10000x128xf32>
    %ge3A_23 = arith.cmpf oge, %mul3A_21, %ge3A_22 : vector<10000x128xf32>
    %mul3A_24 = arith.constant 2.000000e-01 : f32
    %mul3A_25 = vector.broadcast %mul3A_24 : f32 to vector<10000x128xf32>
    %mul3A_26 = arith.mulf %mul3A_25, %mul3A_21 : vector<10000x128xf32>
    %select_n3A = arith.select %ge3A_23, %mul3A_21, %mul3A_26 : vector<10000x128xi1>, vector<10000x128xf32>
    %swap3A = arith.constant 0 : index
    %swap3A_27 = arith.constant 0 : index
    %swap3A_28 = vector.load %arg3[%swap3A, %swap3A_27] : memref<10000x128xf32, #tpu.memory_space<vmem>>, vector<10000x128xf32>
    tpu.vector_store %arg3[%swap3A, %swap3A_27], %select_n3A {strides = array<i32>} : memref<10000x128xf32, #tpu.memory_space<vmem>>, vector<10000x128xf32>,
    %get3A_29 = arith.constant 0 : index
    %get3A_30 = arith.constant 0 : index
    %get3A_31 = vector.load %arg2[%get3A_29, %get3A_30] : memref<128x128xf32, #tpu.memory_space<vmem>>, vector<128x128xf32>
    %dot_general3A_32 = arith.constant dense<0.000000e+00> : vector<10000x128xf32>
    %dot_general3A_33 = tpu.matmul %get3A_1, %get3A_31, %dot_general3A_32 {dimension_numbers = #tpu.dot_dimension_numbers<[1], [0], [0], [1], [0, 0, 1, 1], [], []>, transpose_lhs_hint = false} : vector<10000x128xf32>, vector<128x128xf32>, vector<10000x128xf32> -> vector<10000x128xf32>
    %reduce_sum3A_34 = arith.constant dense<0.000000e+00> : vector<128xf32>
    %reduce_sum3A_35 = vector.multi_reduction <add>, %dot_general3A_33, %reduce_sum3A_34 [0] : vector<10000x128xf32> to vector<128xf32>
    %broadcast_in_dim3A_36 = vector.shape_cast %reduce_sum3A_35 : vector<128xf32> to vector<1x128xf32>
    %div3A_37 = arith.constant 1.000000e+04 : f32
    %div3A_38 = vector.broadcast %div3A_37 : f32 to vector<1x128xf32>
    %div3A_39 = arith.divf %broadcast_in_dim3A_36, %div3A_38 : vector<1x128xf32>
    %mul3A_40 = arith.mulf %dot_general3A_33, %dot_general3A_33 : vector<10000x128xf32>
    %reduce_sum3A_41 = arith.constant dense<0.000000e+00> : vector<128xf32>
    %reduce_sum3A_42 = vector.multi_reduction <add>, %mul3A_40, %reduce_sum3A_41 [0] : vector<10000x128xf32> to vector<128xf32>
    %broadcast_in_dim3A_43 = vector.shape_cast %reduce_sum3A_42 : vector<128xf32> to vector<1x128xf32>
    %div3A_44 = arith.constant 1.000000e+04 : f32
    %div3A_45 = vector.broadcast %div3A_44 : f32 to vector<1x128xf32>
    %div3A_46 = arith.divf %broadcast_in_dim3A_43, %div3A_45 : vector<1x128xf32>
    %mul3A_47 = arith.mulf %div3A_39, %div3A_39 : vector<1x128xf32>
    %sub3A_48 = arith.subf %div3A_46, %mul3A_47 : vector<1x128xf32>
    %sub3A_49 = vector.broadcast %div3A_39 : vector<1x128xf32> to vector<10000x128xf32>
    %sub3A_50 = arith.subf %dot_general3A_33, %sub3A_49 : vector<10000x128xf32>
    %add3A_51 = arith.constant 9.99999974E-6 : f32
    %add3A_52 = vector.broadcast %add3A_51 : f32 to vector<1x128xf32>
    %add3A_53 = arith.addf %sub3A_48, %add3A_52 : vector<1x128xf32>
    %rsqrt3A_54 = math.rsqrt %add3A_53 : vector<1x128xf32>
    %mul3A_55 = vector.broadcast %rsqrt3A_54 : vector<1x128xf32> to vector<10000x128xf32>
    %mul3A_56 = arith.mulf %sub3A_50, %mul3A_55 : vector<10000x128xf32>
    %ge3A_57 = arith.constant 0.000000e+00 : f32
    %ge3A_58 = vector.broadcast %ge3A_57 : f32 to vector<10000x128xf32>
    %ge3A_59 = arith.cmpf oge, %mul3A_56, %ge3A_58 : vector<10000x128xf32>
    %mul3A_60 = arith.constant 2.000000e-01 : f32
    %mul3A_61 = vector.broadcast %mul3A_60 : f32 to vector<10000x128xf32>
    %mul3A_62 = arith.mulf %mul3A_61, %mul3A_56 : vector<10000x128xf32>
    %select_n3A_63 = arith.select %ge3A_59, %mul3A_56, %mul3A_62 : vector<10000x128xi1>, vector<10000x128xf32>
    %swap3A_64 = arith.constant 0 : index
    %swap3A_65 = arith.constant 0 : index
    %swap3A_66 = vector.load %arg4[%swap3A_64, %swap3A_65] : memref<10000x128xf32, #tpu.memory_space<vmem>>, vector<10000x128xf32>
    tpu.vector_store %arg4[%swap3A_64, %swap3A_65], %select_n3A_63 {strides = array<i32>} : memref<10000x128xf32, #tpu.memory_space<vmem>>, vector<10000x128xf32>,
    return
  }
}

module attributes {stable_mosaic.version = 14 : i64} {
  func.func @_ci_body(%arg0: memref<10000x128xf32, #tpu.memory_space<vmem>>, %arg1: memref<10000x128xf32, #tpu.memory_space<vmem>>, %arg2: memref<10000x1xf32, #tpu.memory_space<vmem>>, %arg3: memref<10000x128xf32, #tpu.memory_space<vmem>>) attributes {dimension_semantics = [], scalar_prefetch = 0 : i64, scratch_operands = 0 : i64, tpu.core_type = #tpu.core_type<tc>} {
    %get3A = arith.constant 0 : index
    %get3A_0 = arith.constant 0 : index
    %get3A_1 = vector.load %arg2[%get3A, %get3A_0] : memref<10000x1xf32, #tpu.memory_space<vmem>>, vector<10000x1xf32>
    %get3A_2 = arith.constant 0 : index
    %get3A_3 = arith.constant 0 : index
    %get3A_4 = vector.load %arg0[%get3A_2, %get3A_3] : memref<10000x128xf32, #tpu.memory_space<vmem>>, vector<10000x128xf32>
    %gt3A = arith.constant 0.000000e+00 : f32
    %gt3A_5 = vector.broadcast %gt3A : f32 to vector<10000x1xf32>
    %gt3A_6 = arith.cmpf ogt, %get3A_1, %gt3A_5 : vector<10000x1xf32>
    %get3A_7 = arith.constant 0 : index
    %get3A_8 = arith.constant 0 : index
    %get3A_9 = vector.load %arg1[%get3A_7, %get3A_8] : memref<10000x128xf32, #tpu.memory_space<vmem>>, vector<10000x128xf32>
    %jit3A = arith.constant 0.000000e+00 : f32
    %broadcast_in_dim3A = vector.shape_cast %gt3A_6 : vector<10000x1xi1> to vector<10000x1xi1>
    %broadcast_in_dim3A_10 = vector.broadcast %broadcast_in_dim3A : vector<10000x1xi1> to vector<10000x128xi1>
    %broadcast_in_dim3A_11 = vector.broadcast %jit3A : f32 to vector<10000x128xf32>
    %select_n3A = arith.select %broadcast_in_dim3A_10, %get3A_9, %broadcast_in_dim3A_11 : vector<10000x128xi1>, vector<10000x128xf32>
    %add3A = arith.addf %get3A_4, %select_n3A : vector<10000x128xf32>
    %swap3A = arith.constant 0 : index
    %swap3A_12 = arith.constant 0 : index
    %swap3A_13 = vector.load %arg3[%swap3A, %swap3A_12] : memref<10000x128xf32, #tpu.memory_space<vmem>>, vector<10000x128xf32>
    tpu.vector_store %arg3[%swap3A, %swap3A_12], %add3A {strides = array<i32>} : memref<10000x128xf32, #tpu.memory_space<vmem>>, vector<10000x128xf32>,
    return
  }
}

module attributes {stable_mosaic.version = 14 : i64} {
  func.func @_c3_body(%arg0: memref<10000x128xf32, #tpu.memory_space<vmem>>, %arg1: memref<10000x128xf32, #tpu.memory_space<vmem>>, %arg2: memref<10000x128xf32, #tpu.memory_space<vmem>>, %arg3: memref<10000x128xf32, #tpu.memory_space<vmem>>, %arg4: memref<512x1xf32, #tpu.memory_space<vmem>>, %arg5: memref<1xf32, #tpu.memory_space<vmem>>, %arg6: memref<10000x1xf32, #tpu.memory_space<vmem>>) attributes {dimension_semantics = [], scalar_prefetch = 0 : i64, scratch_operands = 0 : i64, tpu.core_type = #tpu.core_type<tc>} {
    %get3A = arith.constant 0 : index
    %get3A_0 = arith.constant 0 : index
    %get3A_1 = vector.load %arg4[%get3A, %get3A_0] : memref<512x1xf32, #tpu.memory_space<vmem>>, vector<512x1xf32>
    %reshape3A = vector.shape_cast %get3A_1 : vector<512x1xf32> to vector<4x128xf32>
    %get3A_2 = arith.constant 0 : index
    %get3A_3 = arith.constant 0 : index
    %get3A_4 = vector.load %arg0[%get3A_2, %get3A_3] : memref<10000x128xf32, #tpu.memory_space<vmem>>, vector<10000x128xf32>
    %slice3A = vector.extract_strided_slice %reshape3A {offsets = [0, 0], sizes = [1, 128], strides = [1, 1]} : vector<4x128xf32> to vector<1x128xf32>
    %squeeze3A = vector.shape_cast %slice3A : vector<1x128xf32> to vector<128xf32>
    %broadcast_in_dim3A = vector.shape_cast %squeeze3A : vector<128xf32> to vector<1x128xf32>
    %mul3A = vector.broadcast %broadcast_in_dim3A : vector<1x128xf32> to vector<10000x128xf32>
    %mul3A_5 = arith.mulf %get3A_4, %mul3A : vector<10000x128xf32>
    %reduce_sum3A = arith.constant dense<0.000000e+00> : vector<10000xf32>
    %reduce_sum3A_6 = vector.multi_reduction <add>, %mul3A_5, %reduce_sum3A [1] : vector<10000x128xf32> to vector<10000xf32>
    %broadcast_in_dim3A_7 = vector.shape_cast %reduce_sum3A_6 : vector<10000xf32> to vector<10000x1xf32>
    %get3A_8 = arith.constant 0 : index
    %get3A_9 = arith.constant 0 : index
    %get3A_10 = vector.load %arg1[%get3A_8, %get3A_9] : memref<10000x128xf32, #tpu.memory_space<vmem>>, vector<10000x128xf32>
    %slice3A_11 = vector.extract_strided_slice %reshape3A {offsets = [1, 0], sizes = [1, 128], strides = [1, 1]} : vector<4x128xf32> to vector<1x128xf32>
    %squeeze3A_12 = vector.shape_cast %slice3A_11 : vector<1x128xf32> to vector<128xf32>
    %broadcast_in_dim3A_13 = vector.shape_cast %squeeze3A_12 : vector<128xf32> to vector<1x128xf32>
    %mul3A_14 = vector.broadcast %broadcast_in_dim3A_13 : vector<1x128xf32> to vector<10000x128xf32>
    %mul3A_15 = arith.mulf %get3A_10, %mul3A_14 : vector<10000x128xf32>
    %reduce_sum3A_16 = arith.constant dense<0.000000e+00> : vector<10000xf32>
    %reduce_sum3A_17 = vector.multi_reduction <add>, %mul3A_15, %reduce_sum3A_16 [1] : vector<10000x128xf32> to vector<10000xf32>
    %broadcast_in_dim3A_18 = vector.shape_cast %reduce_sum3A_17 : vector<10000xf32> to vector<10000x1xf32>
    %add3A = arith.addf %broadcast_in_dim3A_7, %broadcast_in_dim3A_18 : vector<10000x1xf32>
    %get3A_19 = arith.constant 0 : index
    %get3A_20 = arith.constant 0 : index
    %get3A_21 = vector.load %arg2[%get3A_19, %get3A_20] : memref<10000x128xf32, #tpu.memory_space<vmem>>, vector<10000x128xf32>
    %slice3A_22 = vector.extract_strided_slice %reshape3A {offsets = [2, 0], sizes = [1, 128], strides = [1, 1]} : vector<4x128xf32> to vector<1x128xf32>
    %squeeze3A_23 = vector.shape_cast %slice3A_22 : vector<1x128xf32> to vector<128xf32>
    %broadcast_in_dim3A_24 = vector.shape_cast %squeeze3A_23 : vector<128xf32> to vector<1x128xf32>
    %mul3A_25 = vector.broadcast %broadcast_in_dim3A_24 : vector<1x128xf32> to vector<10000x128xf32>
    %mul3A_26 = arith.mulf %get3A_21, %mul3A_25 : vector<10000x128xf32>
    %reduce_sum3A_27 = arith.constant dense<0.000000e+00> : vector<10000xf32>
    %reduce_sum3A_28 = vector.multi_reduction <add>, %mul3A_26, %reduce_sum3A_27 [1] : vector<10000x128xf32> to vector<10000xf32>
    %broadcast_in_dim3A_29 = vector.shape_cast %reduce_sum3A_28 : vector<10000xf32> to vector<10000x1xf32>
    %add3A_30 = arith.addf %add3A, %broadcast_in_dim3A_29 : vector<10000x1xf32>
    %get3A_31 = arith.constant 0 : index
    %get3A_32 = arith.constant 0 : index
    %get3A_33 = vector.load %arg3[%get3A_31, %get3A_32] : memref<10000x128xf32, #tpu.memory_space<vmem>>, vector<10000x128xf32>
    %slice3A_34 = vector.extract_strided_slice %reshape3A {offsets = [3, 0], sizes = [1, 128], strides = [1, 1]} : vector<4x128xf32> to vector<1x128xf32>
    %squeeze3A_35 = vector.shape_cast %slice3A_34 : vector<1x128xf32> to vector<128xf32>
    %broadcast_in_dim3A_36 = vector.shape_cast %squeeze3A_35 : vector<128xf32> to vector<1x128xf32>
    %mul3A_37 = vector.broadcast %broadcast_in_dim3A_36 : vector<1x128xf32> to vector<10000x128xf32>
    %mul3A_38 = arith.mulf %get3A_33, %mul3A_37 : vector<10000x128xf32>
    %reduce_sum3A_39 = arith.constant dense<0.000000e+00> : vector<10000xf32>
    %reduce_sum3A_40 = vector.multi_reduction <add>, %mul3A_38, %reduce_sum3A_39 [1] : vector<10000x128xf32> to vector<10000xf32>
    %broadcast_in_dim3A_41 = vector.shape_cast %reduce_sum3A_40 : vector<10000xf32> to vector<10000x1xf32>
    %add3A_42 = arith.addf %add3A_30, %broadcast_in_dim3A_41 : vector<10000x1xf32>
    %reduce_sum3A_43 = arith.constant dense<0.000000e+00> : vector<1xf32>
    %reduce_sum3A_44 = vector.multi_reduction <add>, %add3A_42, %reduce_sum3A_43 [0] : vector<10000x1xf32> to vector<1xf32>
    %broadcast_in_dim3A_45 = vector.shape_cast %reduce_sum3A_44 : vector<1xf32> to vector<1x1xf32>
    %div3A = arith.constant 1.000000e+04 : f32
    %div3A_46 = vector.broadcast %div3A : f32 to vector<1x1xf32>
    %div3A_47 = arith.divf %broadcast_in_dim3A_45, %div3A_46 : vector<1x1xf32>
    %mul3A_48 = arith.mulf %add3A_42, %add3A_42 : vector<10000x1xf32>
    %reduce_sum3A_49 = arith.constant dense<0.000000e+00> : vector<1xf32>
    %reduce_sum3A_50 = vector.multi_reduction <add>, %mul3A_48, %reduce_sum3A_49 [0] : vector<10000x1xf32> to vector<1xf32>
    %broadcast_in_dim3A_51 = vector.shape_cast %reduce_sum3A_50 : vector<1xf32> to vector<1x1xf32>
    %div3A_52 = arith.constant 1.000000e+04 : f32
    %div3A_53 = vector.broadcast %div3A_52 : f32 to vector<1x1xf32>
    %div3A_54 = arith.divf %broadcast_in_dim3A_51, %div3A_53 : vector<1x1xf32>
    %mul3A_55 = arith.mulf %div3A_47, %div3A_47 : vector<1x1xf32>
    %sub3A = arith.subf %div3A_54, %mul3A_55 : vector<1x1xf32>
    %sub3A_56 = vector.broadcast %div3A_47 : vector<1x1xf32> to vector<10000x1xf32>
    %sub3A_57 = arith.subf %add3A_42, %sub3A_56 : vector<10000x1xf32>
    %add3A_58 = arith.constant 9.99999974E-6 : f32
    %add3A_59 = vector.broadcast %add3A_58 : f32 to vector<1x1xf32>
    %add3A_60 = arith.addf %sub3A, %add3A_59 : vector<1x1xf32>
    %rsqrt3A = math.rsqrt %add3A_60 : vector<1x1xf32>
    %mul3A_61 = vector.broadcast %rsqrt3A : vector<1x1xf32> to vector<10000x1xf32>
    %mul3A_62 = arith.mulf %sub3A_57, %mul3A_61 : vector<10000x1xf32>
    %ge3A = arith.constant 0.000000e+00 : f32
    %ge3A_63 = vector.broadcast %ge3A : f32 to vector<10000x1xf32>
    %ge3A_64 = arith.cmpf oge, %mul3A_62, %ge3A_63 : vector<10000x1xf32>
    %mul3A_65 = arith.constant 2.000000e-01 : f32
    %mul3A_66 = vector.broadcast %mul3A_65 : f32 to vector<10000x1xf32>
    %mul3A_67 = arith.mulf %mul3A_66, %mul3A_62 : vector<10000x1xf32>
    %select_n3A = arith.select %ge3A_64, %mul3A_62, %mul3A_67 : vector<10000x1xi1>, vector<10000x1xf32>
    %get3A_68 = arith.constant 0 : index
    %get3A_69 = vector.load %arg5[%get3A_68] : memref<1xf32, #tpu.memory_space<vmem>>, vector<1xf32>
    %get3A_70 = vector.extract %get3A_69[0] : f32 from vector<1xf32>
    %add3A_71 = vector.broadcast %get3A_70 : f32 to vector<10000x1xf32>
    %add3A_72 = arith.addf %select_n3A, %add3A_71 : vector<10000x1xf32>
    %swap3A = arith.constant 0 : index
    %swap3A_73 = arith.constant 0 : index
    %swap3A_74 = vector.load %arg6[%swap3A, %swap3A_73] : memref<10000x1xf32, #tpu.memory_space<vmem>>, vector<10000x1xf32>
    tpu.vector_store %arg6[%swap3A, %swap3A_73], %add3A_72 {strides = array<i32>} : memref<10000x1xf32, #tpu.memory_space<vmem>>, vector<10000x1xf32>,
    return
  }
}

</mosaic_0001>

<sc_bundles>
// kernel: kernel.17.cloned.1.call-start
scs
__scs_entry_jumppad:
0x0: {  	(pc) =	sbr.rel $0x88, $3  }
0x1: {  	(tag) =	ssettag $0x0;
	lr =	simm.s32 $0x1  }
0x2: {  	[smem:$0x3F95] =	sst lr;
	_ =	strace $0xD0000000  }
0x3: {  	_ = 	snop  }
0x4: {  	_ = 	snop  }
0x5: {  	_ = 	snop  }
0x6: {  	_ = 	snop  }
0x7: {  	_ = 	snop  }
__scs_overlays_trampoline_lowered:
0x8: {  	[smem:$0x3FA4] =	sst s0  }
0x9: {  	[smem:$0x3FA5] =	sst s1  }
0xa: {  	[smem:$0x3FA6] =	sst s2  }
0xb: {  	[smem:$0x3FA7] =	sst s3  }
0xc: {  	[smem:$0x3FA8] =	sst s4  }
0xd: {  	[smem:$0x3FA9] =	sst s5  }
0xe: {  	[smem:$0x3FAA] =	sst s6  }
0xf: {  	[smem:$0x3FAB] =	sst s7  }
0x10: {  	[smem:$0x3FAC] =	sst s8  }
0x11: {  	[smem:$0x3FAD] =	sst s9;
	s0 =	simm.s32 @!p0 $0x0  }
0x12: {  	s1 =	sld [smem:$0x3F93];
	s0 =	simm.s32 @p0 $0x1  }
0x13: {  	[smem:$0x3FAE] =	sst s0;
	s0 =	simm.s32 @!p1 $0x0  }
0x14: {  	s2 =	sld [smem:$0x3F92];
	s0 =	simm.s32 @p1 $0x1  }
0x15: {  	[smem:$0x3FAF] =	sst s0;
	s0 =	simm.s32 @!p2 $0x0  }
0x16: {  	s3 =	sld [smem:$0x3FDB];
	s0 =	simm.s32 @p2 $0x1  }
0x17: {  	s4 =	simm.s32 $0x1BF5;
	[smem:$0x3FB1] =	sst s0  }
0x18: {  	s0 =	sld [smem:$0x3F94];
	_ =	swait.ge [sflag:s4], $0x0  }
0x19: {  	s7 =	sld [smem:$0x3F95]  }
0x1a: {  	s8 =	sadd.s32 $0xFFFFE003, lr  }
0x1b: {  	s9 =	sadd.s32 $0xFFFFFEF7, lr;
	s5 =	simm.s32 $0xFFFFFFFF;
	p2 =	slt.u32 s8, $0xFFFFF086  }
0x1c: {  	p1 =	slt.u32 s9, $0xF7A;
	s5 =	simm.s32 @!p2 $0x0  }
0x1d: {  	s5 =	simm.s32 @p1 $0x1;
	p0 =	seq.s32 s7, s2  }
0x1e: {  	s7 =	smul.u32 @!p0 $0xF7A, s2;
	p2 =	seq.s32 @!p0 s5, $0x0  }
0x1f: {  	s9 =	smul.u32 $0xF7A, s1;
	s8 =	simm.s32 @!p0 $0x1BF5;
	p2 =	por !p2, p0  }
0x20: {  	[sflag:s8] =	ssyncset.s32 @!p0 $0xFFFFF086;
	s6 =	sadd.s32 @!p0 s3, s7;
	s7 =	simm.s32 @!p0 $0x108  }
0x21: {  	s3 =	sadd.s32 s3, s9;
	s6 =	sadd.s32 @!p0 $0x88, s6;
	s7 =	simm.s32 @p2 $0x1082  }
0x22: {  	[simem:s7], [sflag:s8] =	dma.local @!p0 [hbm:s6], $0xF7A  }
0x23: {  	s9 =	sor.u32 $0xD0000000, s2;
	s6 =	simm.s32 $0x108;
	_ =	swait.ge @!p0 [sflag:s8], $0x0  }
0x24: {  	s3 =	sadd.s32 $0x88, s3;
	s6 =	simm.s32 @!p1 $0x1082;
	[sflag:s4] =	ssyncset.s32 $0xFFFFF086  }
0x25: {  	[simem:s6], [sflag:s4] =	dma.local [hbm:s3], $0xF7A  }
0x26: {  	[smem:$0x3F95] =	sst s1;
	(tag) =	ssettag s2;
	_ =	strace s9  }
0x27: {  	s1 =	sld [smem:$0x3FA5]  }
0x28: {  	s2 =	sld [smem:$0x3FA6]  }
0x29: {  	s4 =	sld [smem:$0x3FA8]  }
0x2a: {  	p0 =	seq.s32 s5, $0x0;
	s5 =	sld [smem:$0x3FA9]  }
0x2b: {  	s6 =	sld [smem:$0x3FAA]  }
0x2c: {  	s7 =	sld [smem:$0x3FAB]  }
0x2d: {  	s3 =	simm.s32 $0x108;
	s8 =	sld [smem:$0x3FAC]  }
0x2e: {  	s3 =	simm.s32 @!p0 $0x1082;
	s9 =	sld [smem:$0x3FAD]  }
0x2f: {  	lr =	sadd.s32 s0, s3;
	s0 =	sld [smem:$0x3FA4]  }
0x30: {  	s3 =	sld [smem:$0x3FA7]  }
0x31: {  	[smem:$0x3FB0] =	sst s10  }
0x32: {  	s10 =	sld [smem:$0x3FAE];
	_ =	sdelay $0x3  }
0x33: {  	p0 =	seq.s32 s10, $0x1;
	s10 =	sld [smem:$0x3FB0];
	_ =	sdelay $0x3  }
0x34: {  	[smem:$0x3FB0] =	sst s10  }
0x35: {  	s10 =	sld [smem:$0x3FAF];
	_ =	sdelay $0x3  }
0x36: {  	p1 =	seq.s32 s10, $0x1;
	s10 =	sld [smem:$0x3FB0];
	_ =	sdelay $0x3  }
0x37: {  	[smem:$0x3FB0] =	sst s10  }
0x38: {  	s10 =	sld [smem:$0x3FB1]  }
0x39: {  	_ = 	snop;
	(pc) =	sbr.ind lr, $3  }
0x3a: {  	_ = 	snop  }
0x3b: {  	_ = 	snop  }
0x3c: {  	p2 =	seq.s32 s10, $0x1;
	s10 =	sld [smem:$0x3FB0]  }
0x3d: {  	_ =	shalt  }
0x3e: {  	_ =	shalt  }
0x3f: {  	_ =	shalt  }
0x40: {  	_ =	shalt  }
0x41: {  	_ =	shalt  }
0x42: {  	_ =	shalt  }
0x43: {  	_ =	shalt  }
0x44: {  	_ =	shalt  }
0x45: {  	_ =	shalt  }
0x46: {  	_ =	shalt  }
0x47: {  	_ =	shalt  }
0x48: {  	_ =	shalt  }
0x49: {  	_ =	shalt  }
0x4a: {  	_ =	shalt  }
0x4b: {  	_ =	shalt  }
0x4c: {  	_ =	shalt  }
0x4d: {  	_ =	shalt  }
0x4e: {  	_ =	shalt  }
0x4f: {  	_ =	shalt  }
0x50: {  	_ =	shalt  }
0x51: {  	_ =	shalt  }
0x52: {  	_ =	shalt  }
0x53: {  	_ =	shalt  }
0x54: {  	_ =	shalt  }
0x55: {  	_ =	shalt  }
0x56: {  	_ =	shalt  }
0x57: {  	_ =	shalt  }
0x58: {  	_ =	shalt  }
0x59: {  	_ =	shalt  }
0x5a: {  	_ =	shalt  }
0x5b: {  	_ =	shalt  }
0x5c: {  	_ =	shalt  }
0x5d: {  	_ =	shalt  }
0x5e: {  	_ =	shalt  }
0x5f: {  	_ =	shalt  }
0x60: {  	_ =	shalt  }
0x61: {  	_ =	shalt  }
0x62: {  	_ =	shalt  }
0x63: {  	_ =	shalt  }
0x64: {  	_ =	shalt  }
0x65: {  	_ =	shalt  }
0x66: {  	_ =	shalt  }
0x67: {  	_ =	shalt  }
0x68: {  	_ =	shalt  }
0x69: {  	_ =	shalt  }
0x6a: {  	_ =	shalt  }
0x6b: {  	_ =	shalt  }
0x6c: {  	_ =	shalt  }
0x6d: {  	_ =	shalt  }
0x6e: {  	_ =	shalt  }
0x6f: {  	_ =	shalt  }
0x70: {  	_ =	shalt  }
0x71: {  	_ =	shalt  }
0x72: {  	_ =	shalt  }
0x73: {  	_ =	shalt  }
0x74: {  	_ =	shalt  }
0x75: {  	_ =	shalt  }
0x76: {  	_ =	shalt  }
0x77: {  	_ =	shalt  }
0x78: {  	_ =	shalt  }
0x79: {  	_ =	shalt  }
0x7a: {  	_ =	shalt  }
0x7b: {  	_ =	shalt  }
0x7c: {  	_ =	shalt  }
0x7d: {  	_ =	shalt  }
0x7e: {  	_ =	shalt  }
0x7f: {  	_ =	shalt  }
0x80: {  	_ =	shalt  }
0x81: {  	_ =	shalt  }
0x82: {  	_ =	shalt  }
0x83: {  	_ =	shalt  }
0x84: {  	_ =	shalt  }
0x85: {  	_ =	shalt  }
0x86: {  	_ =	shalt  }
0x87: {  	_ =	shalt  }
.Lfunc_end0:
.L_simem_size_0:
called_computation_lowered:
.L_overlay_start_0:
0x88: {  	s2 =	sld [smem:$0x3FD9]  }
0x89: {  	s3 =	sld [smem:$0x3FFE];
	_ =	sdelay $0x1  }
0x8a: {  	s1 =	srdreg.scid  }
0x8b: {  	s0 =	sand.u32 $0x1, s1  }
0x8c: {  	s17 =	sshll.u32 s0, $0xA;
	s2 =	sadd.s32 s3, s2  }
0x8d: {  	s2 =	sadd.s32 s2, s17  }
0x8e: {  	[smem:$0x3FBC] =	sst s2  }
0x8f: {  	_ = 	snop  }
0x90: {  	s2 =	sld [smem:$0x3FC9];
	(tm) =	ssettm $0x1  }
0x91: {  	s18 =	sld [smem:$0x3FFB];
	_ =	sdelay $0x3  }
0x92: {  	_ =	strace s18  }
0x93: {  	s3 =	sld [smem:$0x3FFC];
	_ =	sdelay $0x3  }
0x94: {  	_ =	strace s3  }
0x95: {  	s3 =	sld [smem:$0x3FFD];
	_ =	sdelay $0x3  }
0x96: {  	_ =	strace s3  }
0x97: {  	_ =	strace $0x8FFFFFFF  }
0x98: {  	s19 =	sld [smem:$0x3FDB];
	_ =	sdelay $0x1  }
0x99: {  	s4 =	simm.s32 $_scs_section_size  }
0x9a: {  	s5 =	simm.s32 $_size__tile_overlayer_lowered;
	s6 =	simm.s32 $_tile_overlayer_lowered  }
0x9b: {  	s22 =	simm.s32 $0x1BFF;
	s21 =	sshll.u32 s6, $0x1;
	s3 =	sadd.s32 s4, s19  }
0x9c: {  	s7 =	simm.s32 $0x0;
	s20 =	sshll.u32 s5, $0x1;
	s5 =	sadd.s32 s21, s3  }
0x9d: {  	[timem:s7], [sflag:s22] =	dma.local [hbm:s5], s20  }
0x9e: {  	_ =	swait.ge [sflag:s22], s20  }
0x9f: {  	s4 =	ssub.s32 $0x0, s20;
	[sflag:s22] =	ssyncset.done $0x0  }
0xa0: {  	[sflag:s22] =	ssyncadd.s32 s4;
	_ =	sdelay $0x1  }
0xa1: {  	s23 =	simm.s32 $0x1B8B  }
0xa2: {  	_ =	swait.ge [sflag:s23], $0x1  }
0xa3: {  	[sflag:s23] =	ssyncset.done $0x0  }
0xa4: {  	s25 =	simm.s32 $0x1B8E;
	s24 =	sld [smem:$0x3FFE];
	[sflag:s23] =	ssyncadd.s32 $0xFFFFFFFF  }
0xa5: {  	s26 =	simm.s32 $execute0_lowered;
	[smem:$0x3FD2] =	sst s25  }
0xa6: {  	s5 =	sshll.u32 s26, $0x1;
	_ =	strace $0x80000046;
	[dreg:$0x1] =	wrdreg $0xFFFFFFFF  }
0xa7: {  	s28 =	simm.s32 $_size_execute0_lowered;
	s3 =	sadd.s32 s3, s5;
	[dreg:$0x0] =	wrdreg $0x0  }
0xa8: {  	s5 =	sshll.u32 s28, $0x1;
	[dreg:$0x2] =	wrdreg s3  }
0xa9: {  	[dreg:$0x3] =	wrdreg s5  }
0xaa: {  	[dreg:$0x4] =	wrdreg $0xC0  }
0xab: {  	_ =	task [dreg:s7], $0x5FFFF  }
0xac: {  	[dreg:$0x1] =	wrdreg $0xFFFFFFFF  }
0xad: {  	[dreg:$0x0] =	wrdreg $0x60  }
0xae: {  	[dreg:$0x2] =	wrdreg s2  }
0xaf: {  	[dreg:$0x3] =	wrdreg s24  }
0xb0: {  	[dreg:$0x4] =	wrdreg $0x9  }
0xb1: {  	_ =	task.clear_ibuf [dreg:s7], $0x5FFFF;
	_ =	strace $0x90000046  }
0xb2: {  	s29 =	simm.s32 $0x9;
	_ =	strace $0x80000048  }
0xb3: {  	_ =	swait.ge [sflag:s29], $0x1  }
0xb4: {  	[sflag:s29] =	ssyncadd.s32 $0xFFFFFFFF  }
0xb5: {  	_ =	strace $0x90000048  }
0xb6: {  	_ =	sfence  }
0xb7: {  	s30 =	sld [smem:$0x0];
	_ =	sdelay $0x2  }
0xb8: {  	s31 =	sshll.u32 s1, $0xD;
	s1 =	sshrl.u32 s1, $0x2  }
0xb9: {  	s3 =	sand.u32 $0x4000, s31;
	s1 =	sadd.s32 s1, s30  }
0xba: {  	s0 =	sor.u32 s3, s0;
	s1 =	sshll.u32 s1, $0x11  }
0xbb: {  	s0 =	sor.u32 s1, s0  }
0xbc: {  	s0 =	sadd.s32 $0x8F2B, s0  }
0xbd: {  	[sflag:s0] =	ssyncadd.remote.s32 $0x1  }
0xbe: {  	_ =	sfence.sel $0xFFFF  }
0xbf: {  	[dreg:$0x0] =	wrdreg $0xFFFFFFFF;
	(pc) =	sbr.abs _section_cstart, $3  }
0xc0: {  	[dreg:$0x1] =	wrdreg $0xFFFFFFFF  }
0xc1: {  	_ =	task.clear_ibuf [dreg:s7], $0x2FFFF;
	_ =	strace $0x9FFFFFFF  }
0xc2: {  	(tm) =	ssettm $0x7FFFFFFF  }
0xc3: {  	_ =	shalt  }
tec
execute0_lowered:
.L_overlay_start_1:
0x0: {  	(tag) =	ssettag $0x1  }
0x1: {  	s1 =	rddreg [dreg:$0x0]  }
0x2: {  	s6 =	rddreg [dreg:$0x1]  }
0x3: {  	s0 =	rddreg [dreg:$0x2]  }
0x4: {  	s3 =	simm.s32 $0x0;
	s4 =	srdreg.scid;
	s2 =	stileid.u32  }
0x5: {  	s11 =	simm.s32 $0xC8;
	s12 =	simm.s32 $0x200;
	s13 =	simm.s32 $0x6600  }
0x6: {  	s14 =	simm.s32 $0x1;
	s15 =	simm.s32 $0x2;
	s16 =	simm.s32 $0x0  }
0x7: {  	[smem:$0x7FF] =	sst s3;
	s7 =	sand.u32 $0x1, s4;
	s4 =	sadd.s32 $0xE200, s6  }
0x8: {  	s9 =	sshll.u32 s2, $0x1;
	s5 =	sadd.s32 $0x4400, s6;
	s8 =	ssub.s32 $0x2, s7  }
0x9: {  	s6 =	sadd.s32 $0x18000, s6;
	_ =	strace $0x80000047;
	s10 =	sshrl.u32 s8, $0x1  }
0xa: {  	s7 =	sor.u32 s7, s9;
	s9 =	simm.s32 $0x3;
	s8 =	ssub.s32 s8, s10  }
0xb: {  	s7 =	smul.u32 $0x2710, s7;
	s10 =	simm.s32 $0x100;
	s8 =	smax.u32 s8, $0x1  }
.LBB2_1:
0xc: {  	s17 =	simm.s32 $0x0  }
.LBB2_2:
0xd: {  	s18 =	smul.u32 $0xC8, s17;
	_ =	sdelay $0x1  }
0xe: {  	s18 =	sadd.s32 s7, s18  }
0xf: {  	s19 =	sshrl.u32 s18, $0x3  }
0x10: {  	s21 =	simm.s32 $0x0;
	s20 =	sadd.s32 s5, s19  }
0x11: {  	[tilespmem:s21], [sflag:$0x3] =	stream.linear.gather [hbm4b:s20+s21], $0xC8, $0x38;
	[tilespmem:$0xCA00] =	vst v63  }
0x12: {  	_ =	swait.ge [sflag:s9], $0xC8  }
0x13: {  	[sflag:s9] =	ssyncset.done $0x0  }
0x14: {  	s19 =	sadd.s32 s4, s19;
	[sflag:s9] =	ssyncadd.s32 $0xFFFFFF38  }
0x15: {  	[tilespmem:s10], [sflag:$0x3] =	stream.linear.gather [hbm4b:s19+s21], $0xC8, $0x38;
	[tilespmem:$0xCA00] =	vst v63  }
0x16: {  	_ =	swait.ge [sflag:s9], $0xC8  }
0x17: {  	[sflag:s9] =	ssyncset.done $0x0  }
0x18: {  	[sflag:s9] =	ssyncadd.s32 $0xFFFFFF38  }
0x19: {  	[tilespmem:s12], [sflag:$0x1] =	stream.indirect.gather [hbm4b:s1+s11], $0x80, s21, s11, $0xb8;
	[tilespmem:$0xCA00] =	vst v63  }
0x1a: {  	_ = 	snop  }
0x1b: {  	[tilespmem:s13], [sflag:$0x2] =	stream.indirect.gather [hbm4b:s1+s11], $0x80, s10, s11, $0xb8;
	[tilespmem:$0xCA00] =	vst v63  }
0x1c: {  	_ =	swait.ge [sflag:s14], $0x6400  }
0x1d: {  	[sflag:s14] =	ssyncset.done $0x0  }
0x1e: {  	[sflag:s14] =	ssyncadd.s32 $0xFFFF9C00  }
0x1f: {  	_ =	swait.ge [sflag:s15], $0x6400  }
0x20: {  	[sflag:s15] =	ssyncset.done $0x0  }
0x21: {  	s19 =	simm.s32 $0x0;
	[sflag:s15] =	ssyncadd.s32 $0xFFFF9C00  }
0x22: {  	v7 =	vld [tilespmem:s19+$0x6600]  }
0x23: {  	v11 =	vld [tilespmem:s19+$0x6610]  }
0x24: {  	v5 =	vld [tilespmem:s19+$0x6620]  }
0x25: {  	v4 =	vld [tilespmem:s19+$0x6630]  }
0x26: {  	v3 =	vld [tilespmem:s19+$0x6640]  }
0x27: {  	v2 =	vld [tilespmem:s19+$0x6650]  }
0x28: {  	v1 =	vld [tilespmem:s19+$0x6660]  }
0x29: {  	v0 =	vld [tilespmem:s19+$0x6670]  }
0x2a: {  	v12 =	vld [tilespmem:s19+$0x200]  }
0x2b: {  	v13 =	vld [tilespmem:s19+$0x210]  }
0x2c: {  	v10 =	vld [tilespmem:s19+$0x220]  }
0x2d: {  	v9 =	vld [tilespmem:s19+$0x230]  }
0x2e: {  	v8 =	vld [tilespmem:s19+$0x240]  }
0x2f: {  	v6 =	vld [tilespmem:s19+$0x250];
	v12 =	vsub.f32 v12, v7  }
0x30: {  	s20 =	simm.s32 $0x200;
	v11 =	vsub.f32 v13, v11;
	v7 =	vld [tilespmem:s19+$0x260]  }
.LBB2_3:
0x31: {  	s21 =	sshra.s32 s20, $0x2;
	p0 =	sne.s32 s20, $0x18E00;
	[tilespmem:s19+$0x200] =	vst v12;
	v5 =	vsub.f32 v10, v5;
	v10 =	vld [tilespmem:s19+$0x270]  }
0x32: {  	v12 =	vld [tilespmem:s21+$0x6600];
	[tilespmem:s19+$0x210] =	vst v11;
	v4 =	vsub.f32 v9, v4  }
0x33: {  	v11 =	vld [tilespmem:s21+$0x6610];
	[tilespmem:s19+$0x220] =	vst v5;
	v3 =	vsub.f32 v8, v3  }
0x34: {  	v5 =	vld [tilespmem:s21+$0x6620];
	[tilespmem:s19+$0x230] =	vst v4;
	v2 =	vsub.f32 v6, v2  }
0x35: {  	v4 =	vld [tilespmem:s21+$0x6630];
	[tilespmem:s19+$0x240] =	vst v3;
	v1 =	vsub.f32 v7, v1  }
0x36: {  	v3 =	vld [tilespmem:s21+$0x6640];
	[tilespmem:s19+$0x250] =	vst v2;
	v0 =	vsub.f32 v10, v0  }
0x37: {  	v2 =	vld [tilespmem:s21+$0x6650];
	[tilespmem:s19+$0x260] =	vst v1  }
0x38: {  	v1 =	vld [tilespmem:s21+$0x6660];
	[tilespmem:s19+$0x270] =	vst v0;
	s19 =	smov.u32 s21  }
0x39: {  	v0 =	vld [tilespmem:s19+$0x6670]  }
0x3a: {  	v6 =	vld [tilespmem:s19+$0x200]  }
0x3b: {  	v7 =	vld [tilespmem:s19+$0x210]  }
.Ltmp0:
0x3c: {  	v10 =	vld [tilespmem:s19+$0x220];
	(pc) =	sbr.rel @p0 .LBB2_3-.Ltmp0, $4  }
0x3d: {  	v9 =	vld [tilespmem:s19+$0x230]  }
0x3e: {  	v8 =	vld [tilespmem:s19+$0x240]  }
0x3f: {  	v12 =	vsub.f32 v6, v12;
	v6 =	vld [tilespmem:s19+$0x250]  }
0x40: {  	s20 =	sadd.s32 $0x200, s20;
	v11 =	vsub.f32 v7, v11;
	v7 =	vld [tilespmem:s19+$0x260]  }
0x41: {  	[tilespmem:s19+$0x200] =	vst v12;
	v5 =	vsub.f32 v10, v5;
	v63 =	vld [tilespmem:s19+$0x270]  }
0x42: {  	[tilespmem:s19+$0x210] =	vst v11;
	v4 =	vsub.f32 v9, v4  }
0x43: {  	[tilespmem:s19+$0x220] =	vst v5;
	v3 =	vsub.f32 v8, v3  }
0x44: {  	[tilespmem:s19+$0x230] =	vst v4;
	v2 =	vsub.f32 v6, v2  }
0x45: {  	[tilespmem:s19+$0x240] =	vst v3;
	v1 =	vsub.f32 v7, v1  }
0x46: {  	s17 =	sadd.s32 $0x1, s17;
	[tilespmem:s19+$0x250] =	vst v2;
	v0 =	vsub.f32 v63, v0  }
0x47: {  	s18 =	sshll.u32 s18, $0x4;
	p0 =	sne.s32 s17, $0x32;
	[tilespmem:s19+$0x260] =	vst v1  }
.Ltmp1:
0x48: {  	s18 =	sadd.s32 s6, s18;
	[tilespmem:s19+$0x270] =	vst v0;
	(pc) =	sbr.rel @p0 .LBB2_2-.Ltmp1, $4  }
0x49: {  	[hbm4b:s18+s3] =	stream.linear.scatter [tilespmem:s12], [sflag:$0x3], $0x6400, $0x38;
	[tilespmem:$0xCA00] =	vst v63  }
0x4a: {  	_ =	swait.ge [sflag:s9], $0x6400  }
0x4b: {  	[sflag:s9] =	ssyncset.done $0x0  }
0x4c: {  	[sflag:s9] =	ssyncadd.s32 $0xFFFF9C00  }
0x4d: {  	s16 =	sadd.s32 $0x1, s16  }
0x4e: {  	p0 =	sne.s32 s16, s8  }
.Ltmp2:
0x4f: {  	_ = 	snop;
	(pc) =	sbr.rel @p0 .LBB2_1-.Ltmp2, $1  }
0x50: {  	_ =	sdelay $0x3  }
0x51: {  	_ =	sfence.sel $0x180000  }
0x52: {  	[bflag:$0x0] =	sbarrier.arrive $0xFFFF  }
0x53: {  	p0 =	sne.s32 s2, $0x0;
	_ =	strace $0x90000047  }
0x54: {  	s0 =	sadd.s32 @!p0 $0x100000, s0;
	[bflag:$0x2] =	sbarrier.arrive $0xFFFF  }
0x55: {  	[sflag:s0] =	ssyncadd.tile.s32 @!p0 $0x1;
	_ =	shalt  }
.Lfunc_end2:
_tile_overlayer_lowered:
.L_overlay_start_2:
0x56: {  	(tag) =	ssettag $0x2  }
0x57: {  	s0 =	rddreg [dreg:$0x0];
	s2 =	stileid.u32  }
0x58: {  	s1 =	rddreg [dreg:$0x1];
	p0 =	sne.s32 s2, $0x0  }
0x59: {  	s3 =	rddreg [dreg:$0x2];
	[bflag:$0x3] =	sbarrier.arrive $0xFFFF;
	s2 =	simm.s32 @!p0 $0x1C03  }
0x5a: {  	[timem:s3], [sflag:s2] =	dma.local @!p0 [hbm:s0], s1  }
0x5b: {  	s0 =	simm.s32 @!p0 $0x3  }
0x5c: {  	_ =	swait.ge @!p0 [sflag:s0], s1  }
0x5d: {  	s1 =	ssub.s32 @!p0 $0x0, s1;
	[sflag:s0] =	ssyncset.done @!p0 $0x0  }
0x5e: {  	[sflag:s0] =	ssyncadd.s32 @!p0 s1  }
0x5f: {  	[bflag:$0x3] =	sbarrier.arrive $0xFFFF  }
0x60: {  	_ =	shalt  }

// kernel: kernel.20.cloned.1.call-start
scs
__scs_entry_jumppad:
0x0: {  	(pc) =	sbr.rel $0x88, $3  }
0x1: {  	(tag) =	ssettag $0x0;
	lr =	simm.s32 $0x1  }
0x2: {  	[smem:$0x3F95] =	sst lr;
	_ =	strace $0xD0000000  }
0x3: {  	_ = 	snop  }
0x4: {  	_ = 	snop  }
0x5: {  	_ = 	snop  }
0x6: {  	_ = 	snop  }
0x7: {  	_ = 	snop  }
__scs_overlays_trampoline_lowered:
0x8: {  	[smem:$0x3FA4] =	sst s0  }
0x9: {  	[smem:$0x3FA5] =	sst s1  }
0xa: {  	[smem:$0x3FA6] =	sst s2  }
0xb: {  	[smem:$0x3FA7] =	sst s3  }
0xc: {  	[smem:$0x3FA8] =	sst s4  }
0xd: {  	[smem:$0x3FA9] =	sst s5  }
0xe: {  	[smem:$0x3FAA] =	sst s6  }
0xf: {  	[smem:$0x3FAB] =	sst s7  }
0x10: {  	[smem:$0x3FAC] =	sst s8  }
0x11: {  	[smem:$0x3FAD] =	sst s9;
	s0 =	simm.s32 @!p0 $0x0  }
0x12: {  	s1 =	sld [smem:$0x3F93];
	s0 =	simm.s32 @p0 $0x1  }
0x13: {  	[smem:$0x3FAE] =	sst s0;
	s0 =	simm.s32 @!p1 $0x0  }
0x14: {  	s2 =	sld [smem:$0x3F92];
	s0 =	simm.s32 @p1 $0x1  }
0x15: {  	[smem:$0x3FAF] =	sst s0;
	s0 =	simm.s32 @!p2 $0x0  }
0x16: {  	s3 =	sld [smem:$0x3FDB];
	s0 =	simm.s32 @p2 $0x1  }
0x17: {  	s4 =	simm.s32 $0x1BF5;
	[smem:$0x3FB1] =	sst s0  }
0x18: {  	s0 =	sld [smem:$0x3F94];
	_ =	swait.ge [sflag:s4], $0x0  }
0x19: {  	s7 =	sld [smem:$0x3F95]  }
0x1a: {  	s8 =	sadd.s32 $0xFFFFE003, lr  }
0x1b: {  	s9 =	sadd.s32 $0xFFFFFEF7, lr;
	s5 =	simm.s32 $0xFFFFFFFF;
	p2 =	slt.u32 s8, $0xFFFFF086  }
0x1c: {  	p1 =	slt.u32 s9, $0xF7A;
	s5 =	simm.s32 @!p2 $0x0  }
0x1d: {  	s5 =	simm.s32 @p1 $0x1;
	p0 =	seq.s32 s7, s2  }
0x1e: {  	s7 =	smul.u32 @!p0 $0xF7A, s2;
	p2 =	seq.s32 @!p0 s5, $0x0  }
0x1f: {  	s9 =	smul.u32 $0xF7A, s1;
	s8 =	simm.s32 @!p0 $0x1BF5;
	p2 =	por !p2, p0  }
0x20: {  	[sflag:s8] =	ssyncset.s32 @!p0 $0xFFFFF086;
	s6 =	sadd.s32 @!p0 s3, s7;
	s7 =	simm.s32 @!p0 $0x108  }
0x21: {  	s3 =	sadd.s32 s3, s9;
	s6 =	sadd.s32 @!p0 $0x88, s6;
	s7 =	simm.s32 @p2 $0x1082  }
0x22: {  	[simem:s7], [sflag:s8] =	dma.local @!p0 [hbm:s6], $0xF7A  }
0x23: {  	s9 =	sor.u32 $0xD0000000, s2;
	s6 =	simm.s32 $0x108;
	_ =	swait.ge @!p0 [sflag:s8], $0x0  }
0x24: {  	s3 =	sadd.s32 $0x88, s3;
	s6 =	simm.s32 @!p1 $0x1082;
	[sflag:s4] =	ssyncset.s32 $0xFFFFF086  }
0x25: {  	[simem:s6], [sflag:s4] =	dma.local [hbm:s3], $0xF7A  }
0x26: {  	[smem:$0x3F95] =	sst s1;
	(tag) =	ssettag s2;
	_ =	strace s9  }
0x27: {  	s1 =	sld [smem:$0x3FA5]  }
0x28: {  	s2 =	sld [smem:$0x3FA6]  }
0x29: {  	s4 =	sld [smem:$0x3FA8]  }
0x2a: {  	p0 =	seq.s32 s5, $0x0;
	s5 =	sld [smem:$0x3FA9]  }
0x2b: {  	s6 =	sld [smem:$0x3FAA]  }
0x2c: {  	s7 =	sld [smem:$0x3FAB]  }
0x2d: {  	s3 =	simm.s32 $0x108;
	s8 =	sld [smem:$0x3FAC]  }
0x2e: {  	s3 =	simm.s32 @!p0 $0x1082;
	s9 =	sld [smem:$0x3FAD]  }
0x2f: {  	lr =	sadd.s32 s0, s3;
	s0 =	sld [smem:$0x3FA4]  }
0x30: {  	s3 =	sld [smem:$0x3FA7]  }
0x31: {  	[smem:$0x3FB0] =	sst s10  }
0x32: {  	s10 =	sld [smem:$0x3FAE];
	_ =	sdelay $0x3  }
0x33: {  	p0 =	seq.s32 s10, $0x1;
	s10 =	sld [smem:$0x3FB0];
	_ =	sdelay $0x3  }
0x34: {  	[smem:$0x3FB0] =	sst s10  }
0x35: {  	s10 =	sld [smem:$0x3FAF];
	_ =	sdelay $0x3  }
0x36: {  	p1 =	seq.s32 s10, $0x1;
	s10 =	sld [smem:$0x3FB0];
	_ =	sdelay $0x3  }
0x37: {  	[smem:$0x3FB0] =	sst s10  }
0x38: {  	s10 =	sld [smem:$0x3FB1]  }
0x39: {  	_ = 	snop;
	(pc) =	sbr.ind lr, $3  }
0x3a: {  	_ = 	snop  }
0x3b: {  	_ = 	snop  }
0x3c: {  	p2 =	seq.s32 s10, $0x1;
	s10 =	sld [smem:$0x3FB0]  }
0x3d: {  	_ =	shalt  }
0x3e: {  	_ =	shalt  }
0x3f: {  	_ =	shalt  }
0x40: {  	_ =	shalt  }
0x41: {  	_ =	shalt  }
0x42: {  	_ =	shalt  }
0x43: {  	_ =	shalt  }
0x44: {  	_ =	shalt  }
0x45: {  	_ =	shalt  }
0x46: {  	_ =	shalt  }
0x47: {  	_ =	shalt  }
0x48: {  	_ =	shalt  }
0x49: {  	_ =	shalt  }
0x4a: {  	_ =	shalt  }
0x4b: {  	_ =	shalt  }
0x4c: {  	_ =	shalt  }
0x4d: {  	_ =	shalt  }
0x4e: {  	_ =	shalt  }
0x4f: {  	_ =	shalt  }
0x50: {  	_ =	shalt  }
0x51: {  	_ =	shalt  }
0x52: {  	_ =	shalt  }
0x53: {  	_ =	shalt  }
0x54: {  	_ =	shalt  }
0x55: {  	_ =	shalt  }
0x56: {  	_ =	shalt  }
0x57: {  	_ =	shalt  }
0x58: {  	_ =	shalt  }
0x59: {  	_ =	shalt  }
0x5a: {  	_ =	shalt  }
0x5b: {  	_ =	shalt  }
0x5c: {  	_ =	shalt  }
0x5d: {  	_ =	shalt  }
0x5e: {  	_ =	shalt  }
0x5f: {  	_ =	shalt  }
0x60: {  	_ =	shalt  }
0x61: {  	_ =	shalt  }
0x62: {  	_ =	shalt  }
0x63: {  	_ =	shalt  }
0x64: {  	_ =	shalt  }
0x65: {  	_ =	shalt  }
0x66: {  	_ =	shalt  }
0x67: {  	_ =	shalt  }
0x68: {  	_ =	shalt  }
0x69: {  	_ =	shalt  }
0x6a: {  	_ =	shalt  }
0x6b: {  	_ =	shalt  }
0x6c: {  	_ =	shalt  }
0x6d: {  	_ =	shalt  }
0x6e: {  	_ =	shalt  }
0x6f: {  	_ =	shalt  }
0x70: {  	_ =	shalt  }
0x71: {  	_ =	shalt  }
0x72: {  	_ =	shalt  }
0x73: {  	_ =	shalt  }
0x74: {  	_ =	shalt  }
0x75: {  	_ =	shalt  }
0x76: {  	_ =	shalt  }
0x77: {  	_ =	shalt  }
0x78: {  	_ =	shalt  }
0x79: {  	_ =	shalt  }
0x7a: {  	_ =	shalt  }
0x7b: {  	_ =	shalt  }
0x7c: {  	_ =	shalt  }
0x7d: {  	_ =	shalt  }
0x7e: {  	_ =	shalt  }
0x7f: {  	_ =	shalt  }
0x80: {  	_ =	shalt  }
0x81: {  	_ =	shalt  }
0x82: {  	_ =	shalt  }
0x83: {  	_ =	shalt  }
0x84: {  	_ =	shalt  }
0x85: {  	_ =	shalt  }
0x86: {  	_ =	shalt  }
0x87: {  	_ =	shalt  }
.Lfunc_end0:
.L_simem_size_0:
called_computation.1_lowered:
.L_overlay_start_0:
0x88: {  	s2 =	sld [smem:$0x3FD9]  }
0x89: {  	s3 =	sld [smem:$0x3FFE];
	_ =	sdelay $0x1  }
0x8a: {  	s1 =	srdreg.scid  }
0x8b: {  	s0 =	sand.u32 $0x1, s1  }
0x8c: {  	s16 =	sshll.u32 s0, $0xA;
	s2 =	sadd.s32 s3, s2  }
0x8d: {  	s2 =	sadd.s32 s2, s16  }
0x8e: {  	[smem:$0x3FBC] =	sst s2  }
0x8f: {  	_ = 	snop  }
0x90: {  	(tm) =	ssettm $0x1  }
0x91: {  	s17 =	sld [smem:$0x3FFB];
	_ =	sdelay $0x3  }
0x92: {  	_ =	strace s17  }
0x93: {  	s2 =	sld [smem:$0x3FFC];
	_ =	sdelay $0x3  }
0x94: {  	_ =	strace s2  }
0x95: {  	s2 =	sld [smem:$0x3FFD];
	_ =	sdelay $0x3  }
0x96: {  	_ =	strace s2  }
0x97: {  	_ =	strace $0x8FFFFFFF  }
0x98: {  	s18 =	sld [smem:$0x3FDB];
	_ =	sdelay $0x1  }
0x99: {  	s19 =	simm.s32 $_scs_section_size  }
0x9a: {  	s4 =	simm.s32 $_size__tile_overlayer_lowered;
	s5 =	simm.s32 $_tile_overlayer_lowered  }
0x9b: {  	s22 =	simm.s32 $0x1BFF;
	s21 =	sshll.u32 s5, $0x1;
	s2 =	sadd.s32 s19, s18  }
0x9c: {  	s6 =	simm.s32 $0x0;
	s20 =	sshll.u32 s4, $0x1;
	s4 =	sadd.s32 s21, s2  }
0x9d: {  	[timem:s6], [sflag:s22] =	dma.local [hbm:s4], s20  }
0x9e: {  	_ =	swait.ge [sflag:s22], s20  }
0x9f: {  	s3 =	ssub.s32 $0x0, s20;
	[sflag:s22] =	ssyncset.done $0x0  }
0xa0: {  	[sflag:s22] =	ssyncadd.s32 s3;
	_ =	sdelay $0x1  }
0xa1: {  	s23 =	simm.s32 $0x1B8B  }
0xa2: {  	_ =	swait.ge [sflag:s23], $0x1  }
0xa3: {  	[sflag:s23] =	ssyncset.done $0x0  }
0xa4: {  	s25 =	simm.s32 $0x1B8E;
	s24 =	sld [smem:$0x3FFE];
	[sflag:s23] =	ssyncadd.s32 $0xFFFFFFFF  }
0xa5: {  	s26 =	simm.s32 $execute0_lowered;
	[smem:$0x3FD2] =	sst s25  }
0xa6: {  	s4 =	sshll.u32 s26, $0x1;
	_ =	strace $0x80000049;
	[dreg:$0x1] =	wrdreg $0xFFFFFFFF  }
0xa7: {  	s28 =	simm.s32 $_size_execute0_lowered;
	s2 =	sadd.s32 s2, s4;
	[dreg:$0x0] =	wrdreg $0x0  }
0xa8: {  	s4 =	sshll.u32 s28, $0x1;
	[dreg:$0x2] =	wrdreg s2  }
0xa9: {  	[dreg:$0x3] =	wrdreg s4  }
0xaa: {  	[dreg:$0x4] =	wrdreg $0xC0  }
0xab: {  	_ =	task [dreg:s6], $0x5FFFF  }
0xac: {  	[dreg:$0x1] =	wrdreg $0xFFFFFFFF  }
0xad: {  	[dreg:$0x0] =	wrdreg $0x60  }
0xae: {  	[dreg:$0x2] =	wrdreg s24  }
0xaf: {  	[dreg:$0x3] =	wrdreg $0x9  }
0xb0: {  	_ =	task.clear_ibuf [dreg:s6], $0x4FFFF;
	_ =	strace $0x90000049  }
0xb1: {  	s29 =	simm.s32 $0x9;
	_ =	strace $0x8000004B  }
0xb2: {  	_ =	swait.ge [sflag:s29], $0x1  }
0xb3: {  	[sflag:s29] =	ssyncadd.s32 $0xFFFFFFFF  }
0xb4: {  	_ =	strace $0x9000004B  }
0xb5: {  	_ =	sfence  }
0xb6: {  	s30 =	sld [smem:$0x0];
	_ =	sdelay $0x2  }
0xb7: {  	s31 =	sshll.u32 s1, $0xD;
	s1 =	sshrl.u32 s1, $0x2  }
0xb8: {  	s3 =	sand.u32 $0x4000, s31;
	s1 =	sadd.s32 s1, s30  }
0xb9: {  	s0 =	sor.u32 s3, s0;
	s1 =	sshll.u32 s1, $0x11  }
0xba: {  	s0 =	sor.u32 s1, s0  }
0xbb: {  	s0 =	sadd.s32 $0x8F2B, s0  }
0xbc: {  	[sflag:s0] =	ssyncadd.remote.s32 $0x1  }
0xbd: {  	_ =	sfence.sel $0xFFFF  }
0xbe: {  	[dreg:$0x0] =	wrdreg $0xFFFFFFFF;
	(pc) =	sbr.abs _section_cstart, $3  }
0xbf: {  	[dreg:$0x1] =	wrdreg $0xFFFFFFFF  }
0xc0: {  	_ =	task.clear_ibuf [dreg:s6], $0x2FFFF;
	_ =	strace $0x9FFFFFFF  }
0xc1: {  	(tm) =	ssettm $0x7FFFFFFF  }
tec
execute0_lowered:
.L_overlay_start_1:
0x0: {  	(tag) =	ssettag $0x1  }
0x1: {  	s1 =	srdreg.scid  }
0x2: {  	s0 =	stileid.u32;
	s6 =	rddreg [dreg:$0x0];
	s2 =	simm.s32 $0x0  }
0x3: {  	s12 =	simm.s32 $0xD280;
	s13 =	simm.s32 $0x100;
	s14 =	simm.s32 $0xEC00  }
0x4: {  	s15 =	simm.s32 $0x1;
	s7 =	sand.u32 $0x1, s1;
	s3 =	sshll.u32 s0, $0x1  }
0x5: {  	s16 =	simm.s32 $0x16C00;
	s1 =	rddreg [dreg:$0x1];
	s3 =	sor.u32 s7, s3  }
0x6: {  	s17 =	simm.s32 $0x0;
	[smem:$0x7FF] =	sst s2;
	s8 =	smul.u32 $0x1400, s3  }
0x7: {  	s4 =	sadd.s32 $0x4FA000, s6;
	s7 =	ssub.s32 $0x2, s7;
	s3 =	smul.u32 $0x140, s3  }
.Ltmp0:
0x8: {  	s5 =	sadd.s32 $0xE200, s6;
	s10 =	sshrl.u32 s7, $0x1;
	(pc) =	sbr.rel .LBB2_1-.Ltmp0, $4  }
0x9: {  	_ =	strace $0x8000004A;
	s10 =	ssub.s32 s7, s10;
	s9 =	sshrl.u32 s3, $0x3  }
0xa: {  	v2 =	vimm.f32 $-3.000000010e+38;
	v3 =	vimm.f32 $0.0e+00;
	s8 =	sadd.s32 s8, s6;
	s11 =	sadd.s32 $0x140, s3;
	s9 =	sadd.s32 s9, s6  }
0xb: {  	vm0 =	vcmask $0x300;
	v4 =	vimm.s32 $0x0;
	v5 =	vlaneseq.u32;
	s6 =	sadd.s32 $0x18600, s8;
	s8 =	smax.u32 s10, $0x1;
	s10 =	simm.s32 $0x2  }
0xc: {  	v6 =	vsel vm0, $0x3F800000, v3;
	v0 =	vmov s3;
	v1 =	vmov s11;
	s11 =	simm.s32 $0xB900;
	s7 =	sadd.s32 $0x18000, s9;
	s9 =	simm.s32 $0xA000  }
.LBB2_16:
0xd: {  	[hbm4b:s6+s2] =	stream.linear.scatter [tilespmem:s2], [sflag:$0x2], $0xA000, $0x38;
	[tilespmem:$0x16D80] =	vst v63  }
0xe: {  	s17 =	sadd.s32 $0x1, s17;
	_ =	swait.ge [sflag:s10], $0xA000  }
0xf: {  	p0 =	sne.s32 s17, s8;
	[sflag:s10] =	ssyncset.done $0x0  }
.Ltmp1:
0x10: {  	[sflag:s10] =	ssyncadd.s32 $0xFFFF6000;
	(pc) =	sbr.rel @!p0 .LBB2_17-.Ltmp1, $4  }
0x11: {  	[hbm4b:s7+s2] =	stream.linear.scatter [tilespmem:s16], [sflag:$0x2], $0x140, $0x38;
	[tilespmem:$0x16D80] =	vst v63  }
0x12: {  	_ =	swait.ge [sflag:s10], $0x140  }
0x13: {  	[sflag:s10] =	ssyncset.done $0x0  }
0x14: {  	[sflag:s10] =	ssyncadd.s32 $0xFFFFFEC0  }
.LBB2_1:
0x15: {  	s18 =	simm.s32 $0x0;
	s19 =	simm.s32 $0x200  }
.LBB2_2:
0x16: {  	p0 =	sne.s32 s19, $0x27E00;
	[tilespmem:s18+$0x70] =	vst v2  }
0x17: {  	[tilespmem:s18+$0x0] =	vst v2  }
0x18: {  	[tilespmem:s18+$0x10] =	vst v2  }
.Ltmp2:
0x19: {  	[tilespmem:s18+$0x20] =	vst v2;
	(pc) =	sbr.rel @p0 .LBB2_2-.Ltmp2, $4  }
0x1a: {  	[tilespmem:s18+$0x30] =	vst v2  }
0x1b: {  	[tilespmem:s18+$0x40] =	vst v2  }
0x1c: {  	[tilespmem:s18+$0x50] =	vst v2  }
0x1d: {  	[tilespmem:s18+$0x60] =	vst v2;
	s18 =	sshra.s32 s19, $0x2;
	s19 =	sadd.s32 $0x200, s19  }
0x1e: {  	[tilespmem:s18+$0x70] =	vst v2  }
0x1f: {  	[tilespmem:s18+$0x0] =	vst v2  }
0x20: {  	[tilespmem:s18+$0x10] =	vst v2  }
0x21: {  	[tilespmem:s18+$0x20] =	vst v2  }
0x22: {  	[tilespmem:s18+$0x30] =	vst v2  }
0x23: {  	[tilespmem:s18+$0x40] =	vst v2  }
0x24: {  	[tilespmem:s18+$0x50] =	vst v2  }
0x25: {  	[tilespmem:s18+$0x60] =	vst v2  }
0x26: {  	[tilespmem:$0x16C00] =	vst v3  }
0x27: {  	[tilespmem:$0x16C10] =	vst v3  }
0x28: {  	[tilespmem:$0x16C20] =	vst v3  }
0x29: {  	[tilespmem:$0x16C30] =	vst v3  }
0x2a: {  	[tilespmem:$0x16C40] =	vst v3  }
0x2b: {  	[tilespmem:$0x16C50] =	vst v3  }
0x2c: {  	[tilespmem:$0x16C60] =	vst v3  }
0x2d: {  	[tilespmem:$0x16C70] =	vst v3  }
0x2e: {  	[tilespmem:$0x16C80] =	vst v3  }
0x2f: {  	[tilespmem:$0x16C90] =	vst v3  }
0x30: {  	[tilespmem:$0x16CA0] =	vst v3  }
0x31: {  	[tilespmem:$0x16CB0] =	vst v3  }
0x32: {  	[tilespmem:$0x16CC0] =	vst v3  }
0x33: {  	[tilespmem:$0x16CD0] =	vst v3  }
0x34: {  	[tilespmem:$0x16CE0] =	vst v3  }
0x35: {  	[tilespmem:$0x16CF0] =	vst v3  }
0x36: {  	[tilespmem:$0x16D00] =	vst v3  }
0x37: {  	[tilespmem:$0x16D10] =	vst v3  }
0x38: {  	[tilespmem:$0x16D20] =	vst v3  }
0x39: {  	[tilespmem:$0x16D30] =	vst v3  }
0x3a: {  	s18 =	simm.s32 $0x0;
	s20 =	simm.s32 $0xB900;
	[tilespmem:$0x16D40] =	vst v3  }
0x3b: {  	s19 =	simm.s32 $0xD280;
	v7 =	vor.u32 s18, v5;
	[tilespmem:s20+$0x0] =	vst v4  }
0x3c: {  	s21 =	simm.s32 $0xB910;
	s20 =	simm.s32 $0x10;
	[tilespmem:s19+$0x0] =	vst v7  }
.LBB2_4:
0x3d: {  	[tilespmem:s21+$0x0] =	vst v4;
	v7 =	vor.u32 s20, v5;
	p0 =	sne.s32 s20, $0x1910;
	s20 =	sadd.s32 $0x10, s20;
	s19 =	sadd.s32 $0x10, s19  }
.Ltmp3:
0x3e: {  	[tilespmem:s19+$0x0] =	vst v7;
	(pc) =	sbr.rel @p0 .LBB2_4-.Ltmp3, $2  }
0x3f: {  	_ =	sdelay $0x2  }
0x40: {  	s21 =	sadd.s32 $0x10, s21  }
.Ltmp4:
0x41: {  	(pc) =	sbr.rel .LBB2_6-.Ltmp4, $2  }
0x42: {  	_ =	sdelay $0x2  }
0x43: {  	s19 =	simm.s32 $0x0  }
.LBB2_15:
0x44: {  	s19 =	sadd.s32 $0x1, s19  }
0x45: {  	p0 =	sne.s32 s19, $0x32  }
.Ltmp5:
0x46: {  	_ = 	snop;
	(pc) =	sbr.rel @!p0 .LBB2_16-.Ltmp5, $2  }
0x47: {  	_ =	sdelay $0x2  }
0x48: {  	s18 =	sadd.s32 $0x1900, s18  }
.LBB2_6:
0x49: {  	s20 =	smul.u32 $0x1900, s19;
	_ =	sdelay $0x1  }
0x4a: {  	s20 =	sshrl.u32 s20, $0x3  }
0x4b: {  	s21 =	sadd.s32 s5, s20;
	s20 =	simm.s32 $0x0  }
0x4c: {  	[tilespmem:s9], [sflag:$0x2] =	stream.linear.gather [hbm4b:s21+s20], $0x1900, $0x38;
	[tilespmem:$0x16D80] =	vst v63  }
0x4d: {  	_ =	swait.ge [sflag:s10], $0x1900  }
0x4e: {  	[sflag:s10] =	ssyncset.done $0x0  }
0x4f: {  	s30 =	simm.s32 $0x0;
	[sflag:s10] =	ssyncadd.s32 $0xFFFFE700  }
0x50: {  	v7 =	vld [tilespmem:s30+$0xA000];
	_ =	sdelay $0x4  }
0x51: {  	vm0 =	vge.s32 v7, v0;
	vm1 =	vlt.s32 v7, v1  }
0x52: {  	vm0 =	vmand vm0, vm1  }
0x53: {  	v8 =	vsel vm0, $0x1, v4  }
0x54: {  	(xrf0) =	vadd.scan.msk.s32 $0xffff, v8;
	_ =	sdelay $0x5  }
0x55: {  	s31 =	simm.s32 $0xFFFFFFFF;
	v8, _, _ =	vpop (xrf0)  }
0x56: {  	v9 =	vadd.s32 s31, v8;
	(v2sf) =	vpush v8, $0xF;
	_ =	sdelay $0x4  }
0x57: {  	[tilespmem:v9+s11+$0x0] =	vst.idx.msk vm0, v7;
	v7 =	vor.u32 s18, v5  }
0x58: {  	s23 =	simm.s32 $0x10;
	s22 =	simm.s32 $0x80;
	s21 =	smov.u32 s18;
	[tilespmem:v9+s12+$0x0] =	vst.idx.msk vm0, v7  }
.LBB2_7:
0x59: {  	p0 =	sne.s32 s22, $0x63C0;
	v7 =	vld [tilespmem:s23+$0xA000];
	_ =	sdelay $0x4  }
0x5a: {  	vm0 =	vge.s32 v7, v0;
	vm1 =	vlt.s32 v7, v1  }
0x5b: {  	vm0 =	vmand vm0, vm1  }
0x5c: {  	v8 =	vsel vm0, $0x1, v4  }
0x5d: {  	(xrf0) =	vadd.scan.msk.s32 $0xffff, v8;
	s23 =	spop (v2sf)  }
0x5e: {  	s20 =	sadd.s32 s20, s23  }
0x5f: {  	s23 =	sadd.s32 $0xFFFFFFFF, s20;
	_ =	sdelay $0x3  }
0x60: {  	v8, _, _ =	vpop (xrf0)  }
0x61: {  	v9 =	vadd.s32 s23, v8;
	(v2sf) =	vpush v8, $0xF;
	_ =	sdelay $0x1  }
.Ltmp6:
0x62: {  	(pc) =	sbr.rel @p0 .LBB2_7-.Ltmp6, $4  }
0x63: {  	_ = 	snop  }
0x64: {  	s21 =	sadd.s32 $0x10, s21  }
0x65: {  	v8 =	vor.u32 s21, v5;
	[tilespmem:v9+s11+$0x0] =	vst.idx.msk vm0, v7  }
0x66: {  	s23 =	sshra.s32 s22, $0x2;
	s22 =	sadd.s32 $0x40, s22;
	[tilespmem:v9+s12+$0x0] =	vst.idx.msk vm0, v8  }
0x67: {  	v7 =	vld [tilespmem:s23+$0xA000];
	_ =	sdelay $0x4  }
0x68: {  	vm0 =	vge.s32 v7, v0;
	vm1 =	vlt.s32 v7, v1  }
0x69: {  	vm0 =	vmand vm0, vm1  }
0x6a: {  	v8 =	vsel vm0, $0x1, v4  }
0x6b: {  	(xrf0) =	vadd.scan.msk.s32 $0xffff, v8;
	_ =	sdelay $0x5  }
0x6c: {  	v8, _, _ =	vpop (xrf0)  }
0x6d: {  	(v2sf) =	vpush v8, $0xF;
	_ =	sdelay $0xd  }
0x6e: {  	s22 =	spop (v2sf)  }
0x6f: {  	s20 =	sadd.s32 s20, s22;
	s30 =	spop (v2sf)  }
0x70: {  	s22 =	sadd.s32 $0xFFFFFFFF, s20;
	s20 =	sadd.s32 s20, s30  }
0x71: {  	s31 =	sadd.s32 $0x10, s21;
	v8 =	vadd.s32 s22, v8;
	s21 =	sadd.s32 $0xFF, s20  }
0x72: {  	p0 =	slt.s32 s21, $0x100  }
.Ltmp7:
0x73: {  	_ = 	snop;
	(pc) =	sbr.rel @p0 .LBB2_15-.Ltmp7, $3  }
0x74: {  	_ =	sdelay $0x1  }
0x75: {  	v9 =	vor.u32 s31, v5;
	[tilespmem:v8+s11+$0x0] =	vst.idx.msk vm0, v7  }
0x76: {  	[tilespmem:v8+s12+$0x0] =	vst.idx.msk vm0, v9  }
.Ltmp8:
0x77: {  	(pc) =	sbr.rel .LBB2_10-.Ltmp8, $4  }
0x78: {  	s22 =	sshra.s32 s21, $0x1F  }
0x79: {  	s22 =	sshrl.u32 s22, $0x18  }
0x7a: {  	s23 =	simm.s32 $0xB900;
	s31 =	sadd.s32 s22, s21  }
0x7b: {  	s24 =	smov.u32 s20;
	s22 =	simm.s32 $0x0;
	s21 =	sshra.s32 s31, $0x8  }
.LBB2_13:
0x7c: {  	v7 =	vmax.f32 v7, v8  }
0x7d: {  	[tilespmem:s28+$0x70] =	vst v7  }
.LBB2_14:
0x7e: {  	s22 =	sadd.s32 $0x1, s22  }
0x7f: {  	p0 =	sne.s32 s22, s21  }
.Ltmp9:
0x80: {  	_ = 	snop;
	(pc) =	sbr.rel @!p0 .LBB2_15-.Ltmp9, $2  }
0x81: {  	_ =	sdelay $0x2  }
0x82: {  	s24 =	sadd.s32 $0xFFFFFF00, s24;
	s23 =	sadd.s32 $0x100, s23  }
.LBB2_10:
0x83: {  	s25 =	sshll.u32 s22, $0x8  }
0x84: {  	s26 =	sadd.s32 $0xD280, s25;
	s25 =	ssub.s32 s20, s25  }
0x85: {  	p0 =	slt.s32 s25, $0x1  }
.Ltmp10:
0x86: {  	_ = 	snop;
	(pc) =	sbr.rel @p0 .LBB2_14-.Ltmp10, $4  }
0x87: {  	[tilespmem:s14], [sflag:$0x1] =	stream.indirect.gather [hbm4b:s4+s13], $0x80, s26, s13, $0xb8;
	[tilespmem:$0x16D80] =	vst v63  }
0x88: {  	_ =	swait.ge [sflag:s15], $0x8000  }
0x89: {  	[sflag:s15] =	ssyncset.done $0x0  }
0x8a: {  	[sflag:s15] =	ssyncadd.s32 $0xFFFF8000  }
0x8b: {  	v7 =	vld [tilespmem:s23+$0x0];
	_ =	sdelay $0x4  }
0x8c: {  	(v2sf) =	vpush v7, $0x0;
	_ =	sdelay $0xe  }
0x8d: {  	s25 =	spop (v2sf)  }
0x8e: {  	s25 =	ssub.s32 s25, s3  }
0x8f: {  	v7 =	vld [tilespmem:s25+$0x16C00];
	_ =	sdelay $0x4  }
0x90: {  	v7 =	vadd.f32 v6, v7  }
0x91: {  	s26 =	sshll.u32 s25, $0x9  }
0x92: {  	s28 =	sshra.s32 s26, $0x2;
	[tilespmem:s25+$0x16C00] =	vst v7  }
0x93: {  	s25 =	simm.s32 $0xEC40;
	v7 =	vld [tilespmem:s28+$0x0]  }
0x94: {  	v8 =	vld [tilespmem:s25+$0xFFFFFFC0];
	_ =	sdelay $0x4  }
0x95: {  	v7 =	vmax.f32 v7, v8  }
0x96: {  	[tilespmem:s28+$0x0] =	vst v7;
	v7 =	vld [tilespmem:s28+$0x10]  }
0x97: {  	v8 =	vld [tilespmem:s25+$0xFFFFFFD0];
	_ =	sdelay $0x4  }
0x98: {  	v7 =	vmax.f32 v7, v8  }
0x99: {  	[tilespmem:s28+$0x10] =	vst v7;
	v7 =	vld [tilespmem:s28+$0x20]  }
0x9a: {  	v8 =	vld [tilespmem:s25+$0xFFFFFFE0];
	_ =	sdelay $0x4  }
0x9b: {  	v7 =	vmax.f32 v7, v8  }
0x9c: {  	[tilespmem:s28+$0x20] =	vst v7;
	v7 =	vld [tilespmem:s28+$0x30]  }
0x9d: {  	v8 =	vld [tilespmem:s25+$0xFFFFFFF0];
	_ =	sdelay $0x4  }
0x9e: {  	v7 =	vmax.f32 v7, v8  }
0x9f: {  	[tilespmem:s28+$0x30] =	vst v7;
	v7 =	vld [tilespmem:s28+$0x40]  }
0xa0: {  	v8 =	vld [tilespmem:s25+$0x0];
	_ =	sdelay $0x4  }
0xa1: {  	v7 =	vmax.f32 v7, v8  }
0xa2: {  	[tilespmem:s28+$0x40] =	vst v7;
	v7 =	vld [tilespmem:s28+$0x50]  }
0xa3: {  	v8 =	vld [tilespmem:s25+$0x10];
	_ =	sdelay $0x4  }
0xa4: {  	v7 =	vmax.f32 v7, v8  }
0xa5: {  	[tilespmem:s28+$0x50] =	vst v7;
	v7 =	vld [tilespmem:s28+$0x60]  }
0xa6: {  	v8 =	vld [tilespmem:s25+$0x20];
	_ =	sdelay $0x2  }
0xa7: {  	p0 =	sgt.s32 s24, $0x1;
	s26 =	smov.u32 s24  }
0xa8: {  	s26 =	simm.s32 @!p0 $0x1  }
0xa9: {  	s26 =	smin.u32 s26, $0x100;
	v7 =	vmax.f32 v7, v8  }
0xaa: {  	p0 =	sne.s32 s26, $0x1;
	[tilespmem:s28+$0x60] =	vst v7;
	v7 =	vld [tilespmem:s28+$0x70]  }
.Ltmp11:
0xab: {  	v8 =	vld [tilespmem:s25+$0x30];
	(pc) =	sbr.rel @!p0 .LBB2_13-.Ltmp11, $2  }
0xac: {  	_ =	sdelay $0x2  }
0xad: {  	s29 =	smov.u32 s23;
	s26 =	sadd.s32 $0xFFFFFFFF, s26  }
.LBB2_12:
0xae: {  	p0 =	sne.s32 s26, $0x1;
	v7 =	vmax.f32 v7, v8;
	s29 =	sadd.s32 $0x1, s29;
	s25 =	sadd.s32 $0x80, s25  }
0xaf: {  	s26 =	sadd.s32 $0xFFFFFFFF, s26;
	[tilespmem:s28+$0x70] =	vst v7  }
0xb0: {  	v7 =	vld [tilespmem:s29+$0x0];
	_ =	sdelay $0x4  }
0xb1: {  	(v2sf) =	vpush v7, $0x0;
	_ =	sdelay $0xe  }
0xb2: {  	s28 =	spop (v2sf)  }
0xb3: {  	s28 =	ssub.s32 s28, s3  }
0xb4: {  	v7 =	vld [tilespmem:s28+$0x16C00];
	s30 =	sshll.u32 s28, $0x9;
	_ =	sdelay $0x4  }
0xb5: {  	v7 =	vadd.f32 v6, v7;
	_ =	sdelay $0x1  }
0xb6: {  	[tilespmem:s28+$0x16C00] =	vst v7;
	s28 =	sshra.s32 s30, $0x2  }
0xb7: {  	v7 =	vld [tilespmem:s28+$0x0]  }
0xb8: {  	v8 =	vld [tilespmem:s25+$0xFFFFFFC0];
	_ =	sdelay $0x4  }
0xb9: {  	v7 =	vmax.f32 v7, v8  }
0xba: {  	[tilespmem:s28+$0x0] =	vst v7;
	v7 =	vld [tilespmem:s28+$0x10]  }
0xbb: {  	v8 =	vld [tilespmem:s25+$0xFFFFFFD0];
	_ =	sdelay $0x4  }
0xbc: {  	v7 =	vmax.f32 v7, v8  }
0xbd: {  	[tilespmem:s28+$0x10] =	vst v7;
	v7 =	vld [tilespmem:s28+$0x20]  }
0xbe: {  	v8 =	vld [tilespmem:s25+$0xFFFFFFE0];
	_ =	sdelay $0x4  }
0xbf: {  	v7 =	vmax.f32 v7, v8  }
0xc0: {  	[tilespmem:s28+$0x20] =	vst v7;
	v7 =	vld [tilespmem:s28+$0x30]  }
0xc1: {  	v8 =	vld [tilespmem:s25+$0xFFFFFFF0];
	_ =	sdelay $0x4  }
0xc2: {  	v7 =	vmax.f32 v7, v8  }
0xc3: {  	[tilespmem:s28+$0x30] =	vst v7;
	v7 =	vld [tilespmem:s28+$0x40]  }
0xc4: {  	v8 =	vld [tilespmem:s25+$0x0];
	_ =	sdelay $0x4  }
0xc5: {  	v7 =	vmax.f32 v7, v8  }
0xc6: {  	[tilespmem:s28+$0x40] =	vst v7;
	v7 =	vld [tilespmem:s28+$0x50]  }
0xc7: {  	v8 =	vld [tilespmem:s25+$0x10];
	_ =	sdelay $0x4  }
0xc8: {  	v7 =	vmax.f32 v7, v8  }
0xc9: {  	[tilespmem:s28+$0x50] =	vst v7;
	v7 =	vld [tilespmem:s28+$0x60]  }
0xca: {  	v8 =	vld [tilespmem:s25+$0x20];
	_ =	sdelay $0x2  }
.Ltmp12:
0xcb: {  	(pc) =	sbr.rel @p0 .LBB2_12-.Ltmp12, $4  }
0xcc: {  	_ = 	snop  }
0xcd: {  	v7 =	vmax.f32 v7, v8  }
0xce: {  	[tilespmem:s28+$0x60] =	vst v7;
	v7 =	vld [tilespmem:s28+$0x70]  }
0xcf: {  	v8 =	vld [tilespmem:s25+$0x30]  }
.Ltmp13:
0xd0: {  	_ = 	snop;
	(pc) =	sbr.rel .LBB2_13-.Ltmp13, $1  }
0xd1: {  	_ =	sdelay $0x3  }
.LBB2_17:
0xd2: {  	_ =	sfence.sel $0x180000  }
0xd3: {  	[bflag:$0x0] =	sbarrier.arrive $0xFFFF  }
0xd4: {  	p0 =	sne.s32 s0, $0x0;
	_ =	strace $0x9000004A  }
0xd5: {  	s0 =	sadd.s32 @!p0 $0x100000, s1;
	[bflag:$0x2] =	sbarrier.arrive $0xFFFF  }
0xd6: {  	[sflag:s0] =	ssyncadd.tile.s32 @!p0 $0x1;
	_ =	shalt  }
.Lfunc_end2:
_tile_overlayer_lowered:
.L_overlay_start_2:
0xd7: {  	(tag) =	ssettag $0x2  }
0xd8: {  	s0 =	rddreg [dreg:$0x0];
	s2 =	stileid.u32  }
0xd9: {  	s1 =	rddreg [dreg:$0x1];
	p0 =	sne.s32 s2, $0x0  }
0xda: {  	s3 =	rddreg [dreg:$0x2];
	[bflag:$0x3] =	sbarrier.arrive $0xFFFF;
	s2 =	simm.s32 @!p0 $0x1C02  }
0xdb: {  	[timem:s3], [sflag:s2] =	dma.local @!p0 [hbm:s0], s1  }
0xdc: {  	s0 =	simm.s32 @!p0 $0x2  }
0xdd: {  	_ =	swait.ge @!p0 [sflag:s0], s1  }
0xde: {  	s1 =	ssub.s32 @!p0 $0x0, s1;
	[sflag:s0] =	ssyncset.done @!p0 $0x0  }
0xdf: {  	[sflag:s0] =	ssyncadd.s32 @!p0 s1  }
0xe0: {  	[bflag:$0x3] =	sbarrier.arrive $0xFFFF  }
0xe1: {  	_ =	shalt  }

// kernel: kernel.23.cloned.1.call-start
scs
__scs_entry_jumppad:
0x0: {  	(pc) =	sbr.rel $0x88, $3  }
0x1: {  	(tag) =	ssettag $0x0;
	lr =	simm.s32 $0x1  }
0x2: {  	[smem:$0x3F95] =	sst lr;
	_ =	strace $0xD0000000  }
0x3: {  	_ = 	snop  }
0x4: {  	_ = 	snop  }
0x5: {  	_ = 	snop  }
0x6: {  	_ = 	snop  }
0x7: {  	_ = 	snop  }
__scs_overlays_trampoline_lowered:
0x8: {  	[smem:$0x3FA4] =	sst s0  }
0x9: {  	[smem:$0x3FA5] =	sst s1  }
0xa: {  	[smem:$0x3FA6] =	sst s2  }
0xb: {  	[smem:$0x3FA7] =	sst s3  }
0xc: {  	[smem:$0x3FA8] =	sst s4  }
0xd: {  	[smem:$0x3FA9] =	sst s5  }
0xe: {  	[smem:$0x3FAA] =	sst s6  }
0xf: {  	[smem:$0x3FAB] =	sst s7  }
0x10: {  	[smem:$0x3FAC] =	sst s8  }
0x11: {  	[smem:$0x3FAD] =	sst s9;
	s0 =	simm.s32 @!p0 $0x0  }
0x12: {  	s1 =	sld [smem:$0x3F93];
	s0 =	simm.s32 @p0 $0x1  }
0x13: {  	[smem:$0x3FAE] =	sst s0;
	s0 =	simm.s32 @!p1 $0x0  }
0x14: {  	s2 =	sld [smem:$0x3F92];
	s0 =	simm.s32 @p1 $0x1  }
0x15: {  	[smem:$0x3FAF] =	sst s0;
	s0 =	simm.s32 @!p2 $0x0  }
0x16: {  	s3 =	sld [smem:$0x3FDB];
	s0 =	simm.s32 @p2 $0x1  }
0x17: {  	s4 =	simm.s32 $0x1BF5;
	[smem:$0x3FB1] =	sst s0  }
0x18: {  	s0 =	sld [smem:$0x3F94];
	_ =	swait.ge [sflag:s4], $0x0  }
0x19: {  	s7 =	sld [smem:$0x3F95]  }
0x1a: {  	s8 =	sadd.s32 $0xFFFFE003, lr  }
0x1b: {  	s9 =	sadd.s32 $0xFFFFFEF7, lr;
	s5 =	simm.s32 $0xFFFFFFFF;
	p2 =	slt.u32 s8, $0xFFFFF086  }
0x1c: {  	p1 =	slt.u32 s9, $0xF7A;
	s5 =	simm.s32 @!p2 $0x0  }
0x1d: {  	s5 =	simm.s32 @p1 $0x1;
	p0 =	seq.s32 s7, s2  }
0x1e: {  	s7 =	smul.u32 @!p0 $0xF7A, s2;
	p2 =	seq.s32 @!p0 s5, $0x0  }
0x1f: {  	s9 =	smul.u32 $0xF7A, s1;
	s8 =	simm.s32 @!p0 $0x1BF5;
	p2 =	por !p2, p0  }
0x20: {  	[sflag:s8] =	ssyncset.s32 @!p0 $0xFFFFF086;
	s6 =	sadd.s32 @!p0 s3, s7;
	s7 =	simm.s32 @!p0 $0x108  }
0x21: {  	s3 =	sadd.s32 s3, s9;
	s6 =	sadd.s32 @!p0 $0x88, s6;
	s7 =	simm.s32 @p2 $0x1082  }
0x22: {  	[simem:s7], [sflag:s8] =	dma.local @!p0 [hbm:s6], $0xF7A  }
0x23: {  	s9 =	sor.u32 $0xD0000000, s2;
	s6 =	simm.s32 $0x108;
	_ =	swait.ge @!p0 [sflag:s8], $0x0  }
0x24: {  	s3 =	sadd.s32 $0x88, s3;
	s6 =	simm.s32 @!p1 $0x1082;
	[sflag:s4] =	ssyncset.s32 $0xFFFFF086  }
0x25: {  	[simem:s6], [sflag:s4] =	dma.local [hbm:s3], $0xF7A  }
0x26: {  	[smem:$0x3F95] =	sst s1;
	(tag) =	ssettag s2;
	_ =	strace s9  }
0x27: {  	s1 =	sld [smem:$0x3FA5]  }
0x28: {  	s2 =	sld [smem:$0x3FA6]  }
0x29: {  	s4 =	sld [smem:$0x3FA8]  }
0x2a: {  	p0 =	seq.s32 s5, $0x0;
	s5 =	sld [smem:$0x3FA9]  }
0x2b: {  	s6 =	sld [smem:$0x3FAA]  }
0x2c: {  	s7 =	sld [smem:$0x3FAB]  }
0x2d: {  	s3 =	simm.s32 $0x108;
	s8 =	sld [smem:$0x3FAC]  }
0x2e: {  	s3 =	simm.s32 @!p0 $0x1082;
	s9 =	sld [smem:$0x3FAD]  }
0x2f: {  	lr =	sadd.s32 s0, s3;
	s0 =	sld [smem:$0x3FA4]  }
0x30: {  	s3 =	sld [smem:$0x3FA7]  }
0x31: {  	[smem:$0x3FB0] =	sst s10  }
0x32: {  	s10 =	sld [smem:$0x3FAE];
	_ =	sdelay $0x3  }
0x33: {  	p0 =	seq.s32 s10, $0x1;
	s10 =	sld [smem:$0x3FB0];
	_ =	sdelay $0x3  }
0x34: {  	[smem:$0x3FB0] =	sst s10  }
0x35: {  	s10 =	sld [smem:$0x3FAF];
	_ =	sdelay $0x3  }
0x36: {  	p1 =	seq.s32 s10, $0x1;
	s10 =	sld [smem:$0x3FB0];
	_ =	sdelay $0x3  }
0x37: {  	[smem:$0x3FB0] =	sst s10  }
0x38: {  	s10 =	sld [smem:$0x3FB1]  }
0x39: {  	_ = 	snop;
	(pc) =	sbr.ind lr, $3  }
0x3a: {  	_ = 	snop  }
0x3b: {  	_ = 	snop  }
0x3c: {  	p2 =	seq.s32 s10, $0x1;
	s10 =	sld [smem:$0x3FB0]  }
0x3d: {  	_ =	shalt  }
0x3e: {  	_ =	shalt  }
0x3f: {  	_ =	shalt  }
0x40: {  	_ =	shalt  }
0x41: {  	_ =	shalt  }
0x42: {  	_ =	shalt  }
0x43: {  	_ =	shalt  }
0x44: {  	_ =	shalt  }
0x45: {  	_ =	shalt  }
0x46: {  	_ =	shalt  }
0x47: {  	_ =	shalt  }
0x48: {  	_ =	shalt  }
0x49: {  	_ =	shalt  }
0x4a: {  	_ =	shalt  }
0x4b: {  	_ =	shalt  }
0x4c: {  	_ =	shalt  }
0x4d: {  	_ =	shalt  }
0x4e: {  	_ =	shalt  }
0x4f: {  	_ =	shalt  }
0x50: {  	_ =	shalt  }
0x51: {  	_ =	shalt  }
0x52: {  	_ =	shalt  }
0x53: {  	_ =	shalt  }
0x54: {  	_ =	shalt  }
0x55: {  	_ =	shalt  }
0x56: {  	_ =	shalt  }
0x57: {  	_ =	shalt  }
0x58: {  	_ =	shalt  }
0x59: {  	_ =	shalt  }
0x5a: {  	_ =	shalt  }
0x5b: {  	_ =	shalt  }
0x5c: {  	_ =	shalt  }
0x5d: {  	_ =	shalt  }
0x5e: {  	_ =	shalt  }
0x5f: {  	_ =	shalt  }
0x60: {  	_ =	shalt  }
0x61: {  	_ =	shalt  }
0x62: {  	_ =	shalt  }
0x63: {  	_ =	shalt  }
0x64: {  	_ =	shalt  }
0x65: {  	_ =	shalt  }
0x66: {  	_ =	shalt  }
0x67: {  	_ =	shalt  }
0x68: {  	_ =	shalt  }
0x69: {  	_ =	shalt  }
0x6a: {  	_ =	shalt  }
0x6b: {  	_ =	shalt  }
0x6c: {  	_ =	shalt  }
0x6d: {  	_ =	shalt  }
0x6e: {  	_ =	shalt  }
0x6f: {  	_ =	shalt  }
0x70: {  	_ =	shalt  }
0x71: {  	_ =	shalt  }
0x72: {  	_ =	shalt  }
0x73: {  	_ =	shalt  }
0x74: {  	_ =	shalt  }
0x75: {  	_ =	shalt  }
0x76: {  	_ =	shalt  }
0x77: {  	_ =	shalt  }
0x78: {  	_ =	shalt  }
0x79: {  	_ =	shalt  }
0x7a: {  	_ =	shalt  }
0x7b: {  	_ =	shalt  }
0x7c: {  	_ =	shalt  }
0x7d: {  	_ =	shalt  }
0x7e: {  	_ =	shalt  }
0x7f: {  	_ =	shalt  }
0x80: {  	_ =	shalt  }
0x81: {  	_ =	shalt  }
0x82: {  	_ =	shalt  }
0x83: {  	_ =	shalt  }
0x84: {  	_ =	shalt  }
0x85: {  	_ =	shalt  }
0x86: {  	_ =	shalt  }
0x87: {  	_ =	shalt  }
.Lfunc_end0:
.L_simem_size_0:
called_computation.2_lowered:
.L_overlay_start_0:
0x88: {  	s2 =	sld [smem:$0x3FD9]  }
0x89: {  	s3 =	sld [smem:$0x3FFE];
	_ =	sdelay $0x1  }
0x8a: {  	s1 =	srdreg.scid  }
0x8b: {  	s0 =	sand.u32 $0x1, s1  }
0x8c: {  	s16 =	sshll.u32 s0, $0xA;
	s2 =	sadd.s32 s3, s2  }
0x8d: {  	s2 =	sadd.s32 s2, s16  }
0x8e: {  	[smem:$0x3FBC] =	sst s2  }
0x8f: {  	_ = 	snop  }
0x90: {  	(tm) =	ssettm $0x1  }
0x91: {  	s17 =	sld [smem:$0x3FFB];
	_ =	sdelay $0x3  }
0x92: {  	_ =	strace s17  }
0x93: {  	s2 =	sld [smem:$0x3FFC];
	_ =	sdelay $0x3  }
0x94: {  	_ =	strace s2  }
0x95: {  	s2 =	sld [smem:$0x3FFD];
	_ =	sdelay $0x3  }
0x96: {  	_ =	strace s2  }
0x97: {  	_ =	strace $0x8FFFFFFF  }
0x98: {  	s18 =	sld [smem:$0x3FDB];
	_ =	sdelay $0x1  }
0x99: {  	s19 =	simm.s32 $_scs_section_size  }
0x9a: {  	s4 =	simm.s32 $_size__tile_overlayer_lowered;
	s5 =	simm.s32 $_tile_overlayer_lowered  }
0x9b: {  	s22 =	simm.s32 $0x1BFF;
	s21 =	sshll.u32 s5, $0x1;
	s2 =	sadd.s32 s19, s18  }
0x9c: {  	s6 =	simm.s32 $0x0;
	s20 =	sshll.u32 s4, $0x1;
	s4 =	sadd.s32 s21, s2  }
0x9d: {  	[timem:s6], [sflag:s22] =	dma.local [hbm:s4], s20  }
0x9e: {  	_ =	swait.ge [sflag:s22], s20  }
0x9f: {  	s3 =	ssub.s32 $0x0, s20;
	[sflag:s22] =	ssyncset.done $0x0  }
0xa0: {  	[sflag:s22] =	ssyncadd.s32 s3;
	_ =	sdelay $0x1  }
0xa1: {  	s23 =	simm.s32 $0x1B8B  }
0xa2: {  	_ =	swait.ge [sflag:s23], $0x1  }
0xa3: {  	[sflag:s23] =	ssyncset.done $0x0  }
0xa4: {  	s25 =	simm.s32 $0x1B8E;
	s24 =	sld [smem:$0x3FFE];
	[sflag:s23] =	ssyncadd.s32 $0xFFFFFFFF  }
0xa5: {  	s26 =	simm.s32 $execute0_lowered;
	[smem:$0x3FD2] =	sst s25  }
0xa6: {  	s4 =	sshll.u32 s26, $0x1;
	_ =	strace $0x8000004C;
	[dreg:$0x1] =	wrdreg $0xFFFFFFFF  }
0xa7: {  	s28 =	simm.s32 $_size_execute0_lowered;
	s2 =	sadd.s32 s2, s4;
	[dreg:$0x0] =	wrdreg $0x0  }
0xa8: {  	s4 =	sshll.u32 s28, $0x1;
	[dreg:$0x2] =	wrdreg s2  }
0xa9: {  	[dreg:$0x3] =	wrdreg s4  }
0xaa: {  	[dreg:$0x4] =	wrdreg $0xC0  }
0xab: {  	_ =	task [dreg:s6], $0x5FFFF  }
0xac: {  	[dreg:$0x1] =	wrdreg $0xFFFFFFFF  }
0xad: {  	[dreg:$0x0] =	wrdreg $0x60  }
0xae: {  	[dreg:$0x2] =	wrdreg s24  }
0xaf: {  	[dreg:$0x3] =	wrdreg $0x9  }
0xb0: {  	_ =	task.clear_ibuf [dreg:s6], $0x4FFFF;
	_ =	strace $0x9000004C  }
0xb1: {  	s29 =	simm.s32 $0x9;
	_ =	strace $0x8000004E  }
0xb2: {  	_ =	swait.ge [sflag:s29], $0x1  }
0xb3: {  	[sflag:s29] =	ssyncadd.s32 $0xFFFFFFFF  }
0xb4: {  	_ =	strace $0x9000004E  }
0xb5: {  	_ =	sfence  }
0xb6: {  	s30 =	sld [smem:$0x0];
	_ =	sdelay $0x2  }
0xb7: {  	s31 =	sshll.u32 s1, $0xD;
	s1 =	sshrl.u32 s1, $0x2  }
0xb8: {  	s3 =	sand.u32 $0x4000, s31;
	s1 =	sadd.s32 s1, s30  }
0xb9: {  	s0 =	sor.u32 s3, s0;
	s1 =	sshll.u32 s1, $0x11  }
0xba: {  	s0 =	sor.u32 s1, s0  }
0xbb: {  	s0 =	sadd.s32 $0x8F2B, s0  }
0xbc: {  	[sflag:s0] =	ssyncadd.remote.s32 $0x1  }
0xbd: {  	_ =	sfence.sel $0xFFFF  }
0xbe: {  	[dreg:$0x0] =	wrdreg $0xFFFFFFFF;
	(pc) =	sbr.abs _section_cstart, $3  }
0xbf: {  	[dreg:$0x1] =	wrdreg $0xFFFFFFFF  }
0xc0: {  	_ =	task.clear_ibuf [dreg:s6], $0x2FFFF;
	_ =	strace $0x9FFFFFFF  }
0xc1: {  	(tm) =	ssettm $0x7FFFFFFF  }
tec
execute0_lowered:
.L_overlay_start_1:
0x0: {  	(tag) =	ssettag $0x1  }
0x1: {  	s7 =	rddreg [dreg:$0x0]  }
0x2: {  	s0 =	rddreg [dreg:$0x1]  }
0x3: {  	s2 =	simm.s32 $0x0;
	s3 =	srdreg.scid;
	s1 =	stileid.u32  }
0x4: {  	s11 =	simm.s32 $0xB900;
	s13 =	simm.s32 $0xEB80;
	s14 =	simm.s32 $0x100  }
0x5: {  	s15 =	simm.s32 $0x10500;
	s4 =	sand.u32 $0x1, s3;
	s30 =	sshll.u32 s1, $0x1  }
0x6: {  	s16 =	simm.s32 $0x1;
	s17 =	simm.s32 $0x0;
	s5 =	sor.u32 s4, s30  }
0x7: {  	[smem:$0x7FF] =	sst s2;
	s3 =	sadd.s32 $0x18000, s7;
	s8 =	smul.u32 $0x1400, s5  }
.Ltmp0:
0x8: {  	s6 =	sadd.s32 $0x4400, s7;
	s9 =	ssub.s32 $0x2, s4;
	(pc) =	sbr.rel .LBB2_1-.Ltmp0, $4  }
0x9: {  	_ =	strace $0x8000004D;
	s10 =	sshrl.u32 s9, $0x1;
	s5 =	smul.u32 $0x140, s5  }
0xa: {  	s4 =	sadd.s32 $0xE200, s7;
	s31 =	ssub.s32 s9, s10;
	s9 =	simm.s32 $0xA000  }
0xb: {  	v2 =	vimm.f32 $-3.000000010e+38;
	v3 =	vimm.s32 $0x0;
	s10 =	simm.s32 $0x2;
	s7 =	sadd.s32 s8, s7;
	s12 =	sadd.s32 $0x140, s5  }
0xc: {  	v4 =	vlaneseq.u32;
	s8 =	smax.u32 s31, $0x1;
	v0 =	vmov s5;
	s7 =	sadd.s32 $0x3F200, s7;
	v1 =	vmov s12;
	s12 =	simm.s32 $0xD200  }
.LBB2_15:
0xd: {  	s17 =	sadd.s32 $0x1, s17  }
0xe: {  	p0 =	sne.s32 s17, s8  }
.Ltmp1:
0xf: {  	_ = 	snop;
	(pc) =	sbr.rel @!p0 .LBB2_16-.Ltmp1, $4  }
0x10: {  	[hbm4b:s7+s2] =	stream.linear.scatter [tilespmem:s2], [sflag:$0x2], $0xA000, $0x38;
	[tilespmem:$0x18500] =	vst v63  }
0x11: {  	_ =	swait.ge [sflag:s10], $0xA000  }
0x12: {  	[sflag:s10] =	ssyncset.done $0x0  }
0x13: {  	[sflag:s10] =	ssyncadd.s32 $0xFFFF6000  }
.LBB2_1:
0x14: {  	s18 =	simm.s32 $0x0;
	s19 =	simm.s32 $0x200  }
.LBB2_2:
0x15: {  	p0 =	sne.s32 s19, $0x27E00;
	[tilespmem:s18+$0x70] =	vst v2  }
0x16: {  	[tilespmem:s18+$0x0] =	vst v2  }
0x17: {  	[tilespmem:s18+$0x10] =	vst v2  }
.Ltmp2:
0x18: {  	[tilespmem:s18+$0x20] =	vst v2;
	(pc) =	sbr.rel @p0 .LBB2_2-.Ltmp2, $4  }
0x19: {  	[tilespmem:s18+$0x30] =	vst v2  }
0x1a: {  	[tilespmem:s18+$0x40] =	vst v2  }
0x1b: {  	[tilespmem:s18+$0x50] =	vst v2  }
0x1c: {  	[tilespmem:s18+$0x60] =	vst v2;
	s18 =	sshra.s32 s19, $0x2;
	s19 =	sadd.s32 $0x200, s19  }
0x1d: {  	[tilespmem:s18+$0x70] =	vst v2  }
0x1e: {  	[tilespmem:s18+$0x0] =	vst v2  }
0x1f: {  	[tilespmem:s18+$0x10] =	vst v2  }
0x20: {  	[tilespmem:s18+$0x20] =	vst v2  }
0x21: {  	[tilespmem:s18+$0x30] =	vst v2  }
0x22: {  	[tilespmem:s18+$0x40] =	vst v2  }
0x23: {  	[tilespmem:s18+$0x50] =	vst v2  }
0x24: {  	[tilespmem:s18+$0x60] =	vst v2;
	s18 =	simm.s32 $0x0;
	s20 =	simm.s32 $0xD200  }
0x25: {  	s19 =	simm.s32 $0xEB80;
	[tilespmem:s20+$0x0] =	vst v3;
	v5 =	vor.u32 s18, v4  }
0x26: {  	s21 =	simm.s32 $0xD210;
	s20 =	simm.s32 $0x10;
	[tilespmem:s19+$0x0] =	vst v5  }
.LBB2_4:
0x27: {  	[tilespmem:s21+$0x0] =	vst v3;
	v5 =	vor.u32 s20, v4;
	p0 =	sne.s32 s20, $0x1910;
	s20 =	sadd.s32 $0x10, s20;
	s19 =	sadd.s32 $0x10, s19  }
.Ltmp3:
0x28: {  	[tilespmem:s19+$0x0] =	vst v5;
	(pc) =	sbr.rel @p0 .LBB2_4-.Ltmp3, $2  }
0x29: {  	_ =	sdelay $0x2  }
0x2a: {  	s21 =	sadd.s32 $0x10, s21  }
.Ltmp4:
0x2b: {  	_ = 	snop;
	(pc) =	sbr.rel .LBB2_5-.Ltmp4, $1  }
0x2c: {  	_ =	sdelay $0x3  }
.LBB2_14:
0x2d: {  	s18 =	sadd.s32 $0x1, s18  }
0x2e: {  	p0 =	sne.s32 s18, $0x32  }
.Ltmp5:
0x2f: {  	_ = 	snop;
	(pc) =	sbr.rel @!p0 .LBB2_15-.Ltmp5, $1  }
0x30: {  	_ =	sdelay $0x3  }
.LBB2_5:
0x31: {  	s20 =	smul.u32 $0x320, s18;
	_ =	sdelay $0x1  }
0x32: {  	s19 =	simm.s32 $0x0;
	s21 =	sadd.s32 s4, s20  }
0x33: {  	[tilespmem:s9], [sflag:$0x2] =	stream.linear.gather [hbm4b:s21+s19], $0x1900, $0x38;
	[tilespmem:$0x18500] =	vst v63  }
0x34: {  	_ =	swait.ge [sflag:s10], $0x1900  }
0x35: {  	[sflag:s10] =	ssyncset.done $0x0  }
0x36: {  	s20 =	sadd.s32 s6, s20;
	[sflag:s10] =	ssyncadd.s32 $0xFFFFE700  }
0x37: {  	[tilespmem:s11], [sflag:$0x2] =	stream.linear.gather [hbm4b:s20+s19], $0x1900, $0x38;
	[tilespmem:$0x18500] =	vst v63  }
0x38: {  	_ =	swait.ge [sflag:s10], $0x1900  }
0x39: {  	[sflag:s10] =	ssyncset.done $0x0  }
0x3a: {  	s30 =	simm.s32 $0x0;
	[sflag:s10] =	ssyncadd.s32 $0xFFFFE700  }
0x3b: {  	v5 =	vld [tilespmem:s30+$0xA000];
	_ =	sdelay $0x4  }
0x3c: {  	vm0 =	vge.s32 v5, v0;
	vm1 =	vlt.s32 v5, v1  }
0x3d: {  	vm0 =	vmand vm0, vm1  }
0x3e: {  	v6 =	vsel vm0, $0x1, v3  }
0x3f: {  	(xrf0) =	vadd.scan.msk.s32 $0xffff, v6;
	_ =	sdelay $0x5  }
0x40: {  	s31 =	simm.s32 $0xFFFFFFFF;
	v6, _, _ =	vpop (xrf0)  }
0x41: {  	v7 =	vadd.s32 s31, v6;
	(v2sf) =	vpush v6, $0xF  }
0x42: {  	v8 =	vld [tilespmem:s30+$0xB900];
	_ =	sdelay $0x3  }
0x43: {  	[tilespmem:v7+s12+$0x0] =	vst.idx.msk vm0, v5  }
0x44: {  	s21 =	simm.s32 $0x80;
	s20 =	simm.s32 $0x10;
	[tilespmem:v7+s13+$0x0] =	vst.idx.msk vm0, v8  }
.LBB2_6:
0x45: {  	p0 =	sne.s32 s21, $0x63C0;
	v5 =	vld [tilespmem:s20+$0xA000];
	_ =	sdelay $0x4  }
0x46: {  	vm0 =	vge.s32 v5, v0;
	vm1 =	vlt.s32 v5, v1  }
0x47: {  	vm0 =	vmand vm0, vm1  }
0x48: {  	v6 =	vsel vm0, $0x1, v3  }
0x49: {  	(xrf0) =	vadd.scan.msk.s32 $0xffff, v6;
	s22 =	spop (v2sf)  }
0x4a: {  	s19 =	sadd.s32 s19, s22  }
0x4b: {  	s22 =	sadd.s32 $0xFFFFFFFF, s19;
	_ =	sdelay $0x3  }
0x4c: {  	v6, _, _ =	vpop (xrf0)  }
0x4d: {  	v7 =	vadd.s32 s22, v6;
	(v2sf) =	vpush v6, $0xF  }
0x4e: {  	v6 =	vld [tilespmem:s20+$0xB900]  }
.Ltmp6:
0x4f: {  	(pc) =	sbr.rel @p0 .LBB2_6-.Ltmp6, $3  }
0x50: {  	_ =	sdelay $0x1  }
0x51: {  	[tilespmem:v7+s12+$0x0] =	vst.idx.msk vm0, v5  }
0x52: {  	s20 =	sshra.s32 s21, $0x2;
	s21 =	sadd.s32 $0x40, s21;
	[tilespmem:v7+s13+$0x0] =	vst.idx.msk vm0, v6  }
0x53: {  	v5 =	vld [tilespmem:s20+$0xA000];
	_ =	sdelay $0x4  }
0x54: {  	vm0 =	vge.s32 v5, v0;
	vm1 =	vlt.s32 v5, v1  }
0x55: {  	vm0 =	vmand vm0, vm1  }
0x56: {  	v6 =	vsel vm0, $0x1, v3  }
0x57: {  	(xrf0) =	vadd.scan.msk.s32 $0xffff, v6;
	_ =	sdelay $0x5  }
0x58: {  	v6, _, _ =	vpop (xrf0)  }
0x59: {  	(v2sf) =	vpush v6, $0xF;
	_ =	sdelay $0xd  }
0x5a: {  	s21 =	spop (v2sf)  }
0x5b: {  	s19 =	sadd.s32 s19, s21;
	s31 =	spop (v2sf)  }
0x5c: {  	s21 =	sadd.s32 $0xFFFFFFFF, s19;
	s19 =	sadd.s32 s19, s31  }
0x5d: {  	v7 =	vld [tilespmem:s20+$0xB900];
	v6 =	vadd.s32 s21, v6;
	s20 =	sadd.s32 $0xFF, s19  }
0x5e: {  	p0 =	slt.s32 s20, $0x100  }
.Ltmp7:
0x5f: {  	_ = 	snop;
	(pc) =	sbr.rel @p0 .LBB2_14-.Ltmp7, $3  }
0x60: {  	_ =	sdelay $0x1  }
0x61: {  	[tilespmem:v6+s12+$0x0] =	vst.idx.msk vm0, v5  }
0x62: {  	[tilespmem:v6+s13+$0x0] =	vst.idx.msk vm0, v7  }
.Ltmp8:
0x63: {  	(pc) =	sbr.rel .LBB2_9-.Ltmp8, $4  }
0x64: {  	s21 =	sshra.s32 s20, $0x1F  }
0x65: {  	s21 =	sshrl.u32 s21, $0x18  }
0x66: {  	s22 =	simm.s32 $0xD200;
	s31 =	sadd.s32 s21, s20  }
0x67: {  	s23 =	smov.u32 s19;
	s21 =	simm.s32 $0x0;
	s20 =	sshra.s32 s31, $0x8  }
.LBB2_12:
0x68: {  	[tilespmem:s25+$0x70] =	vst v5  }
.LBB2_13:
0x69: {  	s21 =	sadd.s32 $0x1, s21  }
0x6a: {  	p0 =	sne.s32 s21, s20  }
.Ltmp9:
0x6b: {  	_ = 	snop;
	(pc) =	sbr.rel @!p0 .LBB2_14-.Ltmp9, $2  }
0x6c: {  	_ =	sdelay $0x2  }
0x6d: {  	s23 =	sadd.s32 $0xFFFFFF00, s23;
	s22 =	sadd.s32 $0x100, s22  }
.LBB2_9:
0x6e: {  	s24 =	sshll.u32 s21, $0x8  }
0x6f: {  	s25 =	sadd.s32 $0xEB80, s24;
	s24 =	ssub.s32 s19, s24  }
0x70: {  	p0 =	slt.s32 s24, $0x1  }
.Ltmp10:
0x71: {  	_ = 	snop;
	(pc) =	sbr.rel @p0 .LBB2_13-.Ltmp10, $4  }
0x72: {  	[tilespmem:s15], [sflag:$0x1] =	stream.indirect.gather [hbm4b:s3+s14], $0x80, s25, s14, $0xb8;
	[tilespmem:$0x18500] =	vst v63  }
0x73: {  	_ =	swait.ge [sflag:s16], $0x8000  }
0x74: {  	[sflag:s16] =	ssyncset.done $0x0  }
0x75: {  	[sflag:s16] =	ssyncadd.s32 $0xFFFF8000  }
0x76: {  	v5 =	vld [tilespmem:s22+$0x0];
	_ =	sdelay $0x4  }
0x77: {  	(v2sf) =	vpush v5, $0x0;
	_ =	sdelay $0xe  }
0x78: {  	s24 =	spop (v2sf)  }
0x79: {  	s25 =	ssub.s32 s24, s5  }
0x7a: {  	s24 =	simm.s32 $0x10540;
	s25 =	sshll.u32 s25, $0x9  }
0x7b: {  	v5 =	vld [tilespmem:s24+$0xFFFFFFC0];
	s25 =	sshra.s32 s25, $0x2  }
0x7c: {  	v6 =	vld [tilespmem:s25+$0x0];
	_ =	sdelay $0x4  }
0x7d: {  	v5 =	vmax.f32 v6, v5  }
0x7e: {  	[tilespmem:s25+$0x0] =	vst v5;
	v5 =	vld [tilespmem:s25+$0x10]  }
0x7f: {  	v6 =	vld [tilespmem:s24+$0xFFFFFFD0];
	_ =	sdelay $0x4  }
0x80: {  	v5 =	vmax.f32 v5, v6  }
0x81: {  	[tilespmem:s25+$0x10] =	vst v5;
	v5 =	vld [tilespmem:s25+$0x20]  }
0x82: {  	v6 =	vld [tilespmem:s24+$0xFFFFFFE0];
	_ =	sdelay $0x4  }
0x83: {  	v5 =	vmax.f32 v5, v6  }
0x84: {  	[tilespmem:s25+$0x20] =	vst v5;
	v5 =	vld [tilespmem:s25+$0x30]  }
0x85: {  	v6 =	vld [tilespmem:s24+$0xFFFFFFF0];
	_ =	sdelay $0x4  }
0x86: {  	v5 =	vmax.f32 v5, v6  }
0x87: {  	[tilespmem:s25+$0x30] =	vst v5;
	v5 =	vld [tilespmem:s25+$0x40]  }
0x88: {  	v6 =	vld [tilespmem:s24+$0x0];
	_ =	sdelay $0x4  }
0x89: {  	v5 =	vmax.f32 v5, v6  }
0x8a: {  	[tilespmem:s25+$0x40] =	vst v5;
	v5 =	vld [tilespmem:s25+$0x50]  }
0x8b: {  	v6 =	vld [tilespmem:s24+$0x10];
	_ =	sdelay $0x4  }
0x8c: {  	v5 =	vmax.f32 v5, v6  }
0x8d: {  	[tilespmem:s25+$0x50] =	vst v5;
	v5 =	vld [tilespmem:s25+$0x60]  }
0x8e: {  	v6 =	vld [tilespmem:s24+$0x20];
	_ =	sdelay $0x3  }
0x8f: {  	p0 =	sgt.s32 s23, $0x1;
	s26 =	smov.u32 s23  }
0x90: {  	s26 =	simm.s32 @!p0 $0x1;
	v5 =	vmax.f32 v5, v6  }
0x91: {  	s26 =	smin.u32 s26, $0x100;
	[tilespmem:s25+$0x60] =	vst v5;
	v5 =	vld [tilespmem:s25+$0x70]  }
0x92: {  	p0 =	sne.s32 s26, $0x1;
	v6 =	vld [tilespmem:s24+$0x30]  }
.Ltmp11:
0x93: {  	_ = 	snop;
	(pc) =	sbr.rel @!p0 .LBB2_12-.Ltmp11, $2  }
0x94: {  	_ =	sdelay $0x2  }
0x95: {  	s28 =	smov.u32 s22;
	s26 =	sadd.s32 $0xFFFFFFFF, s26;
	v5 =	vmax.f32 v5, v6  }
.LBB2_11:
0x96: {  	p0 =	sne.s32 s26, $0x1;
	[tilespmem:s25+$0x70] =	vst v5;
	s28 =	sadd.s32 $0x1, s28;
	s24 =	sadd.s32 $0x80, s24  }
0x97: {  	s26 =	sadd.s32 $0xFFFFFFFF, s26;
	v5 =	vld [tilespmem:s28+$0x0];
	_ =	sdelay $0x4  }
0x98: {  	(v2sf) =	vpush v5, $0x0;
	_ =	sdelay $0xe  }
0x99: {  	s25 =	spop (v2sf)  }
0x9a: {  	s25 =	ssub.s32 s25, s5  }
0x9b: {  	s25 =	sshll.u32 s25, $0x9  }
0x9c: {  	s25 =	sshra.s32 s25, $0x2;
	v5 =	vld [tilespmem:s24+$0xFFFFFFC0]  }
0x9d: {  	v6 =	vld [tilespmem:s25+$0x0];
	_ =	sdelay $0x4  }
0x9e: {  	v5 =	vmax.f32 v6, v5  }
0x9f: {  	[tilespmem:s25+$0x0] =	vst v5;
	v5 =	vld [tilespmem:s25+$0x10]  }
0xa0: {  	v6 =	vld [tilespmem:s24+$0xFFFFFFD0];
	_ =	sdelay $0x4  }
0xa1: {  	v5 =	vmax.f32 v5, v6  }
0xa2: {  	[tilespmem:s25+$0x10] =	vst v5;
	v5 =	vld [tilespmem:s25+$0x20]  }
0xa3: {  	v6 =	vld [tilespmem:s24+$0xFFFFFFE0];
	_ =	sdelay $0x4  }
0xa4: {  	v5 =	vmax.f32 v5, v6  }
0xa5: {  	[tilespmem:s25+$0x20] =	vst v5;
	v5 =	vld [tilespmem:s25+$0x30]  }
0xa6: {  	v6 =	vld [tilespmem:s24+$0xFFFFFFF0];
	_ =	sdelay $0x4  }
0xa7: {  	v5 =	vmax.f32 v5, v6  }
0xa8: {  	[tilespmem:s25+$0x30] =	vst v5;
	v5 =	vld [tilespmem:s25+$0x40]  }
0xa9: {  	v6 =	vld [tilespmem:s24+$0x0];
	_ =	sdelay $0x4  }
0xaa: {  	v5 =	vmax.f32 v5, v6  }
0xab: {  	[tilespmem:s25+$0x40] =	vst v5;
	v5 =	vld [tilespmem:s25+$0x50]  }
0xac: {  	v6 =	vld [tilespmem:s24+$0x10];
	_ =	sdelay $0x4  }
0xad: {  	v5 =	vmax.f32 v5, v6  }
0xae: {  	[tilespmem:s25+$0x50] =	vst v5;
	v5 =	vld [tilespmem:s25+$0x60]  }
0xaf: {  	v6 =	vld [tilespmem:s24+$0x20];
	_ =	sdelay $0x4  }
0xb0: {  	v5 =	vmax.f32 v5, v6  }
0xb1: {  	[tilespmem:s25+$0x60] =	vst v5;
	v5 =	vld [tilespmem:s25+$0x70]  }
0xb2: {  	v6 =	vld [tilespmem:s24+$0x30]  }
.Ltmp12:
0xb3: {  	(pc) =	sbr.rel @p0 .LBB2_11-.Ltmp12, $2  }
0xb4: {  	_ =	sdelay $0x2  }
0xb5: {  	v5 =	vmax.f32 v5, v6  }
.Ltmp13:
0xb6: {  	_ = 	snop;
	(pc) =	sbr.rel .LBB2_12-.Ltmp13, $1  }
0xb7: {  	_ =	sdelay $0x3  }
.LBB2_16:
0xb8: {  	_ =	sfence.sel $0x180000  }
0xb9: {  	[bflag:$0x0] =	sbarrier.arrive $0xFFFF  }
0xba: {  	p0 =	sne.s32 s1, $0x0;
	_ =	strace $0x9000004D  }
0xbb: {  	s0 =	sadd.s32 @!p0 $0x100000, s0;
	[bflag:$0x2] =	sbarrier.arrive $0xFFFF  }
0xbc: {  	[sflag:s0] =	ssyncadd.tile.s32 @!p0 $0x1;
	_ =	shalt  }
.Lfunc_end2:
_tile_overlayer_lowered:
.L_overlay_start_2:
0xbd: {  	(tag) =	ssettag $0x2  }
0xbe: {  	s0 =	rddreg [dreg:$0x0];
	s2 =	stileid.u32  }
0xbf: {  	s1 =	rddreg [dreg:$0x1];
	p0 =	sne.s32 s2, $0x0  }
0xc0: {  	s3 =	rddreg [dreg:$0x2];
	[bflag:$0x3] =	sbarrier.arrive $0xFFFF;
	s2 =	simm.s32 @!p0 $0x1C02  }
0xc1: {  	[timem:s3], [sflag:s2] =	dma.local @!p0 [hbm:s0], s1  }
0xc2: {  	s0 =	simm.s32 @!p0 $0x2  }
0xc3: {  	_ =	swait.ge @!p0 [sflag:s0], s1  }
0xc4: {  	s1 =	ssub.s32 @!p0 $0x0, s1;
	[sflag:s0] =	ssyncset.done @!p0 $0x0  }
0xc5: {  	[sflag:s0] =	ssyncadd.s32 @!p0 s1  }
0xc6: {  	[bflag:$0x3] =	sbarrier.arrive $0xFFFF  }
0xc7: {  	_ =	shalt  }

// kernel: kernel.26.cloned.1.call-start
scs
__scs_entry_jumppad:
0x0: {  	(pc) =	sbr.rel $0x88, $3  }
0x1: {  	(tag) =	ssettag $0x0;
	lr =	simm.s32 $0x1  }
0x2: {  	[smem:$0x3F95] =	sst lr;
	_ =	strace $0xD0000000  }
0x3: {  	_ = 	snop  }
0x4: {  	_ = 	snop  }
0x5: {  	_ = 	snop  }
0x6: {  	_ = 	snop  }
0x7: {  	_ = 	snop  }
__scs_overlays_trampoline_lowered:
0x8: {  	[smem:$0x3FA4] =	sst s0  }
0x9: {  	[smem:$0x3FA5] =	sst s1  }
0xa: {  	[smem:$0x3FA6] =	sst s2  }
0xb: {  	[smem:$0x3FA7] =	sst s3  }
0xc: {  	[smem:$0x3FA8] =	sst s4  }
0xd: {  	[smem:$0x3FA9] =	sst s5  }
0xe: {  	[smem:$0x3FAA] =	sst s6  }
0xf: {  	[smem:$0x3FAB] =	sst s7  }
0x10: {  	[smem:$0x3FAC] =	sst s8  }
0x11: {  	[smem:$0x3FAD] =	sst s9;
	s0 =	simm.s32 @!p0 $0x0  }
0x12: {  	s1 =	sld [smem:$0x3F93];
	s0 =	simm.s32 @p0 $0x1  }
0x13: {  	[smem:$0x3FAE] =	sst s0;
	s0 =	simm.s32 @!p1 $0x0  }
0x14: {  	s2 =	sld [smem:$0x3F92];
	s0 =	simm.s32 @p1 $0x1  }
0x15: {  	[smem:$0x3FAF] =	sst s0;
	s0 =	simm.s32 @!p2 $0x0  }
0x16: {  	s3 =	sld [smem:$0x3FDB];
	s0 =	simm.s32 @p2 $0x1  }
0x17: {  	s4 =	simm.s32 $0x1BF5;
	[smem:$0x3FB1] =	sst s0  }
0x18: {  	s0 =	sld [smem:$0x3F94];
	_ =	swait.ge [sflag:s4], $0x0  }
0x19: {  	s7 =	sld [smem:$0x3F95]  }
0x1a: {  	s8 =	sadd.s32 $0xFFFFE003, lr  }
0x1b: {  	s9 =	sadd.s32 $0xFFFFFEF7, lr;
	s5 =	simm.s32 $0xFFFFFFFF;
	p2 =	slt.u32 s8, $0xFFFFF086  }
0x1c: {  	p1 =	slt.u32 s9, $0xF7A;
	s5 =	simm.s32 @!p2 $0x0  }
0x1d: {  	s5 =	simm.s32 @p1 $0x1;
	p0 =	seq.s32 s7, s2  }
0x1e: {  	s7 =	smul.u32 @!p0 $0xF7A, s2;
	p2 =	seq.s32 @!p0 s5, $0x0  }
0x1f: {  	s9 =	smul.u32 $0xF7A, s1;
	s8 =	simm.s32 @!p0 $0x1BF5;
	p2 =	por !p2, p0  }
0x20: {  	[sflag:s8] =	ssyncset.s32 @!p0 $0xFFFFF086;
	s6 =	sadd.s32 @!p0 s3, s7;
	s7 =	simm.s32 @!p0 $0x108  }
0x21: {  	s3 =	sadd.s32 s3, s9;
	s6 =	sadd.s32 @!p0 $0x88, s6;
	s7 =	simm.s32 @p2 $0x1082  }
0x22: {  	[simem:s7], [sflag:s8] =	dma.local @!p0 [hbm:s6], $0xF7A  }
0x23: {  	s9 =	sor.u32 $0xD0000000, s2;
	s6 =	simm.s32 $0x108;
	_ =	swait.ge @!p0 [sflag:s8], $0x0  }
0x24: {  	s3 =	sadd.s32 $0x88, s3;
	s6 =	simm.s32 @!p1 $0x1082;
	[sflag:s4] =	ssyncset.s32 $0xFFFFF086  }
0x25: {  	[simem:s6], [sflag:s4] =	dma.local [hbm:s3], $0xF7A  }
0x26: {  	[smem:$0x3F95] =	sst s1;
	(tag) =	ssettag s2;
	_ =	strace s9  }
0x27: {  	s1 =	sld [smem:$0x3FA5]  }
0x28: {  	s2 =	sld [smem:$0x3FA6]  }
0x29: {  	s4 =	sld [smem:$0x3FA8]  }
0x2a: {  	p0 =	seq.s32 s5, $0x0;
	s5 =	sld [smem:$0x3FA9]  }
0x2b: {  	s6 =	sld [smem:$0x3FAA]  }
0x2c: {  	s7 =	sld [smem:$0x3FAB]  }
0x2d: {  	s3 =	simm.s32 $0x108;
	s8 =	sld [smem:$0x3FAC]  }
0x2e: {  	s3 =	simm.s32 @!p0 $0x1082;
	s9 =	sld [smem:$0x3FAD]  }
0x2f: {  	lr =	sadd.s32 s0, s3;
	s0 =	sld [smem:$0x3FA4]  }
0x30: {  	s3 =	sld [smem:$0x3FA7]  }
0x31: {  	[smem:$0x3FB0] =	sst s10  }
0x32: {  	s10 =	sld [smem:$0x3FAE];
	_ =	sdelay $0x3  }
0x33: {  	p0 =	seq.s32 s10, $0x1;
	s10 =	sld [smem:$0x3FB0];
	_ =	sdelay $0x3  }
0x34: {  	[smem:$0x3FB0] =	sst s10  }
0x35: {  	s10 =	sld [smem:$0x3FAF];
	_ =	sdelay $0x3  }
0x36: {  	p1 =	seq.s32 s10, $0x1;
	s10 =	sld [smem:$0x3FB0];
	_ =	sdelay $0x3  }
0x37: {  	[smem:$0x3FB0] =	sst s10  }
0x38: {  	s10 =	sld [smem:$0x3FB1]  }
0x39: {  	_ = 	snop;
	(pc) =	sbr.ind lr, $3  }
0x3a: {  	_ = 	snop  }
0x3b: {  	_ = 	snop  }
0x3c: {  	p2 =	seq.s32 s10, $0x1;
	s10 =	sld [smem:$0x3FB0]  }
0x3d: {  	_ =	shalt  }
0x3e: {  	_ =	shalt  }
0x3f: {  	_ =	shalt  }
0x40: {  	_ =	shalt  }
0x41: {  	_ =	shalt  }
0x42: {  	_ =	shalt  }
0x43: {  	_ =	shalt  }
0x44: {  	_ =	shalt  }
0x45: {  	_ =	shalt  }
0x46: {  	_ =	shalt  }
0x47: {  	_ =	shalt  }
0x48: {  	_ =	shalt  }
0x49: {  	_ =	shalt  }
0x4a: {  	_ =	shalt  }
0x4b: {  	_ =	shalt  }
0x4c: {  	_ =	shalt  }
0x4d: {  	_ =	shalt  }
0x4e: {  	_ =	shalt  }
0x4f: {  	_ =	shalt  }
0x50: {  	_ =	shalt  }
0x51: {  	_ =	shalt  }
0x52: {  	_ =	shalt  }
0x53: {  	_ =	shalt  }
0x54: {  	_ =	shalt  }
0x55: {  	_ =	shalt  }
0x56: {  	_ =	shalt  }
0x57: {  	_ =	shalt  }
0x58: {  	_ =	shalt  }
0x59: {  	_ =	shalt  }
0x5a: {  	_ =	shalt  }
0x5b: {  	_ =	shalt  }
0x5c: {  	_ =	shalt  }
0x5d: {  	_ =	shalt  }
0x5e: {  	_ =	shalt  }
0x5f: {  	_ =	shalt  }
0x60: {  	_ =	shalt  }
0x61: {  	_ =	shalt  }
0x62: {  	_ =	shalt  }
0x63: {  	_ =	shalt  }
0x64: {  	_ =	shalt  }
0x65: {  	_ =	shalt  }
0x66: {  	_ =	shalt  }
0x67: {  	_ =	shalt  }
0x68: {  	_ =	shalt  }
0x69: {  	_ =	shalt  }
0x6a: {  	_ =	shalt  }
0x6b: {  	_ =	shalt  }
0x6c: {  	_ =	shalt  }
0x6d: {  	_ =	shalt  }
0x6e: {  	_ =	shalt  }
0x6f: {  	_ =	shalt  }
0x70: {  	_ =	shalt  }
0x71: {  	_ =	shalt  }
0x72: {  	_ =	shalt  }
0x73: {  	_ =	shalt  }
0x74: {  	_ =	shalt  }
0x75: {  	_ =	shalt  }
0x76: {  	_ =	shalt  }
0x77: {  	_ =	shalt  }
0x78: {  	_ =	shalt  }
0x79: {  	_ =	shalt  }
0x7a: {  	_ =	shalt  }
0x7b: {  	_ =	shalt  }
0x7c: {  	_ =	shalt  }
0x7d: {  	_ =	shalt  }
0x7e: {  	_ =	shalt  }
0x7f: {  	_ =	shalt  }
0x80: {  	_ =	shalt  }
0x81: {  	_ =	shalt  }
0x82: {  	_ =	shalt  }
0x83: {  	_ =	shalt  }
0x84: {  	_ =	shalt  }
0x85: {  	_ =	shalt  }
0x86: {  	_ =	shalt  }
0x87: {  	_ =	shalt  }
.Lfunc_end0:
.L_simem_size_0:
called_computation.3_lowered:
.L_overlay_start_0:
0x88: {  	s2 =	sld [smem:$0x3FD9]  }
0x89: {  	s3 =	sld [smem:$0x3FFE];
	_ =	sdelay $0x1  }
0x8a: {  	s1 =	srdreg.scid  }
0x8b: {  	s0 =	sand.u32 $0x1, s1  }
0x8c: {  	s16 =	sshll.u32 s0, $0xA;
	s2 =	sadd.s32 s3, s2  }
0x8d: {  	s2 =	sadd.s32 s2, s16  }
0x8e: {  	[smem:$0x3FBC] =	sst s2  }
0x8f: {  	_ = 	snop  }
0x90: {  	(tm) =	ssettm $0x1  }
0x91: {  	s17 =	sld [smem:$0x3FFB];
	_ =	sdelay $0x3  }
0x92: {  	_ =	strace s17  }
0x93: {  	s2 =	sld [smem:$0x3FFC];
	_ =	sdelay $0x3  }
0x94: {  	_ =	strace s2  }
0x95: {  	s2 =	sld [smem:$0x3FFD];
	_ =	sdelay $0x3  }
0x96: {  	_ =	strace s2  }
0x97: {  	_ =	strace $0x8FFFFFFF  }
0x98: {  	s18 =	sld [smem:$0x3FDB];
	_ =	sdelay $0x1  }
0x99: {  	s19 =	simm.s32 $_scs_section_size  }
0x9a: {  	s4 =	simm.s32 $_size__tile_overlayer_lowered;
	s5 =	simm.s32 $_tile_overlayer_lowered  }
0x9b: {  	s22 =	simm.s32 $0x1BFF;
	s21 =	sshll.u32 s5, $0x1;
	s2 =	sadd.s32 s19, s18  }
0x9c: {  	s6 =	simm.s32 $0x0;
	s20 =	sshll.u32 s4, $0x1;
	s4 =	sadd.s32 s21, s2  }
0x9d: {  	[timem:s6], [sflag:s22] =	dma.local [hbm:s4], s20  }
0x9e: {  	_ =	swait.ge [sflag:s22], s20  }
0x9f: {  	s3 =	ssub.s32 $0x0, s20;
	[sflag:s22] =	ssyncset.done $0x0  }
0xa0: {  	[sflag:s22] =	ssyncadd.s32 s3;
	_ =	sdelay $0x1  }
0xa1: {  	s23 =	simm.s32 $0x1B8B  }
0xa2: {  	_ =	swait.ge [sflag:s23], $0x1  }
0xa3: {  	[sflag:s23] =	ssyncset.done $0x0  }
0xa4: {  	s25 =	simm.s32 $0x1B8E;
	s24 =	sld [smem:$0x3FFE];
	[sflag:s23] =	ssyncadd.s32 $0xFFFFFFFF  }
0xa5: {  	s26 =	simm.s32 $execute0_lowered;
	[smem:$0x3FD2] =	sst s25  }
0xa6: {  	s4 =	sshll.u32 s26, $0x1;
	_ =	strace $0x8000004F;
	[dreg:$0x1] =	wrdreg $0xFFFFFFFF  }
0xa7: {  	s28 =	simm.s32 $_size_execute0_lowered;
	s2 =	sadd.s32 s2, s4;
	[dreg:$0x0] =	wrdreg $0x0  }
0xa8: {  	s4 =	sshll.u32 s28, $0x1;
	[dreg:$0x2] =	wrdreg s2  }
0xa9: {  	[dreg:$0x3] =	wrdreg s4  }
0xaa: {  	[dreg:$0x4] =	wrdreg $0xC0  }
0xab: {  	_ =	task [dreg:s6], $0x5FFFF  }
0xac: {  	[dreg:$0x1] =	wrdreg $0xFFFFFFFF  }
0xad: {  	[dreg:$0x0] =	wrdreg $0x60  }
0xae: {  	[dreg:$0x2] =	wrdreg s24  }
0xaf: {  	[dreg:$0x3] =	wrdreg $0x9  }
0xb0: {  	_ =	task.clear_ibuf [dreg:s6], $0x4FFFF;
	_ =	strace $0x9000004F  }
0xb1: {  	s29 =	simm.s32 $0x9;
	_ =	strace $0x80000051  }
0xb2: {  	_ =	swait.ge [sflag:s29], $0x1  }
0xb3: {  	[sflag:s29] =	ssyncadd.s32 $0xFFFFFFFF  }
0xb4: {  	_ =	strace $0x90000051  }
0xb5: {  	_ =	sfence  }
0xb6: {  	s30 =	sld [smem:$0x0];
	_ =	sdelay $0x2  }
0xb7: {  	s31 =	sshll.u32 s1, $0xD;
	s1 =	sshrl.u32 s1, $0x2  }
0xb8: {  	s3 =	sand.u32 $0x4000, s31;
	s1 =	sadd.s32 s1, s30  }
0xb9: {  	s0 =	sor.u32 s3, s0;
	s1 =	sshll.u32 s1, $0x11  }
0xba: {  	s0 =	sor.u32 s1, s0  }
0xbb: {  	s0 =	sadd.s32 $0x8F2B, s0  }
0xbc: {  	[sflag:s0] =	ssyncadd.remote.s32 $0x1  }
0xbd: {  	_ =	sfence.sel $0xFFFF  }
0xbe: {  	[dreg:$0x0] =	wrdreg $0xFFFFFFFF;
	(pc) =	sbr.abs _section_cstart, $3  }
0xbf: {  	[dreg:$0x1] =	wrdreg $0xFFFFFFFF  }
0xc0: {  	_ =	task.clear_ibuf [dreg:s6], $0x2FFFF;
	_ =	strace $0x9FFFFFFF  }
0xc1: {  	(tm) =	ssettm $0x7FFFFFFF  }
tec
execute0_lowered:
.L_overlay_start_1:
0x0: {  	(tag) =	ssettag $0x1  }
0x1: {  	s7 =	rddreg [dreg:$0x0]  }
0x2: {  	s0 =	rddreg [dreg:$0x1]  }
0x3: {  	s2 =	simm.s32 $0x0;
	s3 =	srdreg.scid;
	s1 =	stileid.u32  }
0x4: {  	s11 =	simm.s32 $0xB900;
	s13 =	simm.s32 $0xEB80;
	s14 =	simm.s32 $0x100  }
0x5: {  	s15 =	simm.s32 $0x10500;
	s4 =	sand.u32 $0x1, s3;
	s30 =	sshll.u32 s1, $0x1  }
0x6: {  	s16 =	simm.s32 $0x1;
	s17 =	simm.s32 $0x0;
	s5 =	sor.u32 s4, s30  }
0x7: {  	[smem:$0x7FF] =	sst s2;
	s3 =	sadd.s32 $0x3F200, s7;
	s8 =	smul.u32 $0x1400, s5  }
.Ltmp0:
0x8: {  	s6 =	sadd.s32 $0x4400, s7;
	s9 =	ssub.s32 $0x2, s4;
	(pc) =	sbr.rel .LBB2_1-.Ltmp0, $4  }
0x9: {  	_ =	strace $0x80000050;
	s10 =	sshrl.u32 s9, $0x1;
	s5 =	smul.u32 $0x140, s5  }
0xa: {  	s4 =	sadd.s32 $0xE200, s7;
	s31 =	ssub.s32 s9, s10;
	s9 =	simm.s32 $0xA000  }
0xb: {  	v2 =	vimm.f32 $-3.000000010e+38;
	v3 =	vimm.s32 $0x0;
	s10 =	simm.s32 $0x2;
	s7 =	sadd.s32 s8, s7;
	s12 =	sadd.s32 $0x140, s5  }
0xc: {  	v4 =	vlaneseq.u32;
	s8 =	smax.u32 s31, $0x1;
	v0 =	vmov s5;
	s7 =	sadd.s32 $0x66400, s7;
	v1 =	vmov s12;
	s12 =	simm.s32 $0xD200  }
.LBB2_15:
0xd: {  	s17 =	sadd.s32 $0x1, s17  }
0xe: {  	p0 =	sne.s32 s17, s8  }
.Ltmp1:
0xf: {  	_ = 	snop;
	(pc) =	sbr.rel @!p0 .LBB2_16-.Ltmp1, $4  }
0x10: {  	[hbm4b:s7+s2] =	stream.linear.scatter [tilespmem:s2], [sflag:$0x2], $0xA000, $0x38;
	[tilespmem:$0x18500] =	vst v63  }
0x11: {  	_ =	swait.ge [sflag:s10], $0xA000  }
0x12: {  	[sflag:s10] =	ssyncset.done $0x0  }
0x13: {  	[sflag:s10] =	ssyncadd.s32 $0xFFFF6000  }
.LBB2_1:
0x14: {  	s18 =	simm.s32 $0x0;
	s19 =	simm.s32 $0x200  }
.LBB2_2:
0x15: {  	p0 =	sne.s32 s19, $0x27E00;
	[tilespmem:s18+$0x70] =	vst v2  }
0x16: {  	[tilespmem:s18+$0x0] =	vst v2  }
0x17: {  	[tilespmem:s18+$0x10] =	vst v2  }
.Ltmp2:
0x18: {  	[tilespmem:s18+$0x20] =	vst v2;
	(pc) =	sbr.rel @p0 .LBB2_2-.Ltmp2, $4  }
0x19: {  	[tilespmem:s18+$0x30] =	vst v2  }
0x1a: {  	[tilespmem:s18+$0x40] =	vst v2  }
0x1b: {  	[tilespmem:s18+$0x50] =	vst v2  }
0x1c: {  	[tilespmem:s18+$0x60] =	vst v2;
	s18 =	sshra.s32 s19, $0x2;
	s19 =	sadd.s32 $0x200, s19  }
0x1d: {  	[tilespmem:s18+$0x70] =	vst v2  }
0x1e: {  	[tilespmem:s18+$0x0] =	vst v2  }
0x1f: {  	[tilespmem:s18+$0x10] =	vst v2  }
0x20: {  	[tilespmem:s18+$0x20] =	vst v2  }
0x21: {  	[tilespmem:s18+$0x30] =	vst v2  }
0x22: {  	[tilespmem:s18+$0x40] =	vst v2  }
0x23: {  	[tilespmem:s18+$0x50] =	vst v2  }
0x24: {  	[tilespmem:s18+$0x60] =	vst v2;
	s18 =	simm.s32 $0x0;
	s20 =	simm.s32 $0xD200  }
0x25: {  	s19 =	simm.s32 $0xEB80;
	[tilespmem:s20+$0x0] =	vst v3;
	v5 =	vor.u32 s18, v4  }
0x26: {  	s21 =	simm.s32 $0xD210;
	s20 =	simm.s32 $0x10;
	[tilespmem:s19+$0x0] =	vst v5  }
.LBB2_4:
0x27: {  	[tilespmem:s21+$0x0] =	vst v3;
	v5 =	vor.u32 s20, v4;
	p0 =	sne.s32 s20, $0x1910;
	s20 =	sadd.s32 $0x10, s20;
	s19 =	sadd.s32 $0x10, s19  }
.Ltmp3:
0x28: {  	[tilespmem:s19+$0x0] =	vst v5;
	(pc) =	sbr.rel @p0 .LBB2_4-.Ltmp3, $2  }
0x29: {  	_ =	sdelay $0x2  }
0x2a: {  	s21 =	sadd.s32 $0x10, s21  }
.Ltmp4:
0x2b: {  	_ = 	snop;
	(pc) =	sbr.rel .LBB2_5-.Ltmp4, $1  }
0x2c: {  	_ =	sdelay $0x3  }
.LBB2_14:
0x2d: {  	s18 =	sadd.s32 $0x1, s18  }
0x2e: {  	p0 =	sne.s32 s18, $0x32  }
.Ltmp5:
0x2f: {  	_ = 	snop;
	(pc) =	sbr.rel @!p0 .LBB2_15-.Ltmp5, $1  }
0x30: {  	_ =	sdelay $0x3  }
.LBB2_5:
0x31: {  	s20 =	smul.u32 $0x320, s18;
	_ =	sdelay $0x1  }
0x32: {  	s19 =	simm.s32 $0x0;
	s21 =	sadd.s32 s4, s20  }
0x33: {  	[tilespmem:s9], [sflag:$0x2] =	stream.linear.gather [hbm4b:s21+s19], $0x1900, $0x38;
	[tilespmem:$0x18500] =	vst v63  }
0x34: {  	_ =	swait.ge [sflag:s10], $0x1900  }
0x35: {  	[sflag:s10] =	ssyncset.done $0x0  }
0x36: {  	s20 =	sadd.s32 s6, s20;
	[sflag:s10] =	ssyncadd.s32 $0xFFFFE700  }
0x37: {  	[tilespmem:s11], [sflag:$0x2] =	stream.linear.gather [hbm4b:s20+s19], $0x1900, $0x38;
	[tilespmem:$0x18500] =	vst v63  }
0x38: {  	_ =	swait.ge [sflag:s10], $0x1900  }
0x39: {  	[sflag:s10] =	ssyncset.done $0x0  }
0x3a: {  	s30 =	simm.s32 $0x0;
	[sflag:s10] =	ssyncadd.s32 $0xFFFFE700  }
0x3b: {  	v5 =	vld [tilespmem:s30+$0xA000];
	_ =	sdelay $0x4  }
0x3c: {  	vm0 =	vge.s32 v5, v0;
	vm1 =	vlt.s32 v5, v1  }
0x3d: {  	vm0 =	vmand vm0, vm1  }
0x3e: {  	v6 =	vsel vm0, $0x1, v3  }
0x3f: {  	(xrf0) =	vadd.scan.msk.s32 $0xffff, v6;
	_ =	sdelay $0x5  }
0x40: {  	s31 =	simm.s32 $0xFFFFFFFF;
	v6, _, _ =	vpop (xrf0)  }
0x41: {  	v7 =	vadd.s32 s31, v6;
	(v2sf) =	vpush v6, $0xF  }
0x42: {  	v8 =	vld [tilespmem:s30+$0xB900];
	_ =	sdelay $0x3  }
0x43: {  	[tilespmem:v7+s12+$0x0] =	vst.idx.msk vm0, v5  }
0x44: {  	s21 =	simm.s32 $0x80;
	s20 =	simm.s32 $0x10;
	[tilespmem:v7+s13+$0x0] =	vst.idx.msk vm0, v8  }
.LBB2_6:
0x45: {  	p0 =	sne.s32 s21, $0x63C0;
	v5 =	vld [tilespmem:s20+$0xA000];
	_ =	sdelay $0x4  }
0x46: {  	vm0 =	vge.s32 v5, v0;
	vm1 =	vlt.s32 v5, v1  }
0x47: {  	vm0 =	vmand vm0, vm1  }
0x48: {  	v6 =	vsel vm0, $0x1, v3  }
0x49: {  	(xrf0) =	vadd.scan.msk.s32 $0xffff, v6;
	s22 =	spop (v2sf)  }
0x4a: {  	s19 =	sadd.s32 s19, s22  }
0x4b: {  	s22 =	sadd.s32 $0xFFFFFFFF, s19;
	_ =	sdelay $0x3  }
0x4c: {  	v6, _, _ =	vpop (xrf0)  }
0x4d: {  	v7 =	vadd.s32 s22, v6;
	(v2sf) =	vpush v6, $0xF  }
0x4e: {  	v6 =	vld [tilespmem:s20+$0xB900]  }
.Ltmp6:
0x4f: {  	(pc) =	sbr.rel @p0 .LBB2_6-.Ltmp6, $3  }
0x50: {  	_ =	sdelay $0x1  }
0x51: {  	[tilespmem:v7+s12+$0x0] =	vst.idx.msk vm0, v5  }
0x52: {  	s20 =	sshra.s32 s21, $0x2;
	s21 =	sadd.s32 $0x40, s21;
	[tilespmem:v7+s13+$0x0] =	vst.idx.msk vm0, v6  }
0x53: {  	v5 =	vld [tilespmem:s20+$0xA000];
	_ =	sdelay $0x4  }
0x54: {  	vm0 =	vge.s32 v5, v0;
	vm1 =	vlt.s32 v5, v1  }
0x55: {  	vm0 =	vmand vm0, vm1  }
0x56: {  	v6 =	vsel vm0, $0x1, v3  }
0x57: {  	(xrf0) =	vadd.scan.msk.s32 $0xffff, v6;
	_ =	sdelay $0x5  }
0x58: {  	v6, _, _ =	vpop (xrf0)  }
0x59: {  	(v2sf) =	vpush v6, $0xF;
	_ =	sdelay $0xd  }
0x5a: {  	s21 =	spop (v2sf)  }
0x5b: {  	s19 =	sadd.s32 s19, s21;
	s31 =	spop (v2sf)  }
0x5c: {  	s21 =	sadd.s32 $0xFFFFFFFF, s19;
	s19 =	sadd.s32 s19, s31  }
0x5d: {  	v7 =	vld [tilespmem:s20+$0xB900];
	v6 =	vadd.s32 s21, v6;
	s20 =	sadd.s32 $0xFF, s19  }
0x5e: {  	p0 =	slt.s32 s20, $0x100  }
.Ltmp7:
0x5f: {  	_ = 	snop;
	(pc) =	sbr.rel @p0 .LBB2_14-.Ltmp7, $3  }
0x60: {  	_ =	sdelay $0x1  }
0x61: {  	[tilespmem:v6+s12+$0x0] =	vst.idx.msk vm0, v5  }
0x62: {  	[tilespmem:v6+s13+$0x0] =	vst.idx.msk vm0, v7  }
.Ltmp8:
0x63: {  	(pc) =	sbr.rel .LBB2_9-.Ltmp8, $4  }
0x64: {  	s21 =	sshra.s32 s20, $0x1F  }
0x65: {  	s21 =	sshrl.u32 s21, $0x18  }
0x66: {  	s22 =	simm.s32 $0xD200;
	s31 =	sadd.s32 s21, s20  }
0x67: {  	s23 =	smov.u32 s19;
	s21 =	simm.s32 $0x0;
	s20 =	sshra.s32 s31, $0x8  }
.LBB2_12:
0x68: {  	[tilespmem:s25+$0x70] =	vst v5  }
.LBB2_13:
0x69: {  	s21 =	sadd.s32 $0x1, s21  }
0x6a: {  	p0 =	sne.s32 s21, s20  }
.Ltmp9:
0x6b: {  	_ = 	snop;
	(pc) =	sbr.rel @!p0 .LBB2_14-.Ltmp9, $2  }
0x6c: {  	_ =	sdelay $0x2  }
0x6d: {  	s23 =	sadd.s32 $0xFFFFFF00, s23;
	s22 =	sadd.s32 $0x100, s22  }
.LBB2_9:
0x6e: {  	s24 =	sshll.u32 s21, $0x8  }
0x6f: {  	s25 =	sadd.s32 $0xEB80, s24;
	s24 =	ssub.s32 s19, s24  }
0x70: {  	p0 =	slt.s32 s24, $0x1  }
.Ltmp10:
0x71: {  	_ = 	snop;
	(pc) =	sbr.rel @p0 .LBB2_13-.Ltmp10, $4  }
0x72: {  	[tilespmem:s15], [sflag:$0x1] =	stream.indirect.gather [hbm4b:s3+s14], $0x80, s25, s14, $0xb8;
	[tilespmem:$0x18500] =	vst v63  }
0x73: {  	_ =	swait.ge [sflag:s16], $0x8000  }
0x74: {  	[sflag:s16] =	ssyncset.done $0x0  }
0x75: {  	[sflag:s16] =	ssyncadd.s32 $0xFFFF8000  }
0x76: {  	v5 =	vld [tilespmem:s22+$0x0];
	_ =	sdelay $0x4  }
0x77: {  	(v2sf) =	vpush v5, $0x0;
	_ =	sdelay $0xe  }
0x78: {  	s24 =	spop (v2sf)  }
0x79: {  	s25 =	ssub.s32 s24, s5  }
0x7a: {  	s24 =	simm.s32 $0x10540;
	s25 =	sshll.u32 s25, $0x9  }
0x7b: {  	v5 =	vld [tilespmem:s24+$0xFFFFFFC0];
	s25 =	sshra.s32 s25, $0x2  }
0x7c: {  	v6 =	vld [tilespmem:s25+$0x0];
	_ =	sdelay $0x4  }
0x7d: {  	v5 =	vmax.f32 v6, v5  }
0x7e: {  	[tilespmem:s25+$0x0] =	vst v5;
	v5 =	vld [tilespmem:s25+$0x10]  }
0x7f: {  	v6 =	vld [tilespmem:s24+$0xFFFFFFD0];
	_ =	sdelay $0x4  }
0x80: {  	v5 =	vmax.f32 v5, v6  }
0x81: {  	[tilespmem:s25+$0x10] =	vst v5;
	v5 =	vld [tilespmem:s25+$0x20]  }
0x82: {  	v6 =	vld [tilespmem:s24+$0xFFFFFFE0];
	_ =	sdelay $0x4  }
0x83: {  	v5 =	vmax.f32 v5, v6  }
0x84: {  	[tilespmem:s25+$0x20] =	vst v5;
	v5 =	vld [tilespmem:s25+$0x30]  }
0x85: {  	v6 =	vld [tilespmem:s24+$0xFFFFFFF0];
	_ =	sdelay $0x4  }
0x86: {  	v5 =	vmax.f32 v5, v6  }
0x87: {  	[tilespmem:s25+$0x30] =	vst v5;
	v5 =	vld [tilespmem:s25+$0x40]  }
0x88: {  	v6 =	vld [tilespmem:s24+$0x0];
	_ =	sdelay $0x4  }
0x89: {  	v5 =	vmax.f32 v5, v6  }
0x8a: {  	[tilespmem:s25+$0x40] =	vst v5;
	v5 =	vld [tilespmem:s25+$0x50]  }
0x8b: {  	v6 =	vld [tilespmem:s24+$0x10];
	_ =	sdelay $0x4  }
0x8c: {  	v5 =	vmax.f32 v5, v6  }
0x8d: {  	[tilespmem:s25+$0x50] =	vst v5;
	v5 =	vld [tilespmem:s25+$0x60]  }
0x8e: {  	v6 =	vld [tilespmem:s24+$0x20];
	_ =	sdelay $0x3  }
0x8f: {  	p0 =	sgt.s32 s23, $0x1;
	s26 =	smov.u32 s23  }
0x90: {  	s26 =	simm.s32 @!p0 $0x1;
	v5 =	vmax.f32 v5, v6  }
0x91: {  	s26 =	smin.u32 s26, $0x100;
	[tilespmem:s25+$0x60] =	vst v5;
	v5 =	vld [tilespmem:s25+$0x70]  }
0x92: {  	p0 =	sne.s32 s26, $0x1;
	v6 =	vld [tilespmem:s24+$0x30]  }
.Ltmp11:
0x93: {  	_ = 	snop;
	(pc) =	sbr.rel @!p0 .LBB2_12-.Ltmp11, $2  }
0x94: {  	_ =	sdelay $0x2  }
0x95: {  	s28 =	smov.u32 s22;
	s26 =	sadd.s32 $0xFFFFFFFF, s26;
	v5 =	vmax.f32 v5, v6  }
.LBB2_11:
0x96: {  	p0 =	sne.s32 s26, $0x1;
	[tilespmem:s25+$0x70] =	vst v5;
	s28 =	sadd.s32 $0x1, s28;
	s24 =	sadd.s32 $0x80, s24  }
0x97: {  	s26 =	sadd.s32 $0xFFFFFFFF, s26;
	v5 =	vld [tilespmem:s28+$0x0];
	_ =	sdelay $0x4  }
0x98: {  	(v2sf) =	vpush v5, $0x0;
	_ =	sdelay $0xe  }
0x99: {  	s25 =	spop (v2sf)  }
0x9a: {  	s25 =	ssub.s32 s25, s5  }
0x9b: {  	s25 =	sshll.u32 s25, $0x9  }
0x9c: {  	s25 =	sshra.s32 s25, $0x2;
	v5 =	vld [tilespmem:s24+$0xFFFFFFC0]  }
0x9d: {  	v6 =	vld [tilespmem:s25+$0x0];
	_ =	sdelay $0x4  }
0x9e: {  	v5 =	vmax.f32 v6, v5  }
0x9f: {  	[tilespmem:s25+$0x0] =	vst v5;
	v5 =	vld [tilespmem:s25+$0x10]  }
0xa0: {  	v6 =	vld [tilespmem:s24+$0xFFFFFFD0];
	_ =	sdelay $0x4  }
0xa1: {  	v5 =	vmax.f32 v5, v6  }
0xa2: {  	[tilespmem:s25+$0x10] =	vst v5;
	v5 =	vld [tilespmem:s25+$0x20]  }
0xa3: {  	v6 =	vld [tilespmem:s24+$0xFFFFFFE0];
	_ =	sdelay $0x4  }
0xa4: {  	v5 =	vmax.f32 v5, v6  }
0xa5: {  	[tilespmem:s25+$0x20] =	vst v5;
	v5 =	vld [tilespmem:s25+$0x30]  }
0xa6: {  	v6 =	vld [tilespmem:s24+$0xFFFFFFF0];
	_ =	sdelay $0x4  }
0xa7: {  	v5 =	vmax.f32 v5, v6  }
0xa8: {  	[tilespmem:s25+$0x30] =	vst v5;
	v5 =	vld [tilespmem:s25+$0x40]  }
0xa9: {  	v6 =	vld [tilespmem:s24+$0x0];
	_ =	sdelay $0x4  }
0xaa: {  	v5 =	vmax.f32 v5, v6  }
0xab: {  	[tilespmem:s25+$0x40] =	vst v5;
	v5 =	vld [tilespmem:s25+$0x50]  }
0xac: {  	v6 =	vld [tilespmem:s24+$0x10];
	_ =	sdelay $0x4  }
0xad: {  	v5 =	vmax.f32 v5, v6  }
0xae: {  	[tilespmem:s25+$0x50] =	vst v5;
	v5 =	vld [tilespmem:s25+$0x60]  }
0xaf: {  	v6 =	vld [tilespmem:s24+$0x20];
	_ =	sdelay $0x4  }
0xb0: {  	v5 =	vmax.f32 v5, v6  }
0xb1: {  	[tilespmem:s25+$0x60] =	vst v5;
	v5 =	vld [tilespmem:s25+$0x70]  }
0xb2: {  	v6 =	vld [tilespmem:s24+$0x30]  }
.Ltmp12:
0xb3: {  	(pc) =	sbr.rel @p0 .LBB2_11-.Ltmp12, $2  }
0xb4: {  	_ =	sdelay $0x2  }
0xb5: {  	v5 =	vmax.f32 v5, v6  }
.Ltmp13:
0xb6: {  	_ = 	snop;
	(pc) =	sbr.rel .LBB2_12-.Ltmp13, $1  }
0xb7: {  	_ =	sdelay $0x3  }
.LBB2_16:
0xb8: {  	_ =	sfence.sel $0x180000  }
0xb9: {  	[bflag:$0x0] =	sbarrier.arrive $0xFFFF  }
0xba: {  	p0 =	sne.s32 s1, $0x0;
	_ =	strace $0x90000050  }
0xbb: {  	s0 =	sadd.s32 @!p0 $0x100000, s0;
	[bflag:$0x2] =	sbarrier.arrive $0xFFFF  }
0xbc: {  	[sflag:s0] =	ssyncadd.tile.s32 @!p0 $0x1;
	_ =	shalt  }
.Lfunc_end2:
_tile_overlayer_lowered:
.L_overlay_start_2:
0xbd: {  	(tag) =	ssettag $0x2  }
0xbe: {  	s0 =	rddreg [dreg:$0x0];
	s2 =	stileid.u32  }
0xbf: {  	s1 =	rddreg [dreg:$0x1];
	p0 =	sne.s32 s2, $0x0  }
0xc0: {  	s3 =	rddreg [dreg:$0x2];
	[bflag:$0x3] =	sbarrier.arrive $0xFFFF;
	s2 =	simm.s32 @!p0 $0x1C02  }
0xc1: {  	[timem:s3], [sflag:s2] =	dma.local @!p0 [hbm:s0], s1  }
0xc2: {  	s0 =	simm.s32 @!p0 $0x2  }
0xc3: {  	_ =	swait.ge @!p0 [sflag:s0], s1  }
0xc4: {  	s1 =	ssub.s32 @!p0 $0x0, s1;
	[sflag:s0] =	ssyncset.done @!p0 $0x0  }
0xc5: {  	[sflag:s0] =	ssyncadd.s32 @!p0 s1  }
0xc6: {  	[bflag:$0x3] =	sbarrier.arrive $0xFFFF  }
0xc7: {  	_ =	shalt  }

// kernel: kernel.29.cloned.1.call-start
scs
__scs_entry_jumppad:
0x0: {  	(pc) =	sbr.rel $0x88, $3  }
0x1: {  	(tag) =	ssettag $0x0;
	lr =	simm.s32 $0x1  }
0x2: {  	[smem:$0x3F95] =	sst lr;
	_ =	strace $0xD0000000  }
0x3: {  	_ = 	snop  }
0x4: {  	_ = 	snop  }
0x5: {  	_ = 	snop  }
0x6: {  	_ = 	snop  }
0x7: {  	_ = 	snop  }
__scs_overlays_trampoline_lowered:
0x8: {  	[smem:$0x3FA4] =	sst s0  }
0x9: {  	[smem:$0x3FA5] =	sst s1  }
0xa: {  	[smem:$0x3FA6] =	sst s2  }
0xb: {  	[smem:$0x3FA7] =	sst s3  }
0xc: {  	[smem:$0x3FA8] =	sst s4  }
0xd: {  	[smem:$0x3FA9] =	sst s5  }
0xe: {  	[smem:$0x3FAA] =	sst s6  }
0xf: {  	[smem:$0x3FAB] =	sst s7  }
0x10: {  	[smem:$0x3FAC] =	sst s8  }
0x11: {  	[smem:$0x3FAD] =	sst s9;
	s0 =	simm.s32 @!p0 $0x0  }
0x12: {  	s1 =	sld [smem:$0x3F93];
	s0 =	simm.s32 @p0 $0x1  }
0x13: {  	[smem:$0x3FAE] =	sst s0;
	s0 =	simm.s32 @!p1 $0x0  }
0x14: {  	s2 =	sld [smem:$0x3F92];
	s0 =	simm.s32 @p1 $0x1  }
0x15: {  	[smem:$0x3FAF] =	sst s0;
	s0 =	simm.s32 @!p2 $0x0  }
0x16: {  	s3 =	sld [smem:$0x3FDB];
	s0 =	simm.s32 @p2 $0x1  }
0x17: {  	s4 =	simm.s32 $0x1BF5;
	[smem:$0x3FB1] =	sst s0  }
0x18: {  	s0 =	sld [smem:$0x3F94];
	_ =	swait.ge [sflag:s4], $0x0  }
0x19: {  	s7 =	sld [smem:$0x3F95]  }
0x1a: {  	s8 =	sadd.s32 $0xFFFFE003, lr  }
0x1b: {  	s9 =	sadd.s32 $0xFFFFFEF7, lr;
	s5 =	simm.s32 $0xFFFFFFFF;
	p2 =	slt.u32 s8, $0xFFFFF086  }
0x1c: {  	p1 =	slt.u32 s9, $0xF7A;
	s5 =	simm.s32 @!p2 $0x0  }
0x1d: {  	s5 =	simm.s32 @p1 $0x1;
	p0 =	seq.s32 s7, s2  }
0x1e: {  	s7 =	smul.u32 @!p0 $0xF7A, s2;
	p2 =	seq.s32 @!p0 s5, $0x0  }
0x1f: {  	s9 =	smul.u32 $0xF7A, s1;
	s8 =	simm.s32 @!p0 $0x1BF5;
	p2 =	por !p2, p0  }
0x20: {  	[sflag:s8] =	ssyncset.s32 @!p0 $0xFFFFF086;
	s6 =	sadd.s32 @!p0 s3, s7;
	s7 =	simm.s32 @!p0 $0x108  }
0x21: {  	s3 =	sadd.s32 s3, s9;
	s6 =	sadd.s32 @!p0 $0x88, s6;
	s7 =	simm.s32 @p2 $0x1082  }
0x22: {  	[simem:s7], [sflag:s8] =	dma.local @!p0 [hbm:s6], $0xF7A  }
0x23: {  	s9 =	sor.u32 $0xD0000000, s2;
	s6 =	simm.s32 $0x108;
	_ =	swait.ge @!p0 [sflag:s8], $0x0  }
0x24: {  	s3 =	sadd.s32 $0x88, s3;
	s6 =	simm.s32 @!p1 $0x1082;
	[sflag:s4] =	ssyncset.s32 $0xFFFFF086  }
0x25: {  	[simem:s6], [sflag:s4] =	dma.local [hbm:s3], $0xF7A  }
0x26: {  	[smem:$0x3F95] =	sst s1;
	(tag) =	ssettag s2;
	_ =	strace s9  }
0x27: {  	s1 =	sld [smem:$0x3FA5]  }
0x28: {  	s2 =	sld [smem:$0x3FA6]  }
0x29: {  	s4 =	sld [smem:$0x3FA8]  }
0x2a: {  	p0 =	seq.s32 s5, $0x0;
	s5 =	sld [smem:$0x3FA9]  }
0x2b: {  	s6 =	sld [smem:$0x3FAA]  }
0x2c: {  	s7 =	sld [smem:$0x3FAB]  }
0x2d: {  	s3 =	simm.s32 $0x108;
	s8 =	sld [smem:$0x3FAC]  }
0x2e: {  	s3 =	simm.s32 @!p0 $0x1082;
	s9 =	sld [smem:$0x3FAD]  }
0x2f: {  	lr =	sadd.s32 s0, s3;
	s0 =	sld [smem:$0x3FA4]  }
0x30: {  	s3 =	sld [smem:$0x3FA7]  }
0x31: {  	[smem:$0x3FB0] =	sst s10  }
0x32: {  	s10 =	sld [smem:$0x3FAE];
	_ =	sdelay $0x3  }
0x33: {  	p0 =	seq.s32 s10, $0x1;
	s10 =	sld [smem:$0x3FB0];
	_ =	sdelay $0x3  }
0x34: {  	[smem:$0x3FB0] =	sst s10  }
0x35: {  	s10 =	sld [smem:$0x3FAF];
	_ =	sdelay $0x3  }
0x36: {  	p1 =	seq.s32 s10, $0x1;
	s10 =	sld [smem:$0x3FB0];
	_ =	sdelay $0x3  }
0x37: {  	[smem:$0x3FB0] =	sst s10  }
0x38: {  	s10 =	sld [smem:$0x3FB1]  }
0x39: {  	_ = 	snop;
	(pc) =	sbr.ind lr, $3  }
0x3a: {  	_ = 	snop  }
0x3b: {  	_ = 	snop  }
0x3c: {  	p2 =	seq.s32 s10, $0x1;
	s10 =	sld [smem:$0x3FB0]  }
0x3d: {  	_ =	shalt  }
0x3e: {  	_ =	shalt  }
0x3f: {  	_ =	shalt  }
0x40: {  	_ =	shalt  }
0x41: {  	_ =	shalt  }
0x42: {  	_ =	shalt  }
0x43: {  	_ =	shalt  }
0x44: {  	_ =	shalt  }
0x45: {  	_ =	shalt  }
0x46: {  	_ =	shalt  }
0x47: {  	_ =	shalt  }
0x48: {  	_ =	shalt  }
0x49: {  	_ =	shalt  }
0x4a: {  	_ =	shalt  }
0x4b: {  	_ =	shalt  }
0x4c: {  	_ =	shalt  }
0x4d: {  	_ =	shalt  }
0x4e: {  	_ =	shalt  }
0x4f: {  	_ =	shalt  }
0x50: {  	_ =	shalt  }
0x51: {  	_ =	shalt  }
0x52: {  	_ =	shalt  }
0x53: {  	_ =	shalt  }
0x54: {  	_ =	shalt  }
0x55: {  	_ =	shalt  }
0x56: {  	_ =	shalt  }
0x57: {  	_ =	shalt  }
0x58: {  	_ =	shalt  }
0x59: {  	_ =	shalt  }
0x5a: {  	_ =	shalt  }
0x5b: {  	_ =	shalt  }
0x5c: {  	_ =	shalt  }
0x5d: {  	_ =	shalt  }
0x5e: {  	_ =	shalt  }
0x5f: {  	_ =	shalt  }
0x60: {  	_ =	shalt  }
0x61: {  	_ =	shalt  }
0x62: {  	_ =	shalt  }
0x63: {  	_ =	shalt  }
0x64: {  	_ =	shalt  }
0x65: {  	_ =	shalt  }
0x66: {  	_ =	shalt  }
0x67: {  	_ =	shalt  }
0x68: {  	_ =	shalt  }
0x69: {  	_ =	shalt  }
0x6a: {  	_ =	shalt  }
0x6b: {  	_ =	shalt  }
0x6c: {  	_ =	shalt  }
0x6d: {  	_ =	shalt  }
0x6e: {  	_ =	shalt  }
0x6f: {  	_ =	shalt  }
0x70: {  	_ =	shalt  }
0x71: {  	_ =	shalt  }
0x72: {  	_ =	shalt  }
0x73: {  	_ =	shalt  }
0x74: {  	_ =	shalt  }
0x75: {  	_ =	shalt  }
0x76: {  	_ =	shalt  }
0x77: {  	_ =	shalt  }
0x78: {  	_ =	shalt  }
0x79: {  	_ =	shalt  }
0x7a: {  	_ =	shalt  }
0x7b: {  	_ =	shalt  }
0x7c: {  	_ =	shalt  }
0x7d: {  	_ =	shalt  }
0x7e: {  	_ =	shalt  }
0x7f: {  	_ =	shalt  }
0x80: {  	_ =	shalt  }
0x81: {  	_ =	shalt  }
0x82: {  	_ =	shalt  }
0x83: {  	_ =	shalt  }
0x84: {  	_ =	shalt  }
0x85: {  	_ =	shalt  }
0x86: {  	_ =	shalt  }
0x87: {  	_ =	shalt  }
.Lfunc_end0:
.L_simem_size_0:
called_computation.4_lowered:
.L_overlay_start_0:
0x88: {  	s2 =	sld [smem:$0x3FD9]  }
0x89: {  	s3 =	sld [smem:$0x3FFE];
	_ =	sdelay $0x1  }
0x8a: {  	s1 =	srdreg.scid  }
0x8b: {  	s0 =	sand.u32 $0x1, s1  }
0x8c: {  	s16 =	sshll.u32 s0, $0xA;
	s2 =	sadd.s32 s3, s2  }
0x8d: {  	s2 =	sadd.s32 s2, s16  }
0x8e: {  	[smem:$0x3FBC] =	sst s2  }
0x8f: {  	_ = 	snop  }
0x90: {  	(tm) =	ssettm $0x1  }
0x91: {  	s17 =	sld [smem:$0x3FFB];
	_ =	sdelay $0x3  }
0x92: {  	_ =	strace s17  }
0x93: {  	s2 =	sld [smem:$0x3FFC];
	_ =	sdelay $0x3  }
0x94: {  	_ =	strace s2  }
0x95: {  	s2 =	sld [smem:$0x3FFD];
	_ =	sdelay $0x3  }
0x96: {  	_ =	strace s2  }
0x97: {  	_ =	strace $0x8FFFFFFF  }
0x98: {  	s18 =	sld [smem:$0x3FDB];
	_ =	sdelay $0x1  }
0x99: {  	s19 =	simm.s32 $_scs_section_size  }
0x9a: {  	s4 =	simm.s32 $_size__tile_overlayer_lowered;
	s5 =	simm.s32 $_tile_overlayer_lowered  }
0x9b: {  	s22 =	simm.s32 $0x1BFF;
	s21 =	sshll.u32 s5, $0x1;
	s2 =	sadd.s32 s19, s18  }
0x9c: {  	s6 =	simm.s32 $0x0;
	s20 =	sshll.u32 s4, $0x1;
	s4 =	sadd.s32 s21, s2  }
0x9d: {  	[timem:s6], [sflag:s22] =	dma.local [hbm:s4], s20  }
0x9e: {  	_ =	swait.ge [sflag:s22], s20  }
0x9f: {  	s3 =	ssub.s32 $0x0, s20;
	[sflag:s22] =	ssyncset.done $0x0  }
0xa0: {  	[sflag:s22] =	ssyncadd.s32 s3;
	_ =	sdelay $0x1  }
0xa1: {  	s23 =	simm.s32 $0x1B8B  }
0xa2: {  	_ =	swait.ge [sflag:s23], $0x1  }
0xa3: {  	[sflag:s23] =	ssyncset.done $0x0  }
0xa4: {  	s25 =	simm.s32 $0x1B8E;
	s24 =	sld [smem:$0x3FFE];
	[sflag:s23] =	ssyncadd.s32 $0xFFFFFFFF  }
0xa5: {  	s26 =	simm.s32 $execute0_lowered;
	[smem:$0x3FD2] =	sst s25  }
0xa6: {  	s4 =	sshll.u32 s26, $0x1;
	_ =	strace $0x80000052;
	[dreg:$0x1] =	wrdreg $0xFFFFFFFF  }
0xa7: {  	s28 =	simm.s32 $_size_execute0_lowered;
	s2 =	sadd.s32 s2, s4;
	[dreg:$0x0] =	wrdreg $0x0  }
0xa8: {  	s4 =	sshll.u32 s28, $0x1;
	[dreg:$0x2] =	wrdreg s2  }
0xa9: {  	[dreg:$0x3] =	wrdreg s4  }
0xaa: {  	[dreg:$0x4] =	wrdreg $0xC0  }
0xab: {  	_ =	task [dreg:s6], $0x5FFFF  }
0xac: {  	[dreg:$0x1] =	wrdreg $0xFFFFFFFF  }
0xad: {  	[dreg:$0x0] =	wrdreg $0x60  }
0xae: {  	[dreg:$0x2] =	wrdreg s24  }
0xaf: {  	[dreg:$0x3] =	wrdreg $0x9  }
0xb0: {  	_ =	task.clear_ibuf [dreg:s6], $0x4FFFF;
	_ =	strace $0x90000052  }
0xb1: {  	s29 =	simm.s32 $0x9;
	_ =	strace $0x80000054  }
0xb2: {  	_ =	swait.ge [sflag:s29], $0x1  }
0xb3: {  	[sflag:s29] =	ssyncadd.s32 $0xFFFFFFFF  }
0xb4: {  	_ =	strace $0x90000054  }
0xb5: {  	_ =	sfence  }
0xb6: {  	s30 =	sld [smem:$0x0];
	_ =	sdelay $0x2  }
0xb7: {  	s31 =	sshll.u32 s1, $0xD;
	s1 =	sshrl.u32 s1, $0x2  }
0xb8: {  	s3 =	sand.u32 $0x4000, s31;
	s1 =	sadd.s32 s1, s30  }
0xb9: {  	s0 =	sor.u32 s3, s0;
	s1 =	sshll.u32 s1, $0x11  }
0xba: {  	s0 =	sor.u32 s1, s0  }
0xbb: {  	s0 =	sadd.s32 $0x8F2B, s0  }
0xbc: {  	[sflag:s0] =	ssyncadd.remote.s32 $0x1  }
0xbd: {  	_ =	sfence.sel $0xFFFF  }
0xbe: {  	[dreg:$0x0] =	wrdreg $0xFFFFFFFF;
	(pc) =	sbr.abs _section_cstart, $3  }
0xbf: {  	[dreg:$0x1] =	wrdreg $0xFFFFFFFF  }
0xc0: {  	_ =	task.clear_ibuf [dreg:s6], $0x2FFFF;
	_ =	strace $0x9FFFFFFF  }
0xc1: {  	(tm) =	ssettm $0x7FFFFFFF  }
tec
execute0_lowered:
.L_overlay_start_1:
0x0: {  	(tag) =	ssettag $0x1  }
0x1: {  	s7 =	rddreg [dreg:$0x0]  }
0x2: {  	s0 =	rddreg [dreg:$0x1]  }
0x3: {  	s2 =	simm.s32 $0x0;
	s3 =	srdreg.scid;
	s1 =	stileid.u32  }
0x4: {  	s11 =	simm.s32 $0xB900;
	s13 =	simm.s32 $0xEB80;
	s14 =	simm.s32 $0x100  }
0x5: {  	s15 =	simm.s32 $0x10500;
	s4 =	sand.u32 $0x1, s3;
	s30 =	sshll.u32 s1, $0x1  }
0x6: {  	s16 =	simm.s32 $0x1;
	s17 =	simm.s32 $0x0;
	s5 =	sor.u32 s4, s30  }
0x7: {  	[smem:$0x7FF] =	sst s2;
	s3 =	sadd.s32 $0x66400, s7;
	s8 =	smul.u32 $0x1400, s5  }
.Ltmp0:
0x8: {  	s6 =	sadd.s32 $0x4400, s7;
	s9 =	ssub.s32 $0x2, s4;
	(pc) =	sbr.rel .LBB2_1-.Ltmp0, $4  }
0x9: {  	_ =	strace $0x80000053;
	s10 =	sshrl.u32 s9, $0x1;
	s5 =	smul.u32 $0x140, s5  }
0xa: {  	s4 =	sadd.s32 $0xE200, s7;
	s31 =	ssub.s32 s9, s10;
	s9 =	simm.s32 $0xA000  }
0xb: {  	v2 =	vimm.f32 $-3.000000010e+38;
	v3 =	vimm.s32 $0x0;
	s10 =	simm.s32 $0x2;
	s7 =	sadd.s32 s8, s7;
	s12 =	sadd.s32 $0x140, s5  }
0xc: {  	v4 =	vlaneseq.u32;
	s8 =	smax.u32 s31, $0x1;
	v0 =	vmov s5;
	s7 =	sadd.s32 $0xB4800, s7;
	v1 =	vmov s12;
	s12 =	simm.s32 $0xD200  }
.LBB2_15:
0xd: {  	s17 =	sadd.s32 $0x1, s17  }
0xe: {  	p0 =	sne.s32 s17, s8  }
.Ltmp1:
0xf: {  	_ = 	snop;
	(pc) =	sbr.rel @!p0 .LBB2_16-.Ltmp1, $4  }
0x10: {  	[hbm4b:s7+s2] =	stream.linear.scatter [tilespmem:s2], [sflag:$0x2], $0xA000, $0x38;
	[tilespmem:$0x18500] =	vst v63  }
0x11: {  	_ =	swait.ge [sflag:s10], $0xA000  }
0x12: {  	[sflag:s10] =	ssyncset.done $0x0  }
0x13: {  	[sflag:s10] =	ssyncadd.s32 $0xFFFF6000  }
.LBB2_1:
0x14: {  	s18 =	simm.s32 $0x0;
	s19 =	simm.s32 $0x200  }
.LBB2_2:
0x15: {  	p0 =	sne.s32 s19, $0x27E00;
	[tilespmem:s18+$0x70] =	vst v2  }
0x16: {  	[tilespmem:s18+$0x0] =	vst v2  }
0x17: {  	[tilespmem:s18+$0x10] =	vst v2  }
.Ltmp2:
0x18: {  	[tilespmem:s18+$0x20] =	vst v2;
	(pc) =	sbr.rel @p0 .LBB2_2-.Ltmp2, $4  }
0x19: {  	[tilespmem:s18+$0x30] =	vst v2  }
0x1a: {  	[tilespmem:s18+$0x40] =	vst v2  }
0x1b: {  	[tilespmem:s18+$0x50] =	vst v2  }
0x1c: {  	[tilespmem:s18+$0x60] =	vst v2;
	s18 =	sshra.s32 s19, $0x2;
	s19 =	sadd.s32 $0x200, s19  }
0x1d: {  	[tilespmem:s18+$0x70] =	vst v2  }
0x1e: {  	[tilespmem:s18+$0x0] =	vst v2  }
0x1f: {  	[tilespmem:s18+$0x10] =	vst v2  }
0x20: {  	[tilespmem:s18+$0x20] =	vst v2  }
0x21: {  	[tilespmem:s18+$0x30] =	vst v2  }
0x22: {  	[tilespmem:s18+$0x40] =	vst v2  }
0x23: {  	[tilespmem:s18+$0x50] =	vst v2  }
0x24: {  	[tilespmem:s18+$0x60] =	vst v2;
	s18 =	simm.s32 $0x0;
	s20 =	simm.s32 $0xD200  }
0x25: {  	s19 =	simm.s32 $0xEB80;
	[tilespmem:s20+$0x0] =	vst v3;
	v5 =	vor.u32 s18, v4  }
0x26: {  	s21 =	simm.s32 $0xD210;
	s20 =	simm.s32 $0x10;
	[tilespmem:s19+$0x0] =	vst v5  }
.LBB2_4:
0x27: {  	[tilespmem:s21+$0x0] =	vst v3;
	v5 =	vor.u32 s20, v4;
	p0 =	sne.s32 s20, $0x1910;
	s20 =	sadd.s32 $0x10, s20;
	s19 =	sadd.s32 $0x10, s19  }
.Ltmp3:
0x28: {  	[tilespmem:s19+$0x0] =	vst v5;
	(pc) =	sbr.rel @p0 .LBB2_4-.Ltmp3, $2  }
0x29: {  	_ =	sdelay $0x2  }
0x2a: {  	s21 =	sadd.s32 $0x10, s21  }
.Ltmp4:
0x2b: {  	_ = 	snop;
	(pc) =	sbr.rel .LBB2_5-.Ltmp4, $1  }
0x2c: {  	_ =	sdelay $0x3  }
.LBB2_14:
0x2d: {  	s18 =	sadd.s32 $0x1, s18  }
0x2e: {  	p0 =	sne.s32 s18, $0x32  }
.Ltmp5:
0x2f: {  	_ = 	snop;
	(pc) =	sbr.rel @!p0 .LBB2_15-.Ltmp5, $1  }
0x30: {  	_ =	sdelay $0x3  }
.LBB2_5:
0x31: {  	s20 =	smul.u32 $0x320, s18;
	_ =	sdelay $0x1  }
0x32: {  	s19 =	simm.s32 $0x0;
	s21 =	sadd.s32 s4, s20  }
0x33: {  	[tilespmem:s9], [sflag:$0x2] =	stream.linear.gather [hbm4b:s21+s19], $0x1900, $0x38;
	[tilespmem:$0x18500] =	vst v63  }
0x34: {  	_ =	swait.ge [sflag:s10], $0x1900  }
0x35: {  	[sflag:s10] =	ssyncset.done $0x0  }
0x36: {  	s20 =	sadd.s32 s6, s20;
	[sflag:s10] =	ssyncadd.s32 $0xFFFFE700  }
0x37: {  	[tilespmem:s11], [sflag:$0x2] =	stream.linear.gather [hbm4b:s20+s19], $0x1900, $0x38;
	[tilespmem:$0x18500] =	vst v63  }
0x38: {  	_ =	swait.ge [sflag:s10], $0x1900  }
0x39: {  	[sflag:s10] =	ssyncset.done $0x0  }
0x3a: {  	s30 =	simm.s32 $0x0;
	[sflag:s10] =	ssyncadd.s32 $0xFFFFE700  }
0x3b: {  	v5 =	vld [tilespmem:s30+$0xA000];
	_ =	sdelay $0x4  }
0x3c: {  	vm0 =	vge.s32 v5, v0;
	vm1 =	vlt.s32 v5, v1  }
0x3d: {  	vm0 =	vmand vm0, vm1  }
0x3e: {  	v6 =	vsel vm0, $0x1, v3  }
0x3f: {  	(xrf0) =	vadd.scan.msk.s32 $0xffff, v6;
	_ =	sdelay $0x5  }
0x40: {  	s31 =	simm.s32 $0xFFFFFFFF;
	v6, _, _ =	vpop (xrf0)  }
0x41: {  	v7 =	vadd.s32 s31, v6;
	(v2sf) =	vpush v6, $0xF  }
0x42: {  	v8 =	vld [tilespmem:s30+$0xB900];
	_ =	sdelay $0x3  }
0x43: {  	[tilespmem:v7+s12+$0x0] =	vst.idx.msk vm0, v5  }
0x44: {  	s21 =	simm.s32 $0x80;
	s20 =	simm.s32 $0x10;
	[tilespmem:v7+s13+$0x0] =	vst.idx.msk vm0, v8  }
.LBB2_6:
0x45: {  	p0 =	sne.s32 s21, $0x63C0;
	v5 =	vld [tilespmem:s20+$0xA000];
	_ =	sdelay $0x4  }
0x46: {  	vm0 =	vge.s32 v5, v0;
	vm1 =	vlt.s32 v5, v1  }
0x47: {  	vm0 =	vmand vm0, vm1  }
0x48: {  	v6 =	vsel vm0, $0x1, v3  }
0x49: {  	(xrf0) =	vadd.scan.msk.s32 $0xffff, v6;
	s22 =	spop (v2sf)  }
0x4a: {  	s19 =	sadd.s32 s19, s22  }
0x4b: {  	s22 =	sadd.s32 $0xFFFFFFFF, s19;
	_ =	sdelay $0x3  }
0x4c: {  	v6, _, _ =	vpop (xrf0)  }
0x4d: {  	v7 =	vadd.s32 s22, v6;
	(v2sf) =	vpush v6, $0xF  }
0x4e: {  	v6 =	vld [tilespmem:s20+$0xB900]  }
.Ltmp6:
0x4f: {  	(pc) =	sbr.rel @p0 .LBB2_6-.Ltmp6, $3  }
0x50: {  	_ =	sdelay $0x1  }
0x51: {  	[tilespmem:v7+s12+$0x0] =	vst.idx.msk vm0, v5  }
0x52: {  	s20 =	sshra.s32 s21, $0x2;
	s21 =	sadd.s32 $0x40, s21;
	[tilespmem:v7+s13+$0x0] =	vst.idx.msk vm0, v6  }
0x53: {  	v5 =	vld [tilespmem:s20+$0xA000];
	_ =	sdelay $0x4  }
0x54: {  	vm0 =	vge.s32 v5, v0;
	vm1 =	vlt.s32 v5, v1  }
0x55: {  	vm0 =	vmand vm0, vm1  }
0x56: {  	v6 =	vsel vm0, $0x1, v3  }
0x57: {  	(xrf0) =	vadd.scan.msk.s32 $0xffff, v6;
	_ =	sdelay $0x5  }
0x58: {  	v6, _, _ =	vpop (xrf0)  }
0x59: {  	(v2sf) =	vpush v6, $0xF;
	_ =	sdelay $0xd  }
0x5a: {  	s21 =	spop (v2sf)  }
0x5b: {  	s19 =	sadd.s32 s19, s21;
	s31 =	spop (v2sf)  }
0x5c: {  	s21 =	sadd.s32 $0xFFFFFFFF, s19;
	s19 =	sadd.s32 s19, s31  }
0x5d: {  	v7 =	vld [tilespmem:s20+$0xB900];
	v6 =	vadd.s32 s21, v6;
	s20 =	sadd.s32 $0xFF, s19  }
0x5e: {  	p0 =	slt.s32 s20, $0x100  }
.Ltmp7:
0x5f: {  	_ = 	snop;
	(pc) =	sbr.rel @p0 .LBB2_14-.Ltmp7, $3  }
0x60: {  	_ =	sdelay $0x1  }
0x61: {  	[tilespmem:v6+s12+$0x0] =	vst.idx.msk vm0, v5  }
0x62: {  	[tilespmem:v6+s13+$0x0] =	vst.idx.msk vm0, v7  }
.Ltmp8:
0x63: {  	(pc) =	sbr.rel .LBB2_9-.Ltmp8, $4  }
0x64: {  	s21 =	sshra.s32 s20, $0x1F  }
0x65: {  	s21 =	sshrl.u32 s21, $0x18  }
0x66: {  	s22 =	simm.s32 $0xD200;
	s31 =	sadd.s32 s21, s20  }
0x67: {  	s23 =	smov.u32 s19;
	s21 =	simm.s32 $0x0;
	s20 =	sshra.s32 s31, $0x8  }
.LBB2_12:
0x68: {  	[tilespmem:s25+$0x70] =	vst v5  }
.LBB2_13:
0x69: {  	s21 =	sadd.s32 $0x1, s21  }
0x6a: {  	p0 =	sne.s32 s21, s20  }
.Ltmp9:
0x6b: {  	_ = 	snop;
	(pc) =	sbr.rel @!p0 .LBB2_14-.Ltmp9, $2  }
0x6c: {  	_ =	sdelay $0x2  }
0x6d: {  	s23 =	sadd.s32 $0xFFFFFF00, s23;
	s22 =	sadd.s32 $0x100, s22  }
.LBB2_9:
0x6e: {  	s24 =	sshll.u32 s21, $0x8  }
0x6f: {  	s25 =	sadd.s32 $0xEB80, s24;
	s24 =	ssub.s32 s19, s24  }
0x70: {  	p0 =	slt.s32 s24, $0x1  }
.Ltmp10:
0x71: {  	_ = 	snop;
	(pc) =	sbr.rel @p0 .LBB2_13-.Ltmp10, $4  }
0x72: {  	[tilespmem:s15], [sflag:$0x1] =	stream.indirect.gather [hbm4b:s3+s14], $0x80, s25, s14, $0xb8;
	[tilespmem:$0x18500] =	vst v63  }
0x73: {  	_ =	swait.ge [sflag:s16], $0x8000  }
0x74: {  	[sflag:s16] =	ssyncset.done $0x0  }
0x75: {  	[sflag:s16] =	ssyncadd.s32 $0xFFFF8000  }
0x76: {  	v5 =	vld [tilespmem:s22+$0x0];
	_ =	sdelay $0x4  }
0x77: {  	(v2sf) =	vpush v5, $0x0;
	_ =	sdelay $0xe  }
0x78: {  	s24 =	spop (v2sf)  }
0x79: {  	s25 =	ssub.s32 s24, s5  }
0x7a: {  	s24 =	simm.s32 $0x10540;
	s25 =	sshll.u32 s25, $0x9  }
0x7b: {  	v5 =	vld [tilespmem:s24+$0xFFFFFFC0];
	s25 =	sshra.s32 s25, $0x2  }
0x7c: {  	v6 =	vld [tilespmem:s25+$0x0];
	_ =	sdelay $0x4  }
0x7d: {  	v5 =	vmax.f32 v6, v5  }
0x7e: {  	[tilespmem:s25+$0x0] =	vst v5;
	v5 =	vld [tilespmem:s25+$0x10]  }
0x7f: {  	v6 =	vld [tilespmem:s24+$0xFFFFFFD0];
	_ =	sdelay $0x4  }
0x80: {  	v5 =	vmax.f32 v5, v6  }
0x81: {  	[tilespmem:s25+$0x10] =	vst v5;
	v5 =	vld [tilespmem:s25+$0x20]  }
0x82: {  	v6 =	vld [tilespmem:s24+$0xFFFFFFE0];
	_ =	sdelay $0x4  }
0x83: {  	v5 =	vmax.f32 v5, v6  }
0x84: {  	[tilespmem:s25+$0x20] =	vst v5;
	v5 =	vld [tilespmem:s25+$0x30]  }
0x85: {  	v6 =	vld [tilespmem:s24+$0xFFFFFFF0];
	_ =	sdelay $0x4  }
0x86: {  	v5 =	vmax.f32 v5, v6  }
0x87: {  	[tilespmem:s25+$0x30] =	vst v5;
	v5 =	vld [tilespmem:s25+$0x40]  }
0x88: {  	v6 =	vld [tilespmem:s24+$0x0];
	_ =	sdelay $0x4  }
0x89: {  	v5 =	vmax.f32 v5, v6  }
0x8a: {  	[tilespmem:s25+$0x40] =	vst v5;
	v5 =	vld [tilespmem:s25+$0x50]  }
0x8b: {  	v6 =	vld [tilespmem:s24+$0x10];
	_ =	sdelay $0x4  }
0x8c: {  	v5 =	vmax.f32 v5, v6  }
0x8d: {  	[tilespmem:s25+$0x50] =	vst v5;
	v5 =	vld [tilespmem:s25+$0x60]  }
0x8e: {  	v6 =	vld [tilespmem:s24+$0x20];
	_ =	sdelay $0x3  }
0x8f: {  	p0 =	sgt.s32 s23, $0x1;
	s26 =	smov.u32 s23  }
0x90: {  	s26 =	simm.s32 @!p0 $0x1;
	v5 =	vmax.f32 v5, v6  }
0x91: {  	s26 =	smin.u32 s26, $0x100;
	[tilespmem:s25+$0x60] =	vst v5;
	v5 =	vld [tilespmem:s25+$0x70]  }
0x92: {  	p0 =	sne.s32 s26, $0x1;
	v6 =	vld [tilespmem:s24+$0x30]  }
.Ltmp11:
0x93: {  	_ = 	snop;
	(pc) =	sbr.rel @!p0 .LBB2_12-.Ltmp11, $2  }
0x94: {  	_ =	sdelay $0x2  }
0x95: {  	s28 =	smov.u32 s22;
	s26 =	sadd.s32 $0xFFFFFFFF, s26;
	v5 =	vmax.f32 v5, v6  }
.LBB2_11:
0x96: {  	p0 =	sne.s32 s26, $0x1;
	[tilespmem:s25+$0x70] =	vst v5;
	s28 =	sadd.s32 $0x1, s28;
	s24 =	sadd.s32 $0x80, s24  }
0x97: {  	s26 =	sadd.s32 $0xFFFFFFFF, s26;
	v5 =	vld [tilespmem:s28+$0x0];
	_ =	sdelay $0x4  }
0x98: {  	(v2sf) =	vpush v5, $0x0;
	_ =	sdelay $0xe  }
0x99: {  	s25 =	spop (v2sf)  }
0x9a: {  	s25 =	ssub.s32 s25, s5  }
0x9b: {  	s25 =	sshll.u32 s25, $0x9  }
0x9c: {  	s25 =	sshra.s32 s25, $0x2;
	v5 =	vld [tilespmem:s24+$0xFFFFFFC0]  }
0x9d: {  	v6 =	vld [tilespmem:s25+$0x0];
	_ =	sdelay $0x4  }
0x9e: {  	v5 =	vmax.f32 v6, v5  }
0x9f: {  	[tilespmem:s25+$0x0] =	vst v5;
	v5 =	vld [tilespmem:s25+$0x10]  }
0xa0: {  	v6 =	vld [tilespmem:s24+$0xFFFFFFD0];
	_ =	sdelay $0x4  }
0xa1: {  	v5 =	vmax.f32 v5, v6  }
0xa2: {  	[tilespmem:s25+$0x10] =	vst v5;
	v5 =	vld [tilespmem:s25+$0x20]  }
0xa3: {  	v6 =	vld [tilespmem:s24+$0xFFFFFFE0];
	_ =	sdelay $0x4  }
0xa4: {  	v5 =	vmax.f32 v5, v6  }
0xa5: {  	[tilespmem:s25+$0x20] =	vst v5;
	v5 =	vld [tilespmem:s25+$0x30]  }
0xa6: {  	v6 =	vld [tilespmem:s24+$0xFFFFFFF0];
	_ =	sdelay $0x4  }
0xa7: {  	v5 =	vmax.f32 v5, v6  }
0xa8: {  	[tilespmem:s25+$0x30] =	vst v5;
	v5 =	vld [tilespmem:s25+$0x40]  }
0xa9: {  	v6 =	vld [tilespmem:s24+$0x0];
	_ =	sdelay $0x4  }
0xaa: {  	v5 =	vmax.f32 v5, v6  }
0xab: {  	[tilespmem:s25+$0x40] =	vst v5;
	v5 =	vld [tilespmem:s25+$0x50]  }
0xac: {  	v6 =	vld [tilespmem:s24+$0x10];
	_ =	sdelay $0x4  }
0xad: {  	v5 =	vmax.f32 v5, v6  }
0xae: {  	[tilespmem:s25+$0x50] =	vst v5;
	v5 =	vld [tilespmem:s25+$0x60]  }
0xaf: {  	v6 =	vld [tilespmem:s24+$0x20];
	_ =	sdelay $0x4  }
0xb0: {  	v5 =	vmax.f32 v5, v6  }
0xb1: {  	[tilespmem:s25+$0x60] =	vst v5;
	v5 =	vld [tilespmem:s25+$0x70]  }
0xb2: {  	v6 =	vld [tilespmem:s24+$0x30]  }
.Ltmp12:
0xb3: {  	(pc) =	sbr.rel @p0 .LBB2_11-.Ltmp12, $2  }
0xb4: {  	_ =	sdelay $0x2  }
0xb5: {  	v5 =	vmax.f32 v5, v6  }
.Ltmp13:
0xb6: {  	_ = 	snop;
	(pc) =	sbr.rel .LBB2_12-.Ltmp13, $1  }
0xb7: {  	_ =	sdelay $0x3  }
.LBB2_16:
0xb8: {  	_ =	sfence.sel $0x180000  }
0xb9: {  	[bflag:$0x0] =	sbarrier.arrive $0xFFFF  }
0xba: {  	p0 =	sne.s32 s1, $0x0;
	_ =	strace $0x90000053  }
0xbb: {  	s0 =	sadd.s32 @!p0 $0x100000, s0;
	[bflag:$0x2] =	sbarrier.arrive $0xFFFF  }
0xbc: {  	[sflag:s0] =	ssyncadd.tile.s32 @!p0 $0x1;
	_ =	shalt  }
.Lfunc_end2:
_tile_overlayer_lowered:
.L_overlay_start_2:
0xbd: {  	(tag) =	ssettag $0x2  }
0xbe: {  	s0 =	rddreg [dreg:$0x0];
	s2 =	stileid.u32  }
0xbf: {  	s1 =	rddreg [dreg:$0x1];
	p0 =	sne.s32 s2, $0x0  }
0xc0: {  	s3 =	rddreg [dreg:$0x2];
	[bflag:$0x3] =	sbarrier.arrive $0xFFFF;
	s2 =	simm.s32 @!p0 $0x1C02  }
0xc1: {  	[timem:s3], [sflag:s2] =	dma.local @!p0 [hbm:s0], s1  }
0xc2: {  	s0 =	simm.s32 @!p0 $0x2  }
0xc3: {  	_ =	swait.ge @!p0 [sflag:s0], s1  }
0xc4: {  	s1 =	ssub.s32 @!p0 $0x0, s1;
	[sflag:s0] =	ssyncset.done @!p0 $0x0  }
0xc5: {  	[sflag:s0] =	ssyncadd.s32 @!p0 s1  }
0xc6: {  	[bflag:$0x3] =	sbarrier.arrive $0xFFFF  }
0xc7: {  	_ =	shalt  }

</sc_bundles>
